<compile_context>
chip_gen: v7x
topology: tpu7x:2x2x1
jax: 0.10.2.dev20260603
libtpu: 0.0.44.dev20260713+nightly
codegen_flags: <defaults>
</compile_context>

<pallas_src>
import functools

import jax
import jax.numpy as jnp
from jax import lax
from jax.experimental import pallas as pl
from jax.experimental.pallas import tpu as pltpu
from jax.experimental.pallas import tpu_sc as plsc

_MAX = 32
_B, _C, _H, _W = 4, 96, 224, 224
_V = 2 * _MAX + 1
_L = 16
_NCH = _C // _L
_HG = 56


_CPW = 8
_NACT = _C // _CPW
_NK = _H // _HG
_HGP = 64


def _sc_body(emb_hbm, tabt_hbm, hcols_hbm, emb_v, buf_v, hbuf_v):
    cid = lax.axis_index("c")
    sid = lax.axis_index("s")
    wid = sid * 2 + cid
    c0 = wid * _CPW

    def xi_vec(x0):
        return jnp.clip(lax.iota(jnp.int32, _L) + (x0 - _H // 2),
                        -_MAX, _MAX) + _MAX

    @pl.when(wid < _NACT)
    def _():
        pltpu.sync_copy(emb_hbm, emb_v)
        for r in range(_CPW):
            cvec = jnp.zeros((_L,), jnp.int32) + (c0 + r)
            for g in range(_W // _L):
                buf_v[r, pl.ds(g * _L, _L)] = plsc.load_gather(
                    emb_v, [xi_vec(g * _L), cvec])
            for k in range(_NK):
                for g in range(_HGP // _L):
                    hbuf_v[k, r, pl.ds(g * _L, _L)] = plsc.load_gather(
                        emb_v, [xi_vec(k * _HG + g * _L), cvec])
        pltpu.sync_copy(buf_v, tabt_hbm.at[pl.ds(c0, _CPW)])
        pltpu.sync_copy(hbuf_v, hcols_hbm.at[:, pl.ds(c0, _CPW), :])


_table = functools.partial(
    pl.kernel,
    mesh=plsc.VectorSubcoreMesh(core_axis_name="c", subcore_axis_name="s"),
    out_type=(jax.ShapeDtypeStruct((_C, _W), jnp.float32),
              jax.ShapeDtypeStruct((_NK, _C, _HGP), jnp.float32)),
    scratch_types=[
        pltpu.VMEM((_V, _C), jnp.float32),
        pltpu.VMEM((_CPW, _W), jnp.float32),
        pltpu.VMEM((_NK, _CPW, _HGP), jnp.float32),
    ],
    compiler_params=pltpu.CompilerParams(needs_layout_passes=False),
)(_sc_body)


def _tc_body(tabt_ref, hcols_ref, out_ref, acc_ref):
    b = pl.program_id(1)

    @pl.when(b == 0)
    def _():
        t = tabt_ref[...]
        hc = hcols_ref[0]
        acc_ref[...] = jnp.concatenate(
            [t + hc[:, i:i + 1] for i in range(_HG)], axis=1)

    out_ref[0] = acc_ref[...]


_fanout = pl.pallas_call(
    _tc_body,
    grid=(_H // _HG, _B),
    in_specs=[
        pl.BlockSpec((_C, _W), lambda k, b: (0, 0)),
        pl.BlockSpec((1, _C, _HGP), lambda k, b: (k, 0, 0)),
    ],
    out_specs=pl.BlockSpec((1, _C, _HG * _W), lambda k, b: (b, 0, k)),
    out_shape=jax.ShapeDtypeStruct((_B, _C, _H * _W), jnp.float32),
    scratch_shapes=[pltpu.VMEM((_C, _HG * _W), jnp.float32)],
    compiler_params=pltpu.CompilerParams(
        dimension_semantics=("arbitrary", "arbitrary")),
)


def kernel(feature_map, embedding):
    del feature_map
    tabt, hcols = _table(embedding)
    return jnp.swapaxes(_fanout(tabt, hcols), 1, 2)

# --- scband reference (transcript-rebuilt; emitter-appended) ---
"""Pipeline reference for scband-relative-position-encoder-16037407883699 (READ-ONLY COPY).

The authoritative reference and input builder live on the scoring server;
editing this copy changes nothing except your own understanding.
"""

import jax, jax.numpy as jnp
import numpy as np

MAX_SIZE = 32
EMBED_DIM = 96

def setup_inputs(seed: int = 0) -> dict:
    key = jax.random.key(seed)
    feature_map = jax.random.normal(jax.random.fold_in(key, 0), (4, 96, 224, 224), dtype=jnp.float32)
    embedding = jax.random.normal(jax.random.fold_in(key, 1), (2 * MAX_SIZE + 1, EMBED_DIM), dtype=jnp.float32) * 0.02
    return {"feature_map": feature_map, "embedding": embedding}

def reference(feature_map, embedding):
    B, C, H, W = feature_map.shape
    h_coords = jnp.arange(H, dtype=jnp.float32) - H // 2
    w_coords = jnp.arange(W, dtype=jnp.float32) - W // 2
    h_grid, w_grid = jnp.meshgrid(h_coords, w_coords, indexing='ij')
    h_idx = jnp.clip(h_grid, -MAX_SIZE, MAX_SIZE).astype(jnp.int32) + MAX_SIZE
    w_idx = jnp.clip(w_grid, -MAX_SIZE, MAX_SIZE).astype(jnp.int32) + MAX_SIZE
    pos_embed = jnp.take(embedding, h_idx, axis=0) + jnp.take(embedding, w_idx, axis=0)
    pos_embed = pos_embed.reshape(1, H * W, C)
    return jnp.broadcast_to(pos_embed, (B, H * W, C))

if __name__ == "__main__":
    import jax
    _d = setup_inputs()
    print(jax.jit(kernel)(*tuple(_d.values())))

</pallas_src>

<mosaic_0001>
#map = affine_map<(d0, d1) -> (0, 0)>
#map1 = affine_map<(d0, d1) -> (0, 0, 0)>
module attributes {stable_mosaic.version = 14 : i64} {
  func.func @_sc_body(%arg0: i32, %arg1: i32, %arg2: memref<65x96xf32, #tpu.memory_space<hbm>>, %arg3: memref<96x224xf32, #tpu.memory_space<hbm>>, %arg4: memref<4x96x64xf32, #tpu.memory_space<hbm>>, %arg5: memref<65x96xf32, #tpu.memory_space<vmem>>, %arg6: memref<8x224xf32, #tpu.memory_space<vmem>>, %arg7: memref<4x8x64xf32, #tpu.memory_space<vmem>>) attributes {dimension_semantics = [#tpu.dimension_semantics<core_parallel>, #tpu.dimension_semantics<subcore_parallel>], iteration_bounds = array<i64: 2, 16>, scalar_prefetch = 0 : i64, scratch_operands = 3 : i64, tpu.core_type = #tpu.core_type<sc_vector_subcore>, window_params = [{transform_indices = #map}, {transform_indices = #map}, {transform_indices = #map1}]} {
    %mul3A = arith.constant 2 : i32
    %mul3A_0 = arith.muli %arg1, %mul3A : i32
    %add3A = arith.addi %mul3A_0, %arg0 : i32
    %mul3A_1 = arith.constant 8 : i32
    %mul3A_2 = arith.muli %add3A, %mul3A_1 : i32
    %lt3A = arith.constant 12 : i32
    %lt3A_3 = arith.cmpi slt, %add3A, %lt3A : i32
    %convert_element_type3A = arith.extui %lt3A_3 : i1 to i32
    %cond3A = arith.constant 0 : i32
    %cond3A_4 = arith.cmpi ne, %convert_element_type3A, %cond3A : i32
    scf.if %cond3A_4 {
      "tpu.region"() ({
        %run_scoped3A = tpu.sem_alloc : memref<!tpu.dma_semaphore, #tpu.memory_space<semaphore_mem>>
        tpu.enqueue_dma source(%arg2 : memref<65x96xf32, #tpu.memory_space<hbm>>) target(%arg5 : memref<65x96xf32, #tpu.memory_space<vmem>>) target_semaphore(%run_scoped3A : memref<!tpu.dma_semaphore, #tpu.memory_space<semaphore_mem>>)
        tpu.wait_dma2 semaphore(%run_scoped3A : memref<!tpu.dma_semaphore, #tpu.memory_space<semaphore_mem>>) src(%arg2 : memref<65x96xf32, #tpu.memory_space<hbm>>) dst(%arg5 : memref<65x96xf32, #tpu.memory_space<vmem>>)
        tpu.yield
      }) : () -> ()
      %broadcast_in_dim3A = arith.constant 0 : i32
      %broadcast_in_dim3A_5 = vector.broadcast %broadcast_in_dim3A : i32 to vector<16xi32>
      %add3A_6 = arith.constant 0 : i32
      %add3A_7 = arith.addi %mul3A_2, %add3A_6 : i32
      %add3A_8 = vector.broadcast %add3A_7 : i32 to vector<16xi32>
      %add3A_9 = arith.addi %broadcast_in_dim3A_5, %add3A_8 : vector<16xi32>
      %iota3A = tpu.iota {dimensions = array<i32: 0>} : vector<16xi32>
      %add3A_10 = arith.constant -112 : i32
      %add3A_11 = vector.broadcast %add3A_10 : i32 to vector<16xi32>
      %add3A_12 = arith.addi %iota3A, %add3A_11 : vector<16xi32>
      %jit3A = arith.constant -32 : i32
      %jit3A_13 = arith.constant 32 : i32
      %max3A = vector.broadcast %jit3A : i32 to vector<16xi32>
      %max3A_14 = arith.maxsi %max3A, %add3A_12 : vector<16xi32>
      %min3A = vector.broadcast %jit3A_13 : i32 to vector<16xi32>
      %min3A_15 = arith.minsi %min3A, %max3A_14 : vector<16xi32>
      %add3A_16 = arith.constant 32 : i32
      %add3A_17 = vector.broadcast %add3A_16 : i32 to vector<16xi32>
      %add3A_18 = arith.addi %min3A_15, %add3A_17 : vector<16xi32>
      %gather3A = tpu.vector_load_idx %arg5[%add3A_18, %add3A_9] : memref<65x96xf32, #tpu.memory_space<vmem>>[vector<16xi32>, vector<16xi32>], vector<16xf32>,
      %swap3A = arith.constant 0 : i32
      %swap3A_19 = arith.index_cast %swap3A : i32 to index
      %swap3A_20 = arith.constant 0 : index
      %swap3A_21 = tpu.vector_load %arg6[%swap3A_19, %swap3A_20] {strides = array<i32>} : memref<8x224xf32, #tpu.memory_space<vmem>>, vector<16xf32>,
      tpu.vector_store %arg6[%swap3A_19, %swap3A_20], %gather3A {strides = array<i32>} : memref<8x224xf32, #tpu.memory_space<vmem>>, vector<16xf32>,
      %iota3A_22 = tpu.iota {dimensions = array<i32: 0>} : vector<16xi32>
      %add3A_23 = arith.constant -96 : i32
      %add3A_24 = vector.broadcast %add3A_23 : i32 to vector<16xi32>
      %add3A_25 = arith.addi %iota3A_22, %add3A_24 : vector<16xi32>
      %jit3A_26 = arith.constant -32 : i32
      %jit3A_27 = arith.constant 32 : i32
      %max3A_28 = vector.broadcast %jit3A_26 : i32 to vector<16xi32>
      %max3A_29 = arith.maxsi %max3A_28, %add3A_25 : vector<16xi32>
      %min3A_30 = vector.broadcast %jit3A_27 : i32 to vector<16xi32>
      %min3A_31 = arith.minsi %min3A_30, %max3A_29 : vector<16xi32>
      %add3A_32 = arith.constant 32 : i32
      %add3A_33 = vector.broadcast %add3A_32 : i32 to vector<16xi32>
      %add3A_34 = arith.addi %min3A_31, %add3A_33 : vector<16xi32>
      %gather3A_35 = tpu.vector_load_idx %arg5[%add3A_34, %add3A_9] : memref<65x96xf32, #tpu.memory_space<vmem>>[vector<16xi32>, vector<16xi32>], vector<16xf32>,
      %swap3A_36 = arith.constant 0 : i32
      %swap3A_37 = arith.index_cast %swap3A_36 : i32 to index
      %swap3A_38 = arith.constant 16 : index
      %swap3A_39 = tpu.vector_load %arg6[%swap3A_37, %swap3A_38] {strides = array<i32>} : memref<8x224xf32, #tpu.memory_space<vmem>>, vector<16xf32>,
      tpu.vector_store %arg6[%swap3A_37, %swap3A_38], %gather3A_35 {strides = array<i32>} : memref<8x224xf32, #tpu.memory_space<vmem>>, vector<16xf32>,
      %iota3A_40 = tpu.iota {dimensions = array<i32: 0>} : vector<16xi32>
      %add3A_41 = arith.constant -80 : i32
      %add3A_42 = vector.broadcast %add3A_41 : i32 to vector<16xi32>
      %add3A_43 = arith.addi %iota3A_40, %add3A_42 : vector<16xi32>
      %jit3A_44 = arith.constant -32 : i32
      %jit3A_45 = arith.constant 32 : i32
      %max3A_46 = vector.broadcast %jit3A_44 : i32 to vector<16xi32>
      %max3A_47 = arith.maxsi %max3A_46, %add3A_43 : vector<16xi32>
      %min3A_48 = vector.broadcast %jit3A_45 : i32 to vector<16xi32>
      %min3A_49 = arith.minsi %min3A_48, %max3A_47 : vector<16xi32>
      %add3A_50 = arith.constant 32 : i32
      %add3A_51 = vector.broadcast %add3A_50 : i32 to vector<16xi32>
      %add3A_52 = arith.addi %min3A_49, %add3A_51 : vector<16xi32>
      %gather3A_53 = tpu.vector_load_idx %arg5[%add3A_52, %add3A_9] : memref<65x96xf32, #tpu.memory_space<vmem>>[vector<16xi32>, vector<16xi32>], vector<16xf32>,
      %swap3A_54 = arith.constant 0 : i32
      %swap3A_55 = arith.index_cast %swap3A_54 : i32 to index
      %swap3A_56 = arith.constant 32 : index
      %swap3A_57 = tpu.vector_load %arg6[%swap3A_55, %swap3A_56] {strides = array<i32>} : memref<8x224xf32, #tpu.memory_space<vmem>>, vector<16xf32>,
      tpu.vector_store %arg6[%swap3A_55, %swap3A_56], %gather3A_53 {strides = array<i32>} : memref<8x224xf32, #tpu.memory_space<vmem>>, vector<16xf32>,
      %iota3A_58 = tpu.iota {dimensions = array<i32: 0>} : vector<16xi32>
      %add3A_59 = arith.constant -64 : i32
      %add3A_60 = vector.broadcast %add3A_59 : i32 to vector<16xi32>
      %add3A_61 = arith.addi %iota3A_58, %add3A_60 : vector<16xi32>
      %jit3A_62 = arith.constant -32 : i32
      %jit3A_63 = arith.constant 32 : i32
      %max3A_64 = vector.broadcast %jit3A_62 : i32 to vector<16xi32>
      %max3A_65 = arith.maxsi %max3A_64, %add3A_61 : vector<16xi32>
      %min3A_66 = vector.broadcast %jit3A_63 : i32 to vector<16xi32>
      %min3A_67 = arith.minsi %min3A_66, %max3A_65 : vector<16xi32>
      %add3A_68 = arith.constant 32 : i32
      %add3A_69 = vector.broadcast %add3A_68 : i32 to vector<16xi32>
      %add3A_70 = arith.addi %min3A_67, %add3A_69 : vector<16xi32>
      %gather3A_71 = tpu.vector_load_idx %arg5[%add3A_70, %add3A_9] : memref<65x96xf32, #tpu.memory_space<vmem>>[vector<16xi32>, vector<16xi32>], vector<16xf32>,
      %swap3A_72 = arith.constant 0 : i32
      %swap3A_73 = arith.index_cast %swap3A_72 : i32 to index
      %swap3A_74 = arith.constant 48 : index
      %swap3A_75 = tpu.vector_load %arg6[%swap3A_73, %swap3A_74] {strides = array<i32>} : memref<8x224xf32, #tpu.memory_space<vmem>>, vector<16xf32>,
      tpu.vector_store %arg6[%swap3A_73, %swap3A_74], %gather3A_71 {strides = array<i32>} : memref<8x224xf32, #tpu.memory_space<vmem>>, vector<16xf32>,
      %iota3A_76 = tpu.iota {dimensions = array<i32: 0>} : vector<16xi32>
      %add3A_77 = arith.constant -48 : i32
      %add3A_78 = vector.broadcast %add3A_77 : i32 to vector<16xi32>
      %add3A_79 = arith.addi %iota3A_76, %add3A_78 : vector<16xi32>
      %jit3A_80 = arith.constant -32 : i32
      %jit3A_81 = arith.constant 32 : i32
      %max3A_82 = vector.broadcast %jit3A_80 : i32 to vector<16xi32>
      %max3A_83 = arith.maxsi %max3A_82, %add3A_79 : vector<16xi32>
      %min3A_84 = vector.broadcast %jit3A_81 : i32 to vector<16xi32>
      %min3A_85 = arith.minsi %min3A_84, %max3A_83 : vector<16xi32>
      %add3A_86 = arith.constant 32 : i32
      %add3A_87 = vector.broadcast %add3A_86 : i32 to vector<16xi32>
      %add3A_88 = arith.addi %min3A_85, %add3A_87 : vector<16xi32>
      %gather3A_89 = tpu.vector_load_idx %arg5[%add3A_88, %add3A_9] : memref<65x96xf32, #tpu.memory_space<vmem>>[vector<16xi32>, vector<16xi32>], vector<16xf32>,
      %swap3A_90 = arith.constant 0 : i32
      %swap3A_91 = arith.index_cast %swap3A_90 : i32 to index
      %swap3A_92 = arith.constant 64 : index
      %swap3A_93 = tpu.vector_load %arg6[%swap3A_91, %swap3A_92] {strides = array<i32>} : memref<8x224xf32, #tpu.memory_space<vmem>>, vector<16xf32>,
      tpu.vector_store %arg6[%swap3A_91, %swap3A_92], %gather3A_89 {strides = array<i32>} : memref<8x224xf32, #tpu.memory_space<vmem>>, vector<16xf32>,
      %iota3A_94 = tpu.iota {dimensions = array<i32: 0>} : vector<16xi32>
      %add3A_95 = arith.constant -32 : i32
      %add3A_96 = vector.broadcast %add3A_95 : i32 to vector<16xi32>
      %add3A_97 = arith.addi %iota3A_94, %add3A_96 : vector<16xi32>
      %jit3A_98 = arith.constant -32 : i32
      %jit3A_99 = arith.constant 32 : i32
      %max3A_100 = vector.broadcast %jit3A_98 : i32 to vector<16xi32>
      %max3A_101 = arith.maxsi %max3A_100, %add3A_97 : vector<16xi32>
      %min3A_102 = vector.broadcast %jit3A_99 : i32 to vector<16xi32>
      %min3A_103 = arith.minsi %min3A_102, %max3A_101 : vector<16xi32>
      %add3A_104 = arith.constant 32 : i32
      %add3A_105 = vector.broadcast %add3A_104 : i32 to vector<16xi32>
      %add3A_106 = arith.addi %min3A_103, %add3A_105 : vector<16xi32>
      %gather3A_107 = tpu.vector_load_idx %arg5[%add3A_106, %add3A_9] : memref<65x96xf32, #tpu.memory_space<vmem>>[vector<16xi32>, vector<16xi32>], vector<16xf32>,
      %swap3A_108 = arith.constant 0 : i32
      %swap3A_109 = arith.index_cast %swap3A_108 : i32 to index
      %swap3A_110 = arith.constant 80 : index
      %swap3A_111 = tpu.vector_load %arg6[%swap3A_109, %swap3A_110] {strides = array<i32>} : memref<8x224xf32, #tpu.memory_space<vmem>>, vector<16xf32>,
      tpu.vector_store %arg6[%swap3A_109, %swap3A_110], %gather3A_107 {strides = array<i32>} : memref<8x224xf32, #tpu.memory_space<vmem>>, vector<16xf32>,
      %iota3A_112 = tpu.iota {dimensions = array<i32: 0>} : vector<16xi32>
      %add3A_113 = arith.constant -16 : i32
      %add3A_114 = vector.broadcast %add3A_113 : i32 to vector<16xi32>
      %add3A_115 = arith.addi %iota3A_112, %add3A_114 : vector<16xi32>
      %jit3A_116 = arith.constant -32 : i32
      %jit3A_117 = arith.constant 32 : i32
      %max3A_118 = vector.broadcast %jit3A_116 : i32 to vector<16xi32>
      %max3A_119 = arith.maxsi %max3A_118, %add3A_115 : vector<16xi32>
      %min3A_120 = vector.broadcast %jit3A_117 : i32 to vector<16xi32>
      %min3A_121 = arith.minsi %min3A_120, %max3A_119 : vector<16xi32>
      %add3A_122 = arith.constant 32 : i32
      %add3A_123 = vector.broadcast %add3A_122 : i32 to vector<16xi32>
      %add3A_124 = arith.addi %min3A_121, %add3A_123 : vector<16xi32>
      %gather3A_125 = tpu.vector_load_idx %arg5[%add3A_124, %add3A_9] : memref<65x96xf32, #tpu.memory_space<vmem>>[vector<16xi32>, vector<16xi32>], vector<16xf32>,
      %swap3A_126 = arith.constant 0 : i32
      %swap3A_127 = arith.index_cast %swap3A_126 : i32 to index
      %swap3A_128 = arith.constant 96 : index
      %swap3A_129 = tpu.vector_load %arg6[%swap3A_127, %swap3A_128] {strides = array<i32>} : memref<8x224xf32, #tpu.memory_space<vmem>>, vector<16xf32>,
      tpu.vector_store %arg6[%swap3A_127, %swap3A_128], %gather3A_125 {strides = array<i32>} : memref<8x224xf32, #tpu.memory_space<vmem>>, vector<16xf32>,
      %iota3A_130 = tpu.iota {dimensions = array<i32: 0>} : vector<16xi32>
      %add3A_131 = arith.constant 0 : i32
      %add3A_132 = vector.broadcast %add3A_131 : i32 to vector<16xi32>
      %add3A_133 = arith.addi %iota3A_130, %add3A_132 : vector<16xi32>
      %jit3A_134 = arith.constant -32 : i32
      %jit3A_135 = arith.constant 32 : i32
      %max3A_136 = vector.broadcast %jit3A_134 : i32 to vector<16xi32>
      %max3A_137 = arith.maxsi %max3A_136, %add3A_133 : vector<16xi32>
      %min3A_138 = vector.broadcast %jit3A_135 : i32 to vector<16xi32>
      %min3A_139 = arith.minsi %min3A_138, %max3A_137 : vector<16xi32>
      %add3A_140 = arith.constant 32 : i32
      %add3A_141 = vector.broadcast %add3A_140 : i32 to vector<16xi32>
      %add3A_142 = arith.addi %min3A_139, %add3A_141 : vector<16xi32>
      %gather3A_143 = tpu.vector_load_idx %arg5[%add3A_142, %add3A_9] : memref<65x96xf32, #tpu.memory_space<vmem>>[vector<16xi32>, vector<16xi32>], vector<16xf32>,
      %swap3A_144 = arith.constant 0 : i32
      %swap3A_145 = arith.index_cast %swap3A_144 : i32 to index
      %swap3A_146 = arith.constant 112 : index
      %swap3A_147 = tpu.vector_load %arg6[%swap3A_145, %swap3A_146] {strides = array<i32>} : memref<8x224xf32, #tpu.memory_space<vmem>>, vector<16xf32>,
      tpu.vector_store %arg6[%swap3A_145, %swap3A_146], %gather3A_143 {strides = array<i32>} : memref<8x224xf32, #tpu.memory_space<vmem>>, vector<16xf32>,
      %iota3A_148 = tpu.iota {dimensions = array<i32: 0>} : vector<16xi32>
      %add3A_149 = arith.constant 16 : i32
      %add3A_150 = vector.broadcast %add3A_149 : i32 to vector<16xi32>
      %add3A_151 = arith.addi %iota3A_148, %add3A_150 : vector<16xi32>
      %jit3A_152 = arith.constant -32 : i32
      %jit3A_153 = arith.constant 32 : i32
      %max3A_154 = vector.broadcast %jit3A_152 : i32 to vector<16xi32>
      %max3A_155 = arith.maxsi %max3A_154, %add3A_151 : vector<16xi32>
      %min3A_156 = vector.broadcast %jit3A_153 : i32 to vector<16xi32>
      %min3A_157 = arith.minsi %min3A_156, %max3A_155 : vector<16xi32>
      %add3A_158 = arith.constant 32 : i32
      %add3A_159 = vector.broadcast %add3A_158 : i32 to vector<16xi32>
      %add3A_160 = arith.addi %min3A_157, %add3A_159 : vector<16xi32>
      %gather3A_161 = tpu.vector_load_idx %arg5[%add3A_160, %add3A_9] : memref<65x96xf32, #tpu.memory_space<vmem>>[vector<16xi32>, vector<16xi32>], vector<16xf32>,
      %swap3A_162 = arith.constant 0 : i32
      %swap3A_163 = arith.index_cast %swap3A_162 : i32 to index
      %swap3A_164 = arith.constant 128 : index
      %swap3A_165 = tpu.vector_load %arg6[%swap3A_163, %swap3A_164] {strides = array<i32>} : memref<8x224xf32, #tpu.memory_space<vmem>>, vector<16xf32>,
      tpu.vector_store %arg6[%swap3A_163, %swap3A_164], %gather3A_161 {strides = array<i32>} : memref<8x224xf32, #tpu.memory_space<vmem>>, vector<16xf32>,
      %iota3A_166 = tpu.iota {dimensions = array<i32: 0>} : vector<16xi32>
      %add3A_167 = arith.constant 32 : i32
      %add3A_168 = vector.broadcast %add3A_167 : i32 to vector<16xi32>
      %add3A_169 = arith.addi %iota3A_166, %add3A_168 : vector<16xi32>
      %jit3A_170 = arith.constant -32 : i32
      %jit3A_171 = arith.constant 32 : i32
      %max3A_172 = vector.broadcast %jit3A_170 : i32 to vector<16xi32>
      %max3A_173 = arith.maxsi %max3A_172, %add3A_169 : vector<16xi32>
      %min3A_174 = vector.broadcast %jit3A_171 : i32 to vector<16xi32>
      %min3A_175 = arith.minsi %min3A_174, %max3A_173 : vector<16xi32>
      %add3A_176 = arith.constant 32 : i32
      %add3A_177 = vector.broadcast %add3A_176 : i32 to vector<16xi32>
      %add3A_178 = arith.addi %min3A_175, %add3A_177 : vector<16xi32>
      %gather3A_179 = tpu.vector_load_idx %arg5[%add3A_178, %add3A_9] : memref<65x96xf32, #tpu.memory_space<vmem>>[vector<16xi32>, vector<16xi32>], vector<16xf32>,
      %swap3A_180 = arith.constant 0 : i32
      %swap3A_181 = arith.index_cast %swap3A_180 : i32 to index
      %swap3A_182 = arith.constant 144 : index
      %swap3A_183 = tpu.vector_load %arg6[%swap3A_181, %swap3A_182] {strides = array<i32>} : memref<8x224xf32, #tpu.memory_space<vmem>>, vector<16xf32>,
      tpu.vector_store %arg6[%swap3A_181, %swap3A_182], %gather3A_179 {strides = array<i32>} : memref<8x224xf32, #tpu.memory_space<vmem>>, vector<16xf32>,
      %iota3A_184 = tpu.iota {dimensions = array<i32: 0>} : vector<16xi32>
      %add3A_185 = arith.constant 48 : i32
      %add3A_186 = vector.broadcast %add3A_185 : i32 to vector<16xi32>
      %add3A_187 = arith.addi %iota3A_184, %add3A_186 : vector<16xi32>
      %jit3A_188 = arith.constant -32 : i32
      %jit3A_189 = arith.constant 32 : i32
      %max3A_190 = vector.broadcast %jit3A_188 : i32 to vector<16xi32>
      %max3A_191 = arith.maxsi %max3A_190, %add3A_187 : vector<16xi32>
      %min3A_192 = vector.broadcast %jit3A_189 : i32 to vector<16xi32>
      %min3A_193 = arith.minsi %min3A_192, %max3A_191 : vector<16xi32>
      %add3A_194 = arith.constant 32 : i32
      %add3A_195 = vector.broadcast %add3A_194 : i32 to vector<16xi32>
      %add3A_196 = arith.addi %min3A_193, %add3A_195 : vector<16xi32>
      %gather3A_197 = tpu.vector_load_idx %arg5[%add3A_196, %add3A_9] : memref<65x96xf32, #tpu.memory_space<vmem>>[vector<16xi32>, vector<16xi32>], vector<16xf32>,
      %swap3A_198 = arith.constant 0 : i32
      %swap3A_199 = arith.index_cast %swap3A_198 : i32 to index
      %swap3A_200 = arith.constant 160 : index
      %swap3A_201 = tpu.vector_load %arg6[%swap3A_199, %swap3A_200] {strides = array<i32>} : memref<8x224xf32, #tpu.memory_space<vmem>>, vector<16xf32>,
      tpu.vector_store %arg6[%swap3A_199, %swap3A_200], %gather3A_197 {strides = array<i32>} : memref<8x224xf32, #tpu.memory_space<vmem>>, vector<16xf32>,
      %iota3A_202 = tpu.iota {dimensions = array<i32: 0>} : vector<16xi32>
      %add3A_203 = arith.constant 64 : i32
      %add3A_204 = vector.broadcast %add3A_203 : i32 to vector<16xi32>
      %add3A_205 = arith.addi %iota3A_202, %add3A_204 : vector<16xi32>
      %jit3A_206 = arith.constant -32 : i32
      %jit3A_207 = arith.constant 32 : i32
      %max3A_208 = vector.broadcast %jit3A_206 : i32 to vector<16xi32>
      %max3A_209 = arith.maxsi %max3A_208, %add3A_205 : vector<16xi32>
      %min3A_210 = vector.broadcast %jit3A_207 : i32 to vector<16xi32>
      %min3A_211 = arith.minsi %min3A_210, %max3A_209 : vector<16xi32>
      %add3A_212 = arith.constant 32 : i32
      %add3A_213 = vector.broadcast %add3A_212 : i32 to vector<16xi32>
      %add3A_214 = arith.addi %min3A_211, %add3A_213 : vector<16xi32>
      %gather3A_215 = tpu.vector_load_idx %arg5[%add3A_214, %add3A_9] : memref<65x96xf32, #tpu.memory_space<vmem>>[vector<16xi32>, vector<16xi32>], vector<16xf32>,
      %swap3A_216 = arith.constant 0 : i32
      %swap3A_217 = arith.index_cast %swap3A_216 : i32 to index
      %swap3A_218 = arith.constant 176 : index
      %swap3A_219 = tpu.vector_load %arg6[%swap3A_217, %swap3A_218] {strides = array<i32>} : memref<8x224xf32, #tpu.memory_space<vmem>>, vector<16xf32>,
      tpu.vector_store %arg6[%swap3A_217, %swap3A_218], %gather3A_215 {strides = array<i32>} : memref<8x224xf32, #tpu.memory_space<vmem>>, vector<16xf32>,
      %iota3A_220 = tpu.iota {dimensions = array<i32: 0>} : vector<16xi32>
      %add3A_221 = arith.constant 80 : i32
      %add3A_222 = vector.broadcast %add3A_221 : i32 to vector<16xi32>
      %add3A_223 = arith.addi %iota3A_220, %add3A_222 : vector<16xi32>
      %jit3A_224 = arith.constant -32 : i32
      %jit3A_225 = arith.constant 32 : i32
      %max3A_226 = vector.broadcast %jit3A_224 : i32 to vector<16xi32>
      %max3A_227 = arith.maxsi %max3A_226, %add3A_223 : vector<16xi32>
      %min3A_228 = vector.broadcast %jit3A_225 : i32 to vector<16xi32>
      %min3A_229 = arith.minsi %min3A_228, %max3A_227 : vector<16xi32>
      %add3A_230 = arith.constant 32 : i32
      %add3A_231 = vector.broadcast %add3A_230 : i32 to vector<16xi32>
      %add3A_232 = arith.addi %min3A_229, %add3A_231 : vector<16xi32>
      %gather3A_233 = tpu.vector_load_idx %arg5[%add3A_232, %add3A_9] : memref<65x96xf32, #tpu.memory_space<vmem>>[vector<16xi32>, vector<16xi32>], vector<16xf32>,
      %swap3A_234 = arith.constant 0 : i32
      %swap3A_235 = arith.index_cast %swap3A_234 : i32 to index
      %swap3A_236 = arith.constant 192 : index
      %swap3A_237 = tpu.vector_load %arg6[%swap3A_235, %swap3A_236] {strides = array<i32>} : memref<8x224xf32, #tpu.memory_space<vmem>>, vector<16xf32>,
      tpu.vector_store %arg6[%swap3A_235, %swap3A_236], %gather3A_233 {strides = array<i32>} : memref<8x224xf32, #tpu.memory_space<vmem>>, vector<16xf32>,
      %iota3A_238 = tpu.iota {dimensions = array<i32: 0>} : vector<16xi32>
      %add3A_239 = arith.constant 96 : i32
      %add3A_240 = vector.broadcast %add3A_239 : i32 to vector<16xi32>
      %add3A_241 = arith.addi %iota3A_238, %add3A_240 : vector<16xi32>
      %jit3A_242 = arith.constant -32 : i32
      %jit3A_243 = arith.constant 32 : i32
      %max3A_244 = vector.broadcast %jit3A_242 : i32 to vector<16xi32>
      %max3A_245 = arith.maxsi %max3A_244, %add3A_241 : vector<16xi32>
      %min3A_246 = vector.broadcast %jit3A_243 : i32 to vector<16xi32>
      %min3A_247 = arith.minsi %min3A_246, %max3A_245 : vector<16xi32>
      %add3A_248 = arith.constant 32 : i32
      %add3A_249 = vector.broadcast %add3A_248 : i32 to vector<16xi32>
      %add3A_250 = arith.addi %min3A_247, %add3A_249 : vector<16xi32>
      %gather3A_251 = tpu.vector_load_idx %arg5[%add3A_250, %add3A_9] : memref<65x96xf32, #tpu.memory_space<vmem>>[vector<16xi32>, vector<16xi32>], vector<16xf32>,
      %swap3A_252 = arith.constant 0 : i32
      %swap3A_253 = arith.index_cast %swap3A_252 : i32 to index
      %swap3A_254 = arith.constant 208 : index
      %swap3A_255 = tpu.vector_load %arg6[%swap3A_253, %swap3A_254] {strides = array<i32>} : memref<8x224xf32, #tpu.memory_space<vmem>>, vector<16xf32>,
      tpu.vector_store %arg6[%swap3A_253, %swap3A_254], %gather3A_251 {strides = array<i32>} : memref<8x224xf32, #tpu.memory_space<vmem>>, vector<16xf32>,
      %iota3A_256 = tpu.iota {dimensions = array<i32: 0>} : vector<16xi32>
      %add3A_257 = arith.constant -112 : i32
      %add3A_258 = vector.broadcast %add3A_257 : i32 to vector<16xi32>
      %add3A_259 = arith.addi %iota3A_256, %add3A_258 : vector<16xi32>
      %jit3A_260 = arith.constant -32 : i32
      %jit3A_261 = arith.constant 32 : i32
      %max3A_262 = vector.broadcast %jit3A_260 : i32 to vector<16xi32>
      %max3A_263 = arith.maxsi %max3A_262, %add3A_259 : vector<16xi32>
      %min3A_264 = vector.broadcast %jit3A_261 : i32 to vector<16xi32>
      %min3A_265 = arith.minsi %min3A_264, %max3A_263 : vector<16xi32>
      %add3A_266 = arith.constant 32 : i32
      %add3A_267 = vector.broadcast %add3A_266 : i32 to vector<16xi32>
      %add3A_268 = arith.addi %min3A_265, %add3A_267 : vector<16xi32>
      %gather3A_269 = tpu.vector_load_idx %arg5[%add3A_268, %add3A_9] : memref<65x96xf32, #tpu.memory_space<vmem>>[vector<16xi32>, vector<16xi32>], vector<16xf32>,
      %swap3A_270 = arith.constant 0 : i32
      %swap3A_271 = arith.constant 0 : i32
      %swap3A_272 = arith.index_cast %swap3A_270 : i32 to index
      %swap3A_273 = arith.index_cast %swap3A_271 : i32 to index
      %swap3A_274 = arith.constant 0 : index
      %swap3A_275 = tpu.vector_load %arg7[%swap3A_272, %swap3A_273, %swap3A_274] {strides = array<i32>} : memref<4x8x64xf32, #tpu.memory_space<vmem>>, vector<16xf32>,
      tpu.vector_store %arg7[%swap3A_272, %swap3A_273, %swap3A_274], %gather3A_269 {strides = array<i32>} : memref<4x8x64xf32, #tpu.memory_space<vmem>>, vector<16xf32>,
      %iota3A_276 = tpu.iota {dimensions = array<i32: 0>} : vector<16xi32>
      %add3A_277 = arith.constant -96 : i32
      %add3A_278 = vector.broadcast %add3A_277 : i32 to vector<16xi32>
      %add3A_279 = arith.addi %iota3A_276, %add3A_278 : vector<16xi32>
      %jit3A_280 = arith.constant -32 : i32
      %jit3A_281 = arith.constant 32 : i32
      %max3A_282 = vector.broadcast %jit3A_280 : i32 to vector<16xi32>
      %max3A_283 = arith.maxsi %max3A_282, %add3A_279 : vector<16xi32>
      %min3A_284 = vector.broadcast %jit3A_281 : i32 to vector<16xi32>
      %min3A_285 = arith.minsi %min3A_284, %max3A_283 : vector<16xi32>
      %add3A_286 = arith.constant 32 : i32
      %add3A_287 = vector.broadcast %add3A_286 : i32 to vector<16xi32>
      %add3A_288 = arith.addi %min3A_285, %add3A_287 : vector<16xi32>
      %gather3A_289 = tpu.vector_load_idx %arg5[%add3A_288, %add3A_9] : memref<65x96xf32, #tpu.memory_space<vmem>>[vector<16xi32>, vector<16xi32>], vector<16xf32>,
      %swap3A_290 = arith.constant 0 : i32
      %swap3A_291 = arith.constant 0 : i32
      %swap3A_292 = arith.index_cast %swap3A_290 : i32 to index
      %swap3A_293 = arith.index_cast %swap3A_291 : i32 to index
      %swap3A_294 = arith.constant 16 : index
      %swap3A_295 = tpu.vector_load %arg7[%swap3A_292, %swap3A_293, %swap3A_294] {strides = array<i32>} : memref<4x8x64xf32, #tpu.memory_space<vmem>>, vector<16xf32>,
      tpu.vector_store %arg7[%swap3A_292, %swap3A_293, %swap3A_294], %gather3A_289 {strides = array<i32>} : memref<4x8x64xf32, #tpu.memory_space<vmem>>, vector<16xf32>,
      %iota3A_296 = tpu.iota {dimensions = array<i32: 0>} : vector<16xi32>
      %add3A_297 = arith.constant -80 : i32
      %add3A_298 = vector.broadcast %add3A_297 : i32 to vector<16xi32>
      %add3A_299 = arith.addi %iota3A_296, %add3A_298 : vector<16xi32>
      %jit3A_300 = arith.constant -32 : i32
      %jit3A_301 = arith.constant 32 : i32
      %max3A_302 = vector.broadcast %jit3A_300 : i32 to vector<16xi32>
      %max3A_303 = arith.maxsi %max3A_302, %add3A_299 : vector<16xi32>
      %min3A_304 = vector.broadcast %jit3A_301 : i32 to vector<16xi32>
      %min3A_305 = arith.minsi %min3A_304, %max3A_303 : vector<16xi32>
      %add3A_306 = arith.constant 32 : i32
      %add3A_307 = vector.broadcast %add3A_306 : i32 to vector<16xi32>
      %add3A_308 = arith.addi %min3A_305, %add3A_307 : vector<16xi32>
      %gather3A_309 = tpu.vector_load_idx %arg5[%add3A_308, %add3A_9] : memref<65x96xf32, #tpu.memory_space<vmem>>[vector<16xi32>, vector<16xi32>], vector<16xf32>,
      %swap3A_310 = arith.constant 0 : i32
      %swap3A_311 = arith.constant 0 : i32
      %swap3A_312 = arith.index_cast %swap3A_310 : i32 to index
      %swap3A_313 = arith.index_cast %swap3A_311 : i32 to index
      %swap3A_314 = arith.constant 32 : index
      %swap3A_315 = tpu.vector_load %arg7[%swap3A_312, %swap3A_313, %swap3A_314] {strides = array<i32>} : memref<4x8x64xf32, #tpu.memory_space<vmem>>, vector<16xf32>,
      tpu.vector_store %arg7[%swap3A_312, %swap3A_313, %swap3A_314], %gather3A_309 {strides = array<i32>} : memref<4x8x64xf32, #tpu.memory_space<vmem>>, vector<16xf32>,
      %iota3A_316 = tpu.iota {dimensions = array<i32: 0>} : vector<16xi32>
      %add3A_317 = arith.constant -64 : i32
      %add3A_318 = vector.broadcast %add3A_317 : i32 to vector<16xi32>
      %add3A_319 = arith.addi %iota3A_316, %add3A_318 : vector<16xi32>
      %jit3A_320 = arith.constant -32 : i32
      %jit3A_321 = arith.constant 32 : i32
      %max3A_322 = vector.broadcast %jit3A_320 : i32 to vector<16xi32>
      %max3A_323 = arith.maxsi %max3A_322, %add3A_319 : vector<16xi32>
      %min3A_324 = vector.broadcast %jit3A_321 : i32 to vector<16xi32>
      %min3A_325 = arith.minsi %min3A_324, %max3A_323 : vector<16xi32>
      %add3A_326 = arith.constant 32 : i32
      %add3A_327 = vector.broadcast %add3A_326 : i32 to vector<16xi32>
      %add3A_328 = arith.addi %min3A_325, %add3A_327 : vector<16xi32>
      %gather3A_329 = tpu.vector_load_idx %arg5[%add3A_328, %add3A_9] : memref<65x96xf32, #tpu.memory_space<vmem>>[vector<16xi32>, vector<16xi32>], vector<16xf32>,
      %swap3A_330 = arith.constant 0 : i32
      %swap3A_331 = arith.constant 0 : i32
      %swap3A_332 = arith.index_cast %swap3A_330 : i32 to index
      %swap3A_333 = arith.index_cast %swap3A_331 : i32 to index
      %swap3A_334 = arith.constant 48 : index
      %swap3A_335 = tpu.vector_load %arg7[%swap3A_332, %swap3A_333, %swap3A_334] {strides = array<i32>} : memref<4x8x64xf32, #tpu.memory_space<vmem>>, vector<16xf32>,
      tpu.vector_store %arg7[%swap3A_332, %swap3A_333, %swap3A_334], %gather3A_329 {strides = array<i32>} : memref<4x8x64xf32, #tpu.memory_space<vmem>>, vector<16xf32>,
      %iota3A_336 = tpu.iota {dimensions = array<i32: 0>} : vector<16xi32>
      %add3A_337 = arith.constant -56 : i32
      %add3A_338 = vector.broadcast %add3A_337 : i32 to vector<16xi32>
      %add3A_339 = arith.addi %iota3A_336, %add3A_338 : vector<16xi32>
      %jit3A_340 = arith.constant -32 : i32
      %jit3A_341 = arith.constant 32 : i32
      %max3A_342 = vector.broadcast %jit3A_340 : i32 to vector<16xi32>
      %max3A_343 = arith.maxsi %max3A_342, %add3A_339 : vector<16xi32>
      %min3A_344 = vector.broadcast %jit3A_341 : i32 to vector<16xi32>
      %min3A_345 = arith.minsi %min3A_344, %max3A_343 : vector<16xi32>
      %add3A_346 = arith.constant 32 : i32
      %add3A_347 = vector.broadcast %add3A_346 : i32 to vector<16xi32>
      %add3A_348 = arith.addi %min3A_345, %add3A_347 : vector<16xi32>
      %gather3A_349 = tpu.vector_load_idx %arg5[%add3A_348, %add3A_9] : memref<65x96xf32, #tpu.memory_space<vmem>>[vector<16xi32>, vector<16xi32>], vector<16xf32>,
      %swap3A_350 = arith.constant 1 : i32
      %swap3A_351 = arith.constant 0 : i32
      %swap3A_352 = arith.index_cast %swap3A_350 : i32 to index
      %swap3A_353 = arith.index_cast %swap3A_351 : i32 to index
      %swap3A_354 = arith.constant 0 : index
      %swap3A_355 = tpu.vector_load %arg7[%swap3A_352, %swap3A_353, %swap3A_354] {strides = array<i32>} : memref<4x8x64xf32, #tpu.memory_space<vmem>>, vector<16xf32>,
      tpu.vector_store %arg7[%swap3A_352, %swap3A_353, %swap3A_354], %gather3A_349 {strides = array<i32>} : memref<4x8x64xf32, #tpu.memory_space<vmem>>, vector<16xf32>,
      %iota3A_356 = tpu.iota {dimensions = array<i32: 0>} : vector<16xi32>
      %add3A_357 = arith.constant -40 : i32
      %add3A_358 = vector.broadcast %add3A_357 : i32 to vector<16xi32>
      %add3A_359 = arith.addi %iota3A_356, %add3A_358 : vector<16xi32>
      %jit3A_360 = arith.constant -32 : i32
      %jit3A_361 = arith.constant 32 : i32
      %max3A_362 = vector.broadcast %jit3A_360 : i32 to vector<16xi32>
      %max3A_363 = arith.maxsi %max3A_362, %add3A_359 : vector<16xi32>
      %min3A_364 = vector.broadcast %jit3A_361 : i32 to vector<16xi32>
      %min3A_365 = arith.minsi %min3A_364, %max3A_363 : vector<16xi32>
      %add3A_366 = arith.constant 32 : i32
      %add3A_367 = vector.broadcast %add3A_366 : i32 to vector<16xi32>
      %add3A_368 = arith.addi %min3A_365, %add3A_367 : vector<16xi32>
      %gather3A_369 = tpu.vector_load_idx %arg5[%add3A_368, %add3A_9] : memref<65x96xf32, #tpu.memory_space<vmem>>[vector<16xi32>, vector<16xi32>], vector<16xf32>,
      %swap3A_370 = arith.constant 1 : i32
      %swap3A_371 = arith.constant 0 : i32
      %swap3A_372 = arith.index_cast %swap3A_370 : i32 to index
      %swap3A_373 = arith.index_cast %swap3A_371 : i32 to index
      %swap3A_374 = arith.constant 16 : index
      %swap3A_375 = tpu.vector_load %arg7[%swap3A_372, %swap3A_373, %swap3A_374] {strides = array<i32>} : memref<4x8x64xf32, #tpu.memory_space<vmem>>, vector<16xf32>,
      tpu.vector_store %arg7[%swap3A_372, %swap3A_373, %swap3A_374], %gather3A_369 {strides = array<i32>} : memref<4x8x64xf32, #tpu.memory_space<vmem>>, vector<16xf32>,
      %iota3A_376 = tpu.iota {dimensions = array<i32: 0>} : vector<16xi32>
      %add3A_377 = arith.constant -24 : i32
      %add3A_378 = vector.broadcast %add3A_377 : i32 to vector<16xi32>
      %add3A_379 = arith.addi %iota3A_376, %add3A_378 : vector<16xi32>
      %jit3A_380 = arith.constant -32 : i32
      %jit3A_381 = arith.constant 32 : i32
      %max3A_382 = vector.broadcast %jit3A_380 : i32 to vector<16xi32>
      %max3A_383 = arith.maxsi %max3A_382, %add3A_379 : vector<16xi32>
      %min3A_384 = vector.broadcast %jit3A_381 : i32 to vector<16xi32>
      %min3A_385 = arith.minsi %min3A_384, %max3A_383 : vector<16xi32>
      %add3A_386 = arith.constant 32 : i32
      %add3A_387 = vector.broadcast %add3A_386 : i32 to vector<16xi32>
      %add3A_388 = arith.addi %min3A_385, %add3A_387 : vector<16xi32>
      %gather3A_389 = tpu.vector_load_idx %arg5[%add3A_388, %add3A_9] : memref<65x96xf32, #tpu.memory_space<vmem>>[vector<16xi32>, vector<16xi32>], vector<16xf32>,
      %swap3A_390 = arith.constant 1 : i32
      %swap3A_391 = arith.constant 0 : i32
      %swap3A_392 = arith.index_cast %swap3A_390 : i32 to index
      %swap3A_393 = arith.index_cast %swap3A_391 : i32 to index
      %swap3A_394 = arith.constant 32 : index
      %swap3A_395 = tpu.vector_load %arg7[%swap3A_392, %swap3A_393, %swap3A_394] {strides = array<i32>} : memref<4x8x64xf32, #tpu.memory_space<vmem>>, vector<16xf32>,
      tpu.vector_store %arg7[%swap3A_392, %swap3A_393, %swap3A_394], %gather3A_389 {strides = array<i32>} : memref<4x8x64xf32, #tpu.memory_space<vmem>>, vector<16xf32>,
      %iota3A_396 = tpu.iota {dimensions = array<i32: 0>} : vector<16xi32>
      %add3A_397 = arith.constant -8 : i32
      %add3A_398 = vector.broadcast %add3A_397 : i32 to vector<16xi32>
      %add3A_399 = arith.addi %iota3A_396, %add3A_398 : vector<16xi32>
      %jit3A_400 = arith.constant -32 : i32
      %jit3A_401 = arith.constant 32 : i32
      %max3A_402 = vector.broadcast %jit3A_400 : i32 to vector<16xi32>
      %max3A_403 = arith.maxsi %max3A_402, %add3A_399 : vector<16xi32>
      %min3A_404 = vector.broadcast %jit3A_401 : i32 to vector<16xi32>
      %min3A_405 = arith.minsi %min3A_404, %max3A_403 : vector<16xi32>
      %add3A_406 = arith.constant 32 : i32
      %add3A_407 = vector.broadcast %add3A_406 : i32 to vector<16xi32>
      %add3A_408 = arith.addi %min3A_405, %add3A_407 : vector<16xi32>
      %gather3A_409 = tpu.vector_load_idx %arg5[%add3A_408, %add3A_9] : memref<65x96xf32, #tpu.memory_space<vmem>>[vector<16xi32>, vector<16xi32>], vector<16xf32>,
      %swap3A_410 = arith.constant 1 : i32
      %swap3A_411 = arith.constant 0 : i32
      %swap3A_412 = arith.index_cast %swap3A_410 : i32 to index
      %swap3A_413 = arith.index_cast %swap3A_411 : i32 to index
      %swap3A_414 = arith.constant 48 : index
      %swap3A_415 = tpu.vector_load %arg7[%swap3A_412, %swap3A_413, %swap3A_414] {strides = array<i32>} : memref<4x8x64xf32, #tpu.memory_space<vmem>>, vector<16xf32>,
      tpu.vector_store %arg7[%swap3A_412, %swap3A_413, %swap3A_414], %gather3A_409 {strides = array<i32>} : memref<4x8x64xf32, #tpu.memory_space<vmem>>, vector<16xf32>,
      %iota3A_416 = tpu.iota {dimensions = array<i32: 0>} : vector<16xi32>
      %add3A_417 = arith.constant 0 : i32
      %add3A_418 = vector.broadcast %add3A_417 : i32 to vector<16xi32>
      %add3A_419 = arith.addi %iota3A_416, %add3A_418 : vector<16xi32>
      %jit3A_420 = arith.constant -32 : i32
      %jit3A_421 = arith.constant 32 : i32
      %max3A_422 = vector.broadcast %jit3A_420 : i32 to vector<16xi32>
      %max3A_423 = arith.maxsi %max3A_422, %add3A_419 : vector<16xi32>
      %min3A_424 = vector.broadcast %jit3A_421 : i32 to vector<16xi32>
      %min3A_425 = arith.minsi %min3A_424, %max3A_423 : vector<16xi32>
      %add3A_426 = arith.constant 32 : i32
      %add3A_427 = vector.broadcast %add3A_426 : i32 to vector<16xi32>
      %add3A_428 = arith.addi %min3A_425, %add3A_427 : vector<16xi32>
      %gather3A_429 = tpu.vector_load_idx %arg5[%add3A_428, %add3A_9] : memref<65x96xf32, #tpu.memory_space<vmem>>[vector<16xi32>, vector<16xi32>], vector<16xf32>,
      %swap3A_430 = arith.constant 2 : i32
      %swap3A_431 = arith.constant 0 : i32
      %swap3A_432 = arith.index_cast %swap3A_430 : i32 to index
      %swap3A_433 = arith.index_cast %swap3A_431 : i32 to index
      %swap3A_434 = arith.constant 0 : index
      %swap3A_435 = tpu.vector_load %arg7[%swap3A_432, %swap3A_433, %swap3A_434] {strides = array<i32>} : memref<4x8x64xf32, #tpu.memory_space<vmem>>, vector<16xf32>,
      tpu.vector_store %arg7[%swap3A_432, %swap3A_433, %swap3A_434], %gather3A_429 {strides = array<i32>} : memref<4x8x64xf32, #tpu.memory_space<vmem>>, vector<16xf32>,
      %iota3A_436 = tpu.iota {dimensions = array<i32: 0>} : vector<16xi32>
      %add3A_437 = arith.constant 16 : i32
      %add3A_438 = vector.broadcast %add3A_437 : i32 to vector<16xi32>
      %add3A_439 = arith.addi %iota3A_436, %add3A_438 : vector<16xi32>
      %jit3A_440 = arith.constant -32 : i32
      %jit3A_441 = arith.constant 32 : i32
      %max3A_442 = vector.broadcast %jit3A_440 : i32 to vector<16xi32>
      %max3A_443 = arith.maxsi %max3A_442, %add3A_439 : vector<16xi32>
      %min3A_444 = vector.broadcast %jit3A_441 : i32 to vector<16xi32>
      %min3A_445 = arith.minsi %min3A_444, %max3A_443 : vector<16xi32>
      %add3A_446 = arith.constant 32 : i32
      %add3A_447 = vector.broadcast %add3A_446 : i32 to vector<16xi32>
      %add3A_448 = arith.addi %min3A_445, %add3A_447 : vector<16xi32>
      %gather3A_449 = tpu.vector_load_idx %arg5[%add3A_448, %add3A_9] : memref<65x96xf32, #tpu.memory_space<vmem>>[vector<16xi32>, vector<16xi32>], vector<16xf32>,
      %swap3A_450 = arith.constant 2 : i32
      %swap3A_451 = arith.constant 0 : i32
      %swap3A_452 = arith.index_cast %swap3A_450 : i32 to index
      %swap3A_453 = arith.index_cast %swap3A_451 : i32 to index
      %swap3A_454 = arith.constant 16 : index
      %swap3A_455 = tpu.vector_load %arg7[%swap3A_452, %swap3A_453, %swap3A_454] {strides = array<i32>} : memref<4x8x64xf32, #tpu.memory_space<vmem>>, vector<16xf32>,
      tpu.vector_store %arg7[%swap3A_452, %swap3A_453, %swap3A_454], %gather3A_449 {strides = array<i32>} : memref<4x8x64xf32, #tpu.memory_space<vmem>>, vector<16xf32>,
      %iota3A_456 = tpu.iota {dimensions = array<i32: 0>} : vector<16xi32>
      %add3A_457 = arith.constant 32 : i32
      %add3A_458 = vector.broadcast %add3A_457 : i32 to vector<16xi32>
      %add3A_459 = arith.addi %iota3A_456, %add3A_458 : vector<16xi32>
      %jit3A_460 = arith.constant -32 : i32
      %jit3A_461 = arith.constant 32 : i32
      %max3A_462 = vector.broadcast %jit3A_460 : i32 to vector<16xi32>
      %max3A_463 = arith.maxsi %max3A_462, %add3A_459 : vector<16xi32>
      %min3A_464 = vector.broadcast %jit3A_461 : i32 to vector<16xi32>
      %min3A_465 = arith.minsi %min3A_464, %max3A_463 : vector<16xi32>
      %add3A_466 = arith.constant 32 : i32
      %add3A_467 = vector.broadcast %add3A_466 : i32 to vector<16xi32>
      %add3A_468 = arith.addi %min3A_465, %add3A_467 : vector<16xi32>
      %gather3A_469 = tpu.vector_load_idx %arg5[%add3A_468, %add3A_9] : memref<65x96xf32, #tpu.memory_space<vmem>>[vector<16xi32>, vector<16xi32>], vector<16xf32>,
      %swap3A_470 = arith.constant 2 : i32
      %swap3A_471 = arith.constant 0 : i32
      %swap3A_472 = arith.index_cast %swap3A_470 : i32 to index
      %swap3A_473 = arith.index_cast %swap3A_471 : i32 to index
      %swap3A_474 = arith.constant 32 : index
      %swap3A_475 = tpu.vector_load %arg7[%swap3A_472, %swap3A_473, %swap3A_474] {strides = array<i32>} : memref<4x8x64xf32, #tpu.memory_space<vmem>>, vector<16xf32>,
      tpu.vector_store %arg7[%swap3A_472, %swap3A_473, %swap3A_474], %gather3A_469 {strides = array<i32>} : memref<4x8x64xf32, #tpu.memory_space<vmem>>, vector<16xf32>,
      %iota3A_476 = tpu.iota {dimensions = array<i32: 0>} : vector<16xi32>
      %add3A_477 = arith.constant 48 : i32
      %add3A_478 = vector.broadcast %add3A_477 : i32 to vector<16xi32>
      %add3A_479 = arith.addi %iota3A_476, %add3A_478 : vector<16xi32>
      %jit3A_480 = arith.constant -32 : i32
      %jit3A_481 = arith.constant 32 : i32
      %max3A_482 = vector.broadcast %jit3A_480 : i32 to vector<16xi32>
      %max3A_483 = arith.maxsi %max3A_482, %add3A_479 : vector<16xi32>
      %min3A_484 = vector.broadcast %jit3A_481 : i32 to vector<16xi32>
      %min3A_485 = arith.minsi %min3A_484, %max3A_483 : vector<16xi32>
      %add3A_486 = arith.constant 32 : i32
      %add3A_487 = vector.broadcast %add3A_486 : i32 to vector<16xi32>
      %add3A_488 = arith.addi %min3A_485, %add3A_487 : vector<16xi32>
      %gather3A_489 = tpu.vector_load_idx %arg5[%add3A_488, %add3A_9] : memref<65x96xf32, #tpu.memory_space<vmem>>[vector<16xi32>, vector<16xi32>], vector<16xf32>,
      %swap3A_490 = arith.constant 2 : i32
      %swap3A_491 = arith.constant 0 : i32
      %swap3A_492 = arith.index_cast %swap3A_490 : i32 to index
      %swap3A_493 = arith.index_cast %swap3A_491 : i32 to index
      %swap3A_494 = arith.constant 48 : index
      %swap3A_495 = tpu.vector_load %arg7[%swap3A_492, %swap3A_493, %swap3A_494] {strides = array<i32>} : memref<4x8x64xf32, #tpu.memory_space<vmem>>, vector<16xf32>,
      tpu.vector_store %arg7[%swap3A_492, %swap3A_493, %swap3A_494], %gather3A_489 {strides = array<i32>} : memref<4x8x64xf32, #tpu.memory_space<vmem>>, vector<16xf32>,
      %iota3A_496 = tpu.iota {dimensions = array<i32: 0>} : vector<16xi32>
      %add3A_497 = arith.constant 56 : i32
      %add3A_498 = vector.broadcast %add3A_497 : i32 to vector<16xi32>
      %add3A_499 = arith.addi %iota3A_496, %add3A_498 : vector<16xi32>
      %jit3A_500 = arith.constant -32 : i32
      %jit3A_501 = arith.constant 32 : i32
      %max3A_502 = vector.broadcast %jit3A_500 : i32 to vector<16xi32>
      %max3A_503 = arith.maxsi %max3A_502, %add3A_499 : vector<16xi32>
      %min3A_504 = vector.broadcast %jit3A_501 : i32 to vector<16xi32>
      %min3A_505 = arith.minsi %min3A_504, %max3A_503 : vector<16xi32>
      %add3A_506 = arith.constant 32 : i32
      %add3A_507 = vector.broadcast %add3A_506 : i32 to vector<16xi32>
      %add3A_508 = arith.addi %min3A_505, %add3A_507 : vector<16xi32>
      %gather3A_509 = tpu.vector_load_idx %arg5[%add3A_508, %add3A_9] : memref<65x96xf32, #tpu.memory_space<vmem>>[vector<16xi32>, vector<16xi32>], vector<16xf32>,
      %swap3A_510 = arith.constant 3 : i32
      %swap3A_511 = arith.constant 0 : i32
      %swap3A_512 = arith.index_cast %swap3A_510 : i32 to index
      %swap3A_513 = arith.index_cast %swap3A_511 : i32 to index
      %swap3A_514 = arith.constant 0 : index
      %swap3A_515 = tpu.vector_load %arg7[%swap3A_512, %swap3A_513, %swap3A_514] {strides = array<i32>} : memref<4x8x64xf32, #tpu.memory_space<vmem>>, vector<16xf32>,
      tpu.vector_store %arg7[%swap3A_512, %swap3A_513, %swap3A_514], %gather3A_509 {strides = array<i32>} : memref<4x8x64xf32, #tpu.memory_space<vmem>>, vector<16xf32>,
      %iota3A_516 = tpu.iota {dimensions = array<i32: 0>} : vector<16xi32>
      %add3A_517 = arith.constant 72 : i32
      %add3A_518 = vector.broadcast %add3A_517 : i32 to vector<16xi32>
      %add3A_519 = arith.addi %iota3A_516, %add3A_518 : vector<16xi32>
      %jit3A_520 = arith.constant -32 : i32
      %jit3A_521 = arith.constant 32 : i32
      %max3A_522 = vector.broadcast %jit3A_520 : i32 to vector<16xi32>
      %max3A_523 = arith.maxsi %max3A_522, %add3A_519 : vector<16xi32>
      %min3A_524 = vector.broadcast %jit3A_521 : i32 to vector<16xi32>
      %min3A_525 = arith.minsi %min3A_524, %max3A_523 : vector<16xi32>
      %add3A_526 = arith.constant 32 : i32
      %add3A_527 = vector.broadcast %add3A_526 : i32 to vector<16xi32>
      %add3A_528 = arith.addi %min3A_525, %add3A_527 : vector<16xi32>
      %gather3A_529 = tpu.vector_load_idx %arg5[%add3A_528, %add3A_9] : memref<65x96xf32, #tpu.memory_space<vmem>>[vector<16xi32>, vector<16xi32>], vector<16xf32>,
      %swap3A_530 = arith.constant 3 : i32
      %swap3A_531 = arith.constant 0 : i32
      %swap3A_532 = arith.index_cast %swap3A_530 : i32 to index
      %swap3A_533 = arith.index_cast %swap3A_531 : i32 to index
      %swap3A_534 = arith.constant 16 : index
      %swap3A_535 = tpu.vector_load %arg7[%swap3A_532, %swap3A_533, %swap3A_534] {strides = array<i32>} : memref<4x8x64xf32, #tpu.memory_space<vmem>>, vector<16xf32>,
      tpu.vector_store %arg7[%swap3A_532, %swap3A_533, %swap3A_534], %gather3A_529 {strides = array<i32>} : memref<4x8x64xf32, #tpu.memory_space<vmem>>, vector<16xf32>,
      %iota3A_536 = tpu.iota {dimensions = array<i32: 0>} : vector<16xi32>
      %add3A_537 = arith.constant 88 : i32
      %add3A_538 = vector.broadcast %add3A_537 : i32 to vector<16xi32>
      %add3A_539 = arith.addi %iota3A_536, %add3A_538 : vector<16xi32>
      %jit3A_540 = arith.constant -32 : i32
      %jit3A_541 = arith.constant 32 : i32
      %max3A_542 = vector.broadcast %jit3A_540 : i32 to vector<16xi32>
      %max3A_543 = arith.maxsi %max3A_542, %add3A_539 : vector<16xi32>
      %min3A_544 = vector.broadcast %jit3A_541 : i32 to vector<16xi32>
      %min3A_545 = arith.minsi %min3A_544, %max3A_543 : vector<16xi32>
      %add3A_546 = arith.constant 32 : i32
      %add3A_547 = vector.broadcast %add3A_546 : i32 to vector<16xi32>
      %add3A_548 = arith.addi %min3A_545, %add3A_547 : vector<16xi32>
      %gather3A_549 = tpu.vector_load_idx %arg5[%add3A_548, %add3A_9] : memref<65x96xf32, #tpu.memory_space<vmem>>[vector<16xi32>, vector<16xi32>], vector<16xf32>,
      %swap3A_550 = arith.constant 3 : i32
      %swap3A_551 = arith.constant 0 : i32
      %swap3A_552 = arith.index_cast %swap3A_550 : i32 to index
      %swap3A_553 = arith.index_cast %swap3A_551 : i32 to index
      %swap3A_554 = arith.constant 32 : index
      %swap3A_555 = tpu.vector_load %arg7[%swap3A_552, %swap3A_553, %swap3A_554] {strides = array<i32>} : memref<4x8x64xf32, #tpu.memory_space<vmem>>, vector<16xf32>,
      tpu.vector_store %arg7[%swap3A_552, %swap3A_553, %swap3A_554], %gather3A_549 {strides = array<i32>} : memref<4x8x64xf32, #tpu.memory_space<vmem>>, vector<16xf32>,
      %iota3A_556 = tpu.iota {dimensions = array<i32: 0>} : vector<16xi32>
      %add3A_557 = arith.constant 104 : i32
      %add3A_558 = vector.broadcast %add3A_557 : i32 to vector<16xi32>
      %add3A_559 = arith.addi %iota3A_556, %add3A_558 : vector<16xi32>
      %jit3A_560 = arith.constant -32 : i32
      %jit3A_561 = arith.constant 32 : i32
      %max3A_562 = vector.broadcast %jit3A_560 : i32 to vector<16xi32>
      %max3A_563 = arith.maxsi %max3A_562, %add3A_559 : vector<16xi32>
      %min3A_564 = vector.broadcast %jit3A_561 : i32 to vector<16xi32>
      %min3A_565 = arith.minsi %min3A_564, %max3A_563 : vector<16xi32>
      %add3A_566 = arith.constant 32 : i32
      %add3A_567 = vector.broadcast %add3A_566 : i32 to vector<16xi32>
      %add3A_568 = arith.addi %min3A_565, %add3A_567 : vector<16xi32>
      %gather3A_569 = tpu.vector_load_idx %arg5[%add3A_568, %add3A_9] : memref<65x96xf32, #tpu.memory_space<vmem>>[vector<16xi32>, vector<16xi32>], vector<16xf32>,
      %swap3A_570 = arith.constant 3 : i32
      %swap3A_571 = arith.constant 0 : i32
      %swap3A_572 = arith.index_cast %swap3A_570 : i32 to index
      %swap3A_573 = arith.index_cast %swap3A_571 : i32 to index
      %swap3A_574 = arith.constant 48 : index
      %swap3A_575 = tpu.vector_load %arg7[%swap3A_572, %swap3A_573, %swap3A_574] {strides = array<i32>} : memref<4x8x64xf32, #tpu.memory_space<vmem>>, vector<16xf32>,
      tpu.vector_store %arg7[%swap3A_572, %swap3A_573, %swap3A_574], %gather3A_569 {strides = array<i32>} : memref<4x8x64xf32, #tpu.memory_space<vmem>>, vector<16xf32>,
      %broadcast_in_dim3A_576 = arith.constant 0 : i32
      %broadcast_in_dim3A_577 = vector.broadcast %broadcast_in_dim3A_576 : i32 to vector<16xi32>
      %add3A_578 = arith.constant 1 : i32
      %add3A_579 = arith.addi %mul3A_2, %add3A_578 : i32
      %add3A_580 = vector.broadcast %add3A_579 : i32 to vector<16xi32>
      %add3A_581 = arith.addi %broadcast_in_dim3A_577, %add3A_580 : vector<16xi32>
      %iota3A_582 = tpu.iota {dimensions = array<i32: 0>} : vector<16xi32>
      %add3A_583 = arith.constant -112 : i32
      %add3A_584 = vector.broadcast %add3A_583 : i32 to vector<16xi32>
      %add3A_585 = arith.addi %iota3A_582, %add3A_584 : vector<16xi32>
      %jit3A_586 = arith.constant -32 : i32
      %jit3A_587 = arith.constant 32 : i32
      %max3A_588 = vector.broadcast %jit3A_586 : i32 to vector<16xi32>
      %max3A_589 = arith.maxsi %max3A_588, %add3A_585 : vector<16xi32>
      %min3A_590 = vector.broadcast %jit3A_587 : i32 to vector<16xi32>
      %min3A_591 = arith.minsi %min3A_590, %max3A_589 : vector<16xi32>
      %add3A_592 = arith.constant 32 : i32
      %add3A_593 = vector.broadcast %add3A_592 : i32 to vector<16xi32>
      %add3A_594 = arith.addi %min3A_591, %add3A_593 : vector<16xi32>
      %gather3A_595 = tpu.vector_load_idx %arg5[%add3A_594, %add3A_581] : memref<65x96xf32, #tpu.memory_space<vmem>>[vector<16xi32>, vector<16xi32>], vector<16xf32>,
      %swap3A_596 = arith.constant 1 : i32
      %swap3A_597 = arith.index_cast %swap3A_596 : i32 to index
      %swap3A_598 = arith.constant 0 : index
      %swap3A_599 = tpu.vector_load %arg6[%swap3A_597, %swap3A_598] {strides = array<i32>} : memref<8x224xf32, #tpu.memory_space<vmem>>, vector<16xf32>,
      tpu.vector_store %arg6[%swap3A_597, %swap3A_598], %gather3A_595 {strides = array<i32>} : memref<8x224xf32, #tpu.memory_space<vmem>>, vector<16xf32>,
      %iota3A_600 = tpu.iota {dimensions = array<i32: 0>} : vector<16xi32>
      %add3A_601 = arith.constant -96 : i32
      %add3A_602 = vector.broadcast %add3A_601 : i32 to vector<16xi32>
      %add3A_603 = arith.addi %iota3A_600, %add3A_602 : vector<16xi32>
      %jit3A_604 = arith.constant -32 : i32
      %jit3A_605 = arith.constant 32 : i32
      %max3A_606 = vector.broadcast %jit3A_604 : i32 to vector<16xi32>
      %max3A_607 = arith.maxsi %max3A_606, %add3A_603 : vector<16xi32>
      %min3A_608 = vector.broadcast %jit3A_605 : i32 to vector<16xi32>
      %min3A_609 = arith.minsi %min3A_608, %max3A_607 : vector<16xi32>
      %add3A_610 = arith.constant 32 : i32
      %add3A_611 = vector.broadcast %add3A_610 : i32 to vector<16xi32>
      %add3A_612 = arith.addi %min3A_609, %add3A_611 : vector<16xi32>
      %gather3A_613 = tpu.vector_load_idx %arg5[%add3A_612, %add3A_581] : memref<65x96xf32, #tpu.memory_space<vmem>>[vector<16xi32>, vector<16xi32>], vector<16xf32>,
      %swap3A_614 = arith.constant 1 : i32
      %swap3A_615 = arith.index_cast %swap3A_614 : i32 to index
      %swap3A_616 = arith.constant 16 : index
      %swap3A_617 = tpu.vector_load %arg6[%swap3A_615, %swap3A_616] {strides = array<i32>} : memref<8x224xf32, #tpu.memory_space<vmem>>, vector<16xf32>,
      tpu.vector_store %arg6[%swap3A_615, %swap3A_616], %gather3A_613 {strides = array<i32>} : memref<8x224xf32, #tpu.memory_space<vmem>>, vector<16xf32>,
      %iota3A_618 = tpu.iota {dimensions = array<i32: 0>} : vector<16xi32>
      %add3A_619 = arith.constant -80 : i32
      %add3A_620 = vector.broadcast %add3A_619 : i32 to vector<16xi32>
      %add3A_621 = arith.addi %iota3A_618, %add3A_620 : vector<16xi32>
      %jit3A_622 = arith.constant -32 : i32
      %jit3A_623 = arith.constant 32 : i32
      %max3A_624 = vector.broadcast %jit3A_622 : i32 to vector<16xi32>
      %max3A_625 = arith.maxsi %max3A_624, %add3A_621 : vector<16xi32>
      %min3A_626 = vector.broadcast %jit3A_623 : i32 to vector<16xi32>
      %min3A_627 = arith.minsi %min3A_626, %max3A_625 : vector<16xi32>
      %add3A_628 = arith.constant 32 : i32
      %add3A_629 = vector.broadcast %add3A_628 : i32 to vector<16xi32>
      %add3A_630 = arith.addi %min3A_627, %add3A_629 : vector<16xi32>
      %gather3A_631 = tpu.vector_load_idx %arg5[%add3A_630, %add3A_581] : memref<65x96xf32, #tpu.memory_space<vmem>>[vector<16xi32>, vector<16xi32>], vector<16xf32>,
      %swap3A_632 = arith.constant 1 : i32
      %swap3A_633 = arith.index_cast %swap3A_632 : i32 to index
      %swap3A_634 = arith.constant 32 : index
      %swap3A_635 = tpu.vector_load %arg6[%swap3A_633, %swap3A_634] {strides = array<i32>} : memref<8x224xf32, #tpu.memory_space<vmem>>, vector<16xf32>,
      tpu.vector_store %arg6[%swap3A_633, %swap3A_634], %gather3A_631 {strides = array<i32>} : memref<8x224xf32, #tpu.memory_space<vmem>>, vector<16xf32>,
      %iota3A_636 = tpu.iota {dimensions = array<i32: 0>} : vector<16xi32>
      %add3A_637 = arith.constant -64 : i32
      %add3A_638 = vector.broadcast %add3A_637 : i32 to vector<16xi32>
      %add3A_639 = arith.addi %iota3A_636, %add3A_638 : vector<16xi32>
      %jit3A_640 = arith.constant -32 : i32
      %jit3A_641 = arith.constant 32 : i32
      %max3A_642 = vector.broadcast %jit3A_640 : i32 to vector<16xi32>
      %max3A_643 = arith.maxsi %max3A_642, %add3A_639 : vector<16xi32>
      %min3A_644 = vector.broadcast %jit3A_641 : i32 to vector<16xi32>
      %min3A_645 = arith.minsi %min3A_644, %max3A_643 : vector<16xi32>
      %add3A_646 = arith.constant 32 : i32
      %add3A_647 = vector.broadcast %add3A_646 : i32 to vector<16xi32>
      %add3A_648 = arith.addi %min3A_645, %add3A_647 : vector<16xi32>
      %gather3A_649 = tpu.vector_load_idx %arg5[%add3A_648, %add3A_581] : memref<65x96xf32, #tpu.memory_space<vmem>>[vector<16xi32>, vector<16xi32>], vector<16xf32>,
      %swap3A_650 = arith.constant 1 : i32
      %swap3A_651 = arith.index_cast %swap3A_650 : i32 to index
      %swap3A_652 = arith.constant 48 : index
      %swap3A_653 = tpu.vector_load %arg6[%swap3A_651, %swap3A_652] {strides = array<i32>} : memref<8x224xf32, #tpu.memory_space<vmem>>, vector<16xf32>,
      tpu.vector_store %arg6[%swap3A_651, %swap3A_652], %gather3A_649 {strides = array<i32>} : memref<8x224xf32, #tpu.memory_space<vmem>>, vector<16xf32>,
      %iota3A_654 = tpu.iota {dimensions = array<i32: 0>} : vector<16xi32>
      %add3A_655 = arith.constant -48 : i32
      %add3A_656 = vector.broadcast %add3A_655 : i32 to vector<16xi32>
      %add3A_657 = arith.addi %iota3A_654, %add3A_656 : vector<16xi32>
      %jit3A_658 = arith.constant -32 : i32
      %jit3A_659 = arith.constant 32 : i32
      %max3A_660 = vector.broadcast %jit3A_658 : i32 to vector<16xi32>
      %max3A_661 = arith.maxsi %max3A_660, %add3A_657 : vector<16xi32>
      %min3A_662 = vector.broadcast %jit3A_659 : i32 to vector<16xi32>
      %min3A_663 = arith.minsi %min3A_662, %max3A_661 : vector<16xi32>
      %add3A_664 = arith.constant 32 : i32
      %add3A_665 = vector.broadcast %add3A_664 : i32 to vector<16xi32>
      %add3A_666 = arith.addi %min3A_663, %add3A_665 : vector<16xi32>
      %gather3A_667 = tpu.vector_load_idx %arg5[%add3A_666, %add3A_581] : memref<65x96xf32, #tpu.memory_space<vmem>>[vector<16xi32>, vector<16xi32>], vector<16xf32>,
      %swap3A_668 = arith.constant 1 : i32
      %swap3A_669 = arith.index_cast %swap3A_668 : i32 to index
      %swap3A_670 = arith.constant 64 : index
      %swap3A_671 = tpu.vector_load %arg6[%swap3A_669, %swap3A_670] {strides = array<i32>} : memref<8x224xf32, #tpu.memory_space<vmem>>, vector<16xf32>,
      tpu.vector_store %arg6[%swap3A_669, %swap3A_670], %gather3A_667 {strides = array<i32>} : memref<8x224xf32, #tpu.memory_space<vmem>>, vector<16xf32>,
      %iota3A_672 = tpu.iota {dimensions = array<i32: 0>} : vector<16xi32>
      %add3A_673 = arith.constant -32 : i32
      %add3A_674 = vector.broadcast %add3A_673 : i32 to vector<16xi32>
      %add3A_675 = arith.addi %iota3A_672, %add3A_674 : vector<16xi32>
      %jit3A_676 = arith.constant -32 : i32
      %jit3A_677 = arith.constant 32 : i32
      %max3A_678 = vector.broadcast %jit3A_676 : i32 to vector<16xi32>
      %max3A_679 = arith.maxsi %max3A_678, %add3A_675 : vector<16xi32>
      %min3A_680 = vector.broadcast %jit3A_677 : i32 to vector<16xi32>
      %min3A_681 = arith.minsi %min3A_680, %max3A_679 : vector<16xi32>
      %add3A_682 = arith.constant 32 : i32
      %add3A_683 = vector.broadcast %add3A_682 : i32 to vector<16xi32>
      %add3A_684 = arith.addi %min3A_681, %add3A_683 : vector<16xi32>
      %gather3A_685 = tpu.vector_load_idx %arg5[%add3A_684, %add3A_581] : memref<65x96xf32, #tpu.memory_space<vmem>>[vector<16xi32>, vector<16xi32>], vector<16xf32>,
      %swap3A_686 = arith.constant 1 : i32
      %swap3A_687 = arith.index_cast %swap3A_686 : i32 to index
      %swap3A_688 = arith.constant 80 : index
      %swap3A_689 = tpu.vector_load %arg6[%swap3A_687, %swap3A_688] {strides = array<i32>} : memref<8x224xf32, #tpu.memory_space<vmem>>, vector<16xf32>,
      tpu.vector_store %arg6[%swap3A_687, %swap3A_688], %gather3A_685 {strides = array<i32>} : memref<8x224xf32, #tpu.memory_space<vmem>>, vector<16xf32>,
      %iota3A_690 = tpu.iota {dimensions = array<i32: 0>} : vector<16xi32>
      %add3A_691 = arith.constant -16 : i32
      %add3A_692 = vector.broadcast %add3A_691 : i32 to vector<16xi32>
      %add3A_693 = arith.addi %iota3A_690, %add3A_692 : vector<16xi32>
      %jit3A_694 = arith.constant -32 : i32
      %jit3A_695 = arith.constant 32 : i32
      %max3A_696 = vector.broadcast %jit3A_694 : i32 to vector<16xi32>
      %max3A_697 = arith.maxsi %max3A_696, %add3A_693 : vector<16xi32>
      %min3A_698 = vector.broadcast %jit3A_695 : i32 to vector<16xi32>
      %min3A_699 = arith.minsi %min3A_698, %max3A_697 : vector<16xi32>
      %add3A_700 = arith.constant 32 : i32
      %add3A_701 = vector.broadcast %add3A_700 : i32 to vector<16xi32>
      %add3A_702 = arith.addi %min3A_699, %add3A_701 : vector<16xi32>
      %gather3A_703 = tpu.vector_load_idx %arg5[%add3A_702, %add3A_581] : memref<65x96xf32, #tpu.memory_space<vmem>>[vector<16xi32>, vector<16xi32>], vector<16xf32>,
      %swap3A_704 = arith.constant 1 : i32
      %swap3A_705 = arith.index_cast %swap3A_704 : i32 to index
      %swap3A_706 = arith.constant 96 : index
      %swap3A_707 = tpu.vector_load %arg6[%swap3A_705, %swap3A_706] {strides = array<i32>} : memref<8x224xf32, #tpu.memory_space<vmem>>, vector<16xf32>,
      tpu.vector_store %arg6[%swap3A_705, %swap3A_706], %gather3A_703 {strides = array<i32>} : memref<8x224xf32, #tpu.memory_space<vmem>>, vector<16xf32>,
      %iota3A_708 = tpu.iota {dimensions = array<i32: 0>} : vector<16xi32>
      %add3A_709 = arith.constant 0 : i32
      %add3A_710 = vector.broadcast %add3A_709 : i32 to vector<16xi32>
      %add3A_711 = arith.addi %iota3A_708, %add3A_710 : vector<16xi32>
      %jit3A_712 = arith.constant -32 : i32
      %jit3A_713 = arith.constant 32 : i32
      %max3A_714 = vector.broadcast %jit3A_712 : i32 to vector<16xi32>
      %max3A_715 = arith.maxsi %max3A_714, %add3A_711 : vector<16xi32>
      %min3A_716 = vector.broadcast %jit3A_713 : i32 to vector<16xi32>
      %min3A_717 = arith.minsi %min3A_716, %max3A_715 : vector<16xi32>
      %add3A_718 = arith.constant 32 : i32
      %add3A_719 = vector.broadcast %add3A_718 : i32 to vector<16xi32>
      %add3A_720 = arith.addi %min3A_717, %add3A_719 : vector<16xi32>
      %gather3A_721 = tpu.vector_load_idx %arg5[%add3A_720, %add3A_581] : memref<65x96xf32, #tpu.memory_space<vmem>>[vector<16xi32>, vector<16xi32>], vector<16xf32>,
      %swap3A_722 = arith.constant 1 : i32
      %swap3A_723 = arith.index_cast %swap3A_722 : i32 to index
      %swap3A_724 = arith.constant 112 : index
      %swap3A_725 = tpu.vector_load %arg6[%swap3A_723, %swap3A_724] {strides = array<i32>} : memref<8x224xf32, #tpu.memory_space<vmem>>, vector<16xf32>,
      tpu.vector_store %arg6[%swap3A_723, %swap3A_724], %gather3A_721 {strides = array<i32>} : memref<8x224xf32, #tpu.memory_space<vmem>>, vector<16xf32>,
      %iota3A_726 = tpu.iota {dimensions = array<i32: 0>} : vector<16xi32>
      %add3A_727 = arith.constant 16 : i32
      %add3A_728 = vector.broadcast %add3A_727 : i32 to vector<16xi32>
      %add3A_729 = arith.addi %iota3A_726, %add3A_728 : vector<16xi32>
      %jit3A_730 = arith.constant -32 : i32
      %jit3A_731 = arith.constant 32 : i32
      %max3A_732 = vector.broadcast %jit3A_730 : i32 to vector<16xi32>
      %max3A_733 = arith.maxsi %max3A_732, %add3A_729 : vector<16xi32>
      %min3A_734 = vector.broadcast %jit3A_731 : i32 to vector<16xi32>
      %min3A_735 = arith.minsi %min3A_734, %max3A_733 : vector<16xi32>
      %add3A_736 = arith.constant 32 : i32
      %add3A_737 = vector.broadcast %add3A_736 : i32 to vector<16xi32>
      %add3A_738 = arith.addi %min3A_735, %add3A_737 : vector<16xi32>
      %gather3A_739 = tpu.vector_load_idx %arg5[%add3A_738, %add3A_581] : memref<65x96xf32, #tpu.memory_space<vmem>>[vector<16xi32>, vector<16xi32>], vector<16xf32>,
      %swap3A_740 = arith.constant 1 : i32
      %swap3A_741 = arith.index_cast %swap3A_740 : i32 to index
      %swap3A_742 = arith.constant 128 : index
      %swap3A_743 = tpu.vector_load %arg6[%swap3A_741, %swap3A_742] {strides = array<i32>} : memref<8x224xf32, #tpu.memory_space<vmem>>, vector<16xf32>,
      tpu.vector_store %arg6[%swap3A_741, %swap3A_742], %gather3A_739 {strides = array<i32>} : memref<8x224xf32, #tpu.memory_space<vmem>>, vector<16xf32>,
      %iota3A_744 = tpu.iota {dimensions = array<i32: 0>} : vector<16xi32>
      %add3A_745 = arith.constant 32 : i32
      %add3A_746 = vector.broadcast %add3A_745 : i32 to vector<16xi32>
      %add3A_747 = arith.addi %iota3A_744, %add3A_746 : vector<16xi32>
      %jit3A_748 = arith.constant -32 : i32
      %jit3A_749 = arith.constant 32 : i32
      %max3A_750 = vector.broadcast %jit3A_748 : i32 to vector<16xi32>
      %max3A_751 = arith.maxsi %max3A_750, %add3A_747 : vector<16xi32>
      %min3A_752 = vector.broadcast %jit3A_749 : i32 to vector<16xi32>
      %min3A_753 = arith.minsi %min3A_752, %max3A_751 : vector<16xi32>
      %add3A_754 = arith.constant 32 : i32
      %add3A_755 = vector.broadcast %add3A_754 : i32 to vector<16xi32>
      %add3A_756 = arith.addi %min3A_753, %add3A_755 : vector<16xi32>
      %gather3A_757 = tpu.vector_load_idx %arg5[%add3A_756, %add3A_581] : memref<65x96xf32, #tpu.memory_space<vmem>>[vector<16xi32>, vector<16xi32>], vector<16xf32>,
      %swap3A_758 = arith.constant 1 : i32
      %swap3A_759 = arith.index_cast %swap3A_758 : i32 to index
      %swap3A_760 = arith.constant 144 : index
      %swap3A_761 = tpu.vector_load %arg6[%swap3A_759, %swap3A_760] {strides = array<i32>} : memref<8x224xf32, #tpu.memory_space<vmem>>, vector<16xf32>,
      tpu.vector_store %arg6[%swap3A_759, %swap3A_760], %gather3A_757 {strides = array<i32>} : memref<8x224xf32, #tpu.memory_space<vmem>>, vector<16xf32>,
      %iota3A_762 = tpu.iota {dimensions = array<i32: 0>} : vector<16xi32>
      %add3A_763 = arith.constant 48 : i32
      %add3A_764 = vector.broadcast %add3A_763 : i32 to vector<16xi32>
      %add3A_765 = arith.addi %iota3A_762, %add3A_764 : vector<16xi32>
      %jit3A_766 = arith.constant -32 : i32
      %jit3A_767 = arith.constant 32 : i32
      %max3A_768 = vector.broadcast %jit3A_766 : i32 to vector<16xi32>
      %max3A_769 = arith.maxsi %max3A_768, %add3A_765 : vector<16xi32>
      %min3A_770 = vector.broadcast %jit3A_767 : i32 to vector<16xi32>
      %min3A_771 = arith.minsi %min3A_770, %max3A_769 : vector<16xi32>
      %add3A_772 = arith.constant 32 : i32
      %add3A_773 = vector.broadcast %add3A_772 : i32 to vector<16xi32>
      %add3A_774 = arith.addi %min3A_771, %add3A_773 : vector<16xi32>
      %gather3A_775 = tpu.vector_load_idx %arg5[%add3A_774, %add3A_581] : memref<65x96xf32, #tpu.memory_space<vmem>>[vector<16xi32>, vector<16xi32>], vector<16xf32>,
      %swap3A_776 = arith.constant 1 : i32
      %swap3A_777 = arith.index_cast %swap3A_776 : i32 to index
      %swap3A_778 = arith.constant 160 : index
      %swap3A_779 = tpu.vector_load %arg6[%swap3A_777, %swap3A_778] {strides = array<i32>} : memref<8x224xf32, #tpu.memory_space<vmem>>, vector<16xf32>,
      tpu.vector_store %arg6[%swap3A_777, %swap3A_778], %gather3A_775 {strides = array<i32>} : memref<8x224xf32, #tpu.memory_space<vmem>>, vector<16xf32>,
      %iota3A_780 = tpu.iota {dimensions = array<i32: 0>} : vector<16xi32>
      %add3A_781 = arith.constant 64 : i32
      %add3A_782 = vector.broadcast %add3A_781 : i32 to vector<16xi32>
      %add3A_783 = arith.addi %iota3A_780, %add3A_782 : vector<16xi32>
      %jit3A_784 = arith.constant -32 : i32
      %jit3A_785 = arith.constant 32 : i32
      %max3A_786 = vector.broadcast %jit3A_784 : i32 to vector<16xi32>
      %max3A_787 = arith.maxsi %max3A_786, %add3A_783 : vector<16xi32>
      %min3A_788 = vector.broadcast %jit3A_785 : i32 to vector<16xi32>
      %min3A_789 = arith.minsi %min3A_788, %max3A_787 : vector<16xi32>
      %add3A_790 = arith.constant 32 : i32
      %add3A_791 = vector.broadcast %add3A_790 : i32 to vector<16xi32>
      %add3A_792 = arith.addi %min3A_789, %add3A_791 : vector<16xi32>
      %gather3A_793 = tpu.vector_load_idx %arg5[%add3A_792, %add3A_581] : memref<65x96xf32, #tpu.memory_space<vmem>>[vector<16xi32>, vector<16xi32>], vector<16xf32>,
      %swap3A_794 = arith.constant 1 : i32
      %swap3A_795 = arith.index_cast %swap3A_794 : i32 to index
      %swap3A_796 = arith.constant 176 : index
      %swap3A_797 = tpu.vector_load %arg6[%swap3A_795, %swap3A_796] {strides = array<i32>} : memref<8x224xf32, #tpu.memory_space<vmem>>, vector<16xf32>,
      tpu.vector_store %arg6[%swap3A_795, %swap3A_796], %gather3A_793 {strides = array<i32>} : memref<8x224xf32, #tpu.memory_space<vmem>>, vector<16xf32>,
      %iota3A_798 = tpu.iota {dimensions = array<i32: 0>} : vector<16xi32>
      %add3A_799 = arith.constant 80 : i32
      %add3A_800 = vector.broadcast %add3A_799 : i32 to vector<16xi32>
      %add3A_801 = arith.addi %iota3A_798, %add3A_800 : vector<16xi32>
      %jit3A_802 = arith.constant -32 : i32
      %jit3A_803 = arith.constant 32 : i32
      %max3A_804 = vector.broadcast %jit3A_802 : i32 to vector<16xi32>
      %max3A_805 = arith.maxsi %max3A_804, %add3A_801 : vector<16xi32>
      %min3A_806 = vector.broadcast %jit3A_803 : i32 to vector<16xi32>
      %min3A_807 = arith.minsi %min3A_806, %max3A_805 : vector<16xi32>
      %add3A_808 = arith.constant 32 : i32
      %add3A_809 = vector.broadcast %add3A_808 : i32 to vector<16xi32>
      %add3A_810 = arith.addi %min3A_807, %add3A_809 : vector<16xi32>
      %gather3A_811 = tpu.vector_load_idx %arg5[%add3A_810, %add3A_581] : memref<65x96xf32, #tpu.memory_space<vmem>>[vector<16xi32>, vector<16xi32>], vector<16xf32>,
      %swap3A_812 = arith.constant 1 : i32
      %swap3A_813 = arith.index_cast %swap3A_812 : i32 to index
      %swap3A_814 = arith.constant 192 : index
      %swap3A_815 = tpu.vector_load %arg6[%swap3A_813, %swap3A_814] {strides = array<i32>} : memref<8x224xf32, #tpu.memory_space<vmem>>, vector<16xf32>,
      tpu.vector_store %arg6[%swap3A_813, %swap3A_814], %gather3A_811 {strides = array<i32>} : memref<8x224xf32, #tpu.memory_space<vmem>>, vector<16xf32>,
      %iota3A_816 = tpu.iota {dimensions = array<i32: 0>} : vector<16xi32>
      %add3A_817 = arith.constant 96 : i32
      %add3A_818 = vector.broadcast %add3A_817 : i32 to vector<16xi32>
      %add3A_819 = arith.addi %iota3A_816, %add3A_818 : vector<16xi32>
      %jit3A_820 = arith.constant -32 : i32
      %jit3A_821 = arith.constant 32 : i32
      %max3A_822 = vector.broadcast %jit3A_820 : i32 to vector<16xi32>
      %max3A_823 = arith.maxsi %max3A_822, %add3A_819 : vector<16xi32>
      %min3A_824 = vector.broadcast %jit3A_821 : i32 to vector<16xi32>
      %min3A_825 = arith.minsi %min3A_824, %max3A_823 : vector<16xi32>
      %add3A_826 = arith.constant 32 : i32
      %add3A_827 = vector.broadcast %add3A_826 : i32 to vector<16xi32>
      %add3A_828 = arith.addi %min3A_825, %add3A_827 : vector<16xi32>
      %gather3A_829 = tpu.vector_load_idx %arg5[%add3A_828, %add3A_581] : memref<65x96xf32, #tpu.memory_space<vmem>>[vector<16xi32>, vector<16xi32>], vector<16xf32>,
      %swap3A_830 = arith.constant 1 : i32
      %swap3A_831 = arith.index_cast %swap3A_830 : i32 to index
      %swap3A_832 = arith.constant 208 : index
      %swap3A_833 = tpu.vector_load %arg6[%swap3A_831, %swap3A_832] {strides = array<i32>} : memref<8x224xf32, #tpu.memory_space<vmem>>, vector<16xf32>,
      tpu.vector_store %arg6[%swap3A_831, %swap3A_832], %gather3A_829 {strides = array<i32>} : memref<8x224xf32, #tpu.memory_space<vmem>>, vector<16xf32>,
      %iota3A_834 = tpu.iota {dimensions = array<i32: 0>} : vector<16xi32>
      %add3A_835 = arith.constant -112 : i32
      %add3A_836 = vector.broadcast %add3A_835 : i32 to vector<16xi32>
      %add3A_837 = arith.addi %iota3A_834, %add3A_836 : vector<16xi32>
      %jit3A_838 = arith.constant -32 : i32
      %jit3A_839 = arith.constant 32 : i32
      %max3A_840 = vector.broadcast %jit3A_838 : i32 to vector<16xi32>
      %max3A_841 = arith.maxsi %max3A_840, %add3A_837 : vector<16xi32>
      %min3A_842 = vector.broadcast %jit3A_839 : i32 to vector<16xi32>
      %min3A_843 = arith.minsi %min3A_842, %max3A_841 : vector<16xi32>
      %add3A_844 = arith.constant 32 : i32
      %add3A_845 = vector.broadcast %add3A_844 : i32 to vector<16xi32>
      %add3A_846 = arith.addi %min3A_843, %add3A_845 : vector<16xi32>
      %gather3A_847 = tpu.vector_load_idx %arg5[%add3A_846, %add3A_581] : memref<65x96xf32, #tpu.memory_space<vmem>>[vector<16xi32>, vector<16xi32>], vector<16xf32>,
      %swap3A_848 = arith.constant 0 : i32
      %swap3A_849 = arith.constant 1 : i32
      %swap3A_850 = arith.index_cast %swap3A_848 : i32 to index
      %swap3A_851 = arith.index_cast %swap3A_849 : i32 to index
      %swap3A_852 = arith.constant 0 : index
      %swap3A_853 = tpu.vector_load %arg7[%swap3A_850, %swap3A_851, %swap3A_852] {strides = array<i32>} : memref<4x8x64xf32, #tpu.memory_space<vmem>>, vector<16xf32>,
      tpu.vector_store %arg7[%swap3A_850, %swap3A_851, %swap3A_852], %gather3A_847 {strides = array<i32>} : memref<4x8x64xf32, #tpu.memory_space<vmem>>, vector<16xf32>,
      %iota3A_854 = tpu.iota {dimensions = array<i32: 0>} : vector<16xi32>
      %add3A_855 = arith.constant -96 : i32
      %add3A_856 = vector.broadcast %add3A_855 : i32 to vector<16xi32>
      %add3A_857 = arith.addi %iota3A_854, %add3A_856 : vector<16xi32>
      %jit3A_858 = arith.constant -32 : i32
      %jit3A_859 = arith.constant 32 : i32
      %max3A_860 = vector.broadcast %jit3A_858 : i32 to vector<16xi32>
      %max3A_861 = arith.maxsi %max3A_860, %add3A_857 : vector<16xi32>
      %min3A_862 = vector.broadcast %jit3A_859 : i32 to vector<16xi32>
      %min3A_863 = arith.minsi %min3A_862, %max3A_861 : vector<16xi32>
      %add3A_864 = arith.constant 32 : i32
      %add3A_865 = vector.broadcast %add3A_864 : i32 to vector<16xi32>
      %add3A_866 = arith.addi %min3A_863, %add3A_865 : vector<16xi32>
      %gather3A_867 = tpu.vector_load_idx %arg5[%add3A_866, %add3A_581] : memref<65x96xf32, #tpu.memory_space<vmem>>[vector<16xi32>, vector<16xi32>], vector<16xf32>,
      %swap3A_868 = arith.constant 0 : i32
      %swap3A_869 = arith.constant 1 : i32
      %swap3A_870 = arith.index_cast %swap3A_868 : i32 to index
      %swap3A_871 = arith.index_cast %swap3A_869 : i32 to index
      %swap3A_872 = arith.constant 16 : index
      %swap3A_873 = tpu.vector_load %arg7[%swap3A_870, %swap3A_871, %swap3A_872] {strides = array<i32>} : memref<4x8x64xf32, #tpu.memory_space<vmem>>, vector<16xf32>,
      tpu.vector_store %arg7[%swap3A_870, %swap3A_871, %swap3A_872], %gather3A_867 {strides = array<i32>} : memref<4x8x64xf32, #tpu.memory_space<vmem>>, vector<16xf32>,
      %iota3A_874 = tpu.iota {dimensions = array<i32: 0>} : vector<16xi32>
      %add3A_875 = arith.constant -80 : i32
      %add3A_876 = vector.broadcast %add3A_875 : i32 to vector<16xi32>
      %add3A_877 = arith.addi %iota3A_874, %add3A_876 : vector<16xi32>
      %jit3A_878 = arith.constant -32 : i32
      %jit3A_879 = arith.constant 32 : i32
      %max3A_880 = vector.broadcast %jit3A_878 : i32 to vector<16xi32>
      %max3A_881 = arith.maxsi %max3A_880, %add3A_877 : vector<16xi32>
      %min3A_882 = vector.broadcast %jit3A_879 : i32 to vector<16xi32>
      %min3A_883 = arith.minsi %min3A_882, %max3A_881 : vector<16xi32>
      %add3A_884 = arith.constant 32 : i32
      %add3A_885 = vector.broadcast %add3A_884 : i32 to vector<16xi32>
      %add3A_886 = arith.addi %min3A_883, %add3A_885 : vector<16xi32>
      %gather3A_887 = tpu.vector_load_idx %arg5[%add3A_886, %add3A_581] : memref<65x96xf32, #tpu.memory_space<vmem>>[vector<16xi32>, vector<16xi32>], vector<16xf32>,
      %swap3A_888 = arith.constant 0 : i32
      %swap3A_889 = arith.constant 1 : i32
      %swap3A_890 = arith.index_cast %swap3A_888 : i32 to index
      %swap3A_891 = arith.index_cast %swap3A_889 : i32 to index
      %swap3A_892 = arith.constant 32 : index
      %swap3A_893 = tpu.vector_load %arg7[%swap3A_890, %swap3A_891, %swap3A_892] {strides = array<i32>} : memref<4x8x64xf32, #tpu.memory_space<vmem>>, vector<16xf32>,
      tpu.vector_store %arg7[%swap3A_890, %swap3A_891, %swap3A_892], %gather3A_887 {strides = array<i32>} : memref<4x8x64xf32, #tpu.memory_space<vmem>>, vector<16xf32>,
      %iota3A_894 = tpu.iota {dimensions = array<i32: 0>} : vector<16xi32>
      %add3A_895 = arith.constant -64 : i32
      %add3A_896 = vector.broadcast %add3A_895 : i32 to vector<16xi32>
      %add3A_897 = arith.addi %iota3A_894, %add3A_896 : vector<16xi32>
      %jit3A_898 = arith.constant -32 : i32
      %jit3A_899 = arith.constant 32 : i32
      %max3A_900 = vector.broadcast %jit3A_898 : i32 to vector<16xi32>
      %max3A_901 = arith.maxsi %max3A_900, %add3A_897 : vector<16xi32>
      %min3A_902 = vector.broadcast %jit3A_899 : i32 to vector<16xi32>
      %min3A_903 = arith.minsi %min3A_902, %max3A_901 : vector<16xi32>
      %add3A_904 = arith.constant 32 : i32
      %add3A_905 = vector.broadcast %add3A_904 : i32 to vector<16xi32>
      %add3A_906 = arith.addi %min3A_903, %add3A_905 : vector<16xi32>
      %gather3A_907 = tpu.vector_load_idx %arg5[%add3A_906, %add3A_581] : memref<65x96xf32, #tpu.memory_space<vmem>>[vector<16xi32>, vector<16xi32>], vector<16xf32>,
      %swap3A_908 = arith.constant 0 : i32
      %swap3A_909 = arith.constant 1 : i32
      %swap3A_910 = arith.index_cast %swap3A_908 : i32 to index
      %swap3A_911 = arith.index_cast %swap3A_909 : i32 to index
      %swap3A_912 = arith.constant 48 : index
      %swap3A_913 = tpu.vector_load %arg7[%swap3A_910, %swap3A_911, %swap3A_912] {strides = array<i32>} : memref<4x8x64xf32, #tpu.memory_space<vmem>>, vector<16xf32>,
      tpu.vector_store %arg7[%swap3A_910, %swap3A_911, %swap3A_912], %gather3A_907 {strides = array<i32>} : memref<4x8x64xf32, #tpu.memory_space<vmem>>, vector<16xf32>,
      %iota3A_914 = tpu.iota {dimensions = array<i32: 0>} : vector<16xi32>
      %add3A_915 = arith.constant -56 : i32
      %add3A_916 = vector.broadcast %add3A_915 : i32 to vector<16xi32>
      %add3A_917 = arith.addi %iota3A_914, %add3A_916 : vector<16xi32>
      %jit3A_918 = arith.constant -32 : i32
      %jit3A_919 = arith.constant 32 : i32
      %max3A_920 = vector.broadcast %jit3A_918 : i32 to vector<16xi32>
      %max3A_921 = arith.maxsi %max3A_920, %add3A_917 : vector<16xi32>
      %min3A_922 = vector.broadcast %jit3A_919 : i32 to vector<16xi32>
      %min3A_923 = arith.minsi %min3A_922, %max3A_921 : vector<16xi32>
      %add3A_924 = arith.constant 32 : i32
      %add3A_925 = vector.broadcast %add3A_924 : i32 to vector<16xi32>
      %add3A_926 = arith.addi %min3A_923, %add3A_925 : vector<16xi32>
      %gather3A_927 = tpu.vector_load_idx %arg5[%add3A_926, %add3A_581] : memref<65x96xf32, #tpu.memory_space<vmem>>[vector<16xi32>, vector<16xi32>], vector<16xf32>,
      %swap3A_928 = arith.constant 1 : i32
      %swap3A_929 = arith.constant 1 : i32
      %swap3A_930 = arith.index_cast %swap3A_928 : i32 to index
      %swap3A_931 = arith.index_cast %swap3A_929 : i32 to index
      %swap3A_932 = arith.constant 0 : index
      %swap3A_933 = tpu.vector_load %arg7[%swap3A_930, %swap3A_931, %swap3A_932] {strides = array<i32>} : memref<4x8x64xf32, #tpu.memory_space<vmem>>, vector<16xf32>,
      tpu.vector_store %arg7[%swap3A_930, %swap3A_931, %swap3A_932], %gather3A_927 {strides = array<i32>} : memref<4x8x64xf32, #tpu.memory_space<vmem>>, vector<16xf32>,
      %iota3A_934 = tpu.iota {dimensions = array<i32: 0>} : vector<16xi32>
      %add3A_935 = arith.constant -40 : i32
      %add3A_936 = vector.broadcast %add3A_935 : i32 to vector<16xi32>
      %add3A_937 = arith.addi %iota3A_934, %add3A_936 : vector<16xi32>
      %jit3A_938 = arith.constant -32 : i32
      %jit3A_939 = arith.constant 32 : i32
      %max3A_940 = vector.broadcast %jit3A_938 : i32 to vector<16xi32>
      %max3A_941 = arith.maxsi %max3A_940, %add3A_937 : vector<16xi32>
      %min3A_942 = vector.broadcast %jit3A_939 : i32 to vector<16xi32>
      %min3A_943 = arith.minsi %min3A_942, %max3A_941 : vector<16xi32>
      %add3A_944 = arith.constant 32 : i32
      %add3A_945 = vector.broadcast %add3A_944 : i32 to vector<16xi32>
      %add3A_946 = arith.addi %min3A_943, %add3A_945 : vector<16xi32>
      %gather3A_947 = tpu.vector_load_idx %arg5[%add3A_946, %add3A_581] : memref<65x96xf32, #tpu.memory_space<vmem>>[vector<16xi32>, vector<16xi32>], vector<16xf32>,
      %swap3A_948 = arith.constant 1 : i32
      %swap3A_949 = arith.constant 1 : i32
      %swap3A_950 = arith.index_cast %swap3A_948 : i32 to index
      %swap3A_951 = arith.index_cast %swap3A_949 : i32 to index
      %swap3A_952 = arith.constant 16 : index
      %swap3A_953 = tpu.vector_load %arg7[%swap3A_950, %swap3A_951, %swap3A_952] {strides = array<i32>} : memref<4x8x64xf32, #tpu.memory_space<vmem>>, vector<16xf32>,
      tpu.vector_store %arg7[%swap3A_950, %swap3A_951, %swap3A_952], %gather3A_947 {strides = array<i32>} : memref<4x8x64xf32, #tpu.memory_space<vmem>>, vector<16xf32>,
      %iota3A_954 = tpu.iota {dimensions = array<i32: 0>} : vector<16xi32>
      %add3A_955 = arith.constant -24 : i32
      %add3A_956 = vector.broadcast %add3A_955 : i32 to vector<16xi32>
      %add3A_957 = arith.addi %iota3A_954, %add3A_956 : vector<16xi32>
      %jit3A_958 = arith.constant -32 : i32
      %jit3A_959 = arith.constant 32 : i32
      %max3A_960 = vector.broadcast %jit3A_958 : i32 to vector<16xi32>
      %max3A_961 = arith.maxsi %max3A_960, %add3A_957 : vector<16xi32>
      %min3A_962 = vector.broadcast %jit3A_959 : i32 to vector<16xi32>
      %min3A_963 = arith.minsi %min3A_962, %max3A_961 : vector<16xi32>
      %add3A_964 = arith.constant 32 : i32
      %add3A_965 = vector.broadcast %add3A_964 : i32 to vector<16xi32>
      %add3A_966 = arith.addi %min3A_963, %add3A_965 : vector<16xi32>
      %gather3A_967 = tpu.vector_load_idx %arg5[%add3A_966, %add3A_581] : memref<65x96xf32, #tpu.memory_space<vmem>>[vector<16xi32>, vector<16xi32>], vector<16xf32>,
      %swap3A_968 = arith.constant 1 : i32
      %swap3A_969 = arith.constant 1 : i32
      %swap3A_970 = arith.index_cast %swap3A_968 : i32 to index
      %swap3A_971 = arith.index_cast %swap3A_969 : i32 to index
      %swap3A_972 = arith.constant 32 : index
      %swap3A_973 = tpu.vector_load %arg7[%swap3A_970, %swap3A_971, %swap3A_972] {strides = array<i32>} : memref<4x8x64xf32, #tpu.memory_space<vmem>>, vector<16xf32>,
      tpu.vector_store %arg7[%swap3A_970, %swap3A_971, %swap3A_972], %gather3A_967 {strides = array<i32>} : memref<4x8x64xf32, #tpu.memory_space<vmem>>, vector<16xf32>,
      %iota3A_974 = tpu.iota {dimensions = array<i32: 0>} : vector<16xi32>
      %add3A_975 = arith.constant -8 : i32
      %add3A_976 = vector.broadcast %add3A_975 : i32 to vector<16xi32>
      %add3A_977 = arith.addi %iota3A_974, %add3A_976 : vector<16xi32>
      %jit3A_978 = arith.constant -32 : i32
      %jit3A_979 = arith.constant 32 : i32
      %max3A_980 = vector.broadcast %jit3A_978 : i32 to vector<16xi32>
      %max3A_981 = arith.maxsi %max3A_980, %add3A_977 : vector<16xi32>
      %min3A_982 = vector.broadcast %jit3A_979 : i32 to vector<16xi32>
      %min3A_983 = arith.minsi %min3A_982, %max3A_981 : vector<16xi32>
      %add3A_984 = arith.constant 32 : i32
      %add3A_985 = vector.broadcast %add3A_984 : i32 to vector<16xi32>
      %add3A_986 = arith.addi %min3A_983, %add3A_985 : vector<16xi32>
      %gather3A_987 = tpu.vector_load_idx %arg5[%add3A_986, %add3A_581] : memref<65x96xf32, #tpu.memory_space<vmem>>[vector<16xi32>, vector<16xi32>], vector<16xf32>,
      %swap3A_988 = arith.constant 1 : i32
      %swap3A_989 = arith.constant 1 : i32
      %swap3A_990 = arith.index_cast %swap3A_988 : i32 to index
      %swap3A_991 = arith.index_cast %swap3A_989 : i32 to index
      %swap3A_992 = arith.constant 48 : index
      %swap3A_993 = tpu.vector_load %arg7[%swap3A_990, %swap3A_991, %swap3A_992] {strides = array<i32>} : memref<4x8x64xf32, #tpu.memory_space<vmem>>, vector<16xf32>,
      tpu.vector_store %arg7[%swap3A_990, %swap3A_991, %swap3A_992], %gather3A_987 {strides = array<i32>} : memref<4x8x64xf32, #tpu.memory_space<vmem>>, vector<16xf32>,
      %iota3A_994 = tpu.iota {dimensions = array<i32: 0>} : vector<16xi32>
      %add3A_995 = arith.constant 0 : i32
      %add3A_996 = vector.broadcast %add3A_995 : i32 to vector<16xi32>
      %add3A_997 = arith.addi %iota3A_994, %add3A_996 : vector<16xi32>
      %jit3A_998 = arith.constant -32 : i32
      %jit3A_999 = arith.constant 32 : i32
      %max3A_1000 = vector.broadcast %jit3A_998 : i32 to vector<16xi32>
      %max3A_1001 = arith.maxsi %max3A_1000, %add3A_997 : vector<16xi32>
      %min3A_1002 = vector.broadcast %jit3A_999 : i32 to vector<16xi32>
      %min3A_1003 = arith.minsi %min3A_1002, %max3A_1001 : vector<16xi32>
      %add3A_1004 = arith.constant 32 : i32
      %add3A_1005 = vector.broadcast %add3A_1004 : i32 to vector<16xi32>
      %add3A_1006 = arith.addi %min3A_1003, %add3A_1005 : vector<16xi32>
      %gather3A_1007 = tpu.vector_load_idx %arg5[%add3A_1006, %add3A_581] : memref<65x96xf32, #tpu.memory_space<vmem>>[vector<16xi32>, vector<16xi32>], vector<16xf32>,
      %swap3A_1008 = arith.constant 2 : i32
      %swap3A_1009 = arith.constant 1 : i32
      %swap3A_1010 = arith.index_cast %swap3A_1008 : i32 to index
      %swap3A_1011 = arith.index_cast %swap3A_1009 : i32 to index
      %swap3A_1012 = arith.constant 0 : index
      %swap3A_1013 = tpu.vector_load %arg7[%swap3A_1010, %swap3A_1011, %swap3A_1012] {strides = array<i32>} : memref<4x8x64xf32, #tpu.memory_space<vmem>>, vector<16xf32>,
      tpu.vector_store %arg7[%swap3A_1010, %swap3A_1011, %swap3A_1012], %gather3A_1007 {strides = array<i32>} : memref<4x8x64xf32, #tpu.memory_space<vmem>>, vector<16xf32>,
      %iota3A_1014 = tpu.iota {dimensions = array<i32: 0>} : vector<16xi32>
      %add3A_1015 = arith.constant 16 : i32
      %add3A_1016 = vector.broadcast %add3A_1015 : i32 to vector<16xi32>
      %add3A_1017 = arith.addi %iota3A_1014, %add3A_1016 : vector<16xi32>
      %jit3A_1018 = arith.constant -32 : i32
      %jit3A_1019 = arith.constant 32 : i32
      %max3A_1020 = vector.broadcast %jit3A_1018 : i32 to vector<16xi32>
      %max3A_1021 = arith.maxsi %max3A_1020, %add3A_1017 : vector<16xi32>
      %min3A_1022 = vector.broadcast %jit3A_1019 : i32 to vector<16xi32>
      %min3A_1023 = arith.minsi %min3A_1022, %max3A_1021 : vector<16xi32>
      %add3A_1024 = arith.constant 32 : i32
      %add3A_1025 = vector.broadcast %add3A_1024 : i32 to vector<16xi32>
      %add3A_1026 = arith.addi %min3A_1023, %add3A_1025 : vector<16xi32>
      %gather3A_1027 = tpu.vector_load_idx %arg5[%add3A_1026, %add3A_581] : memref<65x96xf32, #tpu.memory_space<vmem>>[vector<16xi32>, vector<16xi32>], vector<16xf32>,
      %swap3A_1028 = arith.constant 2 : i32
      %swap3A_1029 = arith.constant 1 : i32
      %swap3A_1030 = arith.index_cast %swap3A_1028 : i32 to index
      %swap3A_1031 = arith.index_cast %swap3A_1029 : i32 to index
      %swap3A_1032 = arith.constant 16 : index
      %swap3A_1033 = tpu.vector_load %arg7[%swap3A_1030, %swap3A_1031, %swap3A_1032] {strides = array<i32>} : memref<4x8x64xf32, #tpu.memory_space<vmem>>, vector<16xf32>,
      tpu.vector_store %arg7[%swap3A_1030, %swap3A_1031, %swap3A_1032], %gather3A_1027 {strides = array<i32>} : memref<4x8x64xf32, #tpu.memory_space<vmem>>, vector<16xf32>,
      %iota3A_1034 = tpu.iota {dimensions = array<i32: 0>} : vector<16xi32>
      %add3A_1035 = arith.constant 32 : i32
      %add3A_1036 = vector.broadcast %add3A_1035 : i32 to vector<16xi32>
      %add3A_1037 = arith.addi %iota3A_1034, %add3A_1036 : vector<16xi32>
      %jit3A_1038 = arith.constant -32 : i32
      %jit3A_1039 = arith.constant 32 : i32
      %max3A_1040 = vector.broadcast %jit3A_1038 : i32 to vector<16xi32>
      %max3A_1041 = arith.maxsi %max3A_1040, %add3A_1037 : vector<16xi32>
      %min3A_1042 = vector.broadcast %jit3A_1039 : i32 to vector<16xi32>
      %min3A_1043 = arith.minsi %min3A_1042, %max3A_1041 : vector<16xi32>
      %add3A_1044 = arith.constant 32 : i32
      %add3A_1045 = vector.broadcast %add3A_1044 : i32 to vector<16xi32>
      %add3A_1046 = arith.addi %min3A_1043, %add3A_1045 : vector<16xi32>
      %gather3A_1047 = tpu.vector_load_idx %arg5[%add3A_1046, %add3A_581] : memref<65x96xf32, #tpu.memory_space<vmem>>[vector<16xi32>, vector<16xi32>], vector<16xf32>,
      %swap3A_1048 = arith.constant 2 : i32
      %swap3A_1049 = arith.constant 1 : i32
      %swap3A_1050 = arith.index_cast %swap3A_1048 : i32 to index
      %swap3A_1051 = arith.index_cast %swap3A_1049 : i32 to index
      %swap3A_1052 = arith.constant 32 : index
      %swap3A_1053 = tpu.vector_load %arg7[%swap3A_1050, %swap3A_1051, %swap3A_1052] {strides = array<i32>} : memref<4x8x64xf32, #tpu.memory_space<vmem>>, vector<16xf32>,
      tpu.vector_store %arg7[%swap3A_1050, %swap3A_1051, %swap3A_1052], %gather3A_1047 {strides = array<i32>} : memref<4x8x64xf32, #tpu.memory_space<vmem>>, vector<16xf32>,
      %iota3A_1054 = tpu.iota {dimensions = array<i32: 0>} : vector<16xi32>
      %add3A_1055 = arith.constant 48 : i32
      %add3A_1056 = vector.broadcast %add3A_1055 : i32 to vector<16xi32>
      %add3A_1057 = arith.addi %iota3A_1054, %add3A_1056 : vector<16xi32>
      %jit3A_1058 = arith.constant -32 : i32
      %jit3A_1059 = arith.constant 32 : i32
      %max3A_1060 = vector.broadcast %jit3A_1058 : i32 to vector<16xi32>
      %max3A_1061 = arith.maxsi %max3A_1060, %add3A_1057 : vector<16xi32>
      %min3A_1062 = vector.broadcast %jit3A_1059 : i32 to vector<16xi32>
      %min3A_1063 = arith.minsi %min3A_1062, %max3A_1061 : vector<16xi32>
      %add3A_1064 = arith.constant 32 : i32
      %add3A_1065 = vector.broadcast %add3A_1064 : i32 to vector<16xi32>
      %add3A_1066 = arith.addi %min3A_1063, %add3A_1065 : vector<16xi32>
      %gather3A_1067 = tpu.vector_load_idx %arg5[%add3A_1066, %add3A_581] : memref<65x96xf32, #tpu.memory_space<vmem>>[vector<16xi32>, vector<16xi32>], vector<16xf32>,
      %swap3A_1068 = arith.constant 2 : i32
      %swap3A_1069 = arith.constant 1 : i32
      %swap3A_1070 = arith.index_cast %swap3A_1068 : i32 to index
      %swap3A_1071 = arith.index_cast %swap3A_1069 : i32 to index
      %swap3A_1072 = arith.constant 48 : index
      %swap3A_1073 = tpu.vector_load %arg7[%swap3A_1070, %swap3A_1071, %swap3A_1072] {strides = array<i32>} : memref<4x8x64xf32, #tpu.memory_space<vmem>>, vector<16xf32>,
      tpu.vector_store %arg7[%swap3A_1070, %swap3A_1071, %swap3A_1072], %gather3A_1067 {strides = array<i32>} : memref<4x8x64xf32, #tpu.memory_space<vmem>>, vector<16xf32>,
      %iota3A_1074 = tpu.iota {dimensions = array<i32: 0>} : vector<16xi32>
      %add3A_1075 = arith.constant 56 : i32
      %add3A_1076 = vector.broadcast %add3A_1075 : i32 to vector<16xi32>
      %add3A_1077 = arith.addi %iota3A_1074, %add3A_1076 : vector<16xi32>
      %jit3A_1078 = arith.constant -32 : i32
      %jit3A_1079 = arith.constant 32 : i32
      %max3A_1080 = vector.broadcast %jit3A_1078 : i32 to vector<16xi32>
      %max3A_1081 = arith.maxsi %max3A_1080, %add3A_1077 : vector<16xi32>
      %min3A_1082 = vector.broadcast %jit3A_1079 : i32 to vector<16xi32>
      %min3A_1083 = arith.minsi %min3A_1082, %max3A_1081 : vector<16xi32>
      %add3A_1084 = arith.constant 32 : i32
      %add3A_1085 = vector.broadcast %add3A_1084 : i32 to vector<16xi32>
      %add3A_1086 = arith.addi %min3A_1083, %add3A_1085 : vector<16xi32>
      %gather3A_1087 = tpu.vector_load_idx %arg5[%add3A_1086, %add3A_581] : memref<65x96xf32, #tpu.memory_space<vmem>>[vector<16xi32>, vector<16xi32>], vector<16xf32>,
      %swap3A_1088 = arith.constant 3 : i32
      %swap3A_1089 = arith.constant 1 : i32
      %swap3A_1090 = arith.index_cast %swap3A_1088 : i32 to index
      %swap3A_1091 = arith.index_cast %swap3A_1089 : i32 to index
      %swap3A_1092 = arith.constant 0 : index
      %swap3A_1093 = tpu.vector_load %arg7[%swap3A_1090, %swap3A_1091, %swap3A_1092] {strides = array<i32>} : memref<4x8x64xf32, #tpu.memory_space<vmem>>, vector<16xf32>,
      tpu.vector_store %arg7[%swap3A_1090, %swap3A_1091, %swap3A_1092], %gather3A_1087 {strides = array<i32>} : memref<4x8x64xf32, #tpu.memory_space<vmem>>, vector<16xf32>,
      %iota3A_1094 = tpu.iota {dimensions = array<i32: 0>} : vector<16xi32>
      %add3A_1095 = arith.constant 72 : i32
      %add3A_1096 = vector.broadcast %add3A_1095 : i32 to vector<16xi32>
      %add3A_1097 = arith.addi %iota3A_1094, %add3A_1096 : vector<16xi32>
      %jit3A_1098 = arith.constant -32 : i32
      %jit3A_1099 = arith.constant 32 : i32
      %max3A_1100 = vector.broadcast %jit3A_1098 : i32 to vector<16xi32>
      %max3A_1101 = arith.maxsi %max3A_1100, %add3A_1097 : vector<16xi32>
      %min3A_1102 = vector.broadcast %jit3A_1099 : i32 to vector<16xi32>
      %min3A_1103 = arith.minsi %min3A_1102, %max3A_1101 : vector<16xi32>
      %add3A_1104 = arith.constant 32 : i32
      %add3A_1105 = vector.broadcast %add3A_1104 : i32 to vector<16xi32>
      %add3A_1106 = arith.addi %min3A_1103, %add3A_1105 : vector<16xi32>
      %gather3A_1107 = tpu.vector_load_idx %arg5[%add3A_1106, %add3A_581] : memref<65x96xf32, #tpu.memory_space<vmem>>[vector<16xi32>, vector<16xi32>], vector<16xf32>,
      %swap3A_1108 = arith.constant 3 : i32
      %swap3A_1109 = arith.constant 1 : i32
      %swap3A_1110 = arith.index_cast %swap3A_1108 : i32 to index
      %swap3A_1111 = arith.index_cast %swap3A_1109 : i32 to index
      %swap3A_1112 = arith.constant 16 : index
      %swap3A_1113 = tpu.vector_load %arg7[%swap3A_1110, %swap3A_1111, %swap3A_1112] {strides = array<i32>} : memref<4x8x64xf32, #tpu.memory_space<vmem>>, vector<16xf32>,
      tpu.vector_store %arg7[%swap3A_1110, %swap3A_1111, %swap3A_1112], %gather3A_1107 {strides = array<i32>} : memref<4x8x64xf32, #tpu.memory_space<vmem>>, vector<16xf32>,
      %iota3A_1114 = tpu.iota {dimensions = array<i32: 0>} : vector<16xi32>
      %add3A_1115 = arith.constant 88 : i32
      %add3A_1116 = vector.broadcast %add3A_1115 : i32 to vector<16xi32>
      %add3A_1117 = arith.addi %iota3A_1114, %add3A_1116 : vector<16xi32>
      %jit3A_1118 = arith.constant -32 : i32
      %jit3A_1119 = arith.constant 32 : i32
      %max3A_1120 = vector.broadcast %jit3A_1118 : i32 to vector<16xi32>
      %max3A_1121 = arith.maxsi %max3A_1120, %add3A_1117 : vector<16xi32>
      %min3A_1122 = vector.broadcast %jit3A_1119 : i32 to vector<16xi32>
      %min3A_1123 = arith.minsi %min3A_1122, %max3A_1121 : vector<16xi32>
      %add3A_1124 = arith.constant 32 : i32
      %add3A_1125 = vector.broadcast %add3A_1124 : i32 to vector<16xi32>
      %add3A_1126 = arith.addi %min3A_1123, %add3A_1125 : vector<16xi32>
      %gather3A_1127 = tpu.vector_load_idx %arg5[%add3A_1126, %add3A_581] : memref<65x96xf32, #tpu.memory_space<vmem>>[vector<16xi32>, vector<16xi32>], vector<16xf32>,
      %swap3A_1128 = arith.constant 3 : i32
      %swap3A_1129 = arith.constant 1 : i32
      %swap3A_1130 = arith.index_cast %swap3A_1128 : i32 to index
      %swap3A_1131 = arith.index_cast %swap3A_1129 : i32 to index
      %swap3A_1132 = arith.constant 32 : index
      %swap3A_1133 = tpu.vector_load %arg7[%swap3A_1130, %swap3A_1131, %swap3A_1132] {strides = array<i32>} : memref<4x8x64xf32, #tpu.memory_space<vmem>>, vector<16xf32>,
      tpu.vector_store %arg7[%swap3A_1130, %swap3A_1131, %swap3A_1132], %gather3A_1127 {strides = array<i32>} : memref<4x8x64xf32, #tpu.memory_space<vmem>>, vector<16xf32>,
      %iota3A_1134 = tpu.iota {dimensions = array<i32: 0>} : vector<16xi32>
      %add3A_1135 = arith.constant 104 : i32
      %add3A_1136 = vector.broadcast %add3A_1135 : i32 to vector<16xi32>
      %add3A_1137 = arith.addi %iota3A_1134, %add3A_1136 : vector<16xi32>
      %jit3A_1138 = arith.constant -32 : i32
      %jit3A_1139 = arith.constant 32 : i32
      %max3A_1140 = vector.broadcast %jit3A_1138 : i32 to vector<16xi32>
      %max3A_1141 = arith.maxsi %max3A_1140, %add3A_1137 : vector<16xi32>
      %min3A_1142 = vector.broadcast %jit3A_1139 : i32 to vector<16xi32>
      %min3A_1143 = arith.minsi %min3A_1142, %max3A_1141 : vector<16xi32>
      %add3A_1144 = arith.constant 32 : i32
      %add3A_1145 = vector.broadcast %add3A_1144 : i32 to vector<16xi32>
      %add3A_1146 = arith.addi %min3A_1143, %add3A_1145 : vector<16xi32>
      %gather3A_1147 = tpu.vector_load_idx %arg5[%add3A_1146, %add3A_581] : memref<65x96xf32, #tpu.memory_space<vmem>>[vector<16xi32>, vector<16xi32>], vector<16xf32>,
      %swap3A_1148 = arith.constant 3 : i32
      %swap3A_1149 = arith.constant 1 : i32
      %swap3A_1150 = arith.index_cast %swap3A_1148 : i32 to index
      %swap3A_1151 = arith.index_cast %swap3A_1149 : i32 to index
      %swap3A_1152 = arith.constant 48 : index
      %swap3A_1153 = tpu.vector_load %arg7[%swap3A_1150, %swap3A_1151, %swap3A_1152] {strides = array<i32>} : memref<4x8x64xf32, #tpu.memory_space<vmem>>, vector<16xf32>,
      tpu.vector_store %arg7[%swap3A_1150, %swap3A_1151, %swap3A_1152], %gather3A_1147 {strides = array<i32>} : memref<4x8x64xf32, #tpu.memory_space<vmem>>, vector<16xf32>,
      %broadcast_in_dim3A_1154 = arith.constant 0 : i32
      %broadcast_in_dim3A_1155 = vector.broadcast %broadcast_in_dim3A_1154 : i32 to vector<16xi32>
      %add3A_1156 = arith.constant 2 : i32
      %add3A_1157 = arith.addi %mul3A_2, %add3A_1156 : i32
      %add3A_1158 = vector.broadcast %add3A_1157 : i32 to vector<16xi32>
      %add3A_1159 = arith.addi %broadcast_in_dim3A_1155, %add3A_1158 : vector<16xi32>
      %iota3A_1160 = tpu.iota {dimensions = array<i32: 0>} : vector<16xi32>
      %add3A_1161 = arith.constant -112 : i32
      %add3A_1162 = vector.broadcast %add3A_1161 : i32 to vector<16xi32>
      %add3A_1163 = arith.addi %iota3A_1160, %add3A_1162 : vector<16xi32>
      %jit3A_1164 = arith.constant -32 : i32
      %jit3A_1165 = arith.constant 32 : i32
      %max3A_1166 = vector.broadcast %jit3A_1164 : i32 to vector<16xi32>
      %max3A_1167 = arith.maxsi %max3A_1166, %add3A_1163 : vector<16xi32>
      %min3A_1168 = vector.broadcast %jit3A_1165 : i32 to vector<16xi32>
      %min3A_1169 = arith.minsi %min3A_1168, %max3A_1167 : vector<16xi32>
      %add3A_1170 = arith.constant 32 : i32
      %add3A_1171 = vector.broadcast %add3A_1170 : i32 to vector<16xi32>
      %add3A_1172 = arith.addi %min3A_1169, %add3A_1171 : vector<16xi32>
      %gather3A_1173 = tpu.vector_load_idx %arg5[%add3A_1172, %add3A_1159] : memref<65x96xf32, #tpu.memory_space<vmem>>[vector<16xi32>, vector<16xi32>], vector<16xf32>,
      %swap3A_1174 = arith.constant 2 : i32
      %swap3A_1175 = arith.index_cast %swap3A_1174 : i32 to index
      %swap3A_1176 = arith.constant 0 : index
      %swap3A_1177 = tpu.vector_load %arg6[%swap3A_1175, %swap3A_1176] {strides = array<i32>} : memref<8x224xf32, #tpu.memory_space<vmem>>, vector<16xf32>,
      tpu.vector_store %arg6[%swap3A_1175, %swap3A_1176], %gather3A_1173 {strides = array<i32>} : memref<8x224xf32, #tpu.memory_space<vmem>>, vector<16xf32>,
      %iota3A_1178 = tpu.iota {dimensions = array<i32: 0>} : vector<16xi32>
      %add3A_1179 = arith.constant -96 : i32
      %add3A_1180 = vector.broadcast %add3A_1179 : i32 to vector<16xi32>
      %add3A_1181 = arith.addi %iota3A_1178, %add3A_1180 : vector<16xi32>
      %jit3A_1182 = arith.constant -32 : i32
      %jit3A_1183 = arith.constant 32 : i32
      %max3A_1184 = vector.broadcast %jit3A_1182 : i32 to vector<16xi32>
      %max3A_1185 = arith.maxsi %max3A_1184, %add3A_1181 : vector<16xi32>
      %min3A_1186 = vector.broadcast %jit3A_1183 : i32 to vector<16xi32>
      %min3A_1187 = arith.minsi %min3A_1186, %max3A_1185 : vector<16xi32>
      %add3A_1188 = arith.constant 32 : i32
      %add3A_1189 = vector.broadcast %add3A_1188 : i32 to vector<16xi32>
      %add3A_1190 = arith.addi %min3A_1187, %add3A_1189 : vector<16xi32>
      %gather3A_1191 = tpu.vector_load_idx %arg5[%add3A_1190, %add3A_1159] : memref<65x96xf32, #tpu.memory_space<vmem>>[vector<16xi32>, vector<16xi32>], vector<16xf32>,
      %swap3A_1192 = arith.constant 2 : i32
      %swap3A_1193 = arith.index_cast %swap3A_1192 : i32 to index
      %swap3A_1194 = arith.constant 16 : index
      %swap3A_1195 = tpu.vector_load %arg6[%swap3A_1193, %swap3A_1194] {strides = array<i32>} : memref<8x224xf32, #tpu.memory_space<vmem>>, vector<16xf32>,
      tpu.vector_store %arg6[%swap3A_1193, %swap3A_1194], %gather3A_1191 {strides = array<i32>} : memref<8x224xf32, #tpu.memory_space<vmem>>, vector<16xf32>,
      %iota3A_1196 = tpu.iota {dimensions = array<i32: 0>} : vector<16xi32>
      %add3A_1197 = arith.constant -80 : i32
      %add3A_1198 = vector.broadcast %add3A_1197 : i32 to vector<16xi32>
      %add3A_1199 = arith.addi %iota3A_1196, %add3A_1198 : vector<16xi32>
      %jit3A_1200 = arith.constant -32 : i32
      %jit3A_1201 = arith.constant 32 : i32
      %max3A_1202 = vector.broadcast %jit3A_1200 : i32 to vector<16xi32>
      %max3A_1203 = arith.maxsi %max3A_1202, %add3A_1199 : vector<16xi32>
      %min3A_1204 = vector.broadcast %jit3A_1201 : i32 to vector<16xi32>
      %min3A_1205 = arith.minsi %min3A_1204, %max3A_1203 : vector<16xi32>
      %add3A_1206 = arith.constant 32 : i32
      %add3A_1207 = vector.broadcast %add3A_1206 : i32 to vector<16xi32>
      %add3A_1208 = arith.addi %min3A_1205, %add3A_1207 : vector<16xi32>
      %gather3A_1209 = tpu.vector_load_idx %arg5[%add3A_1208, %add3A_1159] : memref<65x96xf32, #tpu.memory_space<vmem>>[vector<16xi32>, vector<16xi32>], vector<16xf32>,
      %swap3A_1210 = arith.constant 2 : i32
      %swap3A_1211 = arith.index_cast %swap3A_1210 : i32 to index
      %swap3A_1212 = arith.constant 32 : index
      %swap3A_1213 = tpu.vector_load %arg6[%swap3A_1211, %swap3A_1212] {strides = array<i32>} : memref<8x224xf32, #tpu.memory_space<vmem>>, vector<16xf32>,
      tpu.vector_store %arg6[%swap3A_1211, %swap3A_1212], %gather3A_1209 {strides = array<i32>} : memref<8x224xf32, #tpu.memory_space<vmem>>, vector<16xf32>,
      %iota3A_1214 = tpu.iota {dimensions = array<i32: 0>} : vector<16xi32>
      %add3A_1215 = arith.constant -64 : i32
      %add3A_1216 = vector.broadcast %add3A_1215 : i32 to vector<16xi32>
      %add3A_1217 = arith.addi %iota3A_1214, %add3A_1216 : vector<16xi32>
      %jit3A_1218 = arith.constant -32 : i32
      %jit3A_1219 = arith.constant 32 : i32
      %max3A_1220 = vector.broadcast %jit3A_1218 : i32 to vector<16xi32>
      %max3A_1221 = arith.maxsi %max3A_1220, %add3A_1217 : vector<16xi32>
      %min3A_1222 = vector.broadcast %jit3A_1219 : i32 to vector<16xi32>
      %min3A_1223 = arith.minsi %min3A_1222, %max3A_1221 : vector<16xi32>
      %add3A_1224 = arith.constant 32 : i32
      %add3A_1225 = vector.broadcast %add3A_1224 : i32 to vector<16xi32>
      %add3A_1226 = arith.addi %min3A_1223, %add3A_1225 : vector<16xi32>
      %gather3A_1227 = tpu.vector_load_idx %arg5[%add3A_1226, %add3A_1159] : memref<65x96xf32, #tpu.memory_space<vmem>>[vector<16xi32>, vector<16xi32>], vector<16xf32>,
      %swap3A_1228 = arith.constant 2 : i32
      %swap3A_1229 = arith.index_cast %swap3A_1228 : i32 to index
      %swap3A_1230 = arith.constant 48 : index
      %swap3A_1231 = tpu.vector_load %arg6[%swap3A_1229, %swap3A_1230] {strides = array<i32>} : memref<8x224xf32, #tpu.memory_space<vmem>>, vector<16xf32>,
      tpu.vector_store %arg6[%swap3A_1229, %swap3A_1230], %gather3A_1227 {strides = array<i32>} : memref<8x224xf32, #tpu.memory_space<vmem>>, vector<16xf32>,
      %iota3A_1232 = tpu.iota {dimensions = array<i32: 0>} : vector<16xi32>
      %add3A_1233 = arith.constant -48 : i32
      %add3A_1234 = vector.broadcast %add3A_1233 : i32 to vector<16xi32>
      %add3A_1235 = arith.addi %iota3A_1232, %add3A_1234 : vector<16xi32>
      %jit3A_1236 = arith.constant -32 : i32
      %jit3A_1237 = arith.constant 32 : i32
      %max3A_1238 = vector.broadcast %jit3A_1236 : i32 to vector<16xi32>
      %max3A_1239 = arith.maxsi %max3A_1238, %add3A_1235 : vector<16xi32>
      %min3A_1240 = vector.broadcast %jit3A_1237 : i32 to vector<16xi32>
      %min3A_1241 = arith.minsi %min3A_1240, %max3A_1239 : vector<16xi32>
      %add3A_1242 = arith.constant 32 : i32
      %add3A_1243 = vector.broadcast %add3A_1242 : i32 to vector<16xi32>
      %add3A_1244 = arith.addi %min3A_1241, %add3A_1243 : vector<16xi32>
      %gather3A_1245 = tpu.vector_load_idx %arg5[%add3A_1244, %add3A_1159] : memref<65x96xf32, #tpu.memory_space<vmem>>[vector<16xi32>, vector<16xi32>], vector<16xf32>,
      %swap3A_1246 = arith.constant 2 : i32
      %swap3A_1247 = arith.index_cast %swap3A_1246 : i32 to index
      %swap3A_1248 = arith.constant 64 : index
      %swap3A_1249 = tpu.vector_load %arg6[%swap3A_1247, %swap3A_1248] {strides = array<i32>} : memref<8x224xf32, #tpu.memory_space<vmem>>, vector<16xf32>,
      tpu.vector_store %arg6[%swap3A_1247, %swap3A_1248], %gather3A_1245 {strides = array<i32>} : memref<8x224xf32, #tpu.memory_space<vmem>>, vector<16xf32>,
      %iota3A_1250 = tpu.iota {dimensions = array<i32: 0>} : vector<16xi32>
      %add3A_1251 = arith.constant -32 : i32
      %add3A_1252 = vector.broadcast %add3A_1251 : i32 to vector<16xi32>
      %add3A_1253 = arith.addi %iota3A_1250, %add3A_1252 : vector<16xi32>
      %jit3A_1254 = arith.constant -32 : i32
      %jit3A_1255 = arith.constant 32 : i32
      %max3A_1256 = vector.broadcast %jit3A_1254 : i32 to vector<16xi32>
      %max3A_1257 = arith.maxsi %max3A_1256, %add3A_1253 : vector<16xi32>
      %min3A_1258 = vector.broadcast %jit3A_1255 : i32 to vector<16xi32>
      %min3A_1259 = arith.minsi %min3A_1258, %max3A_1257 : vector<16xi32>
      %add3A_1260 = arith.constant 32 : i32
      %add3A_1261 = vector.broadcast %add3A_1260 : i32 to vector<16xi32>
      %add3A_1262 = arith.addi %min3A_1259, %add3A_1261 : vector<16xi32>
      %gather3A_1263 = tpu.vector_load_idx %arg5[%add3A_1262, %add3A_1159] : memref<65x96xf32, #tpu.memory_space<vmem>>[vector<16xi32>, vector<16xi32>], vector<16xf32>,
      %swap3A_1264 = arith.constant 2 : i32
      %swap3A_1265 = arith.index_cast %swap3A_1264 : i32 to index
      %swap3A_1266 = arith.constant 80 : index
      %swap3A_1267 = tpu.vector_load %arg6[%swap3A_1265, %swap3A_1266] {strides = array<i32>} : memref<8x224xf32, #tpu.memory_space<vmem>>, vector<16xf32>,
      tpu.vector_store %arg6[%swap3A_1265, %swap3A_1266], %gather3A_1263 {strides = array<i32>} : memref<8x224xf32, #tpu.memory_space<vmem>>, vector<16xf32>,
      %iota3A_1268 = tpu.iota {dimensions = array<i32: 0>} : vector<16xi32>
      %add3A_1269 = arith.constant -16 : i32
      %add3A_1270 = vector.broadcast %add3A_1269 : i32 to vector<16xi32>
      %add3A_1271 = arith.addi %iota3A_1268, %add3A_1270 : vector<16xi32>
      %jit3A_1272 = arith.constant -32 : i32
      %jit3A_1273 = arith.constant 32 : i32
      %max3A_1274 = vector.broadcast %jit3A_1272 : i32 to vector<16xi32>
      %max3A_1275 = arith.maxsi %max3A_1274, %add3A_1271 : vector<16xi32>
      %min3A_1276 = vector.broadcast %jit3A_1273 : i32 to vector<16xi32>
      %min3A_1277 = arith.minsi %min3A_1276, %max3A_1275 : vector<16xi32>
      %add3A_1278 = arith.constant 32 : i32
      %add3A_1279 = vector.broadcast %add3A_1278 : i32 to vector<16xi32>
      %add3A_1280 = arith.addi %min3A_1277, %add3A_1279 : vector<16xi32>
      %gather3A_1281 = tpu.vector_load_idx %arg5[%add3A_1280, %add3A_1159] : memref<65x96xf32, #tpu.memory_space<vmem>>[vector<16xi32>, vector<16xi32>], vector<16xf32>,
      %swap3A_1282 = arith.constant 2 : i32
      %swap3A_1283 = arith.index_cast %swap3A_1282 : i32 to index
      %swap3A_1284 = arith.constant 96 : index
      %swap3A_1285 = tpu.vector_load %arg6[%swap3A_1283, %swap3A_1284] {strides = array<i32>} : memref<8x224xf32, #tpu.memory_space<vmem>>, vector<16xf32>,
      tpu.vector_store %arg6[%swap3A_1283, %swap3A_1284], %gather3A_1281 {strides = array<i32>} : memref<8x224xf32, #tpu.memory_space<vmem>>, vector<16xf32>,
      %iota3A_1286 = tpu.iota {dimensions = array<i32: 0>} : vector<16xi32>
      %add3A_1287 = arith.constant 0 : i32
      %add3A_1288 = vector.broadcast %add3A_1287 : i32 to vector<16xi32>
      %add3A_1289 = arith.addi %iota3A_1286, %add3A_1288 : vector<16xi32>
      %jit3A_1290 = arith.constant -32 : i32
      %jit3A_1291 = arith.constant 32 : i32
      %max3A_1292 = vector.broadcast %jit3A_1290 : i32 to vector<16xi32>
      %max3A_1293 = arith.maxsi %max3A_1292, %add3A_1289 : vector<16xi32>
      %min3A_1294 = vector.broadcast %jit3A_1291 : i32 to vector<16xi32>
      %min3A_1295 = arith.minsi %min3A_1294, %max3A_1293 : vector<16xi32>
      %add3A_1296 = arith.constant 32 : i32
      %add3A_1297 = vector.broadcast %add3A_1296 : i32 to vector<16xi32>
      %add3A_1298 = arith.addi %min3A_1295, %add3A_1297 : vector<16xi32>
      %gather3A_1299 = tpu.vector_load_idx %arg5[%add3A_1298, %add3A_1159] : memref<65x96xf32, #tpu.memory_space<vmem>>[vector<16xi32>, vector<16xi32>], vector<16xf32>,
      %swap3A_1300 = arith.constant 2 : i32
      %swap3A_1301 = arith.index_cast %swap3A_1300 : i32 to index
      %swap3A_1302 = arith.constant 112 : index
      %swap3A_1303 = tpu.vector_load %arg6[%swap3A_1301, %swap3A_1302] {strides = array<i32>} : memref<8x224xf32, #tpu.memory_space<vmem>>, vector<16xf32>,
      tpu.vector_store %arg6[%swap3A_1301, %swap3A_1302], %gather3A_1299 {strides = array<i32>} : memref<8x224xf32, #tpu.memory_space<vmem>>, vector<16xf32>,
      %iota3A_1304 = tpu.iota {dimensions = array<i32: 0>} : vector<16xi32>
      %add3A_1305 = arith.constant 16 : i32
      %add3A_1306 = vector.broadcast %add3A_1305 : i32 to vector<16xi32>
      %add3A_1307 = arith.addi %iota3A_1304, %add3A_1306 : vector<16xi32>
      %jit3A_1308 = arith.constant -32 : i32
      %jit3A_1309 = arith.constant 32 : i32
      %max3A_1310 = vector.broadcast %jit3A_1308 : i32 to vector<16xi32>
      %max3A_1311 = arith.maxsi %max3A_1310, %add3A_1307 : vector<16xi32>
      %min3A_1312 = vector.broadcast %jit3A_1309 : i32 to vector<16xi32>
      %min3A_1313 = arith.minsi %min3A_1312, %max3A_1311 : vector<16xi32>
      %add3A_1314 = arith.constant 32 : i32
      %add3A_1315 = vector.broadcast %add3A_1314 : i32 to vector<16xi32>
      %add3A_1316 = arith.addi %min3A_1313, %add3A_1315 : vector<16xi32>
      %gather3A_1317 = tpu.vector_load_idx %arg5[%add3A_1316, %add3A_1159] : memref<65x96xf32, #tpu.memory_space<vmem>>[vector<16xi32>, vector<16xi32>], vector<16xf32>,
      %swap3A_1318 = arith.constant 2 : i32
      %swap3A_1319 = arith.index_cast %swap3A_1318 : i32 to index
      %swap3A_1320 = arith.constant 128 : index
      %swap3A_1321 = tpu.vector_load %arg6[%swap3A_1319, %swap3A_1320] {strides = array<i32>} : memref<8x224xf32, #tpu.memory_space<vmem>>, vector<16xf32>,
      tpu.vector_store %arg6[%swap3A_1319, %swap3A_1320], %gather3A_1317 {strides = array<i32>} : memref<8x224xf32, #tpu.memory_space<vmem>>, vector<16xf32>,
      %iota3A_1322 = tpu.iota {dimensions = array<i32: 0>} : vector<16xi32>
      %add3A_1323 = arith.constant 32 : i32
      %add3A_1324 = vector.broadcast %add3A_1323 : i32 to vector<16xi32>
      %add3A_1325 = arith.addi %iota3A_1322, %add3A_1324 : vector<16xi32>
      %jit3A_1326 = arith.constant -32 : i32
      %jit3A_1327 = arith.constant 32 : i32
      %max3A_1328 = vector.broadcast %jit3A_1326 : i32 to vector<16xi32>
      %max3A_1329 = arith.maxsi %max3A_1328, %add3A_1325 : vector<16xi32>
      %min3A_1330 = vector.broadcast %jit3A_1327 : i32 to vector<16xi32>
      %min3A_1331 = arith.minsi %min3A_1330, %max3A_1329 : vector<16xi32>
      %add3A_1332 = arith.constant 32 : i32
      %add3A_1333 = vector.broadcast %add3A_1332 : i32 to vector<16xi32>
      %add3A_1334 = arith.addi %min3A_1331, %add3A_1333 : vector<16xi32>
      %gather3A_1335 = tpu.vector_load_idx %arg5[%add3A_1334, %add3A_1159] : memref<65x96xf32, #tpu.memory_space<vmem>>[vector<16xi32>, vector<16xi32>], vector<16xf32>,
      %swap3A_1336 = arith.constant 2 : i32
      %swap3A_1337 = arith.index_cast %swap3A_1336 : i32 to index
      %swap3A_1338 = arith.constant 144 : index
      %swap3A_1339 = tpu.vector_load %arg6[%swap3A_1337, %swap3A_1338] {strides = array<i32>} : memref<8x224xf32, #tpu.memory_space<vmem>>, vector<16xf32>,
      tpu.vector_store %arg6[%swap3A_1337, %swap3A_1338], %gather3A_1335 {strides = array<i32>} : memref<8x224xf32, #tpu.memory_space<vmem>>, vector<16xf32>,
      %iota3A_1340 = tpu.iota {dimensions = array<i32: 0>} : vector<16xi32>
      %add3A_1341 = arith.constant 48 : i32
      %add3A_1342 = vector.broadcast %add3A_1341 : i32 to vector<16xi32>
      %add3A_1343 = arith.addi %iota3A_1340, %add3A_1342 : vector<16xi32>
      %jit3A_1344 = arith.constant -32 : i32
      %jit3A_1345 = arith.constant 32 : i32
      %max3A_1346 = vector.broadcast %jit3A_1344 : i32 to vector<16xi32>
      %max3A_1347 = arith.maxsi %max3A_1346, %add3A_1343 : vector<16xi32>
      %min3A_1348 = vector.broadcast %jit3A_1345 : i32 to vector<16xi32>
      %min3A_1349 = arith.minsi %min3A_1348, %max3A_1347 : vector<16xi32>
      %add3A_1350 = arith.constant 32 : i32
      %add3A_1351 = vector.broadcast %add3A_1350 : i32 to vector<16xi32>
      %add3A_1352 = arith.addi %min3A_1349, %add3A_1351 : vector<16xi32>
      %gather3A_1353 = tpu.vector_load_idx %arg5[%add3A_1352, %add3A_1159] : memref<65x96xf32, #tpu.memory_space<vmem>>[vector<16xi32>, vector<16xi32>], vector<16xf32>,
      %swap3A_1354 = arith.constant 2 : i32
      %swap3A_1355 = arith.index_cast %swap3A_1354 : i32 to index
      %swap3A_1356 = arith.constant 160 : index
      %swap3A_1357 = tpu.vector_load %arg6[%swap3A_1355, %swap3A_1356] {strides = array<i32>} : memref<8x224xf32, #tpu.memory_space<vmem>>, vector<16xf32>,
      tpu.vector_store %arg6[%swap3A_1355, %swap3A_1356], %gather3A_1353 {strides = array<i32>} : memref<8x224xf32, #tpu.memory_space<vmem>>, vector<16xf32>,
      %iota3A_1358 = tpu.iota {dimensions = array<i32: 0>} : vector<16xi32>
      %add3A_1359 = arith.constant 64 : i32
      %add3A_1360 = vector.broadcast %add3A_1359 : i32 to vector<16xi32>
      %add3A_1361 = arith.addi %iota3A_1358, %add3A_1360 : vector<16xi32>
      %jit3A_1362 = arith.constant -32 : i32
      %jit3A_1363 = arith.constant 32 : i32
      %max3A_1364 = vector.broadcast %jit3A_1362 : i32 to vector<16xi32>
      %max3A_1365 = arith.maxsi %max3A_1364, %add3A_1361 : vector<16xi32>
      %min3A_1366 = vector.broadcast %jit3A_1363 : i32 to vector<16xi32>
      %min3A_1367 = arith.minsi %min3A_1366, %max3A_1365 : vector<16xi32>
      %add3A_1368 = arith.constant 32 : i32
      %add3A_1369 = vector.broadcast %add3A_1368 : i32 to vector<16xi32>
      %add3A_1370 = arith.addi %min3A_1367, %add3A_1369 : vector<16xi32>
      %gather3A_1371 = tpu.vector_load_idx %arg5[%add3A_1370, %add3A_1159] : memref<65x96xf32, #tpu.memory_space<vmem>>[vector<16xi32>, vector<16xi32>], vector<16xf32>,
      %swap3A_1372 = arith.constant 2 : i32
      %swap3A_1373 = arith.index_cast %swap3A_1372 : i32 to index
      %swap3A_1374 = arith.constant 176 : index
      %swap3A_1375 = tpu.vector_load %arg6[%swap3A_1373, %swap3A_1374] {strides = array<i32>} : memref<8x224xf32, #tpu.memory_space<vmem>>, vector<16xf32>,
      tpu.vector_store %arg6[%swap3A_1373, %swap3A_1374], %gather3A_1371 {strides = array<i32>} : memref<8x224xf32, #tpu.memory_space<vmem>>, vector<16xf32>,
      %iota3A_1376 = tpu.iota {dimensions = array<i32: 0>} : vector<16xi32>
      %add3A_1377 = arith.constant 80 : i32
      %add3A_1378 = vector.broadcast %add3A_1377 : i32 to vector<16xi32>
      %add3A_1379 = arith.addi %iota3A_1376, %add3A_1378 : vector<16xi32>
      %jit3A_1380 = arith.constant -32 : i32
      %jit3A_1381 = arith.constant 32 : i32
      %max3A_1382 = vector.broadcast %jit3A_1380 : i32 to vector<16xi32>
      %max3A_1383 = arith.maxsi %max3A_1382, %add3A_1379 : vector<16xi32>
      %min3A_1384 = vector.broadcast %jit3A_1381 : i32 to vector<16xi32>
      %min3A_1385 = arith.minsi %min3A_1384, %max3A_1383 : vector<16xi32>
      %add3A_1386 = arith.constant 32 : i32
      %add3A_1387 = vector.broadcast %add3A_1386 : i32 to vector<16xi32>
      %add3A_1388 = arith.addi %min3A_1385, %add3A_1387 : vector<16xi32>
      %gather3A_1389 = tpu.vector_load_idx %arg5[%add3A_1388, %add3A_1159] : memref<65x96xf32, #tpu.memory_space<vmem>>[vector<16xi32>, vector<16xi32>], vector<16xf32>,
      %swap3A_1390 = arith.constant 2 : i32
      %swap3A_1391 = arith.index_cast %swap3A_1390 : i32 to index
      %swap3A_1392 = arith.constant 192 : index
      %swap3A_1393 = tpu.vector_load %arg6[%swap3A_1391, %swap3A_1392] {strides = array<i32>} : memref<8x224xf32, #tpu.memory_space<vmem>>, vector<16xf32>,
      tpu.vector_store %arg6[%swap3A_1391, %swap3A_1392], %gather3A_1389 {strides = array<i32>} : memref<8x224xf32, #tpu.memory_space<vmem>>, vector<16xf32>,
      %iota3A_1394 = tpu.iota {dimensions = array<i32: 0>} : vector<16xi32>
      %add3A_1395 = arith.constant 96 : i32
      %add3A_1396 = vector.broadcast %add3A_1395 : i32 to vector<16xi32>
      %add3A_1397 = arith.addi %iota3A_1394, %add3A_1396 : vector<16xi32>
      %jit3A_1398 = arith.constant -32 : i32
      %jit3A_1399 = arith.constant 32 : i32
      %max3A_1400 = vector.broadcast %jit3A_1398 : i32 to vector<16xi32>
      %max3A_1401 = arith.maxsi %max3A_1400, %add3A_1397 : vector<16xi32>
      %min3A_1402 = vector.broadcast %jit3A_1399 : i32 to vector<16xi32>
      %min3A_1403 = arith.minsi %min3A_1402, %max3A_1401 : vector<16xi32>
      %add3A_1404 = arith.constant 32 : i32
      %add3A_1405 = vector.broadcast %add3A_1404 : i32 to vector<16xi32>
      %add3A_1406 = arith.addi %min3A_1403, %add3A_1405 : vector<16xi32>
      %gather3A_1407 = tpu.vector_load_idx %arg5[%add3A_1406, %add3A_1159] : memref<65x96xf32, #tpu.memory_space<vmem>>[vector<16xi32>, vector<16xi32>], vector<16xf32>,
      %swap3A_1408 = arith.constant 2 : i32
      %swap3A_1409 = arith.index_cast %swap3A_1408 : i32 to index
      %swap3A_1410 = arith.constant 208 : index
      %swap3A_1411 = tpu.vector_load %arg6[%swap3A_1409, %swap3A_1410] {strides = array<i32>} : memref<8x224xf32, #tpu.memory_space<vmem>>, vector<16xf32>,
      tpu.vector_store %arg6[%swap3A_1409, %swap3A_1410], %gather3A_1407 {strides = array<i32>} : memref<8x224xf32, #tpu.memory_space<vmem>>, vector<16xf32>,
      %iota3A_1412 = tpu.iota {dimensions = array<i32: 0>} : vector<16xi32>
      %add3A_1413 = arith.constant -112 : i32
      %add3A_1414 = vector.broadcast %add3A_1413 : i32 to vector<16xi32>
      %add3A_1415 = arith.addi %iota3A_1412, %add3A_1414 : vector<16xi32>
      %jit3A_1416 = arith.constant -32 : i32
      %jit3A_1417 = arith.constant 32 : i32
      %max3A_1418 = vector.broadcast %jit3A_1416 : i32 to vector<16xi32>
      %max3A_1419 = arith.maxsi %max3A_1418, %add3A_1415 : vector<16xi32>
      %min3A_1420 = vector.broadcast %jit3A_1417 : i32 to vector<16xi32>
      %min3A_1421 = arith.minsi %min3A_1420, %max3A_1419 : vector<16xi32>
      %add3A_1422 = arith.constant 32 : i32
      %add3A_1423 = vector.broadcast %add3A_1422 : i32 to vector<16xi32>
      %add3A_1424 = arith.addi %min3A_1421, %add3A_1423 : vector<16xi32>
      %gather3A_1425 = tpu.vector_load_idx %arg5[%add3A_1424, %add3A_1159] : memref<65x96xf32, #tpu.memory_space<vmem>>[vector<16xi32>, vector<16xi32>], vector<16xf32>,
      %swap3A_1426 = arith.constant 0 : i32
      %swap3A_1427 = arith.constant 2 : i32
      %swap3A_1428 = arith.index_cast %swap3A_1426 : i32 to index
      %swap3A_1429 = arith.index_cast %swap3A_1427 : i32 to index
      %swap3A_1430 = arith.constant 0 : index
      %swap3A_1431 = tpu.vector_load %arg7[%swap3A_1428, %swap3A_1429, %swap3A_1430] {strides = array<i32>} : memref<4x8x64xf32, #tpu.memory_space<vmem>>, vector<16xf32>,
      tpu.vector_store %arg7[%swap3A_1428, %swap3A_1429, %swap3A_1430], %gather3A_1425 {strides = array<i32>} : memref<4x8x64xf32, #tpu.memory_space<vmem>>, vector<16xf32>,
      %iota3A_1432 = tpu.iota {dimensions = array<i32: 0>} : vector<16xi32>
      %add3A_1433 = arith.constant -96 : i32
      %add3A_1434 = vector.broadcast %add3A_1433 : i32 to vector<16xi32>
      %add3A_1435 = arith.addi %iota3A_1432, %add3A_1434 : vector<16xi32>
      %jit3A_1436 = arith.constant -32 : i32
      %jit3A_1437 = arith.constant 32 : i32
      %max3A_1438 = vector.broadcast %jit3A_1436 : i32 to vector<16xi32>
      %max3A_1439 = arith.maxsi %max3A_1438, %add3A_1435 : vector<16xi32>
      %min3A_1440 = vector.broadcast %jit3A_1437 : i32 to vector<16xi32>
      %min3A_1441 = arith.minsi %min3A_1440, %max3A_1439 : vector<16xi32>
      %add3A_1442 = arith.constant 32 : i32
      %add3A_1443 = vector.broadcast %add3A_1442 : i32 to vector<16xi32>
      %add3A_1444 = arith.addi %min3A_1441, %add3A_1443 : vector<16xi32>
      %gather3A_1445 = tpu.vector_load_idx %arg5[%add3A_1444, %add3A_1159] : memref<65x96xf32, #tpu.memory_space<vmem>>[vector<16xi32>, vector<16xi32>], vector<16xf32>,
      %swap3A_1446 = arith.constant 0 : i32
      %swap3A_1447 = arith.constant 2 : i32
      %swap3A_1448 = arith.index_cast %swap3A_1446 : i32 to index
      %swap3A_1449 = arith.index_cast %swap3A_1447 : i32 to index
      %swap3A_1450 = arith.constant 16 : index
      %swap3A_1451 = tpu.vector_load %arg7[%swap3A_1448, %swap3A_1449, %swap3A_1450] {strides = array<i32>} : memref<4x8x64xf32, #tpu.memory_space<vmem>>, vector<16xf32>,
      tpu.vector_store %arg7[%swap3A_1448, %swap3A_1449, %swap3A_1450], %gather3A_1445 {strides = array<i32>} : memref<4x8x64xf32, #tpu.memory_space<vmem>>, vector<16xf32>,
      %iota3A_1452 = tpu.iota {dimensions = array<i32: 0>} : vector<16xi32>
      %add3A_1453 = arith.constant -80 : i32
      %add3A_1454 = vector.broadcast %add3A_1453 : i32 to vector<16xi32>
      %add3A_1455 = arith.addi %iota3A_1452, %add3A_1454 : vector<16xi32>
      %jit3A_1456 = arith.constant -32 : i32
      %jit3A_1457 = arith.constant 32 : i32
      %max3A_1458 = vector.broadcast %jit3A_1456 : i32 to vector<16xi32>
      %max3A_1459 = arith.maxsi %max3A_1458, %add3A_1455 : vector<16xi32>
      %min3A_1460 = vector.broadcast %jit3A_1457 : i32 to vector<16xi32>
      %min3A_1461 = arith.minsi %min3A_1460, %max3A_1459 : vector<16xi32>
      %add3A_1462 = arith.constant 32 : i32
      %add3A_1463 = vector.broadcast %add3A_1462 : i32 to vector<16xi32>
      %add3A_1464 = arith.addi %min3A_1461, %add3A_1463 : vector<16xi32>
      %gather3A_1465 = tpu.vector_load_idx %arg5[%add3A_1464, %add3A_1159] : memref<65x96xf32, #tpu.memory_space<vmem>>[vector<16xi32>, vector<16xi32>], vector<16xf32>,
      %swap3A_1466 = arith.constant 0 : i32
      %swap3A_1467 = arith.constant 2 : i32
      %swap3A_1468 = arith.index_cast %swap3A_1466 : i32 to index
      %swap3A_1469 = arith.index_cast %swap3A_1467 : i32 to index
      %swap3A_1470 = arith.constant 32 : index
      %swap3A_1471 = tpu.vector_load %arg7[%swap3A_1468, %swap3A_1469, %swap3A_1470] {strides = array<i32>} : memref<4x8x64xf32, #tpu.memory_space<vmem>>, vector<16xf32>,
      tpu.vector_store %arg7[%swap3A_1468, %swap3A_1469, %swap3A_1470], %gather3A_1465 {strides = array<i32>} : memref<4x8x64xf32, #tpu.memory_space<vmem>>, vector<16xf32>,
      %iota3A_1472 = tpu.iota {dimensions = array<i32: 0>} : vector<16xi32>
      %add3A_1473 = arith.constant -64 : i32
      %add3A_1474 = vector.broadcast %add3A_1473 : i32 to vector<16xi32>
      %add3A_1475 = arith.addi %iota3A_1472, %add3A_1474 : vector<16xi32>
      %jit3A_1476 = arith.constant -32 : i32
      %jit3A_1477 = arith.constant 32 : i32
      %max3A_1478 = vector.broadcast %jit3A_1476 : i32 to vector<16xi32>
      %max3A_1479 = arith.maxsi %max3A_1478, %add3A_1475 : vector<16xi32>
      %min3A_1480 = vector.broadcast %jit3A_1477 : i32 to vector<16xi32>
      %min3A_1481 = arith.minsi %min3A_1480, %max3A_1479 : vector<16xi32>
      %add3A_1482 = arith.constant 32 : i32
      %add3A_1483 = vector.broadcast %add3A_1482 : i32 to vector<16xi32>
      %add3A_1484 = arith.addi %min3A_1481, %add3A_1483 : vector<16xi32>
      %gather3A_1485 = tpu.vector_load_idx %arg5[%add3A_1484, %add3A_1159] : memref<65x96xf32, #tpu.memory_space<vmem>>[vector<16xi32>, vector<16xi32>], vector<16xf32>,
      %swap3A_1486 = arith.constant 0 : i32
      %swap3A_1487 = arith.constant 2 : i32
      %swap3A_1488 = arith.index_cast %swap3A_1486 : i32 to index
      %swap3A_1489 = arith.index_cast %swap3A_1487 : i32 to index
      %swap3A_1490 = arith.constant 48 : index
      %swap3A_1491 = tpu.vector_load %arg7[%swap3A_1488, %swap3A_1489, %swap3A_1490] {strides = array<i32>} : memref<4x8x64xf32, #tpu.memory_space<vmem>>, vector<16xf32>,
      tpu.vector_store %arg7[%swap3A_1488, %swap3A_1489, %swap3A_1490], %gather3A_1485 {strides = array<i32>} : memref<4x8x64xf32, #tpu.memory_space<vmem>>, vector<16xf32>,
      %iota3A_1492 = tpu.iota {dimensions = array<i32: 0>} : vector<16xi32>
      %add3A_1493 = arith.constant -56 : i32
      %add3A_1494 = vector.broadcast %add3A_1493 : i32 to vector<16xi32>
      %add3A_1495 = arith.addi %iota3A_1492, %add3A_1494 : vector<16xi32>
      %jit3A_1496 = arith.constant -32 : i32
      %jit3A_1497 = arith.constant 32 : i32
      %max3A_1498 = vector.broadcast %jit3A_1496 : i32 to vector<16xi32>
      %max3A_1499 = arith.maxsi %max3A_1498, %add3A_1495 : vector<16xi32>
      %min3A_1500 = vector.broadcast %jit3A_1497 : i32 to vector<16xi32>
      %min3A_1501 = arith.minsi %min3A_1500, %max3A_1499 : vector<16xi32>
      %add3A_1502 = arith.constant 32 : i32
      %add3A_1503 = vector.broadcast %add3A_1502 : i32 to vector<16xi32>
      %add3A_1504 = arith.addi %min3A_1501, %add3A_1503 : vector<16xi32>
      %gather3A_1505 = tpu.vector_load_idx %arg5[%add3A_1504, %add3A_1159] : memref<65x96xf32, #tpu.memory_space<vmem>>[vector<16xi32>, vector<16xi32>], vector<16xf32>,
      %swap3A_1506 = arith.constant 1 : i32
      %swap3A_1507 = arith.constant 2 : i32
      %swap3A_1508 = arith.index_cast %swap3A_1506 : i32 to index
      %swap3A_1509 = arith.index_cast %swap3A_1507 : i32 to index
      %swap3A_1510 = arith.constant 0 : index
      %swap3A_1511 = tpu.vector_load %arg7[%swap3A_1508, %swap3A_1509, %swap3A_1510] {strides = array<i32>} : memref<4x8x64xf32, #tpu.memory_space<vmem>>, vector<16xf32>,
      tpu.vector_store %arg7[%swap3A_1508, %swap3A_1509, %swap3A_1510], %gather3A_1505 {strides = array<i32>} : memref<4x8x64xf32, #tpu.memory_space<vmem>>, vector<16xf32>,
      %iota3A_1512 = tpu.iota {dimensions = array<i32: 0>} : vector<16xi32>
      %add3A_1513 = arith.constant -40 : i32
      %add3A_1514 = vector.broadcast %add3A_1513 : i32 to vector<16xi32>
      %add3A_1515 = arith.addi %iota3A_1512, %add3A_1514 : vector<16xi32>
      %jit3A_1516 = arith.constant -32 : i32
      %jit3A_1517 = arith.constant 32 : i32
      %max3A_1518 = vector.broadcast %jit3A_1516 : i32 to vector<16xi32>
      %max3A_1519 = arith.maxsi %max3A_1518, %add3A_1515 : vector<16xi32>
      %min3A_1520 = vector.broadcast %jit3A_1517 : i32 to vector<16xi32>
      %min3A_1521 = arith.minsi %min3A_1520, %max3A_1519 : vector<16xi32>
      %add3A_1522 = arith.constant 32 : i32
      %add3A_1523 = vector.broadcast %add3A_1522 : i32 to vector<16xi32>
      %add3A_1524 = arith.addi %min3A_1521, %add3A_1523 : vector<16xi32>
      %gather3A_1525 = tpu.vector_load_idx %arg5[%add3A_1524, %add3A_1159] : memref<65x96xf32, #tpu.memory_space<vmem>>[vector<16xi32>, vector<16xi32>], vector<16xf32>,
      %swap3A_1526 = arith.constant 1 : i32
      %swap3A_1527 = arith.constant 2 : i32
      %swap3A_1528 = arith.index_cast %swap3A_1526 : i32 to index
      %swap3A_1529 = arith.index_cast %swap3A_1527 : i32 to index
      %swap3A_1530 = arith.constant 16 : index
      %swap3A_1531 = tpu.vector_load %arg7[%swap3A_1528, %swap3A_1529, %swap3A_1530] {strides = array<i32>} : memref<4x8x64xf32, #tpu.memory_space<vmem>>, vector<16xf32>,
      tpu.vector_store %arg7[%swap3A_1528, %swap3A_1529, %swap3A_1530], %gather3A_1525 {strides = array<i32>} : memref<4x8x64xf32, #tpu.memory_space<vmem>>, vector<16xf32>,
      %iota3A_1532 = tpu.iota {dimensions = array<i32: 0>} : vector<16xi32>
      %add3A_1533 = arith.constant -24 : i32
      %add3A_1534 = vector.broadcast %add3A_1533 : i32 to vector<16xi32>
      %add3A_1535 = arith.addi %iota3A_1532, %add3A_1534 : vector<16xi32>
      %jit3A_1536 = arith.constant -32 : i32
      %jit3A_1537 = arith.constant 32 : i32
      %max3A_1538 = vector.broadcast %jit3A_1536 : i32 to vector<16xi32>
      %max3A_1539 = arith.maxsi %max3A_1538, %add3A_1535 : vector<16xi32>
      %min3A_1540 = vector.broadcast %jit3A_1537 : i32 to vector<16xi32>
      %min3A_1541 = arith.minsi %min3A_1540, %max3A_1539 : vector<16xi32>
      %add3A_1542 = arith.constant 32 : i32
      %add3A_1543 = vector.broadcast %add3A_1542 : i32 to vector<16xi32>
      %add3A_1544 = arith.addi %min3A_1541, %add3A_1543 : vector<16xi32>
      %gather3A_1545 = tpu.vector_load_idx %arg5[%add3A_1544, %add3A_1159] : memref<65x96xf32, #tpu.memory_space<vmem>>[vector<16xi32>, vector<16xi32>], vector<16xf32>,
      %swap3A_1546 = arith.constant 1 : i32
      %swap3A_1547 = arith.constant 2 : i32
      %swap3A_1548 = arith.index_cast %swap3A_1546 : i32 to index
      %swap3A_1549 = arith.index_cast %swap3A_1547 : i32 to index
      %swap3A_1550 = arith.constant 32 : index
      %swap3A_1551 = tpu.vector_load %arg7[%swap3A_1548, %swap3A_1549, %swap3A_1550] {strides = array<i32>} : memref<4x8x64xf32, #tpu.memory_space<vmem>>, vector<16xf32>,
      tpu.vector_store %arg7[%swap3A_1548, %swap3A_1549, %swap3A_1550], %gather3A_1545 {strides = array<i32>} : memref<4x8x64xf32, #tpu.memory_space<vmem>>, vector<16xf32>,
      %iota3A_1552 = tpu.iota {dimensions = array<i32: 0>} : vector<16xi32>
      %add3A_1553 = arith.constant -8 : i32
      %add3A_1554 = vector.broadcast %add3A_1553 : i32 to vector<16xi32>
      %add3A_1555 = arith.addi %iota3A_1552, %add3A_1554 : vector<16xi32>
      %jit3A_1556 = arith.constant -32 : i32
      %jit3A_1557 = arith.constant 32 : i32
      %max3A_1558 = vector.broadcast %jit3A_1556 : i32 to vector<16xi32>
      %max3A_1559 = arith.maxsi %max3A_1558, %add3A_1555 : vector<16xi32>
      %min3A_1560 = vector.broadcast %jit3A_1557 : i32 to vector<16xi32>
      %min3A_1561 = arith.minsi %min3A_1560, %max3A_1559 : vector<16xi32>
      %add3A_1562 = arith.constant 32 : i32
      %add3A_1563 = vector.broadcast %add3A_1562 : i32 to vector<16xi32>
      %add3A_1564 = arith.addi %min3A_1561, %add3A_1563 : vector<16xi32>
      %gather3A_1565 = tpu.vector_load_idx %arg5[%add3A_1564, %add3A_1159] : memref<65x96xf32, #tpu.memory_space<vmem>>[vector<16xi32>, vector<16xi32>], vector<16xf32>,
      %swap3A_1566 = arith.constant 1 : i32
      %swap3A_1567 = arith.constant 2 : i32
      %swap3A_1568 = arith.index_cast %swap3A_1566 : i32 to index
      %swap3A_1569 = arith.index_cast %swap3A_1567 : i32 to index
      %swap3A_1570 = arith.constant 48 : index
      %swap3A_1571 = tpu.vector_load %arg7[%swap3A_1568, %swap3A_1569, %swap3A_1570] {strides = array<i32>} : memref<4x8x64xf32, #tpu.memory_space<vmem>>, vector<16xf32>,
      tpu.vector_store %arg7[%swap3A_1568, %swap3A_1569, %swap3A_1570], %gather3A_1565 {strides = array<i32>} : memref<4x8x64xf32, #tpu.memory_space<vmem>>, vector<16xf32>,
      %iota3A_1572 = tpu.iota {dimensions = array<i32: 0>} : vector<16xi32>
      %add3A_1573 = arith.constant 0 : i32
      %add3A_1574 = vector.broadcast %add3A_1573 : i32 to vector<16xi32>
      %add3A_1575 = arith.addi %iota3A_1572, %add3A_1574 : vector<16xi32>
      %jit3A_1576 = arith.constant -32 : i32
      %jit3A_1577 = arith.constant 32 : i32
      %max3A_1578 = vector.broadcast %jit3A_1576 : i32 to vector<16xi32>
      %max3A_1579 = arith.maxsi %max3A_1578, %add3A_1575 : vector<16xi32>
      %min3A_1580 = vector.broadcast %jit3A_1577 : i32 to vector<16xi32>
      %min3A_1581 = arith.minsi %min3A_1580, %max3A_1579 : vector<16xi32>
      %add3A_1582 = arith.constant 32 : i32
      %add3A_1583 = vector.broadcast %add3A_1582 : i32 to vector<16xi32>
      %add3A_1584 = arith.addi %min3A_1581, %add3A_1583 : vector<16xi32>
      %gather3A_1585 = tpu.vector_load_idx %arg5[%add3A_1584, %add3A_1159] : memref<65x96xf32, #tpu.memory_space<vmem>>[vector<16xi32>, vector<16xi32>], vector<16xf32>,
      %swap3A_1586 = arith.constant 2 : i32
      %swap3A_1587 = arith.constant 2 : i32
      %swap3A_1588 = arith.index_cast %swap3A_1586 : i32 to index
      %swap3A_1589 = arith.index_cast %swap3A_1587 : i32 to index
      %swap3A_1590 = arith.constant 0 : index
      %swap3A_1591 = tpu.vector_load %arg7[%swap3A_1588, %swap3A_1589, %swap3A_1590] {strides = array<i32>} : memref<4x8x64xf32, #tpu.memory_space<vmem>>, vector<16xf32>,
      tpu.vector_store %arg7[%swap3A_1588, %swap3A_1589, %swap3A_1590], %gather3A_1585 {strides = array<i32>} : memref<4x8x64xf32, #tpu.memory_space<vmem>>, vector<16xf32>,
      %iota3A_1592 = tpu.iota {dimensions = array<i32: 0>} : vector<16xi32>
      %add3A_1593 = arith.constant 16 : i32
      %add3A_1594 = vector.broadcast %add3A_1593 : i32 to vector<16xi32>
      %add3A_1595 = arith.addi %iota3A_1592, %add3A_1594 : vector<16xi32>
      %jit3A_1596 = arith.constant -32 : i32
      %jit3A_1597 = arith.constant 32 : i32
      %max3A_1598 = vector.broadcast %jit3A_1596 : i32 to vector<16xi32>
      %max3A_1599 = arith.maxsi %max3A_1598, %add3A_1595 : vector<16xi32>
      %min3A_1600 = vector.broadcast %jit3A_1597 : i32 to vector<16xi32>
      %min3A_1601 = arith.minsi %min3A_1600, %max3A_1599 : vector<16xi32>
      %add3A_1602 = arith.constant 32 : i32
      %add3A_1603 = vector.broadcast %add3A_1602 : i32 to vector<16xi32>
      %add3A_1604 = arith.addi %min3A_1601, %add3A_1603 : vector<16xi32>
      %gather3A_1605 = tpu.vector_load_idx %arg5[%add3A_1604, %add3A_1159] : memref<65x96xf32, #tpu.memory_space<vmem>>[vector<16xi32>, vector<16xi32>], vector<16xf32>,
      %swap3A_1606 = arith.constant 2 : i32
      %swap3A_1607 = arith.constant 2 : i32
      %swap3A_1608 = arith.index_cast %swap3A_1606 : i32 to index
      %swap3A_1609 = arith.index_cast %swap3A_1607 : i32 to index
      %swap3A_1610 = arith.constant 16 : index
      %swap3A_1611 = tpu.vector_load %arg7[%swap3A_1608, %swap3A_1609, %swap3A_1610] {strides = array<i32>} : memref<4x8x64xf32, #tpu.memory_space<vmem>>, vector<16xf32>,
      tpu.vector_store %arg7[%swap3A_1608, %swap3A_1609, %swap3A_1610], %gather3A_1605 {strides = array<i32>} : memref<4x8x64xf32, #tpu.memory_space<vmem>>, vector<16xf32>,
      %iota3A_1612 = tpu.iota {dimensions = array<i32: 0>} : vector<16xi32>
      %add3A_1613 = arith.constant 32 : i32
      %add3A_1614 = vector.broadcast %add3A_1613 : i32 to vector<16xi32>
      %add3A_1615 = arith.addi %iota3A_1612, %add3A_1614 : vector<16xi32>
      %jit3A_1616 = arith.constant -32 : i32
      %jit3A_1617 = arith.constant 32 : i32
      %max3A_1618 = vector.broadcast %jit3A_1616 : i32 to vector<16xi32>
      %max3A_1619 = arith.maxsi %max3A_1618, %add3A_1615 : vector<16xi32>
      %min3A_1620 = vector.broadcast %jit3A_1617 : i32 to vector<16xi32>
      %min3A_1621 = arith.minsi %min3A_1620, %max3A_1619 : vector<16xi32>
      %add3A_1622 = arith.constant 32 : i32
      %add3A_1623 = vector.broadcast %add3A_1622 : i32 to vector<16xi32>
      %add3A_1624 = arith.addi %min3A_1621, %add3A_1623 : vector<16xi32>
      %gather3A_1625 = tpu.vector_load_idx %arg5[%add3A_1624, %add3A_1159] : memref<65x96xf32, #tpu.memory_space<vmem>>[vector<16xi32>, vector<16xi32>], vector<16xf32>,
      %swap3A_1626 = arith.constant 2 : i32
      %swap3A_1627 = arith.constant 2 : i32
      %swap3A_1628 = arith.index_cast %swap3A_1626 : i32 to index
      %swap3A_1629 = arith.index_cast %swap3A_1627 : i32 to index
      %swap3A_1630 = arith.constant 32 : index
      %swap3A_1631 = tpu.vector_load %arg7[%swap3A_1628, %swap3A_1629, %swap3A_1630] {strides = array<i32>} : memref<4x8x64xf32, #tpu.memory_space<vmem>>, vector<16xf32>,
      tpu.vector_store %arg7[%swap3A_1628, %swap3A_1629, %swap3A_1630], %gather3A_1625 {strides = array<i32>} : memref<4x8x64xf32, #tpu.memory_space<vmem>>, vector<16xf32>,
      %iota3A_1632 = tpu.iota {dimensions = array<i32: 0>} : vector<16xi32>
      %add3A_1633 = arith.constant 48 : i32
      %add3A_1634 = vector.broadcast %add3A_1633 : i32 to vector<16xi32>
      %add3A_1635 = arith.addi %iota3A_1632, %add3A_1634 : vector<16xi32>
      %jit3A_1636 = arith.constant -32 : i32
      %jit3A_1637 = arith.constant 32 : i32
      %max3A_1638 = vector.broadcast %jit3A_1636 : i32 to vector<16xi32>
      %max3A_1639 = arith.maxsi %max3A_1638, %add3A_1635 : vector<16xi32>
      %min3A_1640 = vector.broadcast %jit3A_1637 : i32 to vector<16xi32>
      %min3A_1641 = arith.minsi %min3A_1640, %max3A_1639 : vector<16xi32>
      %add3A_1642 = arith.constant 32 : i32
      %add3A_1643 = vector.broadcast %add3A_1642 : i32 to vector<16xi32>
      %add3A_1644 = arith.addi %min3A_1641, %add3A_1643 : vector<16xi32>
      %gather3A_1645 = tpu.vector_load_idx %arg5[%add3A_1644, %add3A_1159] : memref<65x96xf32, #tpu.memory_space<vmem>>[vector<16xi32>, vector<16xi32>], vector<16xf32>,
      %swap3A_1646 = arith.constant 2 : i32
      %swap3A_1647 = arith.constant 2 : i32
      %swap3A_1648 = arith.index_cast %swap3A_1646 : i32 to index
      %swap3A_1649 = arith.index_cast %swap3A_1647 : i32 to index
      %swap3A_1650 = arith.constant 48 : index
      %swap3A_1651 = tpu.vector_load %arg7[%swap3A_1648, %swap3A_1649, %swap3A_1650] {strides = array<i32>} : memref<4x8x64xf32, #tpu.memory_space<vmem>>, vector<16xf32>,
      tpu.vector_store %arg7[%swap3A_1648, %swap3A_1649, %swap3A_1650], %gather3A_1645 {strides = array<i32>} : memref<4x8x64xf32, #tpu.memory_space<vmem>>, vector<16xf32>,
      %iota3A_1652 = tpu.iota {dimensions = array<i32: 0>} : vector<16xi32>
      %add3A_1653 = arith.constant 56 : i32
      %add3A_1654 = vector.broadcast %add3A_1653 : i32 to vector<16xi32>
      %add3A_1655 = arith.addi %iota3A_1652, %add3A_1654 : vector<16xi32>
      %jit3A_1656 = arith.constant -32 : i32
      %jit3A_1657 = arith.constant 32 : i32
      %max3A_1658 = vector.broadcast %jit3A_1656 : i32 to vector<16xi32>
      %max3A_1659 = arith.maxsi %max3A_1658, %add3A_1655 : vector<16xi32>
      %min3A_1660 = vector.broadcast %jit3A_1657 : i32 to vector<16xi32>
      %min3A_1661 = arith.minsi %min3A_1660, %max3A_1659 : vector<16xi32>
      %add3A_1662 = arith.constant 32 : i32
      %add3A_1663 = vector.broadcast %add3A_1662 : i32 to vector<16xi32>
      %add3A_1664 = arith.addi %min3A_1661, %add3A_1663 : vector<16xi32>
      %gather3A_1665 = tpu.vector_load_idx %arg5[%add3A_1664, %add3A_1159] : memref<65x96xf32, #tpu.memory_space<vmem>>[vector<16xi32>, vector<16xi32>], vector<16xf32>,
      %swap3A_1666 = arith.constant 3 : i32
      %swap3A_1667 = arith.constant 2 : i32
      %swap3A_1668 = arith.index_cast %swap3A_1666 : i32 to index
      %swap3A_1669 = arith.index_cast %swap3A_1667 : i32 to index
      %swap3A_1670 = arith.constant 0 : index
      %swap3A_1671 = tpu.vector_load %arg7[%swap3A_1668, %swap3A_1669, %swap3A_1670] {strides = array<i32>} : memref<4x8x64xf32, #tpu.memory_space<vmem>>, vector<16xf32>,
      tpu.vector_store %arg7[%swap3A_1668, %swap3A_1669, %swap3A_1670], %gather3A_1665 {strides = array<i32>} : memref<4x8x64xf32, #tpu.memory_space<vmem>>, vector<16xf32>,
      %iota3A_1672 = tpu.iota {dimensions = array<i32: 0>} : vector<16xi32>
      %add3A_1673 = arith.constant 72 : i32
      %add3A_1674 = vector.broadcast %add3A_1673 : i32 to vector<16xi32>
      %add3A_1675 = arith.addi %iota3A_1672, %add3A_1674 : vector<16xi32>
      %jit3A_1676 = arith.constant -32 : i32
      %jit3A_1677 = arith.constant 32 : i32
      %max3A_1678 = vector.broadcast %jit3A_1676 : i32 to vector<16xi32>
      %max3A_1679 = arith.maxsi %max3A_1678, %add3A_1675 : vector<16xi32>
      %min3A_1680 = vector.broadcast %jit3A_1677 : i32 to vector<16xi32>
      %min3A_1681 = arith.minsi %min3A_1680, %max3A_1679 : vector<16xi32>
      %add3A_1682 = arith.constant 32 : i32
      %add3A_1683 = vector.broadcast %add3A_1682 : i32 to vector<16xi32>
      %add3A_1684 = arith.addi %min3A_1681, %add3A_1683 : vector<16xi32>
      %gather3A_1685 = tpu.vector_load_idx %arg5[%add3A_1684, %add3A_1159] : memref<65x96xf32, #tpu.memory_space<vmem>>[vector<16xi32>, vector<16xi32>], vector<16xf32>,
      %swap3A_1686 = arith.constant 3 : i32
      %swap3A_1687 = arith.constant 2 : i32
      %swap3A_1688 = arith.index_cast %swap3A_1686 : i32 to index
      %swap3A_1689 = arith.index_cast %swap3A_1687 : i32 to index
      %swap3A_1690 = arith.constant 16 : index
      %swap3A_1691 = tpu.vector_load %arg7[%swap3A_1688, %swap3A_1689, %swap3A_1690] {strides = array<i32>} : memref<4x8x64xf32, #tpu.memory_space<vmem>>, vector<16xf32>,
      tpu.vector_store %arg7[%swap3A_1688, %swap3A_1689, %swap3A_1690], %gather3A_1685 {strides = array<i32>} : memref<4x8x64xf32, #tpu.memory_space<vmem>>, vector<16xf32>,
      %iota3A_1692 = tpu.iota {dimensions = array<i32: 0>} : vector<16xi32>
      %add3A_1693 = arith.constant 88 : i32
      %add3A_1694 = vector.broadcast %add3A_1693 : i32 to vector<16xi32>
      %add3A_1695 = arith.addi %iota3A_1692, %add3A_1694 : vector<16xi32>
      %jit3A_1696 = arith.constant -32 : i32
      %jit3A_1697 = arith.constant 32 : i32
      %max3A_1698 = vector.broadcast %jit3A_1696 : i32 to vector<16xi32>
      %max3A_1699 = arith.maxsi %max3A_1698, %add3A_1695 : vector<16xi32>
      %min3A_1700 = vector.broadcast %jit3A_1697 : i32 to vector<16xi32>
      %min3A_1701 = arith.minsi %min3A_1700, %max3A_1699 : vector<16xi32>
      %add3A_1702 = arith.constant 32 : i32
      %add3A_1703 = vector.broadcast %add3A_1702 : i32 to vector<16xi32>
      %add3A_1704 = arith.addi %min3A_1701, %add3A_1703 : vector<16xi32>
      %gather3A_1705 = tpu.vector_load_idx %arg5[%add3A_1704, %add3A_1159] : memref<65x96xf32, #tpu.memory_space<vmem>>[vector<16xi32>, vector<16xi32>], vector<16xf32>,
      %swap3A_1706 = arith.constant 3 : i32
      %swap3A_1707 = arith.constant 2 : i32
      %swap3A_1708 = arith.index_cast %swap3A_1706 : i32 to index
      %swap3A_1709 = arith.index_cast %swap3A_1707 : i32 to index
      %swap3A_1710 = arith.constant 32 : index
      %swap3A_1711 = tpu.vector_load %arg7[%swap3A_1708, %swap3A_1709, %swap3A_1710] {strides = array<i32>} : memref<4x8x64xf32, #tpu.memory_space<vmem>>, vector<16xf32>,
      tpu.vector_store %arg7[%swap3A_1708, %swap3A_1709, %swap3A_1710], %gather3A_1705 {strides = array<i32>} : memref<4x8x64xf32, #tpu.memory_space<vmem>>, vector<16xf32>,
      %iota3A_1712 = tpu.iota {dimensions = array<i32: 0>} : vector<16xi32>
      %add3A_1713 = arith.constant 104 : i32
      %add3A_1714 = vector.broadcast %add3A_1713 : i32 to vector<16xi32>
      %add3A_1715 = arith.addi %iota3A_1712, %add3A_1714 : vector<16xi32>
      %jit3A_1716 = arith.constant -32 : i32
      %jit3A_1717 = arith.constant 32 : i32
      %max3A_1718 = vector.broadcast %jit3A_1716 : i32 to vector<16xi32>
      %max3A_1719 = arith.maxsi %max3A_1718, %add3A_1715 : vector<16xi32>
      %min3A_1720 = vector.broadcast %jit3A_1717 : i32 to vector<16xi32>
      %min3A_1721 = arith.minsi %min3A_1720, %max3A_1719 : vector<16xi32>
      %add3A_1722 = arith.constant 32 : i32
      %add3A_1723 = vector.broadcast %add3A_1722 : i32 to vector<16xi32>
      %add3A_1724 = arith.addi %min3A_1721, %add3A_1723 : vector<16xi32>
      %gather3A_1725 = tpu.vector_load_idx %arg5[%add3A_1724, %add3A_1159] : memref<65x96xf32, #tpu.memory_space<vmem>>[vector<16xi32>, vector<16xi32>], vector<16xf32>,
      %swap3A_1726 = arith.constant 3 : i32
      %swap3A_1727 = arith.constant 2 : i32
      %swap3A_1728 = arith.index_cast %swap3A_1726 : i32 to index
      %swap3A_1729 = arith.index_cast %swap3A_1727 : i32 to index
      %swap3A_1730 = arith.constant 48 : index
      %swap3A_1731 = tpu.vector_load %arg7[%swap3A_1728, %swap3A_1729, %swap3A_1730] {strides = array<i32>} : memref<4x8x64xf32, #tpu.memory_space<vmem>>, vector<16xf32>,
      tpu.vector_store %arg7[%swap3A_1728, %swap3A_1729, %swap3A_1730], %gather3A_1725 {strides = array<i32>} : memref<4x8x64xf32, #tpu.memory_space<vmem>>, vector<16xf32>,
      %broadcast_in_dim3A_1732 = arith.constant 0 : i32
      %broadcast_in_dim3A_1733 = vector.broadcast %broadcast_in_dim3A_1732 : i32 to vector<16xi32>
      %add3A_1734 = arith.constant 3 : i32
      %add3A_1735 = arith.addi %mul3A_2, %add3A_1734 : i32
      %add3A_1736 = vector.broadcast %add3A_1735 : i32 to vector<16xi32>
      %add3A_1737 = arith.addi %broadcast_in_dim3A_1733, %add3A_1736 : vector<16xi32>
      %iota3A_1738 = tpu.iota {dimensions = array<i32: 0>} : vector<16xi32>
      %add3A_1739 = arith.constant -112 : i32
      %add3A_1740 = vector.broadcast %add3A_1739 : i32 to vector<16xi32>
      %add3A_1741 = arith.addi %iota3A_1738, %add3A_1740 : vector<16xi32>
      %jit3A_1742 = arith.constant -32 : i32
      %jit3A_1743 = arith.constant 32 : i32
      %max3A_1744 = vector.broadcast %jit3A_1742 : i32 to vector<16xi32>
      %max3A_1745 = arith.maxsi %max3A_1744, %add3A_1741 : vector<16xi32>
      %min3A_1746 = vector.broadcast %jit3A_1743 : i32 to vector<16xi32>
      %min3A_1747 = arith.minsi %min3A_1746, %max3A_1745 : vector<16xi32>
      %add3A_1748 = arith.constant 32 : i32
      %add3A_1749 = vector.broadcast %add3A_1748 : i32 to vector<16xi32>
      %add3A_1750 = arith.addi %min3A_1747, %add3A_1749 : vector<16xi32>
      %gather3A_1751 = tpu.vector_load_idx %arg5[%add3A_1750, %add3A_1737] : memref<65x96xf32, #tpu.memory_space<vmem>>[vector<16xi32>, vector<16xi32>], vector<16xf32>,
      %swap3A_1752 = arith.constant 3 : i32
      %swap3A_1753 = arith.index_cast %swap3A_1752 : i32 to index
      %swap3A_1754 = arith.constant 0 : index
      %swap3A_1755 = tpu.vector_load %arg6[%swap3A_1753, %swap3A_1754] {strides = array<i32>} : memref<8x224xf32, #tpu.memory_space<vmem>>, vector<16xf32>,
      tpu.vector_store %arg6[%swap3A_1753, %swap3A_1754], %gather3A_1751 {strides = array<i32>} : memref<8x224xf32, #tpu.memory_space<vmem>>, vector<16xf32>,
      %iota3A_1756 = tpu.iota {dimensions = array<i32: 0>} : vector<16xi32>
      %add3A_1757 = arith.constant -96 : i32
      %add3A_1758 = vector.broadcast %add3A_1757 : i32 to vector<16xi32>
      %add3A_1759 = arith.addi %iota3A_1756, %add3A_1758 : vector<16xi32>
      %jit3A_1760 = arith.constant -32 : i32
      %jit3A_1761 = arith.constant 32 : i32
      %max3A_1762 = vector.broadcast %jit3A_1760 : i32 to vector<16xi32>
      %max3A_1763 = arith.maxsi %max3A_1762, %add3A_1759 : vector<16xi32>
      %min3A_1764 = vector.broadcast %jit3A_1761 : i32 to vector<16xi32>
      %min3A_1765 = arith.minsi %min3A_1764, %max3A_1763 : vector<16xi32>
      %add3A_1766 = arith.constant 32 : i32
      %add3A_1767 = vector.broadcast %add3A_1766 : i32 to vector<16xi32>
      %add3A_1768 = arith.addi %min3A_1765, %add3A_1767 : vector<16xi32>
      %gather3A_1769 = tpu.vector_load_idx %arg5[%add3A_1768, %add3A_1737] : memref<65x96xf32, #tpu.memory_space<vmem>>[vector<16xi32>, vector<16xi32>], vector<16xf32>,
      %swap3A_1770 = arith.constant 3 : i32
      %swap3A_1771 = arith.index_cast %swap3A_1770 : i32 to index
      %swap3A_1772 = arith.constant 16 : index
      %swap3A_1773 = tpu.vector_load %arg6[%swap3A_1771, %swap3A_1772] {strides = array<i32>} : memref<8x224xf32, #tpu.memory_space<vmem>>, vector<16xf32>,
      tpu.vector_store %arg6[%swap3A_1771, %swap3A_1772], %gather3A_1769 {strides = array<i32>} : memref<8x224xf32, #tpu.memory_space<vmem>>, vector<16xf32>,
      %iota3A_1774 = tpu.iota {dimensions = array<i32: 0>} : vector<16xi32>
      %add3A_1775 = arith.constant -80 : i32
      %add3A_1776 = vector.broadcast %add3A_1775 : i32 to vector<16xi32>
      %add3A_1777 = arith.addi %iota3A_1774, %add3A_1776 : vector<16xi32>
      %jit3A_1778 = arith.constant -32 : i32
      %jit3A_1779 = arith.constant 32 : i32
      %max3A_1780 = vector.broadcast %jit3A_1778 : i32 to vector<16xi32>
      %max3A_1781 = arith.maxsi %max3A_1780, %add3A_1777 : vector<16xi32>
      %min3A_1782 = vector.broadcast %jit3A_1779 : i32 to vector<16xi32>
      %min3A_1783 = arith.minsi %min3A_1782, %max3A_1781 : vector<16xi32>
      %add3A_1784 = arith.constant 32 : i32
      %add3A_1785 = vector.broadcast %add3A_1784 : i32 to vector<16xi32>
      %add3A_1786 = arith.addi %min3A_1783, %add3A_1785 : vector<16xi32>
      %gather3A_1787 = tpu.vector_load_idx %arg5[%add3A_1786, %add3A_1737] : memref<65x96xf32, #tpu.memory_space<vmem>>[vector<16xi32>, vector<16xi32>], vector<16xf32>,
      %swap3A_1788 = arith.constant 3 : i32
      %swap3A_1789 = arith.index_cast %swap3A_1788 : i32 to index
      %swap3A_1790 = arith.constant 32 : index
      %swap3A_1791 = tpu.vector_load %arg6[%swap3A_1789, %swap3A_1790] {strides = array<i32>} : memref<8x224xf32, #tpu.memory_space<vmem>>, vector<16xf32>,
      tpu.vector_store %arg6[%swap3A_1789, %swap3A_1790], %gather3A_1787 {strides = array<i32>} : memref<8x224xf32, #tpu.memory_space<vmem>>, vector<16xf32>,
      %iota3A_1792 = tpu.iota {dimensions = array<i32: 0>} : vector<16xi32>
      %add3A_1793 = arith.constant -64 : i32
      %add3A_1794 = vector.broadcast %add3A_1793 : i32 to vector<16xi32>
      %add3A_1795 = arith.addi %iota3A_1792, %add3A_1794 : vector<16xi32>
      %jit3A_1796 = arith.constant -32 : i32
      %jit3A_1797 = arith.constant 32 : i32
      %max3A_1798 = vector.broadcast %jit3A_1796 : i32 to vector<16xi32>
      %max3A_1799 = arith.maxsi %max3A_1798, %add3A_1795 : vector<16xi32>
      %min3A_1800 = vector.broadcast %jit3A_1797 : i32 to vector<16xi32>
      %min3A_1801 = arith.minsi %min3A_1800, %max3A_1799 : vector<16xi32>
      %add3A_1802 = arith.constant 32 : i32
      %add3A_1803 = vector.broadcast %add3A_1802 : i32 to vector<16xi32>
      %add3A_1804 = arith.addi %min3A_1801, %add3A_1803 : vector<16xi32>
      %gather3A_1805 = tpu.vector_load_idx %arg5[%add3A_1804, %add3A_1737] : memref<65x96xf32, #tpu.memory_space<vmem>>[vector<16xi32>, vector<16xi32>], vector<16xf32>,
      %swap3A_1806 = arith.constant 3 : i32
      %swap3A_1807 = arith.index_cast %swap3A_1806 : i32 to index
      %swap3A_1808 = arith.constant 48 : index
      %swap3A_1809 = tpu.vector_load %arg6[%swap3A_1807, %swap3A_1808] {strides = array<i32>} : memref<8x224xf32, #tpu.memory_space<vmem>>, vector<16xf32>,
      tpu.vector_store %arg6[%swap3A_1807, %swap3A_1808], %gather3A_1805 {strides = array<i32>} : memref<8x224xf32, #tpu.memory_space<vmem>>, vector<16xf32>,
      %iota3A_1810 = tpu.iota {dimensions = array<i32: 0>} : vector<16xi32>
      %add3A_1811 = arith.constant -48 : i32
      %add3A_1812 = vector.broadcast %add3A_1811 : i32 to vector<16xi32>
      %add3A_1813 = arith.addi %iota3A_1810, %add3A_1812 : vector<16xi32>
      %jit3A_1814 = arith.constant -32 : i32
      %jit3A_1815 = arith.constant 32 : i32
      %max3A_1816 = vector.broadcast %jit3A_1814 : i32 to vector<16xi32>
      %max3A_1817 = arith.maxsi %max3A_1816, %add3A_1813 : vector<16xi32>
      %min3A_1818 = vector.broadcast %jit3A_1815 : i32 to vector<16xi32>
      %min3A_1819 = arith.minsi %min3A_1818, %max3A_1817 : vector<16xi32>
      %add3A_1820 = arith.constant 32 : i32
      %add3A_1821 = vector.broadcast %add3A_1820 : i32 to vector<16xi32>
      %add3A_1822 = arith.addi %min3A_1819, %add3A_1821 : vector<16xi32>
      %gather3A_1823 = tpu.vector_load_idx %arg5[%add3A_1822, %add3A_1737] : memref<65x96xf32, #tpu.memory_space<vmem>>[vector<16xi32>, vector<16xi32>], vector<16xf32>,
      %swap3A_1824 = arith.constant 3 : i32
      %swap3A_1825 = arith.index_cast %swap3A_1824 : i32 to index
      %swap3A_1826 = arith.constant 64 : index
      %swap3A_1827 = tpu.vector_load %arg6[%swap3A_1825, %swap3A_1826] {strides = array<i32>} : memref<8x224xf32, #tpu.memory_space<vmem>>, vector<16xf32>,
      tpu.vector_store %arg6[%swap3A_1825, %swap3A_1826], %gather3A_1823 {strides = array<i32>} : memref<8x224xf32, #tpu.memory_space<vmem>>, vector<16xf32>,
      %iota3A_1828 = tpu.iota {dimensions = array<i32: 0>} : vector<16xi32>
      %add3A_1829 = arith.constant -32 : i32
      %add3A_1830 = vector.broadcast %add3A_1829 : i32 to vector<16xi32>
      %add3A_1831 = arith.addi %iota3A_1828, %add3A_1830 : vector<16xi32>
      %jit3A_1832 = arith.constant -32 : i32
      %jit3A_1833 = arith.constant 32 : i32
      %max3A_1834 = vector.broadcast %jit3A_1832 : i32 to vector<16xi32>
      %max3A_1835 = arith.maxsi %max3A_1834, %add3A_1831 : vector<16xi32>
      %min3A_1836 = vector.broadcast %jit3A_1833 : i32 to vector<16xi32>
      %min3A_1837 = arith.minsi %min3A_1836, %max3A_1835 : vector<16xi32>
      %add3A_1838 = arith.constant 32 : i32
      %add3A_1839 = vector.broadcast %add3A_1838 : i32 to vector<16xi32>
      %add3A_1840 = arith.addi %min3A_1837, %add3A_1839 : vector<16xi32>
      %gather3A_1841 = tpu.vector_load_idx %arg5[%add3A_1840, %add3A_1737] : memref<65x96xf32, #tpu.memory_space<vmem>>[vector<16xi32>, vector<16xi32>], vector<16xf32>,
      %swap3A_1842 = arith.constant 3 : i32
      %swap3A_1843 = arith.index_cast %swap3A_1842 : i32 to index
      %swap3A_1844 = arith.constant 80 : index
      %swap3A_1845 = tpu.vector_load %arg6[%swap3A_1843, %swap3A_1844] {strides = array<i32>} : memref<8x224xf32, #tpu.memory_space<vmem>>, vector<16xf32>,
      tpu.vector_store %arg6[%swap3A_1843, %swap3A_1844], %gather3A_1841 {strides = array<i32>} : memref<8x224xf32, #tpu.memory_space<vmem>>, vector<16xf32>,
      %iota3A_1846 = tpu.iota {dimensions = array<i32: 0>} : vector<16xi32>
      %add3A_1847 = arith.constant -16 : i32
      %add3A_1848 = vector.broadcast %add3A_1847 : i32 to vector<16xi32>
      %add3A_1849 = arith.addi %iota3A_1846, %add3A_1848 : vector<16xi32>
      %jit3A_1850 = arith.constant -32 : i32
      %jit3A_1851 = arith.constant 32 : i32
      %max3A_1852 = vector.broadcast %jit3A_1850 : i32 to vector<16xi32>
      %max3A_1853 = arith.maxsi %max3A_1852, %add3A_1849 : vector<16xi32>
      %min3A_1854 = vector.broadcast %jit3A_1851 : i32 to vector<16xi32>
      %min3A_1855 = arith.minsi %min3A_1854, %max3A_1853 : vector<16xi32>
      %add3A_1856 = arith.constant 32 : i32
      %add3A_1857 = vector.broadcast %add3A_1856 : i32 to vector<16xi32>
      %add3A_1858 = arith.addi %min3A_1855, %add3A_1857 : vector<16xi32>
      %gather3A_1859 = tpu.vector_load_idx %arg5[%add3A_1858, %add3A_1737] : memref<65x96xf32, #tpu.memory_space<vmem>>[vector<16xi32>, vector<16xi32>], vector<16xf32>,
      %swap3A_1860 = arith.constant 3 : i32
      %swap3A_1861 = arith.index_cast %swap3A_1860 : i32 to index
      %swap3A_1862 = arith.constant 96 : index
      %swap3A_1863 = tpu.vector_load %arg6[%swap3A_1861, %swap3A_1862] {strides = array<i32>} : memref<8x224xf32, #tpu.memory_space<vmem>>, vector<16xf32>,
      tpu.vector_store %arg6[%swap3A_1861, %swap3A_1862], %gather3A_1859 {strides = array<i32>} : memref<8x224xf32, #tpu.memory_space<vmem>>, vector<16xf32>,
      %iota3A_1864 = tpu.iota {dimensions = array<i32: 0>} : vector<16xi32>
      %add3A_1865 = arith.constant 0 : i32
      %add3A_1866 = vector.broadcast %add3A_1865 : i32 to vector<16xi32>
      %add3A_1867 = arith.addi %iota3A_1864, %add3A_1866 : vector<16xi32>
      %jit3A_1868 = arith.constant -32 : i32
      %jit3A_1869 = arith.constant 32 : i32
      %max3A_1870 = vector.broadcast %jit3A_1868 : i32 to vector<16xi32>
      %max3A_1871 = arith.maxsi %max3A_1870, %add3A_1867 : vector<16xi32>
      %min3A_1872 = vector.broadcast %jit3A_1869 : i32 to vector<16xi32>
      %min3A_1873 = arith.minsi %min3A_1872, %max3A_1871 : vector<16xi32>
      %add3A_1874 = arith.constant 32 : i32
      %add3A_1875 = vector.broadcast %add3A_1874 : i32 to vector<16xi32>
      %add3A_1876 = arith.addi %min3A_1873, %add3A_1875 : vector<16xi32>
      %gather3A_1877 = tpu.vector_load_idx %arg5[%add3A_1876, %add3A_1737] : memref<65x96xf32, #tpu.memory_space<vmem>>[vector<16xi32>, vector<16xi32>], vector<16xf32>,
      %swap3A_1878 = arith.constant 3 : i32
      %swap3A_1879 = arith.index_cast %swap3A_1878 : i32 to index
      %swap3A_1880 = arith.constant 112 : index
      %swap3A_1881 = tpu.vector_load %arg6[%swap3A_1879, %swap3A_1880] {strides = array<i32>} : memref<8x224xf32, #tpu.memory_space<vmem>>, vector<16xf32>,
      tpu.vector_store %arg6[%swap3A_1879, %swap3A_1880], %gather3A_1877 {strides = array<i32>} : memref<8x224xf32, #tpu.memory_space<vmem>>, vector<16xf32>,
      %iota3A_1882 = tpu.iota {dimensions = array<i32: 0>} : vector<16xi32>
      %add3A_1883 = arith.constant 16 : i32
      %add3A_1884 = vector.broadcast %add3A_1883 : i32 to vector<16xi32>
      %add3A_1885 = arith.addi %iota3A_1882, %add3A_1884 : vector<16xi32>
      %jit3A_1886 = arith.constant -32 : i32
      %jit3A_1887 = arith.constant 32 : i32
      %max3A_1888 = vector.broadcast %jit3A_1886 : i32 to vector<16xi32>
      %max3A_1889 = arith.maxsi %max3A_1888, %add3A_1885 : vector<16xi32>
      %min3A_1890 = vector.broadcast %jit3A_1887 : i32 to vector<16xi32>
      %min3A_1891 = arith.minsi %min3A_1890, %max3A_1889 : vector<16xi32>
      %add3A_1892 = arith.constant 32 : i32
      %add3A_1893 = vector.broadcast %add3A_1892 : i32 to vector<16xi32>
      %add3A_1894 = arith.addi %min3A_1891, %add3A_1893 : vector<16xi32>
      %gather3A_1895 = tpu.vector_load_idx %arg5[%add3A_1894, %add3A_1737] : memref<65x96xf32, #tpu.memory_space<vmem>>[vector<16xi32>, vector<16xi32>], vector<16xf32>,
      %swap3A_1896 = arith.constant 3 : i32
      %swap3A_1897 = arith.index_cast %swap3A_1896 : i32 to index
      %swap3A_1898 = arith.constant 128 : index
      %swap3A_1899 = tpu.vector_load %arg6[%swap3A_1897, %swap3A_1898] {strides = array<i32>} : memref<8x224xf32, #tpu.memory_space<vmem>>, vector<16xf32>,
      tpu.vector_store %arg6[%swap3A_1897, %swap3A_1898], %gather3A_1895 {strides = array<i32>} : memref<8x224xf32, #tpu.memory_space<vmem>>, vector<16xf32>,
      %iota3A_1900 = tpu.iota {dimensions = array<i32: 0>} : vector<16xi32>
      %add3A_1901 = arith.constant 32 : i32
      %add3A_1902 = vector.broadcast %add3A_1901 : i32 to vector<16xi32>
      %add3A_1903 = arith.addi %iota3A_1900, %add3A_1902 : vector<16xi32>
      %jit3A_1904 = arith.constant -32 : i32
      %jit3A_1905 = arith.constant 32 : i32
      %max3A_1906 = vector.broadcast %jit3A_1904 : i32 to vector<16xi32>
      %max3A_1907 = arith.maxsi %max3A_1906, %add3A_1903 : vector<16xi32>
      %min3A_1908 = vector.broadcast %jit3A_1905 : i32 to vector<16xi32>
      %min3A_1909 = arith.minsi %min3A_1908, %max3A_1907 : vector<16xi32>
      %add3A_1910 = arith.constant 32 : i32
      %add3A_1911 = vector.broadcast %add3A_1910 : i32 to vector<16xi32>
      %add3A_1912 = arith.addi %min3A_1909, %add3A_1911 : vector<16xi32>
      %gather3A_1913 = tpu.vector_load_idx %arg5[%add3A_1912, %add3A_1737] : memref<65x96xf32, #tpu.memory_space<vmem>>[vector<16xi32>, vector<16xi32>], vector<16xf32>,
      %swap3A_1914 = arith.constant 3 : i32
      %swap3A_1915 = arith.index_cast %swap3A_1914 : i32 to index
      %swap3A_1916 = arith.constant 144 : index
      %swap3A_1917 = tpu.vector_load %arg6[%swap3A_1915, %swap3A_1916] {strides = array<i32>} : memref<8x224xf32, #tpu.memory_space<vmem>>, vector<16xf32>,
      tpu.vector_store %arg6[%swap3A_1915, %swap3A_1916], %gather3A_1913 {strides = array<i32>} : memref<8x224xf32, #tpu.memory_space<vmem>>, vector<16xf32>,
      %iota3A_1918 = tpu.iota {dimensions = array<i32: 0>} : vector<16xi32>
      %add3A_1919 = arith.constant 48 : i32
      %add3A_1920 = vector.broadcast %add3A_1919 : i32 to vector<16xi32>
      %add3A_1921 = arith.addi %iota3A_1918, %add3A_1920 : vector<16xi32>
      %jit3A_1922 = arith.constant -32 : i32
      %jit3A_1923 = arith.constant 32 : i32
      %max3A_1924 = vector.broadcast %jit3A_1922 : i32 to vector<16xi32>
      %max3A_1925 = arith.maxsi %max3A_1924, %add3A_1921 : vector<16xi32>
      %min3A_1926 = vector.broadcast %jit3A_1923 : i32 to vector<16xi32>
      %min3A_1927 = arith.minsi %min3A_1926, %max3A_1925 : vector<16xi32>
      %add3A_1928 = arith.constant 32 : i32
      %add3A_1929 = vector.broadcast %add3A_1928 : i32 to vector<16xi32>
      %add3A_1930 = arith.addi %min3A_1927, %add3A_1929 : vector<16xi32>
      %gather3A_1931 = tpu.vector_load_idx %arg5[%add3A_1930, %add3A_1737] : memref<65x96xf32, #tpu.memory_space<vmem>>[vector<16xi32>, vector<16xi32>], vector<16xf32>,
      %swap3A_1932 = arith.constant 3 : i32
      %swap3A_1933 = arith.index_cast %swap3A_1932 : i32 to index
      %swap3A_1934 = arith.constant 160 : index
      %swap3A_1935 = tpu.vector_load %arg6[%swap3A_1933, %swap3A_1934] {strides = array<i32>} : memref<8x224xf32, #tpu.memory_space<vmem>>, vector<16xf32>,
      tpu.vector_store %arg6[%swap3A_1933, %swap3A_1934], %gather3A_1931 {strides = array<i32>} : memref<8x224xf32, #tpu.memory_space<vmem>>, vector<16xf32>,
      %iota3A_1936 = tpu.iota {dimensions = array<i32: 0>} : vector<16xi32>
      %add3A_1937 = arith.constant 64 : i32
      %add3A_1938 = vector.broadcast %add3A_1937 : i32 to vector<16xi32>
      %add3A_1939 = arith.addi %iota3A_1936, %add3A_1938 : vector<16xi32>
      %jit3A_1940 = arith.constant -32 : i32
      %jit3A_1941 = arith.constant 32 : i32
      %max3A_1942 = vector.broadcast %jit3A_1940 : i32 to vector<16xi32>
      %max3A_1943 = arith.maxsi %max3A_1942, %add3A_1939 : vector<16xi32>
      %min3A_1944 = vector.broadcast %jit3A_1941 : i32 to vector<16xi32>
      %min3A_1945 = arith.minsi %min3A_1944, %max3A_1943 : vector<16xi32>
      %add3A_1946 = arith.constant 32 : i32
      %add3A_1947 = vector.broadcast %add3A_1946 : i32 to vector<16xi32>
      %add3A_1948 = arith.addi %min3A_1945, %add3A_1947 : vector<16xi32>
      %gather3A_1949 = tpu.vector_load_idx %arg5[%add3A_1948, %add3A_1737] : memref<65x96xf32, #tpu.memory_space<vmem>>[vector<16xi32>, vector<16xi32>], vector<16xf32>,
      %swap3A_1950 = arith.constant 3 : i32
      %swap3A_1951 = arith.index_cast %swap3A_1950 : i32 to index
      %swap3A_1952 = arith.constant 176 : index
      %swap3A_1953 = tpu.vector_load %arg6[%swap3A_1951, %swap3A_1952] {strides = array<i32>} : memref<8x224xf32, #tpu.memory_space<vmem>>, vector<16xf32>,
      tpu.vector_store %arg6[%swap3A_1951, %swap3A_1952], %gather3A_1949 {strides = array<i32>} : memref<8x224xf32, #tpu.memory_space<vmem>>, vector<16xf32>,
      %iota3A_1954 = tpu.iota {dimensions = array<i32: 0>} : vector<16xi32>
      %add3A_1955 = arith.constant 80 : i32
      %add3A_1956 = vector.broadcast %add3A_1955 : i32 to vector<16xi32>
      %add3A_1957 = arith.addi %iota3A_1954, %add3A_1956 : vector<16xi32>
      %jit3A_1958 = arith.constant -32 : i32
      %jit3A_1959 = arith.constant 32 : i32
      %max3A_1960 = vector.broadcast %jit3A_1958 : i32 to vector<16xi32>
      %max3A_1961 = arith.maxsi %max3A_1960, %add3A_1957 : vector<16xi32>
      %min3A_1962 = vector.broadcast %jit3A_1959 : i32 to vector<16xi32>
      %min3A_1963 = arith.minsi %min3A_1962, %max3A_1961 : vector<16xi32>
      %add3A_1964 = arith.constant 32 : i32
      %add3A_1965 = vector.broadcast %add3A_1964 : i32 to vector<16xi32>
      %add3A_1966 = arith.addi %min3A_1963, %add3A_1965 : vector<16xi32>
      %gather3A_1967 = tpu.vector_load_idx %arg5[%add3A_1966, %add3A_1737] : memref<65x96xf32, #tpu.memory_space<vmem>>[vector<16xi32>, vector<16xi32>], vector<16xf32>,
      %swap3A_1968 = arith.constant 3 : i32
      %swap3A_1969 = arith.index_cast %swap3A_1968 : i32 to index
      %swap3A_1970 = arith.constant 192 : index
      %swap3A_1971 = tpu.vector_load %arg6[%swap3A_1969, %swap3A_1970] {strides = array<i32>} : memref<8x224xf32, #tpu.memory_space<vmem>>, vector<16xf32>,
      tpu.vector_store %arg6[%swap3A_1969, %swap3A_1970], %gather3A_1967 {strides = array<i32>} : memref<8x224xf32, #tpu.memory_space<vmem>>, vector<16xf32>,
      %iota3A_1972 = tpu.iota {dimensions = array<i32: 0>} : vector<16xi32>
      %add3A_1973 = arith.constant 96 : i32
      %add3A_1974 = vector.broadcast %add3A_1973 : i32 to vector<16xi32>
      %add3A_1975 = arith.addi %iota3A_1972, %add3A_1974 : vector<16xi32>
      %jit3A_1976 = arith.constant -32 : i32
      %jit3A_1977 = arith.constant 32 : i32
      %max3A_1978 = vector.broadcast %jit3A_1976 : i32 to vector<16xi32>
      %max3A_1979 = arith.maxsi %max3A_1978, %add3A_1975 : vector<16xi32>
      %min3A_1980 = vector.broadcast %jit3A_1977 : i32 to vector<16xi32>
      %min3A_1981 = arith.minsi %min3A_1980, %max3A_1979 : vector<16xi32>
      %add3A_1982 = arith.constant 32 : i32
      %add3A_1983 = vector.broadcast %add3A_1982 : i32 to vector<16xi32>
      %add3A_1984 = arith.addi %min3A_1981, %add3A_1983 : vector<16xi32>
      %gather3A_1985 = tpu.vector_load_idx %arg5[%add3A_1984, %add3A_1737] : memref<65x96xf32, #tpu.memory_space<vmem>>[vector<16xi32>, vector<16xi32>], vector<16xf32>,
      %swap3A_1986 = arith.constant 3 : i32
      %swap3A_1987 = arith.index_cast %swap3A_1986 : i32 to index
      %swap3A_1988 = arith.constant 208 : index
      %swap3A_1989 = tpu.vector_load %arg6[%swap3A_1987, %swap3A_1988] {strides = array<i32>} : memref<8x224xf32, #tpu.memory_space<vmem>>, vector<16xf32>,
      tpu.vector_store %arg6[%swap3A_1987, %swap3A_1988], %gather3A_1985 {strides = array<i32>} : memref<8x224xf32, #tpu.memory_space<vmem>>, vector<16xf32>,
      %iota3A_1990 = tpu.iota {dimensions = array<i32: 0>} : vector<16xi32>
      %add3A_1991 = arith.constant -112 : i32
      %add3A_1992 = vector.broadcast %add3A_1991 : i32 to vector<16xi32>
      %add3A_1993 = arith.addi %iota3A_1990, %add3A_1992 : vector<16xi32>
      %jit3A_1994 = arith.constant -32 : i32
      %jit3A_1995 = arith.constant 32 : i32
      %max3A_1996 = vector.broadcast %jit3A_1994 : i32 to vector<16xi32>
      %max3A_1997 = arith.maxsi %max3A_1996, %add3A_1993 : vector<16xi32>
      %min3A_1998 = vector.broadcast %jit3A_1995 : i32 to vector<16xi32>
      %min3A_1999 = arith.minsi %min3A_1998, %max3A_1997 : vector<16xi32>
      %add3A_2000 = arith.constant 32 : i32
      %add3A_2001 = vector.broadcast %add3A_2000 : i32 to vector<16xi32>
      %add3A_2002 = arith.addi %min3A_1999, %add3A_2001 : vector<16xi32>
      %gather3A_2003 = tpu.vector_load_idx %arg5[%add3A_2002, %add3A_1737] : memref<65x96xf32, #tpu.memory_space<vmem>>[vector<16xi32>, vector<16xi32>], vector<16xf32>,
      %swap3A_2004 = arith.constant 0 : i32
      %swap3A_2005 = arith.constant 3 : i32
      %swap3A_2006 = arith.index_cast %swap3A_2004 : i32 to index
      %swap3A_2007 = arith.index_cast %swap3A_2005 : i32 to index
      %swap3A_2008 = arith.constant 0 : index
      %swap3A_2009 = tpu.vector_load %arg7[%swap3A_2006, %swap3A_2007, %swap3A_2008] {strides = array<i32>} : memref<4x8x64xf32, #tpu.memory_space<vmem>>, vector<16xf32>,
      tpu.vector_store %arg7[%swap3A_2006, %swap3A_2007, %swap3A_2008], %gather3A_2003 {strides = array<i32>} : memref<4x8x64xf32, #tpu.memory_space<vmem>>, vector<16xf32>,
      %iota3A_2010 = tpu.iota {dimensions = array<i32: 0>} : vector<16xi32>
      %add3A_2011 = arith.constant -96 : i32
      %add3A_2012 = vector.broadcast %add3A_2011 : i32 to vector<16xi32>
      %add3A_2013 = arith.addi %iota3A_2010, %add3A_2012 : vector<16xi32>
      %jit3A_2014 = arith.constant -32 : i32
      %jit3A_2015 = arith.constant 32 : i32
      %max3A_2016 = vector.broadcast %jit3A_2014 : i32 to vector<16xi32>
      %max3A_2017 = arith.maxsi %max3A_2016, %add3A_2013 : vector<16xi32>
      %min3A_2018 = vector.broadcast %jit3A_2015 : i32 to vector<16xi32>
      %min3A_2019 = arith.minsi %min3A_2018, %max3A_2017 : vector<16xi32>
      %add3A_2020 = arith.constant 32 : i32
      %add3A_2021 = vector.broadcast %add3A_2020 : i32 to vector<16xi32>
      %add3A_2022 = arith.addi %min3A_2019, %add3A_2021 : vector<16xi32>
      %gather3A_2023 = tpu.vector_load_idx %arg5[%add3A_2022, %add3A_1737] : memref<65x96xf32, #tpu.memory_space<vmem>>[vector<16xi32>, vector<16xi32>], vector<16xf32>,
      %swap3A_2024 = arith.constant 0 : i32
      %swap3A_2025 = arith.constant 3 : i32
      %swap3A_2026 = arith.index_cast %swap3A_2024 : i32 to index
      %swap3A_2027 = arith.index_cast %swap3A_2025 : i32 to index
      %swap3A_2028 = arith.constant 16 : index
      %swap3A_2029 = tpu.vector_load %arg7[%swap3A_2026, %swap3A_2027, %swap3A_2028] {strides = array<i32>} : memref<4x8x64xf32, #tpu.memory_space<vmem>>, vector<16xf32>,
      tpu.vector_store %arg7[%swap3A_2026, %swap3A_2027, %swap3A_2028], %gather3A_2023 {strides = array<i32>} : memref<4x8x64xf32, #tpu.memory_space<vmem>>, vector<16xf32>,
      %iota3A_2030 = tpu.iota {dimensions = array<i32: 0>} : vector<16xi32>
      %add3A_2031 = arith.constant -80 : i32
      %add3A_2032 = vector.broadcast %add3A_2031 : i32 to vector<16xi32>
      %add3A_2033 = arith.addi %iota3A_2030, %add3A_2032 : vector<16xi32>
      %jit3A_2034 = arith.constant -32 : i32
      %jit3A_2035 = arith.constant 32 : i32
      %max3A_2036 = vector.broadcast %jit3A_2034 : i32 to vector<16xi32>
      %max3A_2037 = arith.maxsi %max3A_2036, %add3A_2033 : vector<16xi32>
      %min3A_2038 = vector.broadcast %jit3A_2035 : i32 to vector<16xi32>
      %min3A_2039 = arith.minsi %min3A_2038, %max3A_2037 : vector<16xi32>
      %add3A_2040 = arith.constant 32 : i32
      %add3A_2041 = vector.broadcast %add3A_2040 : i32 to vector<16xi32>
      %add3A_2042 = arith.addi %min3A_2039, %add3A_2041 : vector<16xi32>
      %gather3A_2043 = tpu.vector_load_idx %arg5[%add3A_2042, %add3A_1737] : memref<65x96xf32, #tpu.memory_space<vmem>>[vector<16xi32>, vector<16xi32>], vector<16xf32>,
      %swap3A_2044 = arith.constant 0 : i32
      %swap3A_2045 = arith.constant 3 : i32
      %swap3A_2046 = arith.index_cast %swap3A_2044 : i32 to index
      %swap3A_2047 = arith.index_cast %swap3A_2045 : i32 to index
      %swap3A_2048 = arith.constant 32 : index
      %swap3A_2049 = tpu.vector_load %arg7[%swap3A_2046, %swap3A_2047, %swap3A_2048] {strides = array<i32>} : memref<4x8x64xf32, #tpu.memory_space<vmem>>, vector<16xf32>,
      tpu.vector_store %arg7[%swap3A_2046, %swap3A_2047, %swap3A_2048], %gather3A_2043 {strides = array<i32>} : memref<4x8x64xf32, #tpu.memory_space<vmem>>, vector<16xf32>,
      %iota3A_2050 = tpu.iota {dimensions = array<i32: 0>} : vector<16xi32>
      %add3A_2051 = arith.constant -64 : i32
      %add3A_2052 = vector.broadcast %add3A_2051 : i32 to vector<16xi32>
      %add3A_2053 = arith.addi %iota3A_2050, %add3A_2052 : vector<16xi32>
      %jit3A_2054 = arith.constant -32 : i32
      %jit3A_2055 = arith.constant 32 : i32
      %max3A_2056 = vector.broadcast %jit3A_2054 : i32 to vector<16xi32>
      %max3A_2057 = arith.maxsi %max3A_2056, %add3A_2053 : vector<16xi32>
      %min3A_2058 = vector.broadcast %jit3A_2055 : i32 to vector<16xi32>
      %min3A_2059 = arith.minsi %min3A_2058, %max3A_2057 : vector<16xi32>
      %add3A_2060 = arith.constant 32 : i32
      %add3A_2061 = vector.broadcast %add3A_2060 : i32 to vector<16xi32>
      %add3A_2062 = arith.addi %min3A_2059, %add3A_2061 : vector<16xi32>
      %gather3A_2063 = tpu.vector_load_idx %arg5[%add3A_2062, %add3A_1737] : memref<65x96xf32, #tpu.memory_space<vmem>>[vector<16xi32>, vector<16xi32>], vector<16xf32>,
      %swap3A_2064 = arith.constant 0 : i32
      %swap3A_2065 = arith.constant 3 : i32
      %swap3A_2066 = arith.index_cast %swap3A_2064 : i32 to index
      %swap3A_2067 = arith.index_cast %swap3A_2065 : i32 to index
      %swap3A_2068 = arith.constant 48 : index
      %swap3A_2069 = tpu.vector_load %arg7[%swap3A_2066, %swap3A_2067, %swap3A_2068] {strides = array<i32>} : memref<4x8x64xf32, #tpu.memory_space<vmem>>, vector<16xf32>,
      tpu.vector_store %arg7[%swap3A_2066, %swap3A_2067, %swap3A_2068], %gather3A_2063 {strides = array<i32>} : memref<4x8x64xf32, #tpu.memory_space<vmem>>, vector<16xf32>,
      %iota3A_2070 = tpu.iota {dimensions = array<i32: 0>} : vector<16xi32>
      %add3A_2071 = arith.constant -56 : i32
      %add3A_2072 = vector.broadcast %add3A_2071 : i32 to vector<16xi32>
      %add3A_2073 = arith.addi %iota3A_2070, %add3A_2072 : vector<16xi32>
      %jit3A_2074 = arith.constant -32 : i32
      %jit3A_2075 = arith.constant 32 : i32
      %max3A_2076 = vector.broadcast %jit3A_2074 : i32 to vector<16xi32>
      %max3A_2077 = arith.maxsi %max3A_2076, %add3A_2073 : vector<16xi32>
      %min3A_2078 = vector.broadcast %jit3A_2075 : i32 to vector<16xi32>
      %min3A_2079 = arith.minsi %min3A_2078, %max3A_2077 : vector<16xi32>
      %add3A_2080 = arith.constant 32 : i32
      %add3A_2081 = vector.broadcast %add3A_2080 : i32 to vector<16xi32>
      %add3A_2082 = arith.addi %min3A_2079, %add3A_2081 : vector<16xi32>
      %gather3A_2083 = tpu.vector_load_idx %arg5[%add3A_2082, %add3A_1737] : memref<65x96xf32, #tpu.memory_space<vmem>>[vector<16xi32>, vector<16xi32>], vector<16xf32>,
      %swap3A_2084 = arith.constant 1 : i32
      %swap3A_2085 = arith.constant 3 : i32
      %swap3A_2086 = arith.index_cast %swap3A_2084 : i32 to index
      %swap3A_2087 = arith.index_cast %swap3A_2085 : i32 to index
      %swap3A_2088 = arith.constant 0 : index
      %swap3A_2089 = tpu.vector_load %arg7[%swap3A_2086, %swap3A_2087, %swap3A_2088] {strides = array<i32>} : memref<4x8x64xf32, #tpu.memory_space<vmem>>, vector<16xf32>,
      tpu.vector_store %arg7[%swap3A_2086, %swap3A_2087, %swap3A_2088], %gather3A_2083 {strides = array<i32>} : memref<4x8x64xf32, #tpu.memory_space<vmem>>, vector<16xf32>,
      %iota3A_2090 = tpu.iota {dimensions = array<i32: 0>} : vector<16xi32>
      %add3A_2091 = arith.constant -40 : i32
      %add3A_2092 = vector.broadcast %add3A_2091 : i32 to vector<16xi32>
      %add3A_2093 = arith.addi %iota3A_2090, %add3A_2092 : vector<16xi32>
      %jit3A_2094 = arith.constant -32 : i32
      %jit3A_2095 = arith.constant 32 : i32
      %max3A_2096 = vector.broadcast %jit3A_2094 : i32 to vector<16xi32>
      %max3A_2097 = arith.maxsi %max3A_2096, %add3A_2093 : vector<16xi32>
      %min3A_2098 = vector.broadcast %jit3A_2095 : i32 to vector<16xi32>
      %min3A_2099 = arith.minsi %min3A_2098, %max3A_2097 : vector<16xi32>
      %add3A_2100 = arith.constant 32 : i32
      %add3A_2101 = vector.broadcast %add3A_2100 : i32 to vector<16xi32>
      %add3A_2102 = arith.addi %min3A_2099, %add3A_2101 : vector<16xi32>
      %gather3A_2103 = tpu.vector_load_idx %arg5[%add3A_2102, %add3A_1737] : memref<65x96xf32, #tpu.memory_space<vmem>>[vector<16xi32>, vector<16xi32>], vector<16xf32>,
      %swap3A_2104 = arith.constant 1 : i32
      %swap3A_2105 = arith.constant 3 : i32
      %swap3A_2106 = arith.index_cast %swap3A_2104 : i32 to index
      %swap3A_2107 = arith.index_cast %swap3A_2105 : i32 to index
      %swap3A_2108 = arith.constant 16 : index
      %swap3A_2109 = tpu.vector_load %arg7[%swap3A_2106, %swap3A_2107, %swap3A_2108] {strides = array<i32>} : memref<4x8x64xf32, #tpu.memory_space<vmem>>, vector<16xf32>,
      tpu.vector_store %arg7[%swap3A_2106, %swap3A_2107, %swap3A_2108], %gather3A_2103 {strides = array<i32>} : memref<4x8x64xf32, #tpu.memory_space<vmem>>, vector<16xf32>,
      %iota3A_2110 = tpu.iota {dimensions = array<i32: 0>} : vector<16xi32>
      %add3A_2111 = arith.constant -24 : i32
      %add3A_2112 = vector.broadcast %add3A_2111 : i32 to vector<16xi32>
      %add3A_2113 = arith.addi %iota3A_2110, %add3A_2112 : vector<16xi32>
      %jit3A_2114 = arith.constant -32 : i32
      %jit3A_2115 = arith.constant 32 : i32
      %max3A_2116 = vector.broadcast %jit3A_2114 : i32 to vector<16xi32>
      %max3A_2117 = arith.maxsi %max3A_2116, %add3A_2113 : vector<16xi32>
      %min3A_2118 = vector.broadcast %jit3A_2115 : i32 to vector<16xi32>
      %min3A_2119 = arith.minsi %min3A_2118, %max3A_2117 : vector<16xi32>
      %add3A_2120 = arith.constant 32 : i32
      %add3A_2121 = vector.broadcast %add3A_2120 : i32 to vector<16xi32>
      %add3A_2122 = arith.addi %min3A_2119, %add3A_2121 : vector<16xi32>
      %gather3A_2123 = tpu.vector_load_idx %arg5[%add3A_2122, %add3A_1737] : memref<65x96xf32, #tpu.memory_space<vmem>>[vector<16xi32>, vector<16xi32>], vector<16xf32>,
      %swap3A_2124 = arith.constant 1 : i32
      %swap3A_2125 = arith.constant 3 : i32
      %swap3A_2126 = arith.index_cast %swap3A_2124 : i32 to index
      %swap3A_2127 = arith.index_cast %swap3A_2125 : i32 to index
      %swap3A_2128 = arith.constant 32 : index
      %swap3A_2129 = tpu.vector_load %arg7[%swap3A_2126, %swap3A_2127, %swap3A_2128] {strides = array<i32>} : memref<4x8x64xf32, #tpu.memory_space<vmem>>, vector<16xf32>,
      tpu.vector_store %arg7[%swap3A_2126, %swap3A_2127, %swap3A_2128], %gather3A_2123 {strides = array<i32>} : memref<4x8x64xf32, #tpu.memory_space<vmem>>, vector<16xf32>,
      %iota3A_2130 = tpu.iota {dimensions = array<i32: 0>} : vector<16xi32>
      %add3A_2131 = arith.constant -8 : i32
      %add3A_2132 = vector.broadcast %add3A_2131 : i32 to vector<16xi32>
      %add3A_2133 = arith.addi %iota3A_2130, %add3A_2132 : vector<16xi32>
      %jit3A_2134 = arith.constant -32 : i32
      %jit3A_2135 = arith.constant 32 : i32
      %max3A_2136 = vector.broadcast %jit3A_2134 : i32 to vector<16xi32>
      %max3A_2137 = arith.maxsi %max3A_2136, %add3A_2133 : vector<16xi32>
      %min3A_2138 = vector.broadcast %jit3A_2135 : i32 to vector<16xi32>
      %min3A_2139 = arith.minsi %min3A_2138, %max3A_2137 : vector<16xi32>
      %add3A_2140 = arith.constant 32 : i32
      %add3A_2141 = vector.broadcast %add3A_2140 : i32 to vector<16xi32>
      %add3A_2142 = arith.addi %min3A_2139, %add3A_2141 : vector<16xi32>
      %gather3A_2143 = tpu.vector_load_idx %arg5[%add3A_2142, %add3A_1737] : memref<65x96xf32, #tpu.memory_space<vmem>>[vector<16xi32>, vector<16xi32>], vector<16xf32>,
      %swap3A_2144 = arith.constant 1 : i32
      %swap3A_2145 = arith.constant 3 : i32
      %swap3A_2146 = arith.index_cast %swap3A_2144 : i32 to index
      %swap3A_2147 = arith.index_cast %swap3A_2145 : i32 to index
      %swap3A_2148 = arith.constant 48 : index
      %swap3A_2149 = tpu.vector_load %arg7[%swap3A_2146, %swap3A_2147, %swap3A_2148] {strides = array<i32>} : memref<4x8x64xf32, #tpu.memory_space<vmem>>, vector<16xf32>,
      tpu.vector_store %arg7[%swap3A_2146, %swap3A_2147, %swap3A_2148], %gather3A_2143 {strides = array<i32>} : memref<4x8x64xf32, #tpu.memory_space<vmem>>, vector<16xf32>,
      %iota3A_2150 = tpu.iota {dimensions = array<i32: 0>} : vector<16xi32>
      %add3A_2151 = arith.constant 0 : i32
      %add3A_2152 = vector.broadcast %add3A_2151 : i32 to vector<16xi32>
      %add3A_2153 = arith.addi %iota3A_2150, %add3A_2152 : vector<16xi32>
      %jit3A_2154 = arith.constant -32 : i32
      %jit3A_2155 = arith.constant 32 : i32
      %max3A_2156 = vector.broadcast %jit3A_2154 : i32 to vector<16xi32>
      %max3A_2157 = arith.maxsi %max3A_2156, %add3A_2153 : vector<16xi32>
      %min3A_2158 = vector.broadcast %jit3A_2155 : i32 to vector<16xi32>
      %min3A_2159 = arith.minsi %min3A_2158, %max3A_2157 : vector<16xi32>
      %add3A_2160 = arith.constant 32 : i32
      %add3A_2161 = vector.broadcast %add3A_2160 : i32 to vector<16xi32>
      %add3A_2162 = arith.addi %min3A_2159, %add3A_2161 : vector<16xi32>
      %gather3A_2163 = tpu.vector_load_idx %arg5[%add3A_2162, %add3A_1737] : memref<65x96xf32, #tpu.memory_space<vmem>>[vector<16xi32>, vector<16xi32>], vector<16xf32>,
      %swap3A_2164 = arith.constant 2 : i32
      %swap3A_2165 = arith.constant 3 : i32
      %swap3A_2166 = arith.index_cast %swap3A_2164 : i32 to index
      %swap3A_2167 = arith.index_cast %swap3A_2165 : i32 to index
      %swap3A_2168 = arith.constant 0 : index
      %swap3A_2169 = tpu.vector_load %arg7[%swap3A_2166, %swap3A_2167, %swap3A_2168] {strides = array<i32>} : memref<4x8x64xf32, #tpu.memory_space<vmem>>, vector<16xf32>,
      tpu.vector_store %arg7[%swap3A_2166, %swap3A_2167, %swap3A_2168], %gather3A_2163 {strides = array<i32>} : memref<4x8x64xf32, #tpu.memory_space<vmem>>, vector<16xf32>,
      %iota3A_2170 = tpu.iota {dimensions = array<i32: 0>} : vector<16xi32>
      %add3A_2171 = arith.constant 16 : i32
      %add3A_2172 = vector.broadcast %add3A_2171 : i32 to vector<16xi32>
      %add3A_2173 = arith.addi %iota3A_2170, %add3A_2172 : vector<16xi32>
      %jit3A_2174 = arith.constant -32 : i32
      %jit3A_2175 = arith.constant 32 : i32
      %max3A_2176 = vector.broadcast %jit3A_2174 : i32 to vector<16xi32>
      %max3A_2177 = arith.maxsi %max3A_2176, %add3A_2173 : vector<16xi32>
      %min3A_2178 = vector.broadcast %jit3A_2175 : i32 to vector<16xi32>
      %min3A_2179 = arith.minsi %min3A_2178, %max3A_2177 : vector<16xi32>
      %add3A_2180 = arith.constant 32 : i32
      %add3A_2181 = vector.broadcast %add3A_2180 : i32 to vector<16xi32>
      %add3A_2182 = arith.addi %min3A_2179, %add3A_2181 : vector<16xi32>
      %gather3A_2183 = tpu.vector_load_idx %arg5[%add3A_2182, %add3A_1737] : memref<65x96xf32, #tpu.memory_space<vmem>>[vector<16xi32>, vector<16xi32>], vector<16xf32>,
      %swap3A_2184 = arith.constant 2 : i32
      %swap3A_2185 = arith.constant 3 : i32
      %swap3A_2186 = arith.index_cast %swap3A_2184 : i32 to index
      %swap3A_2187 = arith.index_cast %swap3A_2185 : i32 to index
      %swap3A_2188 = arith.constant 16 : index
      %swap3A_2189 = tpu.vector_load %arg7[%swap3A_2186, %swap3A_2187, %swap3A_2188] {strides = array<i32>} : memref<4x8x64xf32, #tpu.memory_space<vmem>>, vector<16xf32>,
      tpu.vector_store %arg7[%swap3A_2186, %swap3A_2187, %swap3A_2188], %gather3A_2183 {strides = array<i32>} : memref<4x8x64xf32, #tpu.memory_space<vmem>>, vector<16xf32>,
      %iota3A_2190 = tpu.iota {dimensions = array<i32: 0>} : vector<16xi32>
      %add3A_2191 = arith.constant 32 : i32
      %add3A_2192 = vector.broadcast %add3A_2191 : i32 to vector<16xi32>
      %add3A_2193 = arith.addi %iota3A_2190, %add3A_2192 : vector<16xi32>
      %jit3A_2194 = arith.constant -32 : i32
      %jit3A_2195 = arith.constant 32 : i32
      %max3A_2196 = vector.broadcast %jit3A_2194 : i32 to vector<16xi32>
      %max3A_2197 = arith.maxsi %max3A_2196, %add3A_2193 : vector<16xi32>
      %min3A_2198 = vector.broadcast %jit3A_2195 : i32 to vector<16xi32>
      %min3A_2199 = arith.minsi %min3A_2198, %max3A_2197 : vector<16xi32>
      %add3A_2200 = arith.constant 32 : i32
      %add3A_2201 = vector.broadcast %add3A_2200 : i32 to vector<16xi32>
      %add3A_2202 = arith.addi %min3A_2199, %add3A_2201 : vector<16xi32>
      %gather3A_2203 = tpu.vector_load_idx %arg5[%add3A_2202, %add3A_1737] : memref<65x96xf32, #tpu.memory_space<vmem>>[vector<16xi32>, vector<16xi32>], vector<16xf32>,
      %swap3A_2204 = arith.constant 2 : i32
      %swap3A_2205 = arith.constant 3 : i32
      %swap3A_2206 = arith.index_cast %swap3A_2204 : i32 to index
      %swap3A_2207 = arith.index_cast %swap3A_2205 : i32 to index
      %swap3A_2208 = arith.constant 32 : index
      %swap3A_2209 = tpu.vector_load %arg7[%swap3A_2206, %swap3A_2207, %swap3A_2208] {strides = array<i32>} : memref<4x8x64xf32, #tpu.memory_space<vmem>>, vector<16xf32>,
      tpu.vector_store %arg7[%swap3A_2206, %swap3A_2207, %swap3A_2208], %gather3A_2203 {strides = array<i32>} : memref<4x8x64xf32, #tpu.memory_space<vmem>>, vector<16xf32>,
      %iota3A_2210 = tpu.iota {dimensions = array<i32: 0>} : vector<16xi32>
      %add3A_2211 = arith.constant 48 : i32
      %add3A_2212 = vector.broadcast %add3A_2211 : i32 to vector<16xi32>
      %add3A_2213 = arith.addi %iota3A_2210, %add3A_2212 : vector<16xi32>
      %jit3A_2214 = arith.constant -32 : i32
      %jit3A_2215 = arith.constant 32 : i32
      %max3A_2216 = vector.broadcast %jit3A_2214 : i32 to vector<16xi32>
      %max3A_2217 = arith.maxsi %max3A_2216, %add3A_2213 : vector<16xi32>
      %min3A_2218 = vector.broadcast %jit3A_2215 : i32 to vector<16xi32>
      %min3A_2219 = arith.minsi %min3A_2218, %max3A_2217 : vector<16xi32>
      %add3A_2220 = arith.constant 32 : i32
      %add3A_2221 = vector.broadcast %add3A_2220 : i32 to vector<16xi32>
      %add3A_2222 = arith.addi %min3A_2219, %add3A_2221 : vector<16xi32>
      %gather3A_2223 = tpu.vector_load_idx %arg5[%add3A_2222, %add3A_1737] : memref<65x96xf32, #tpu.memory_space<vmem>>[vector<16xi32>, vector<16xi32>], vector<16xf32>,
      %swap3A_2224 = arith.constant 2 : i32
      %swap3A_2225 = arith.constant 3 : i32
      %swap3A_2226 = arith.index_cast %swap3A_2224 : i32 to index
      %swap3A_2227 = arith.index_cast %swap3A_2225 : i32 to index
      %swap3A_2228 = arith.constant 48 : index
      %swap3A_2229 = tpu.vector_load %arg7[%swap3A_2226, %swap3A_2227, %swap3A_2228] {strides = array<i32>} : memref<4x8x64xf32, #tpu.memory_space<vmem>>, vector<16xf32>,
      tpu.vector_store %arg7[%swap3A_2226, %swap3A_2227, %swap3A_2228], %gather3A_2223 {strides = array<i32>} : memref<4x8x64xf32, #tpu.memory_space<vmem>>, vector<16xf32>,
      %iota3A_2230 = tpu.iota {dimensions = array<i32: 0>} : vector<16xi32>
      %add3A_2231 = arith.constant 56 : i32
      %add3A_2232 = vector.broadcast %add3A_2231 : i32 to vector<16xi32>
      %add3A_2233 = arith.addi %iota3A_2230, %add3A_2232 : vector<16xi32>
      %jit3A_2234 = arith.constant -32 : i32
      %jit3A_2235 = arith.constant 32 : i32
      %max3A_2236 = vector.broadcast %jit3A_2234 : i32 to vector<16xi32>
      %max3A_2237 = arith.maxsi %max3A_2236, %add3A_2233 : vector<16xi32>
      %min3A_2238 = vector.broadcast %jit3A_2235 : i32 to vector<16xi32>
      %min3A_2239 = arith.minsi %min3A_2238, %max3A_2237 : vector<16xi32>
      %add3A_2240 = arith.constant 32 : i32
      %add3A_2241 = vector.broadcast %add3A_2240 : i32 to vector<16xi32>
      %add3A_2242 = arith.addi %min3A_2239, %add3A_2241 : vector<16xi32>
      %gather3A_2243 = tpu.vector_load_idx %arg5[%add3A_2242, %add3A_1737] : memref<65x96xf32, #tpu.memory_space<vmem>>[vector<16xi32>, vector<16xi32>], vector<16xf32>,
      %swap3A_2244 = arith.constant 3 : i32
      %swap3A_2245 = arith.constant 3 : i32
      %swap3A_2246 = arith.index_cast %swap3A_2244 : i32 to index
      %swap3A_2247 = arith.index_cast %swap3A_2245 : i32 to index
      %swap3A_2248 = arith.constant 0 : index
      %swap3A_2249 = tpu.vector_load %arg7[%swap3A_2246, %swap3A_2247, %swap3A_2248] {strides = array<i32>} : memref<4x8x64xf32, #tpu.memory_space<vmem>>, vector<16xf32>,
      tpu.vector_store %arg7[%swap3A_2246, %swap3A_2247, %swap3A_2248], %gather3A_2243 {strides = array<i32>} : memref<4x8x64xf32, #tpu.memory_space<vmem>>, vector<16xf32>,
      %iota3A_2250 = tpu.iota {dimensions = array<i32: 0>} : vector<16xi32>
      %add3A_2251 = arith.constant 72 : i32
      %add3A_2252 = vector.broadcast %add3A_2251 : i32 to vector<16xi32>
      %add3A_2253 = arith.addi %iota3A_2250, %add3A_2252 : vector<16xi32>
      %jit3A_2254 = arith.constant -32 : i32
      %jit3A_2255 = arith.constant 32 : i32
      %max3A_2256 = vector.broadcast %jit3A_2254 : i32 to vector<16xi32>
      %max3A_2257 = arith.maxsi %max3A_2256, %add3A_2253 : vector<16xi32>
      %min3A_2258 = vector.broadcast %jit3A_2255 : i32 to vector<16xi32>
      %min3A_2259 = arith.minsi %min3A_2258, %max3A_2257 : vector<16xi32>
      %add3A_2260 = arith.constant 32 : i32
      %add3A_2261 = vector.broadcast %add3A_2260 : i32 to vector<16xi32>
      %add3A_2262 = arith.addi %min3A_2259, %add3A_2261 : vector<16xi32>
      %gather3A_2263 = tpu.vector_load_idx %arg5[%add3A_2262, %add3A_1737] : memref<65x96xf32, #tpu.memory_space<vmem>>[vector<16xi32>, vector<16xi32>], vector<16xf32>,
      %swap3A_2264 = arith.constant 3 : i32
      %swap3A_2265 = arith.constant 3 : i32
      %swap3A_2266 = arith.index_cast %swap3A_2264 : i32 to index
      %swap3A_2267 = arith.index_cast %swap3A_2265 : i32 to index
      %swap3A_2268 = arith.constant 16 : index
      %swap3A_2269 = tpu.vector_load %arg7[%swap3A_2266, %swap3A_2267, %swap3A_2268] {strides = array<i32>} : memref<4x8x64xf32, #tpu.memory_space<vmem>>, vector<16xf32>,
      tpu.vector_store %arg7[%swap3A_2266, %swap3A_2267, %swap3A_2268], %gather3A_2263 {strides = array<i32>} : memref<4x8x64xf32, #tpu.memory_space<vmem>>, vector<16xf32>,
      %iota3A_2270 = tpu.iota {dimensions = array<i32: 0>} : vector<16xi32>
      %add3A_2271 = arith.constant 88 : i32
      %add3A_2272 = vector.broadcast %add3A_2271 : i32 to vector<16xi32>
      %add3A_2273 = arith.addi %iota3A_2270, %add3A_2272 : vector<16xi32>
      %jit3A_2274 = arith.constant -32 : i32
      %jit3A_2275 = arith.constant 32 : i32
      %max3A_2276 = vector.broadcast %jit3A_2274 : i32 to vector<16xi32>
      %max3A_2277 = arith.maxsi %max3A_2276, %add3A_2273 : vector<16xi32>
      %min3A_2278 = vector.broadcast %jit3A_2275 : i32 to vector<16xi32>
      %min3A_2279 = arith.minsi %min3A_2278, %max3A_2277 : vector<16xi32>
      %add3A_2280 = arith.constant 32 : i32
      %add3A_2281 = vector.broadcast %add3A_2280 : i32 to vector<16xi32>
      %add3A_2282 = arith.addi %min3A_2279, %add3A_2281 : vector<16xi32>
      %gather3A_2283 = tpu.vector_load_idx %arg5[%add3A_2282, %add3A_1737] : memref<65x96xf32, #tpu.memory_space<vmem>>[vector<16xi32>, vector<16xi32>], vector<16xf32>,
      %swap3A_2284 = arith.constant 3 : i32
      %swap3A_2285 = arith.constant 3 : i32
      %swap3A_2286 = arith.index_cast %swap3A_2284 : i32 to index
      %swap3A_2287 = arith.index_cast %swap3A_2285 : i32 to index
      %swap3A_2288 = arith.constant 32 : index
      %swap3A_2289 = tpu.vector_load %arg7[%swap3A_2286, %swap3A_2287, %swap3A_2288] {strides = array<i32>} : memref<4x8x64xf32, #tpu.memory_space<vmem>>, vector<16xf32>,
      tpu.vector_store %arg7[%swap3A_2286, %swap3A_2287, %swap3A_2288], %gather3A_2283 {strides = array<i32>} : memref<4x8x64xf32, #tpu.memory_space<vmem>>, vector<16xf32>,
      %iota3A_2290 = tpu.iota {dimensions = array<i32: 0>} : vector<16xi32>
      %add3A_2291 = arith.constant 104 : i32
      %add3A_2292 = vector.broadcast %add3A_2291 : i32 to vector<16xi32>
      %add3A_2293 = arith.addi %iota3A_2290, %add3A_2292 : vector<16xi32>
      %jit3A_2294 = arith.constant -32 : i32
      %jit3A_2295 = arith.constant 32 : i32
      %max3A_2296 = vector.broadcast %jit3A_2294 : i32 to vector<16xi32>
      %max3A_2297 = arith.maxsi %max3A_2296, %add3A_2293 : vector<16xi32>
      %min3A_2298 = vector.broadcast %jit3A_2295 : i32 to vector<16xi32>
      %min3A_2299 = arith.minsi %min3A_2298, %max3A_2297 : vector<16xi32>
      %add3A_2300 = arith.constant 32 : i32
      %add3A_2301 = vector.broadcast %add3A_2300 : i32 to vector<16xi32>
      %add3A_2302 = arith.addi %min3A_2299, %add3A_2301 : vector<16xi32>
      %gather3A_2303 = tpu.vector_load_idx %arg5[%add3A_2302, %add3A_1737] : memref<65x96xf32, #tpu.memory_space<vmem>>[vector<16xi32>, vector<16xi32>], vector<16xf32>,
      %swap3A_2304 = arith.constant 3 : i32
      %swap3A_2305 = arith.constant 3 : i32
      %swap3A_2306 = arith.index_cast %swap3A_2304 : i32 to index
      %swap3A_2307 = arith.index_cast %swap3A_2305 : i32 to index
      %swap3A_2308 = arith.constant 48 : index
      %swap3A_2309 = tpu.vector_load %arg7[%swap3A_2306, %swap3A_2307, %swap3A_2308] {strides = array<i32>} : memref<4x8x64xf32, #tpu.memory_space<vmem>>, vector<16xf32>,
      tpu.vector_store %arg7[%swap3A_2306, %swap3A_2307, %swap3A_2308], %gather3A_2303 {strides = array<i32>} : memref<4x8x64xf32, #tpu.memory_space<vmem>>, vector<16xf32>,
      %broadcast_in_dim3A_2310 = arith.constant 0 : i32
      %broadcast_in_dim3A_2311 = vector.broadcast %broadcast_in_dim3A_2310 : i32 to vector<16xi32>
      %add3A_2312 = arith.constant 4 : i32
      %add3A_2313 = arith.addi %mul3A_2, %add3A_2312 : i32
      %add3A_2314 = vector.broadcast %add3A_2313 : i32 to vector<16xi32>
      %add3A_2315 = arith.addi %broadcast_in_dim3A_2311, %add3A_2314 : vector<16xi32>
      %iota3A_2316 = tpu.iota {dimensions = array<i32: 0>} : vector<16xi32>
      %add3A_2317 = arith.constant -112 : i32
      %add3A_2318 = vector.broadcast %add3A_2317 : i32 to vector<16xi32>
      %add3A_2319 = arith.addi %iota3A_2316, %add3A_2318 : vector<16xi32>
      %jit3A_2320 = arith.constant -32 : i32
      %jit3A_2321 = arith.constant 32 : i32
      %max3A_2322 = vector.broadcast %jit3A_2320 : i32 to vector<16xi32>
      %max3A_2323 = arith.maxsi %max3A_2322, %add3A_2319 : vector<16xi32>
      %min3A_2324 = vector.broadcast %jit3A_2321 : i32 to vector<16xi32>
      %min3A_2325 = arith.minsi %min3A_2324, %max3A_2323 : vector<16xi32>
      %add3A_2326 = arith.constant 32 : i32
      %add3A_2327 = vector.broadcast %add3A_2326 : i32 to vector<16xi32>
      %add3A_2328 = arith.addi %min3A_2325, %add3A_2327 : vector<16xi32>
      %gather3A_2329 = tpu.vector_load_idx %arg5[%add3A_2328, %add3A_2315] : memref<65x96xf32, #tpu.memory_space<vmem>>[vector<16xi32>, vector<16xi32>], vector<16xf32>,
      %swap3A_2330 = arith.constant 4 : i32
      %swap3A_2331 = arith.index_cast %swap3A_2330 : i32 to index
      %swap3A_2332 = arith.constant 0 : index
      %swap3A_2333 = tpu.vector_load %arg6[%swap3A_2331, %swap3A_2332] {strides = array<i32>} : memref<8x224xf32, #tpu.memory_space<vmem>>, vector<16xf32>,
      tpu.vector_store %arg6[%swap3A_2331, %swap3A_2332], %gather3A_2329 {strides = array<i32>} : memref<8x224xf32, #tpu.memory_space<vmem>>, vector<16xf32>,
      %iota3A_2334 = tpu.iota {dimensions = array<i32: 0>} : vector<16xi32>
      %add3A_2335 = arith.constant -96 : i32
      %add3A_2336 = vector.broadcast %add3A_2335 : i32 to vector<16xi32>
      %add3A_2337 = arith.addi %iota3A_2334, %add3A_2336 : vector<16xi32>
      %jit3A_2338 = arith.constant -32 : i32
      %jit3A_2339 = arith.constant 32 : i32
      %max3A_2340 = vector.broadcast %jit3A_2338 : i32 to vector<16xi32>
      %max3A_2341 = arith.maxsi %max3A_2340, %add3A_2337 : vector<16xi32>
      %min3A_2342 = vector.broadcast %jit3A_2339 : i32 to vector<16xi32>
      %min3A_2343 = arith.minsi %min3A_2342, %max3A_2341 : vector<16xi32>
      %add3A_2344 = arith.constant 32 : i32
      %add3A_2345 = vector.broadcast %add3A_2344 : i32 to vector<16xi32>
      %add3A_2346 = arith.addi %min3A_2343, %add3A_2345 : vector<16xi32>
      %gather3A_2347 = tpu.vector_load_idx %arg5[%add3A_2346, %add3A_2315] : memref<65x96xf32, #tpu.memory_space<vmem>>[vector<16xi32>, vector<16xi32>], vector<16xf32>,
      %swap3A_2348 = arith.constant 4 : i32
      %swap3A_2349 = arith.index_cast %swap3A_2348 : i32 to index
      %swap3A_2350 = arith.constant 16 : index
      %swap3A_2351 = tpu.vector_load %arg6[%swap3A_2349, %swap3A_2350] {strides = array<i32>} : memref<8x224xf32, #tpu.memory_space<vmem>>, vector<16xf32>,
      tpu.vector_store %arg6[%swap3A_2349, %swap3A_2350], %gather3A_2347 {strides = array<i32>} : memref<8x224xf32, #tpu.memory_space<vmem>>, vector<16xf32>,
      %iota3A_2352 = tpu.iota {dimensions = array<i32: 0>} : vector<16xi32>
      %add3A_2353 = arith.constant -80 : i32
      %add3A_2354 = vector.broadcast %add3A_2353 : i32 to vector<16xi32>
      %add3A_2355 = arith.addi %iota3A_2352, %add3A_2354 : vector<16xi32>
      %jit3A_2356 = arith.constant -32 : i32
      %jit3A_2357 = arith.constant 32 : i32
      %max3A_2358 = vector.broadcast %jit3A_2356 : i32 to vector<16xi32>
      %max3A_2359 = arith.maxsi %max3A_2358, %add3A_2355 : vector<16xi32>
      %min3A_2360 = vector.broadcast %jit3A_2357 : i32 to vector<16xi32>
      %min3A_2361 = arith.minsi %min3A_2360, %max3A_2359 : vector<16xi32>
      %add3A_2362 = arith.constant 32 : i32
      %add3A_2363 = vector.broadcast %add3A_2362 : i32 to vector<16xi32>
      %add3A_2364 = arith.addi %min3A_2361, %add3A_2363 : vector<16xi32>
      %gather3A_2365 = tpu.vector_load_idx %arg5[%add3A_2364, %add3A_2315] : memref<65x96xf32, #tpu.memory_space<vmem>>[vector<16xi32>, vector<16xi32>], vector<16xf32>,
      %swap3A_2366 = arith.constant 4 : i32
      %swap3A_2367 = arith.index_cast %swap3A_2366 : i32 to index
      %swap3A_2368 = arith.constant 32 : index
      %swap3A_2369 = tpu.vector_load %arg6[%swap3A_2367, %swap3A_2368] {strides = array<i32>} : memref<8x224xf32, #tpu.memory_space<vmem>>, vector<16xf32>,
      tpu.vector_store %arg6[%swap3A_2367, %swap3A_2368], %gather3A_2365 {strides = array<i32>} : memref<8x224xf32, #tpu.memory_space<vmem>>, vector<16xf32>,
      %iota3A_2370 = tpu.iota {dimensions = array<i32: 0>} : vector<16xi32>
      %add3A_2371 = arith.constant -64 : i32
      %add3A_2372 = vector.broadcast %add3A_2371 : i32 to vector<16xi32>
      %add3A_2373 = arith.addi %iota3A_2370, %add3A_2372 : vector<16xi32>
      %jit3A_2374 = arith.constant -32 : i32
      %jit3A_2375 = arith.constant 32 : i32
      %max3A_2376 = vector.broadcast %jit3A_2374 : i32 to vector<16xi32>
      %max3A_2377 = arith.maxsi %max3A_2376, %add3A_2373 : vector<16xi32>
      %min3A_2378 = vector.broadcast %jit3A_2375 : i32 to vector<16xi32>
      %min3A_2379 = arith.minsi %min3A_2378, %max3A_2377 : vector<16xi32>
      %add3A_2380 = arith.constant 32 : i32
      %add3A_2381 = vector.broadcast %add3A_2380 : i32 to vector<16xi32>
      %add3A_2382 = arith.addi %min3A_2379, %add3A_2381 : vector<16xi32>
      %gather3A_2383 = tpu.vector_load_idx %arg5[%add3A_2382, %add3A_2315] : memref<65x96xf32, #tpu.memory_space<vmem>>[vector<16xi32>, vector<16xi32>], vector<16xf32>,
      %swap3A_2384 = arith.constant 4 : i32
      %swap3A_2385 = arith.index_cast %swap3A_2384 : i32 to index
      %swap3A_2386 = arith.constant 48 : index
      %swap3A_2387 = tpu.vector_load %arg6[%swap3A_2385, %swap3A_2386] {strides = array<i32>} : memref<8x224xf32, #tpu.memory_space<vmem>>, vector<16xf32>,
      tpu.vector_store %arg6[%swap3A_2385, %swap3A_2386], %gather3A_2383 {strides = array<i32>} : memref<8x224xf32, #tpu.memory_space<vmem>>, vector<16xf32>,
      %iota3A_2388 = tpu.iota {dimensions = array<i32: 0>} : vector<16xi32>
      %add3A_2389 = arith.constant -48 : i32
      %add3A_2390 = vector.broadcast %add3A_2389 : i32 to vector<16xi32>
      %add3A_2391 = arith.addi %iota3A_2388, %add3A_2390 : vector<16xi32>
      %jit3A_2392 = arith.constant -32 : i32
      %jit3A_2393 = arith.constant 32 : i32
      %max3A_2394 = vector.broadcast %jit3A_2392 : i32 to vector<16xi32>
      %max3A_2395 = arith.maxsi %max3A_2394, %add3A_2391 : vector<16xi32>
      %min3A_2396 = vector.broadcast %jit3A_2393 : i32 to vector<16xi32>
      %min3A_2397 = arith.minsi %min3A_2396, %max3A_2395 : vector<16xi32>
      %add3A_2398 = arith.constant 32 : i32
      %add3A_2399 = vector.broadcast %add3A_2398 : i32 to vector<16xi32>
      %add3A_2400 = arith.addi %min3A_2397, %add3A_2399 : vector<16xi32>
      %gather3A_2401 = tpu.vector_load_idx %arg5[%add3A_2400, %add3A_2315] : memref<65x96xf32, #tpu.memory_space<vmem>>[vector<16xi32>, vector<16xi32>], vector<16xf32>,
      %swap3A_2402 = arith.constant 4 : i32
      %swap3A_2403 = arith.index_cast %swap3A_2402 : i32 to index
      %swap3A_2404 = arith.constant 64 : index
      %swap3A_2405 = tpu.vector_load %arg6[%swap3A_2403, %swap3A_2404] {strides = array<i32>} : memref<8x224xf32, #tpu.memory_space<vmem>>, vector<16xf32>,
      tpu.vector_store %arg6[%swap3A_2403, %swap3A_2404], %gather3A_2401 {strides = array<i32>} : memref<8x224xf32, #tpu.memory_space<vmem>>, vector<16xf32>,
      %iota3A_2406 = tpu.iota {dimensions = array<i32: 0>} : vector<16xi32>
      %add3A_2407 = arith.constant -32 : i32
      %add3A_2408 = vector.broadcast %add3A_2407 : i32 to vector<16xi32>
      %add3A_2409 = arith.addi %iota3A_2406, %add3A_2408 : vector<16xi32>
      %jit3A_2410 = arith.constant -32 : i32
      %jit3A_2411 = arith.constant 32 : i32
      %max3A_2412 = vector.broadcast %jit3A_2410 : i32 to vector<16xi32>
      %max3A_2413 = arith.maxsi %max3A_2412, %add3A_2409 : vector<16xi32>
      %min3A_2414 = vector.broadcast %jit3A_2411 : i32 to vector<16xi32>
      %min3A_2415 = arith.minsi %min3A_2414, %max3A_2413 : vector<16xi32>
      %add3A_2416 = arith.constant 32 : i32
      %add3A_2417 = vector.broadcast %add3A_2416 : i32 to vector<16xi32>
      %add3A_2418 = arith.addi %min3A_2415, %add3A_2417 : vector<16xi32>
      %gather3A_2419 = tpu.vector_load_idx %arg5[%add3A_2418, %add3A_2315] : memref<65x96xf32, #tpu.memory_space<vmem>>[vector<16xi32>, vector<16xi32>], vector<16xf32>,
      %swap3A_2420 = arith.constant 4 : i32
      %swap3A_2421 = arith.index_cast %swap3A_2420 : i32 to index
      %swap3A_2422 = arith.constant 80 : index
      %swap3A_2423 = tpu.vector_load %arg6[%swap3A_2421, %swap3A_2422] {strides = array<i32>} : memref<8x224xf32, #tpu.memory_space<vmem>>, vector<16xf32>,
      tpu.vector_store %arg6[%swap3A_2421, %swap3A_2422], %gather3A_2419 {strides = array<i32>} : memref<8x224xf32, #tpu.memory_space<vmem>>, vector<16xf32>,
      %iota3A_2424 = tpu.iota {dimensions = array<i32: 0>} : vector<16xi32>
      %add3A_2425 = arith.constant -16 : i32
      %add3A_2426 = vector.broadcast %add3A_2425 : i32 to vector<16xi32>
      %add3A_2427 = arith.addi %iota3A_2424, %add3A_2426 : vector<16xi32>
      %jit3A_2428 = arith.constant -32 : i32
      %jit3A_2429 = arith.constant 32 : i32
      %max3A_2430 = vector.broadcast %jit3A_2428 : i32 to vector<16xi32>
      %max3A_2431 = arith.maxsi %max3A_2430, %add3A_2427 : vector<16xi32>
      %min3A_2432 = vector.broadcast %jit3A_2429 : i32 to vector<16xi32>
      %min3A_2433 = arith.minsi %min3A_2432, %max3A_2431 : vector<16xi32>
      %add3A_2434 = arith.constant 32 : i32
      %add3A_2435 = vector.broadcast %add3A_2434 : i32 to vector<16xi32>
      %add3A_2436 = arith.addi %min3A_2433, %add3A_2435 : vector<16xi32>
      %gather3A_2437 = tpu.vector_load_idx %arg5[%add3A_2436, %add3A_2315] : memref<65x96xf32, #tpu.memory_space<vmem>>[vector<16xi32>, vector<16xi32>], vector<16xf32>,
      %swap3A_2438 = arith.constant 4 : i32
      %swap3A_2439 = arith.index_cast %swap3A_2438 : i32 to index
      %swap3A_2440 = arith.constant 96 : index
      %swap3A_2441 = tpu.vector_load %arg6[%swap3A_2439, %swap3A_2440] {strides = array<i32>} : memref<8x224xf32, #tpu.memory_space<vmem>>, vector<16xf32>,
      tpu.vector_store %arg6[%swap3A_2439, %swap3A_2440], %gather3A_2437 {strides = array<i32>} : memref<8x224xf32, #tpu.memory_space<vmem>>, vector<16xf32>,
      %iota3A_2442 = tpu.iota {dimensions = array<i32: 0>} : vector<16xi32>
      %add3A_2443 = arith.constant 0 : i32
      %add3A_2444 = vector.broadcast %add3A_2443 : i32 to vector<16xi32>
      %add3A_2445 = arith.addi %iota3A_2442, %add3A_2444 : vector<16xi32>
      %jit3A_2446 = arith.constant -32 : i32
      %jit3A_2447 = arith.constant 32 : i32
      %max3A_2448 = vector.broadcast %jit3A_2446 : i32 to vector<16xi32>
      %max3A_2449 = arith.maxsi %max3A_2448, %add3A_2445 : vector<16xi32>
      %min3A_2450 = vector.broadcast %jit3A_2447 : i32 to vector<16xi32>
      %min3A_2451 = arith.minsi %min3A_2450, %max3A_2449 : vector<16xi32>
      %add3A_2452 = arith.constant 32 : i32
      %add3A_2453 = vector.broadcast %add3A_2452 : i32 to vector<16xi32>
      %add3A_2454 = arith.addi %min3A_2451, %add3A_2453 : vector<16xi32>
      %gather3A_2455 = tpu.vector_load_idx %arg5[%add3A_2454, %add3A_2315] : memref<65x96xf32, #tpu.memory_space<vmem>>[vector<16xi32>, vector<16xi32>], vector<16xf32>,
      %swap3A_2456 = arith.constant 4 : i32
      %swap3A_2457 = arith.index_cast %swap3A_2456 : i32 to index
      %swap3A_2458 = arith.constant 112 : index
      %swap3A_2459 = tpu.vector_load %arg6[%swap3A_2457, %swap3A_2458] {strides = array<i32>} : memref<8x224xf32, #tpu.memory_space<vmem>>, vector<16xf32>,
      tpu.vector_store %arg6[%swap3A_2457, %swap3A_2458], %gather3A_2455 {strides = array<i32>} : memref<8x224xf32, #tpu.memory_space<vmem>>, vector<16xf32>,
      %iota3A_2460 = tpu.iota {dimensions = array<i32: 0>} : vector<16xi32>
      %add3A_2461 = arith.constant 16 : i32
      %add3A_2462 = vector.broadcast %add3A_2461 : i32 to vector<16xi32>
      %add3A_2463 = arith.addi %iota3A_2460, %add3A_2462 : vector<16xi32>
      %jit3A_2464 = arith.constant -32 : i32
      %jit3A_2465 = arith.constant 32 : i32
      %max3A_2466 = vector.broadcast %jit3A_2464 : i32 to vector<16xi32>
      %max3A_2467 = arith.maxsi %max3A_2466, %add3A_2463 : vector<16xi32>
      %min3A_2468 = vector.broadcast %jit3A_2465 : i32 to vector<16xi32>
      %min3A_2469 = arith.minsi %min3A_2468, %max3A_2467 : vector<16xi32>
      %add3A_2470 = arith.constant 32 : i32
      %add3A_2471 = vector.broadcast %add3A_2470 : i32 to vector<16xi32>
      %add3A_2472 = arith.addi %min3A_2469, %add3A_2471 : vector<16xi32>
      %gather3A_2473 = tpu.vector_load_idx %arg5[%add3A_2472, %add3A_2315] : memref<65x96xf32, #tpu.memory_space<vmem>>[vector<16xi32>, vector<16xi32>], vector<16xf32>,
      %swap3A_2474 = arith.constant 4 : i32
      %swap3A_2475 = arith.index_cast %swap3A_2474 : i32 to index
      %swap3A_2476 = arith.constant 128 : index
      %swap3A_2477 = tpu.vector_load %arg6[%swap3A_2475, %swap3A_2476] {strides = array<i32>} : memref<8x224xf32, #tpu.memory_space<vmem>>, vector<16xf32>,
      tpu.vector_store %arg6[%swap3A_2475, %swap3A_2476], %gather3A_2473 {strides = array<i32>} : memref<8x224xf32, #tpu.memory_space<vmem>>, vector<16xf32>,
      %iota3A_2478 = tpu.iota {dimensions = array<i32: 0>} : vector<16xi32>
      %add3A_2479 = arith.constant 32 : i32
      %add3A_2480 = vector.broadcast %add3A_2479 : i32 to vector<16xi32>
      %add3A_2481 = arith.addi %iota3A_2478, %add3A_2480 : vector<16xi32>
      %jit3A_2482 = arith.constant -32 : i32
      %jit3A_2483 = arith.constant 32 : i32
      %max3A_2484 = vector.broadcast %jit3A_2482 : i32 to vector<16xi32>
      %max3A_2485 = arith.maxsi %max3A_2484, %add3A_2481 : vector<16xi32>
      %min3A_2486 = vector.broadcast %jit3A_2483 : i32 to vector<16xi32>
      %min3A_2487 = arith.minsi %min3A_2486, %max3A_2485 : vector<16xi32>
      %add3A_2488 = arith.constant 32 : i32
      %add3A_2489 = vector.broadcast %add3A_2488 : i32 to vector<16xi32>
      %add3A_2490 = arith.addi %min3A_2487, %add3A_2489 : vector<16xi32>
      %gather3A_2491 = tpu.vector_load_idx %arg5[%add3A_2490, %add3A_2315] : memref<65x96xf32, #tpu.memory_space<vmem>>[vector<16xi32>, vector<16xi32>], vector<16xf32>,
      %swap3A_2492 = arith.constant 4 : i32
      %swap3A_2493 = arith.index_cast %swap3A_2492 : i32 to index
      %swap3A_2494 = arith.constant 144 : index
      %swap3A_2495 = tpu.vector_load %arg6[%swap3A_2493, %swap3A_2494] {strides = array<i32>} : memref<8x224xf32, #tpu.memory_space<vmem>>, vector<16xf32>,
      tpu.vector_store %arg6[%swap3A_2493, %swap3A_2494], %gather3A_2491 {strides = array<i32>} : memref<8x224xf32, #tpu.memory_space<vmem>>, vector<16xf32>,
      %iota3A_2496 = tpu.iota {dimensions = array<i32: 0>} : vector<16xi32>
      %add3A_2497 = arith.constant 48 : i32
      %add3A_2498 = vector.broadcast %add3A_2497 : i32 to vector<16xi32>
      %add3A_2499 = arith.addi %iota3A_2496, %add3A_2498 : vector<16xi32>
      %jit3A_2500 = arith.constant -32 : i32
      %jit3A_2501 = arith.constant 32 : i32
      %max3A_2502 = vector.broadcast %jit3A_2500 : i32 to vector<16xi32>
      %max3A_2503 = arith.maxsi %max3A_2502, %add3A_2499 : vector<16xi32>
      %min3A_2504 = vector.broadcast %jit3A_2501 : i32 to vector<16xi32>
      %min3A_2505 = arith.minsi %min3A_2504, %max3A_2503 : vector<16xi32>
      %add3A_2506 = arith.constant 32 : i32
      %add3A_2507 = vector.broadcast %add3A_2506 : i32 to vector<16xi32>
      %add3A_2508 = arith.addi %min3A_2505, %add3A_2507 : vector<16xi32>
      %gather3A_2509 = tpu.vector_load_idx %arg5[%add3A_2508, %add3A_2315] : memref<65x96xf32, #tpu.memory_space<vmem>>[vector<16xi32>, vector<16xi32>], vector<16xf32>,
      %swap3A_2510 = arith.constant 4 : i32
      %swap3A_2511 = arith.index_cast %swap3A_2510 : i32 to index
      %swap3A_2512 = arith.constant 160 : index
      %swap3A_2513 = tpu.vector_load %arg6[%swap3A_2511, %swap3A_2512] {strides = array<i32>} : memref<8x224xf32, #tpu.memory_space<vmem>>, vector<16xf32>,
      tpu.vector_store %arg6[%swap3A_2511, %swap3A_2512], %gather3A_2509 {strides = array<i32>} : memref<8x224xf32, #tpu.memory_space<vmem>>, vector<16xf32>,
      %iota3A_2514 = tpu.iota {dimensions = array<i32: 0>} : vector<16xi32>
      %add3A_2515 = arith.constant 64 : i32
      %add3A_2516 = vector.broadcast %add3A_2515 : i32 to vector<16xi32>
      %add3A_2517 = arith.addi %iota3A_2514, %add3A_2516 : vector<16xi32>
      %jit3A_2518 = arith.constant -32 : i32
      %jit3A_2519 = arith.constant 32 : i32
      %max3A_2520 = vector.broadcast %jit3A_2518 : i32 to vector<16xi32>
      %max3A_2521 = arith.maxsi %max3A_2520, %add3A_2517 : vector<16xi32>
      %min3A_2522 = vector.broadcast %jit3A_2519 : i32 to vector<16xi32>
      %min3A_2523 = arith.minsi %min3A_2522, %max3A_2521 : vector<16xi32>
      %add3A_2524 = arith.constant 32 : i32
      %add3A_2525 = vector.broadcast %add3A_2524 : i32 to vector<16xi32>
      %add3A_2526 = arith.addi %min3A_2523, %add3A_2525 : vector<16xi32>
      %gather3A_2527 = tpu.vector_load_idx %arg5[%add3A_2526, %add3A_2315] : memref<65x96xf32, #tpu.memory_space<vmem>>[vector<16xi32>, vector<16xi32>], vector<16xf32>,
      %swap3A_2528 = arith.constant 4 : i32
      %swap3A_2529 = arith.index_cast %swap3A_2528 : i32 to index
      %swap3A_2530 = arith.constant 176 : index
      %swap3A_2531 = tpu.vector_load %arg6[%swap3A_2529, %swap3A_2530] {strides = array<i32>} : memref<8x224xf32, #tpu.memory_space<vmem>>, vector<16xf32>,
      tpu.vector_store %arg6[%swap3A_2529, %swap3A_2530], %gather3A_2527 {strides = array<i32>} : memref<8x224xf32, #tpu.memory_space<vmem>>, vector<16xf32>,
      %iota3A_2532 = tpu.iota {dimensions = array<i32: 0>} : vector<16xi32>
      %add3A_2533 = arith.constant 80 : i32
      %add3A_2534 = vector.broadcast %add3A_2533 : i32 to vector<16xi32>
      %add3A_2535 = arith.addi %iota3A_2532, %add3A_2534 : vector<16xi32>
      %jit3A_2536 = arith.constant -32 : i32
      %jit3A_2537 = arith.constant 32 : i32
      %max3A_2538 = vector.broadcast %jit3A_2536 : i32 to vector<16xi32>
      %max3A_2539 = arith.maxsi %max3A_2538, %add3A_2535 : vector<16xi32>
      %min3A_2540 = vector.broadcast %jit3A_2537 : i32 to vector<16xi32>
      %min3A_2541 = arith.minsi %min3A_2540, %max3A_2539 : vector<16xi32>
      %add3A_2542 = arith.constant 32 : i32
      %add3A_2543 = vector.broadcast %add3A_2542 : i32 to vector<16xi32>
      %add3A_2544 = arith.addi %min3A_2541, %add3A_2543 : vector<16xi32>
      %gather3A_2545 = tpu.vector_load_idx %arg5[%add3A_2544, %add3A_2315] : memref<65x96xf32, #tpu.memory_space<vmem>>[vector<16xi32>, vector<16xi32>], vector<16xf32>,
      %swap3A_2546 = arith.constant 4 : i32
      %swap3A_2547 = arith.index_cast %swap3A_2546 : i32 to index
      %swap3A_2548 = arith.constant 192 : index
      %swap3A_2549 = tpu.vector_load %arg6[%swap3A_2547, %swap3A_2548] {strides = array<i32>} : memref<8x224xf32, #tpu.memory_space<vmem>>, vector<16xf32>,
      tpu.vector_store %arg6[%swap3A_2547, %swap3A_2548], %gather3A_2545 {strides = array<i32>} : memref<8x224xf32, #tpu.memory_space<vmem>>, vector<16xf32>,
      %iota3A_2550 = tpu.iota {dimensions = array<i32: 0>} : vector<16xi32>
      %add3A_2551 = arith.constant 96 : i32
      %add3A_2552 = vector.broadcast %add3A_2551 : i32 to vector<16xi32>
      %add3A_2553 = arith.addi %iota3A_2550, %add3A_2552 : vector<16xi32>
      %jit3A_2554 = arith.constant -32 : i32
      %jit3A_2555 = arith.constant 32 : i32
      %max3A_2556 = vector.broadcast %jit3A_2554 : i32 to vector<16xi32>
      %max3A_2557 = arith.maxsi %max3A_2556, %add3A_2553 : vector<16xi32>
      %min3A_2558 = vector.broadcast %jit3A_2555 : i32 to vector<16xi32>
      %min3A_2559 = arith.minsi %min3A_2558, %max3A_2557 : vector<16xi32>
      %add3A_2560 = arith.constant 32 : i32
      %add3A_2561 = vector.broadcast %add3A_2560 : i32 to vector<16xi32>
      %add3A_2562 = arith.addi %min3A_2559, %add3A_2561 : vector<16xi32>
      %gather3A_2563 = tpu.vector_load_idx %arg5[%add3A_2562, %add3A_2315] : memref<65x96xf32, #tpu.memory_space<vmem>>[vector<16xi32>, vector<16xi32>], vector<16xf32>,
      %swap3A_2564 = arith.constant 4 : i32
      %swap3A_2565 = arith.index_cast %swap3A_2564 : i32 to index
      %swap3A_2566 = arith.constant 208 : index
      %swap3A_2567 = tpu.vector_load %arg6[%swap3A_2565, %swap3A_2566] {strides = array<i32>} : memref<8x224xf32, #tpu.memory_space<vmem>>, vector<16xf32>,
      tpu.vector_store %arg6[%swap3A_2565, %swap3A_2566], %gather3A_2563 {strides = array<i32>} : memref<8x224xf32, #tpu.memory_space<vmem>>, vector<16xf32>,
      %iota3A_2568 = tpu.iota {dimensions = array<i32: 0>} : vector<16xi32>
      %add3A_2569 = arith.constant -112 : i32
      %add3A_2570 = vector.broadcast %add3A_2569 : i32 to vector<16xi32>
      %add3A_2571 = arith.addi %iota3A_2568, %add3A_2570 : vector<16xi32>
      %jit3A_2572 = arith.constant -32 : i32
      %jit3A_2573 = arith.constant 32 : i32
      %max3A_2574 = vector.broadcast %jit3A_2572 : i32 to vector<16xi32>
      %max3A_2575 = arith.maxsi %max3A_2574, %add3A_2571 : vector<16xi32>
      %min3A_2576 = vector.broadcast %jit3A_2573 : i32 to vector<16xi32>
      %min3A_2577 = arith.minsi %min3A_2576, %max3A_2575 : vector<16xi32>
      %add3A_2578 = arith.constant 32 : i32
      %add3A_2579 = vector.broadcast %add3A_2578 : i32 to vector<16xi32>
      %add3A_2580 = arith.addi %min3A_2577, %add3A_2579 : vector<16xi32>
      %gather3A_2581 = tpu.vector_load_idx %arg5[%add3A_2580, %add3A_2315] : memref<65x96xf32, #tpu.memory_space<vmem>>[vector<16xi32>, vector<16xi32>], vector<16xf32>,
      %swap3A_2582 = arith.constant 0 : i32
      %swap3A_2583 = arith.constant 4 : i32
      %swap3A_2584 = arith.index_cast %swap3A_2582 : i32 to index
      %swap3A_2585 = arith.index_cast %swap3A_2583 : i32 to index
      %swap3A_2586 = arith.constant 0 : index
      %swap3A_2587 = tpu.vector_load %arg7[%swap3A_2584, %swap3A_2585, %swap3A_2586] {strides = array<i32>} : memref<4x8x64xf32, #tpu.memory_space<vmem>>, vector<16xf32>,
      tpu.vector_store %arg7[%swap3A_2584, %swap3A_2585, %swap3A_2586], %gather3A_2581 {strides = array<i32>} : memref<4x8x64xf32, #tpu.memory_space<vmem>>, vector<16xf32>,
      %iota3A_2588 = tpu.iota {dimensions = array<i32: 0>} : vector<16xi32>
      %add3A_2589 = arith.constant -96 : i32
      %add3A_2590 = vector.broadcast %add3A_2589 : i32 to vector<16xi32>
      %add3A_2591 = arith.addi %iota3A_2588, %add3A_2590 : vector<16xi32>
      %jit3A_2592 = arith.constant -32 : i32
      %jit3A_2593 = arith.constant 32 : i32
      %max3A_2594 = vector.broadcast %jit3A_2592 : i32 to vector<16xi32>
      %max3A_2595 = arith.maxsi %max3A_2594, %add3A_2591 : vector<16xi32>
      %min3A_2596 = vector.broadcast %jit3A_2593 : i32 to vector<16xi32>
      %min3A_2597 = arith.minsi %min3A_2596, %max3A_2595 : vector<16xi32>
      %add3A_2598 = arith.constant 32 : i32
      %add3A_2599 = vector.broadcast %add3A_2598 : i32 to vector<16xi32>
      %add3A_2600 = arith.addi %min3A_2597, %add3A_2599 : vector<16xi32>
      %gather3A_2601 = tpu.vector_load_idx %arg5[%add3A_2600, %add3A_2315] : memref<65x96xf32, #tpu.memory_space<vmem>>[vector<16xi32>, vector<16xi32>], vector<16xf32>,
      %swap3A_2602 = arith.constant 0 : i32
      %swap3A_2603 = arith.constant 4 : i32
      %swap3A_2604 = arith.index_cast %swap3A_2602 : i32 to index
      %swap3A_2605 = arith.index_cast %swap3A_2603 : i32 to index
      %swap3A_2606 = arith.constant 16 : index
      %swap3A_2607 = tpu.vector_load %arg7[%swap3A_2604, %swap3A_2605, %swap3A_2606] {strides = array<i32>} : memref<4x8x64xf32, #tpu.memory_space<vmem>>, vector<16xf32>,
      tpu.vector_store %arg7[%swap3A_2604, %swap3A_2605, %swap3A_2606], %gather3A_2601 {strides = array<i32>} : memref<4x8x64xf32, #tpu.memory_space<vmem>>, vector<16xf32>,
      %iota3A_2608 = tpu.iota {dimensions = array<i32: 0>} : vector<16xi32>
      %add3A_2609 = arith.constant -80 : i32
      %add3A_2610 = vector.broadcast %add3A_2609 : i32 to vector<16xi32>
      %add3A_2611 = arith.addi %iota3A_2608, %add3A_2610 : vector<16xi32>
      %jit3A_2612 = arith.constant -32 : i32
      %jit3A_2613 = arith.constant 32 : i32
      %max3A_2614 = vector.broadcast %jit3A_2612 : i32 to vector<16xi32>
      %max3A_2615 = arith.maxsi %max3A_2614, %add3A_2611 : vector<16xi32>
      %min3A_2616 = vector.broadcast %jit3A_2613 : i32 to vector<16xi32>
      %min3A_2617 = arith.minsi %min3A_2616, %max3A_2615 : vector<16xi32>
      %add3A_2618 = arith.constant 32 : i32
      %add3A_2619 = vector.broadcast %add3A_2618 : i32 to vector<16xi32>
      %add3A_2620 = arith.addi %min3A_2617, %add3A_2619 : vector<16xi32>
      %gather3A_2621 = tpu.vector_load_idx %arg5[%add3A_2620, %add3A_2315] : memref<65x96xf32, #tpu.memory_space<vmem>>[vector<16xi32>, vector<16xi32>], vector<16xf32>,
      %swap3A_2622 = arith.constant 0 : i32
      %swap3A_2623 = arith.constant 4 : i32
      %swap3A_2624 = arith.index_cast %swap3A_2622 : i32 to index
      %swap3A_2625 = arith.index_cast %swap3A_2623 : i32 to index
      %swap3A_2626 = arith.constant 32 : index
      %swap3A_2627 = tpu.vector_load %arg7[%swap3A_2624, %swap3A_2625, %swap3A_2626] {strides = array<i32>} : memref<4x8x64xf32, #tpu.memory_space<vmem>>, vector<16xf32>,
      tpu.vector_store %arg7[%swap3A_2624, %swap3A_2625, %swap3A_2626], %gather3A_2621 {strides = array<i32>} : memref<4x8x64xf32, #tpu.memory_space<vmem>>, vector<16xf32>,
      %iota3A_2628 = tpu.iota {dimensions = array<i32: 0>} : vector<16xi32>
      %add3A_2629 = arith.constant -64 : i32
      %add3A_2630 = vector.broadcast %add3A_2629 : i32 to vector<16xi32>
      %add3A_2631 = arith.addi %iota3A_2628, %add3A_2630 : vector<16xi32>
      %jit3A_2632 = arith.constant -32 : i32
      %jit3A_2633 = arith.constant 32 : i32
      %max3A_2634 = vector.broadcast %jit3A_2632 : i32 to vector<16xi32>
      %max3A_2635 = arith.maxsi %max3A_2634, %add3A_2631 : vector<16xi32>
      %min3A_2636 = vector.broadcast %jit3A_2633 : i32 to vector<16xi32>
      %min3A_2637 = arith.minsi %min3A_2636, %max3A_2635 : vector<16xi32>
      %add3A_2638 = arith.constant 32 : i32
      %add3A_2639 = vector.broadcast %add3A_2638 : i32 to vector<16xi32>
      %add3A_2640 = arith.addi %min3A_2637, %add3A_2639 : vector<16xi32>
      %gather3A_2641 = tpu.vector_load_idx %arg5[%add3A_2640, %add3A_2315] : memref<65x96xf32, #tpu.memory_space<vmem>>[vector<16xi32>, vector<16xi32>], vector<16xf32>,
      %swap3A_2642 = arith.constant 0 : i32
      %swap3A_2643 = arith.constant 4 : i32
      %swap3A_2644 = arith.index_cast %swap3A_2642 : i32 to index
      %swap3A_2645 = arith.index_cast %swap3A_2643 : i32 to index
      %swap3A_2646 = arith.constant 48 : index
      %swap3A_2647 = tpu.vector_load %arg7[%swap3A_2644, %swap3A_2645, %swap3A_2646] {strides = array<i32>} : memref<4x8x64xf32, #tpu.memory_space<vmem>>, vector<16xf32>,
      tpu.vector_store %arg7[%swap3A_2644, %swap3A_2645, %swap3A_2646], %gather3A_2641 {strides = array<i32>} : memref<4x8x64xf32, #tpu.memory_space<vmem>>, vector<16xf32>,
      %iota3A_2648 = tpu.iota {dimensions = array<i32: 0>} : vector<16xi32>
      %add3A_2649 = arith.constant -56 : i32
      %add3A_2650 = vector.broadcast %add3A_2649 : i32 to vector<16xi32>
      %add3A_2651 = arith.addi %iota3A_2648, %add3A_2650 : vector<16xi32>
      %jit3A_2652 = arith.constant -32 : i32
      %jit3A_2653 = arith.constant 32 : i32
      %max3A_2654 = vector.broadcast %jit3A_2652 : i32 to vector<16xi32>
      %max3A_2655 = arith.maxsi %max3A_2654, %add3A_2651 : vector<16xi32>
      %min3A_2656 = vector.broadcast %jit3A_2653 : i32 to vector<16xi32>
      %min3A_2657 = arith.minsi %min3A_2656, %max3A_2655 : vector<16xi32>
      %add3A_2658 = arith.constant 32 : i32
      %add3A_2659 = vector.broadcast %add3A_2658 : i32 to vector<16xi32>
      %add3A_2660 = arith.addi %min3A_2657, %add3A_2659 : vector<16xi32>
      %gather3A_2661 = tpu.vector_load_idx %arg5[%add3A_2660, %add3A_2315] : memref<65x96xf32, #tpu.memory_space<vmem>>[vector<16xi32>, vector<16xi32>], vector<16xf32>,
      %swap3A_2662 = arith.constant 1 : i32
      %swap3A_2663 = arith.constant 4 : i32
      %swap3A_2664 = arith.index_cast %swap3A_2662 : i32 to index
      %swap3A_2665 = arith.index_cast %swap3A_2663 : i32 to index
      %swap3A_2666 = arith.constant 0 : index
      %swap3A_2667 = tpu.vector_load %arg7[%swap3A_2664, %swap3A_2665, %swap3A_2666] {strides = array<i32>} : memref<4x8x64xf32, #tpu.memory_space<vmem>>, vector<16xf32>,
      tpu.vector_store %arg7[%swap3A_2664, %swap3A_2665, %swap3A_2666], %gather3A_2661 {strides = array<i32>} : memref<4x8x64xf32, #tpu.memory_space<vmem>>, vector<16xf32>,
      %iota3A_2668 = tpu.iota {dimensions = array<i32: 0>} : vector<16xi32>
      %add3A_2669 = arith.constant -40 : i32
      %add3A_2670 = vector.broadcast %add3A_2669 : i32 to vector<16xi32>
      %add3A_2671 = arith.addi %iota3A_2668, %add3A_2670 : vector<16xi32>
      %jit3A_2672 = arith.constant -32 : i32
      %jit3A_2673 = arith.constant 32 : i32
      %max3A_2674 = vector.broadcast %jit3A_2672 : i32 to vector<16xi32>
      %max3A_2675 = arith.maxsi %max3A_2674, %add3A_2671 : vector<16xi32>
      %min3A_2676 = vector.broadcast %jit3A_2673 : i32 to vector<16xi32>
      %min3A_2677 = arith.minsi %min3A_2676, %max3A_2675 : vector<16xi32>
      %add3A_2678 = arith.constant 32 : i32
      %add3A_2679 = vector.broadcast %add3A_2678 : i32 to vector<16xi32>
      %add3A_2680 = arith.addi %min3A_2677, %add3A_2679 : vector<16xi32>
      %gather3A_2681 = tpu.vector_load_idx %arg5[%add3A_2680, %add3A_2315] : memref<65x96xf32, #tpu.memory_space<vmem>>[vector<16xi32>, vector<16xi32>], vector<16xf32>,
      %swap3A_2682 = arith.constant 1 : i32
      %swap3A_2683 = arith.constant 4 : i32
      %swap3A_2684 = arith.index_cast %swap3A_2682 : i32 to index
      %swap3A_2685 = arith.index_cast %swap3A_2683 : i32 to index
      %swap3A_2686 = arith.constant 16 : index
      %swap3A_2687 = tpu.vector_load %arg7[%swap3A_2684, %swap3A_2685, %swap3A_2686] {strides = array<i32>} : memref<4x8x64xf32, #tpu.memory_space<vmem>>, vector<16xf32>,
      tpu.vector_store %arg7[%swap3A_2684, %swap3A_2685, %swap3A_2686], %gather3A_2681 {strides = array<i32>} : memref<4x8x64xf32, #tpu.memory_space<vmem>>, vector<16xf32>,
      %iota3A_2688 = tpu.iota {dimensions = array<i32: 0>} : vector<16xi32>
      %add3A_2689 = arith.constant -24 : i32
      %add3A_2690 = vector.broadcast %add3A_2689 : i32 to vector<16xi32>
      %add3A_2691 = arith.addi %iota3A_2688, %add3A_2690 : vector<16xi32>
      %jit3A_2692 = arith.constant -32 : i32
      %jit3A_2693 = arith.constant 32 : i32
      %max3A_2694 = vector.broadcast %jit3A_2692 : i32 to vector<16xi32>
      %max3A_2695 = arith.maxsi %max3A_2694, %add3A_2691 : vector<16xi32>
      %min3A_2696 = vector.broadcast %jit3A_2693 : i32 to vector<16xi32>
      %min3A_2697 = arith.minsi %min3A_2696, %max3A_2695 : vector<16xi32>
      %add3A_2698 = arith.constant 32 : i32
      %add3A_2699 = vector.broadcast %add3A_2698 : i32 to vector<16xi32>
      %add3A_2700 = arith.addi %min3A_2697, %add3A_2699 : vector<16xi32>
      %gather3A_2701 = tpu.vector_load_idx %arg5[%add3A_2700, %add3A_2315] : memref<65x96xf32, #tpu.memory_space<vmem>>[vector<16xi32>, vector<16xi32>], vector<16xf32>,
      %swap3A_2702 = arith.constant 1 : i32
      %swap3A_2703 = arith.constant 4 : i32
      %swap3A_2704 = arith.index_cast %swap3A_2702 : i32 to index
      %swap3A_2705 = arith.index_cast %swap3A_2703 : i32 to index
      %swap3A_2706 = arith.constant 32 : index
      %swap3A_2707 = tpu.vector_load %arg7[%swap3A_2704, %swap3A_2705, %swap3A_2706] {strides = array<i32>} : memref<4x8x64xf32, #tpu.memory_space<vmem>>, vector<16xf32>,
      tpu.vector_store %arg7[%swap3A_2704, %swap3A_2705, %swap3A_2706], %gather3A_2701 {strides = array<i32>} : memref<4x8x64xf32, #tpu.memory_space<vmem>>, vector<16xf32>,
      %iota3A_2708 = tpu.iota {dimensions = array<i32: 0>} : vector<16xi32>
      %add3A_2709 = arith.constant -8 : i32
      %add3A_2710 = vector.broadcast %add3A_2709 : i32 to vector<16xi32>
      %add3A_2711 = arith.addi %iota3A_2708, %add3A_2710 : vector<16xi32>
      %jit3A_2712 = arith.constant -32 : i32
      %jit3A_2713 = arith.constant 32 : i32
      %max3A_2714 = vector.broadcast %jit3A_2712 : i32 to vector<16xi32>
      %max3A_2715 = arith.maxsi %max3A_2714, %add3A_2711 : vector<16xi32>
      %min3A_2716 = vector.broadcast %jit3A_2713 : i32 to vector<16xi32>
      %min3A_2717 = arith.minsi %min3A_2716, %max3A_2715 : vector<16xi32>
      %add3A_2718 = arith.constant 32 : i32
      %add3A_2719 = vector.broadcast %add3A_2718 : i32 to vector<16xi32>
      %add3A_2720 = arith.addi %min3A_2717, %add3A_2719 : vector<16xi32>
      %gather3A_2721 = tpu.vector_load_idx %arg5[%add3A_2720, %add3A_2315] : memref<65x96xf32, #tpu.memory_space<vmem>>[vector<16xi32>, vector<16xi32>], vector<16xf32>,
      %swap3A_2722 = arith.constant 1 : i32
      %swap3A_2723 = arith.constant 4 : i32
      %swap3A_2724 = arith.index_cast %swap3A_2722 : i32 to index
      %swap3A_2725 = arith.index_cast %swap3A_2723 : i32 to index
      %swap3A_2726 = arith.constant 48 : index
      %swap3A_2727 = tpu.vector_load %arg7[%swap3A_2724, %swap3A_2725, %swap3A_2726] {strides = array<i32>} : memref<4x8x64xf32, #tpu.memory_space<vmem>>, vector<16xf32>,
      tpu.vector_store %arg7[%swap3A_2724, %swap3A_2725, %swap3A_2726], %gather3A_2721 {strides = array<i32>} : memref<4x8x64xf32, #tpu.memory_space<vmem>>, vector<16xf32>,
      %iota3A_2728 = tpu.iota {dimensions = array<i32: 0>} : vector<16xi32>
      %add3A_2729 = arith.constant 0 : i32
      %add3A_2730 = vector.broadcast %add3A_2729 : i32 to vector<16xi32>
      %add3A_2731 = arith.addi %iota3A_2728, %add3A_2730 : vector<16xi32>
      %jit3A_2732 = arith.constant -32 : i32
      %jit3A_2733 = arith.constant 32 : i32
      %max3A_2734 = vector.broadcast %jit3A_2732 : i32 to vector<16xi32>
      %max3A_2735 = arith.maxsi %max3A_2734, %add3A_2731 : vector<16xi32>
      %min3A_2736 = vector.broadcast %jit3A_2733 : i32 to vector<16xi32>
      %min3A_2737 = arith.minsi %min3A_2736, %max3A_2735 : vector<16xi32>
      %add3A_2738 = arith.constant 32 : i32
      %add3A_2739 = vector.broadcast %add3A_2738 : i32 to vector<16xi32>
      %add3A_2740 = arith.addi %min3A_2737, %add3A_2739 : vector<16xi32>
      %gather3A_2741 = tpu.vector_load_idx %arg5[%add3A_2740, %add3A_2315] : memref<65x96xf32, #tpu.memory_space<vmem>>[vector<16xi32>, vector<16xi32>], vector<16xf32>,
      %swap3A_2742 = arith.constant 2 : i32
      %swap3A_2743 = arith.constant 4 : i32
      %swap3A_2744 = arith.index_cast %swap3A_2742 : i32 to index
      %swap3A_2745 = arith.index_cast %swap3A_2743 : i32 to index
      %swap3A_2746 = arith.constant 0 : index
      %swap3A_2747 = tpu.vector_load %arg7[%swap3A_2744, %swap3A_2745, %swap3A_2746] {strides = array<i32>} : memref<4x8x64xf32, #tpu.memory_space<vmem>>, vector<16xf32>,
      tpu.vector_store %arg7[%swap3A_2744, %swap3A_2745, %swap3A_2746], %gather3A_2741 {strides = array<i32>} : memref<4x8x64xf32, #tpu.memory_space<vmem>>, vector<16xf32>,
      %iota3A_2748 = tpu.iota {dimensions = array<i32: 0>} : vector<16xi32>
      %add3A_2749 = arith.constant 16 : i32
      %add3A_2750 = vector.broadcast %add3A_2749 : i32 to vector<16xi32>
      %add3A_2751 = arith.addi %iota3A_2748, %add3A_2750 : vector<16xi32>
      %jit3A_2752 = arith.constant -32 : i32
      %jit3A_2753 = arith.constant 32 : i32
      %max3A_2754 = vector.broadcast %jit3A_2752 : i32 to vector<16xi32>
      %max3A_2755 = arith.maxsi %max3A_2754, %add3A_2751 : vector<16xi32>
      %min3A_2756 = vector.broadcast %jit3A_2753 : i32 to vector<16xi32>
      %min3A_2757 = arith.minsi %min3A_2756, %max3A_2755 : vector<16xi32>
      %add3A_2758 = arith.constant 32 : i32
      %add3A_2759 = vector.broadcast %add3A_2758 : i32 to vector<16xi32>
      %add3A_2760 = arith.addi %min3A_2757, %add3A_2759 : vector<16xi32>
      %gather3A_2761 = tpu.vector_load_idx %arg5[%add3A_2760, %add3A_2315] : memref<65x96xf32, #tpu.memory_space<vmem>>[vector<16xi32>, vector<16xi32>], vector<16xf32>,
      %swap3A_2762 = arith.constant 2 : i32
      %swap3A_2763 = arith.constant 4 : i32
      %swap3A_2764 = arith.index_cast %swap3A_2762 : i32 to index
      %swap3A_2765 = arith.index_cast %swap3A_2763 : i32 to index
      %swap3A_2766 = arith.constant 16 : index
      %swap3A_2767 = tpu.vector_load %arg7[%swap3A_2764, %swap3A_2765, %swap3A_2766] {strides = array<i32>} : memref<4x8x64xf32, #tpu.memory_space<vmem>>, vector<16xf32>,
      tpu.vector_store %arg7[%swap3A_2764, %swap3A_2765, %swap3A_2766], %gather3A_2761 {strides = array<i32>} : memref<4x8x64xf32, #tpu.memory_space<vmem>>, vector<16xf32>,
      %iota3A_2768 = tpu.iota {dimensions = array<i32: 0>} : vector<16xi32>
      %add3A_2769 = arith.constant 32 : i32
      %add3A_2770 = vector.broadcast %add3A_2769 : i32 to vector<16xi32>
      %add3A_2771 = arith.addi %iota3A_2768, %add3A_2770 : vector<16xi32>
      %jit3A_2772 = arith.constant -32 : i32
      %jit3A_2773 = arith.constant 32 : i32
      %max3A_2774 = vector.broadcast %jit3A_2772 : i32 to vector<16xi32>
      %max3A_2775 = arith.maxsi %max3A_2774, %add3A_2771 : vector<16xi32>
      %min3A_2776 = vector.broadcast %jit3A_2773 : i32 to vector<16xi32>
      %min3A_2777 = arith.minsi %min3A_2776, %max3A_2775 : vector<16xi32>
      %add3A_2778 = arith.constant 32 : i32
      %add3A_2779 = vector.broadcast %add3A_2778 : i32 to vector<16xi32>
      %add3A_2780 = arith.addi %min3A_2777, %add3A_2779 : vector<16xi32>
      %gather3A_2781 = tpu.vector_load_idx %arg5[%add3A_2780, %add3A_2315] : memref<65x96xf32, #tpu.memory_space<vmem>>[vector<16xi32>, vector<16xi32>], vector<16xf32>,
      %swap3A_2782 = arith.constant 2 : i32
      %swap3A_2783 = arith.constant 4 : i32
      %swap3A_2784 = arith.index_cast %swap3A_2782 : i32 to index
      %swap3A_2785 = arith.index_cast %swap3A_2783 : i32 to index
      %swap3A_2786 = arith.constant 32 : index
      %swap3A_2787 = tpu.vector_load %arg7[%swap3A_2784, %swap3A_2785, %swap3A_2786] {strides = array<i32>} : memref<4x8x64xf32, #tpu.memory_space<vmem>>, vector<16xf32>,
      tpu.vector_store %arg7[%swap3A_2784, %swap3A_2785, %swap3A_2786], %gather3A_2781 {strides = array<i32>} : memref<4x8x64xf32, #tpu.memory_space<vmem>>, vector<16xf32>,
      %iota3A_2788 = tpu.iota {dimensions = array<i32: 0>} : vector<16xi32>
      %add3A_2789 = arith.constant 48 : i32
      %add3A_2790 = vector.broadcast %add3A_2789 : i32 to vector<16xi32>
      %add3A_2791 = arith.addi %iota3A_2788, %add3A_2790 : vector<16xi32>
      %jit3A_2792 = arith.constant -32 : i32
      %jit3A_2793 = arith.constant 32 : i32
      %max3A_2794 = vector.broadcast %jit3A_2792 : i32 to vector<16xi32>
      %max3A_2795 = arith.maxsi %max3A_2794, %add3A_2791 : vector<16xi32>
      %min3A_2796 = vector.broadcast %jit3A_2793 : i32 to vector<16xi32>
      %min3A_2797 = arith.minsi %min3A_2796, %max3A_2795 : vector<16xi32>
      %add3A_2798 = arith.constant 32 : i32
      %add3A_2799 = vector.broadcast %add3A_2798 : i32 to vector<16xi32>
      %add3A_2800 = arith.addi %min3A_2797, %add3A_2799 : vector<16xi32>
      %gather3A_2801 = tpu.vector_load_idx %arg5[%add3A_2800, %add3A_2315] : memref<65x96xf32, #tpu.memory_space<vmem>>[vector<16xi32>, vector<16xi32>], vector<16xf32>,
      %swap3A_2802 = arith.constant 2 : i32
      %swap3A_2803 = arith.constant 4 : i32
      %swap3A_2804 = arith.index_cast %swap3A_2802 : i32 to index
      %swap3A_2805 = arith.index_cast %swap3A_2803 : i32 to index
      %swap3A_2806 = arith.constant 48 : index
      %swap3A_2807 = tpu.vector_load %arg7[%swap3A_2804, %swap3A_2805, %swap3A_2806] {strides = array<i32>} : memref<4x8x64xf32, #tpu.memory_space<vmem>>, vector<16xf32>,
      tpu.vector_store %arg7[%swap3A_2804, %swap3A_2805, %swap3A_2806], %gather3A_2801 {strides = array<i32>} : memref<4x8x64xf32, #tpu.memory_space<vmem>>, vector<16xf32>,
      %iota3A_2808 = tpu.iota {dimensions = array<i32: 0>} : vector<16xi32>
      %add3A_2809 = arith.constant 56 : i32
      %add3A_2810 = vector.broadcast %add3A_2809 : i32 to vector<16xi32>
      %add3A_2811 = arith.addi %iota3A_2808, %add3A_2810 : vector<16xi32>
      %jit3A_2812 = arith.constant -32 : i32
      %jit3A_2813 = arith.constant 32 : i32
      %max3A_2814 = vector.broadcast %jit3A_2812 : i32 to vector<16xi32>
      %max3A_2815 = arith.maxsi %max3A_2814, %add3A_2811 : vector<16xi32>
      %min3A_2816 = vector.broadcast %jit3A_2813 : i32 to vector<16xi32>
      %min3A_2817 = arith.minsi %min3A_2816, %max3A_2815 : vector<16xi32>
      %add3A_2818 = arith.constant 32 : i32
      %add3A_2819 = vector.broadcast %add3A_2818 : i32 to vector<16xi32>
      %add3A_2820 = arith.addi %min3A_2817, %add3A_2819 : vector<16xi32>
      %gather3A_2821 = tpu.vector_load_idx %arg5[%add3A_2820, %add3A_2315] : memref<65x96xf32, #tpu.memory_space<vmem>>[vector<16xi32>, vector<16xi32>], vector<16xf32>,
      %swap3A_2822 = arith.constant 3 : i32
      %swap3A_2823 = arith.constant 4 : i32
      %swap3A_2824 = arith.index_cast %swap3A_2822 : i32 to index
      %swap3A_2825 = arith.index_cast %swap3A_2823 : i32 to index
      %swap3A_2826 = arith.constant 0 : index
      %swap3A_2827 = tpu.vector_load %arg7[%swap3A_2824, %swap3A_2825, %swap3A_2826] {strides = array<i32>} : memref<4x8x64xf32, #tpu.memory_space<vmem>>, vector<16xf32>,
      tpu.vector_store %arg7[%swap3A_2824, %swap3A_2825, %swap3A_2826], %gather3A_2821 {strides = array<i32>} : memref<4x8x64xf32, #tpu.memory_space<vmem>>, vector<16xf32>,
      %iota3A_2828 = tpu.iota {dimensions = array<i32: 0>} : vector<16xi32>
      %add3A_2829 = arith.constant 72 : i32
      %add3A_2830 = vector.broadcast %add3A_2829 : i32 to vector<16xi32>
      %add3A_2831 = arith.addi %iota3A_2828, %add3A_2830 : vector<16xi32>
      %jit3A_2832 = arith.constant -32 : i32
      %jit3A_2833 = arith.constant 32 : i32
      %max3A_2834 = vector.broadcast %jit3A_2832 : i32 to vector<16xi32>
      %max3A_2835 = arith.maxsi %max3A_2834, %add3A_2831 : vector<16xi32>
      %min3A_2836 = vector.broadcast %jit3A_2833 : i32 to vector<16xi32>
      %min3A_2837 = arith.minsi %min3A_2836, %max3A_2835 : vector<16xi32>
      %add3A_2838 = arith.constant 32 : i32
      %add3A_2839 = vector.broadcast %add3A_2838 : i32 to vector<16xi32>
      %add3A_2840 = arith.addi %min3A_2837, %add3A_2839 : vector<16xi32>
      %gather3A_2841 = tpu.vector_load_idx %arg5[%add3A_2840, %add3A_2315] : memref<65x96xf32, #tpu.memory_space<vmem>>[vector<16xi32>, vector<16xi32>], vector<16xf32>,
      %swap3A_2842 = arith.constant 3 : i32
      %swap3A_2843 = arith.constant 4 : i32
      %swap3A_2844 = arith.index_cast %swap3A_2842 : i32 to index
      %swap3A_2845 = arith.index_cast %swap3A_2843 : i32 to index
      %swap3A_2846 = arith.constant 16 : index
      %swap3A_2847 = tpu.vector_load %arg7[%swap3A_2844, %swap3A_2845, %swap3A_2846] {strides = array<i32>} : memref<4x8x64xf32, #tpu.memory_space<vmem>>, vector<16xf32>,
      tpu.vector_store %arg7[%swap3A_2844, %swap3A_2845, %swap3A_2846], %gather3A_2841 {strides = array<i32>} : memref<4x8x64xf32, #tpu.memory_space<vmem>>, vector<16xf32>,
      %iota3A_2848 = tpu.iota {dimensions = array<i32: 0>} : vector<16xi32>
      %add3A_2849 = arith.constant 88 : i32
      %add3A_2850 = vector.broadcast %add3A_2849 : i32 to vector<16xi32>
      %add3A_2851 = arith.addi %iota3A_2848, %add3A_2850 : vector<16xi32>
      %jit3A_2852 = arith.constant -32 : i32
      %jit3A_2853 = arith.constant 32 : i32
      %max3A_2854 = vector.broadcast %jit3A_2852 : i32 to vector<16xi32>
      %max3A_2855 = arith.maxsi %max3A_2854, %add3A_2851 : vector<16xi32>
      %min3A_2856 = vector.broadcast %jit3A_2853 : i32 to vector<16xi32>
      %min3A_2857 = arith.minsi %min3A_2856, %max3A_2855 : vector<16xi32>
      %add3A_2858 = arith.constant 32 : i32
      %add3A_2859 = vector.broadcast %add3A_2858 : i32 to vector<16xi32>
      %add3A_2860 = arith.addi %min3A_2857, %add3A_2859 : vector<16xi32>
      %gather3A_2861 = tpu.vector_load_idx %arg5[%add3A_2860, %add3A_2315] : memref<65x96xf32, #tpu.memory_space<vmem>>[vector<16xi32>, vector<16xi32>], vector<16xf32>,
      %swap3A_2862 = arith.constant 3 : i32
      %swap3A_2863 = arith.constant 4 : i32
      %swap3A_2864 = arith.index_cast %swap3A_2862 : i32 to index
      %swap3A_2865 = arith.index_cast %swap3A_2863 : i32 to index
      %swap3A_2866 = arith.constant 32 : index
      %swap3A_2867 = tpu.vector_load %arg7[%swap3A_2864, %swap3A_2865, %swap3A_2866] {strides = array<i32>} : memref<4x8x64xf32, #tpu.memory_space<vmem>>, vector<16xf32>,
      tpu.vector_store %arg7[%swap3A_2864, %swap3A_2865, %swap3A_2866], %gather3A_2861 {strides = array<i32>} : memref<4x8x64xf32, #tpu.memory_space<vmem>>, vector<16xf32>,
      %iota3A_2868 = tpu.iota {dimensions = array<i32: 0>} : vector<16xi32>
      %add3A_2869 = arith.constant 104 : i32
      %add3A_2870 = vector.broadcast %add3A_2869 : i32 to vector<16xi32>
      %add3A_2871 = arith.addi %iota3A_2868, %add3A_2870 : vector<16xi32>
      %jit3A_2872 = arith.constant -32 : i32
      %jit3A_2873 = arith.constant 32 : i32
      %max3A_2874 = vector.broadcast %jit3A_2872 : i32 to vector<16xi32>
      %max3A_2875 = arith.maxsi %max3A_2874, %add3A_2871 : vector<16xi32>
      %min3A_2876 = vector.broadcast %jit3A_2873 : i32 to vector<16xi32>
      %min3A_2877 = arith.minsi %min3A_2876, %max3A_2875 : vector<16xi32>
      %add3A_2878 = arith.constant 32 : i32
      %add3A_2879 = vector.broadcast %add3A_2878 : i32 to vector<16xi32>
      %add3A_2880 = arith.addi %min3A_2877, %add3A_2879 : vector<16xi32>
      %gather3A_2881 = tpu.vector_load_idx %arg5[%add3A_2880, %add3A_2315] : memref<65x96xf32, #tpu.memory_space<vmem>>[vector<16xi32>, vector<16xi32>], vector<16xf32>,
      %swap3A_2882 = arith.constant 3 : i32
      %swap3A_2883 = arith.constant 4 : i32
      %swap3A_2884 = arith.index_cast %swap3A_2882 : i32 to index
      %swap3A_2885 = arith.index_cast %swap3A_2883 : i32 to index
      %swap3A_2886 = arith.constant 48 : index
      %swap3A_2887 = tpu.vector_load %arg7[%swap3A_2884, %swap3A_2885, %swap3A_2886] {strides = array<i32>} : memref<4x8x64xf32, #tpu.memory_space<vmem>>, vector<16xf32>,
      tpu.vector_store %arg7[%swap3A_2884, %swap3A_2885, %swap3A_2886], %gather3A_2881 {strides = array<i32>} : memref<4x8x64xf32, #tpu.memory_space<vmem>>, vector<16xf32>,
      %broadcast_in_dim3A_2888 = arith.constant 0 : i32
      %broadcast_in_dim3A_2889 = vector.broadcast %broadcast_in_dim3A_2888 : i32 to vector<16xi32>
      %add3A_2890 = arith.constant 5 : i32
      %add3A_2891 = arith.addi %mul3A_2, %add3A_2890 : i32
      %add3A_2892 = vector.broadcast %add3A_2891 : i32 to vector<16xi32>
      %add3A_2893 = arith.addi %broadcast_in_dim3A_2889, %add3A_2892 : vector<16xi32>
      %iota3A_2894 = tpu.iota {dimensions = array<i32: 0>} : vector<16xi32>
      %add3A_2895 = arith.constant -112 : i32
      %add3A_2896 = vector.broadcast %add3A_2895 : i32 to vector<16xi32>
      %add3A_2897 = arith.addi %iota3A_2894, %add3A_2896 : vector<16xi32>
      %jit3A_2898 = arith.constant -32 : i32
      %jit3A_2899 = arith.constant 32 : i32
      %max3A_2900 = vector.broadcast %jit3A_2898 : i32 to vector<16xi32>
      %max3A_2901 = arith.maxsi %max3A_2900, %add3A_2897 : vector<16xi32>
      %min3A_2902 = vector.broadcast %jit3A_2899 : i32 to vector<16xi32>
      %min3A_2903 = arith.minsi %min3A_2902, %max3A_2901 : vector<16xi32>
      %add3A_2904 = arith.constant 32 : i32
      %add3A_2905 = vector.broadcast %add3A_2904 : i32 to vector<16xi32>
      %add3A_2906 = arith.addi %min3A_2903, %add3A_2905 : vector<16xi32>
      %gather3A_2907 = tpu.vector_load_idx %arg5[%add3A_2906, %add3A_2893] : memref<65x96xf32, #tpu.memory_space<vmem>>[vector<16xi32>, vector<16xi32>], vector<16xf32>,
      %swap3A_2908 = arith.constant 5 : i32
      %swap3A_2909 = arith.index_cast %swap3A_2908 : i32 to index
      %swap3A_2910 = arith.constant 0 : index
      %swap3A_2911 = tpu.vector_load %arg6[%swap3A_2909, %swap3A_2910] {strides = array<i32>} : memref<8x224xf32, #tpu.memory_space<vmem>>, vector<16xf32>,
      tpu.vector_store %arg6[%swap3A_2909, %swap3A_2910], %gather3A_2907 {strides = array<i32>} : memref<8x224xf32, #tpu.memory_space<vmem>>, vector<16xf32>,
      %iota3A_2912 = tpu.iota {dimensions = array<i32: 0>} : vector<16xi32>
      %add3A_2913 = arith.constant -96 : i32
      %add3A_2914 = vector.broadcast %add3A_2913 : i32 to vector<16xi32>
      %add3A_2915 = arith.addi %iota3A_2912, %add3A_2914 : vector<16xi32>
      %jit3A_2916 = arith.constant -32 : i32
      %jit3A_2917 = arith.constant 32 : i32
      %max3A_2918 = vector.broadcast %jit3A_2916 : i32 to vector<16xi32>
      %max3A_2919 = arith.maxsi %max3A_2918, %add3A_2915 : vector<16xi32>
      %min3A_2920 = vector.broadcast %jit3A_2917 : i32 to vector<16xi32>
      %min3A_2921 = arith.minsi %min3A_2920, %max3A_2919 : vector<16xi32>
      %add3A_2922 = arith.constant 32 : i32
      %add3A_2923 = vector.broadcast %add3A_2922 : i32 to vector<16xi32>
      %add3A_2924 = arith.addi %min3A_2921, %add3A_2923 : vector<16xi32>
      %gather3A_2925 = tpu.vector_load_idx %arg5[%add3A_2924, %add3A_2893] : memref<65x96xf32, #tpu.memory_space<vmem>>[vector<16xi32>, vector<16xi32>], vector<16xf32>,
      %swap3A_2926 = arith.constant 5 : i32
      %swap3A_2927 = arith.index_cast %swap3A_2926 : i32 to index
      %swap3A_2928 = arith.constant 16 : index
      %swap3A_2929 = tpu.vector_load %arg6[%swap3A_2927, %swap3A_2928] {strides = array<i32>} : memref<8x224xf32, #tpu.memory_space<vmem>>, vector<16xf32>,
      tpu.vector_store %arg6[%swap3A_2927, %swap3A_2928], %gather3A_2925 {strides = array<i32>} : memref<8x224xf32, #tpu.memory_space<vmem>>, vector<16xf32>,
      %iota3A_2930 = tpu.iota {dimensions = array<i32: 0>} : vector<16xi32>
      %add3A_2931 = arith.constant -80 : i32
      %add3A_2932 = vector.broadcast %add3A_2931 : i32 to vector<16xi32>
      %add3A_2933 = arith.addi %iota3A_2930, %add3A_2932 : vector<16xi32>
      %jit3A_2934 = arith.constant -32 : i32
      %jit3A_2935 = arith.constant 32 : i32
      %max3A_2936 = vector.broadcast %jit3A_2934 : i32 to vector<16xi32>
      %max3A_2937 = arith.maxsi %max3A_2936, %add3A_2933 : vector<16xi32>
      %min3A_2938 = vector.broadcast %jit3A_2935 : i32 to vector<16xi32>
      %min3A_2939 = arith.minsi %min3A_2938, %max3A_2937 : vector<16xi32>
      %add3A_2940 = arith.constant 32 : i32
      %add3A_2941 = vector.broadcast %add3A_2940 : i32 to vector<16xi32>
      %add3A_2942 = arith.addi %min3A_2939, %add3A_2941 : vector<16xi32>
      %gather3A_2943 = tpu.vector_load_idx %arg5[%add3A_2942, %add3A_2893] : memref<65x96xf32, #tpu.memory_space<vmem>>[vector<16xi32>, vector<16xi32>], vector<16xf32>,
      %swap3A_2944 = arith.constant 5 : i32
      %swap3A_2945 = arith.index_cast %swap3A_2944 : i32 to index
      %swap3A_2946 = arith.constant 32 : index
      %swap3A_2947 = tpu.vector_load %arg6[%swap3A_2945, %swap3A_2946] {strides = array<i32>} : memref<8x224xf32, #tpu.memory_space<vmem>>, vector<16xf32>,
      tpu.vector_store %arg6[%swap3A_2945, %swap3A_2946], %gather3A_2943 {strides = array<i32>} : memref<8x224xf32, #tpu.memory_space<vmem>>, vector<16xf32>,
      %iota3A_2948 = tpu.iota {dimensions = array<i32: 0>} : vector<16xi32>
      %add3A_2949 = arith.constant -64 : i32
      %add3A_2950 = vector.broadcast %add3A_2949 : i32 to vector<16xi32>
      %add3A_2951 = arith.addi %iota3A_2948, %add3A_2950 : vector<16xi32>
      %jit3A_2952 = arith.constant -32 : i32
      %jit3A_2953 = arith.constant 32 : i32
      %max3A_2954 = vector.broadcast %jit3A_2952 : i32 to vector<16xi32>
      %max3A_2955 = arith.maxsi %max3A_2954, %add3A_2951 : vector<16xi32>
      %min3A_2956 = vector.broadcast %jit3A_2953 : i32 to vector<16xi32>
      %min3A_2957 = arith.minsi %min3A_2956, %max3A_2955 : vector<16xi32>
      %add3A_2958 = arith.constant 32 : i32
      %add3A_2959 = vector.broadcast %add3A_2958 : i32 to vector<16xi32>
      %add3A_2960 = arith.addi %min3A_2957, %add3A_2959 : vector<16xi32>
      %gather3A_2961 = tpu.vector_load_idx %arg5[%add3A_2960, %add3A_2893] : memref<65x96xf32, #tpu.memory_space<vmem>>[vector<16xi32>, vector<16xi32>], vector<16xf32>,
      %swap3A_2962 = arith.constant 5 : i32
      %swap3A_2963 = arith.index_cast %swap3A_2962 : i32 to index
      %swap3A_2964 = arith.constant 48 : index
      %swap3A_2965 = tpu.vector_load %arg6[%swap3A_2963, %swap3A_2964] {strides = array<i32>} : memref<8x224xf32, #tpu.memory_space<vmem>>, vector<16xf32>,
      tpu.vector_store %arg6[%swap3A_2963, %swap3A_2964], %gather3A_2961 {strides = array<i32>} : memref<8x224xf32, #tpu.memory_space<vmem>>, vector<16xf32>,
      %iota3A_2966 = tpu.iota {dimensions = array<i32: 0>} : vector<16xi32>
      %add3A_2967 = arith.constant -48 : i32
      %add3A_2968 = vector.broadcast %add3A_2967 : i32 to vector<16xi32>
      %add3A_2969 = arith.addi %iota3A_2966, %add3A_2968 : vector<16xi32>
      %jit3A_2970 = arith.constant -32 : i32
      %jit3A_2971 = arith.constant 32 : i32
      %max3A_2972 = vector.broadcast %jit3A_2970 : i32 to vector<16xi32>
      %max3A_2973 = arith.maxsi %max3A_2972, %add3A_2969 : vector<16xi32>
      %min3A_2974 = vector.broadcast %jit3A_2971 : i32 to vector<16xi32>
      %min3A_2975 = arith.minsi %min3A_2974, %max3A_2973 : vector<16xi32>
      %add3A_2976 = arith.constant 32 : i32
      %add3A_2977 = vector.broadcast %add3A_2976 : i32 to vector<16xi32>
      %add3A_2978 = arith.addi %min3A_2975, %add3A_2977 : vector<16xi32>
      %gather3A_2979 = tpu.vector_load_idx %arg5[%add3A_2978, %add3A_2893] : memref<65x96xf32, #tpu.memory_space<vmem>>[vector<16xi32>, vector<16xi32>], vector<16xf32>,
      %swap3A_2980 = arith.constant 5 : i32
      %swap3A_2981 = arith.index_cast %swap3A_2980 : i32 to index
      %swap3A_2982 = arith.constant 64 : index
      %swap3A_2983 = tpu.vector_load %arg6[%swap3A_2981, %swap3A_2982] {strides = array<i32>} : memref<8x224xf32, #tpu.memory_space<vmem>>, vector<16xf32>,
      tpu.vector_store %arg6[%swap3A_2981, %swap3A_2982], %gather3A_2979 {strides = array<i32>} : memref<8x224xf32, #tpu.memory_space<vmem>>, vector<16xf32>,
      %iota3A_2984 = tpu.iota {dimensions = array<i32: 0>} : vector<16xi32>
      %add3A_2985 = arith.constant -32 : i32
      %add3A_2986 = vector.broadcast %add3A_2985 : i32 to vector<16xi32>
      %add3A_2987 = arith.addi %iota3A_2984, %add3A_2986 : vector<16xi32>
      %jit3A_2988 = arith.constant -32 : i32
      %jit3A_2989 = arith.constant 32 : i32
      %max3A_2990 = vector.broadcast %jit3A_2988 : i32 to vector<16xi32>
      %max3A_2991 = arith.maxsi %max3A_2990, %add3A_2987 : vector<16xi32>
      %min3A_2992 = vector.broadcast %jit3A_2989 : i32 to vector<16xi32>
      %min3A_2993 = arith.minsi %min3A_2992, %max3A_2991 : vector<16xi32>
      %add3A_2994 = arith.constant 32 : i32
      %add3A_2995 = vector.broadcast %add3A_2994 : i32 to vector<16xi32>
      %add3A_2996 = arith.addi %min3A_2993, %add3A_2995 : vector<16xi32>
      %gather3A_2997 = tpu.vector_load_idx %arg5[%add3A_2996, %add3A_2893] : memref<65x96xf32, #tpu.memory_space<vmem>>[vector<16xi32>, vector<16xi32>], vector<16xf32>,
      %swap3A_2998 = arith.constant 5 : i32
      %swap3A_2999 = arith.index_cast %swap3A_2998 : i32 to index
      %swap3A_3000 = arith.constant 80 : index
      %swap3A_3001 = tpu.vector_load %arg6[%swap3A_2999, %swap3A_3000] {strides = array<i32>} : memref<8x224xf32, #tpu.memory_space<vmem>>, vector<16xf32>,
      tpu.vector_store %arg6[%swap3A_2999, %swap3A_3000], %gather3A_2997 {strides = array<i32>} : memref<8x224xf32, #tpu.memory_space<vmem>>, vector<16xf32>,
      %iota3A_3002 = tpu.iota {dimensions = array<i32: 0>} : vector<16xi32>
      %add3A_3003 = arith.constant -16 : i32
      %add3A_3004 = vector.broadcast %add3A_3003 : i32 to vector<16xi32>
      %add3A_3005 = arith.addi %iota3A_3002, %add3A_3004 : vector<16xi32>
      %jit3A_3006 = arith.constant -32 : i32
      %jit3A_3007 = arith.constant 32 : i32
      %max3A_3008 = vector.broadcast %jit3A_3006 : i32 to vector<16xi32>
      %max3A_3009 = arith.maxsi %max3A_3008, %add3A_3005 : vector<16xi32>
      %min3A_3010 = vector.broadcast %jit3A_3007 : i32 to vector<16xi32>
      %min3A_3011 = arith.minsi %min3A_3010, %max3A_3009 : vector<16xi32>
      %add3A_3012 = arith.constant 32 : i32
      %add3A_3013 = vector.broadcast %add3A_3012 : i32 to vector<16xi32>
      %add3A_3014 = arith.addi %min3A_3011, %add3A_3013 : vector<16xi32>
      %gather3A_3015 = tpu.vector_load_idx %arg5[%add3A_3014, %add3A_2893] : memref<65x96xf32, #tpu.memory_space<vmem>>[vector<16xi32>, vector<16xi32>], vector<16xf32>,
      %swap3A_3016 = arith.constant 5 : i32
      %swap3A_3017 = arith.index_cast %swap3A_3016 : i32 to index
      %swap3A_3018 = arith.constant 96 : index
      %swap3A_3019 = tpu.vector_load %arg6[%swap3A_3017, %swap3A_3018] {strides = array<i32>} : memref<8x224xf32, #tpu.memory_space<vmem>>, vector<16xf32>,
      tpu.vector_store %arg6[%swap3A_3017, %swap3A_3018], %gather3A_3015 {strides = array<i32>} : memref<8x224xf32, #tpu.memory_space<vmem>>, vector<16xf32>,
      %iota3A_3020 = tpu.iota {dimensions = array<i32: 0>} : vector<16xi32>
      %add3A_3021 = arith.constant 0 : i32
      %add3A_3022 = vector.broadcast %add3A_3021 : i32 to vector<16xi32>
      %add3A_3023 = arith.addi %iota3A_3020, %add3A_3022 : vector<16xi32>
      %jit3A_3024 = arith.constant -32 : i32
      %jit3A_3025 = arith.constant 32 : i32
      %max3A_3026 = vector.broadcast %jit3A_3024 : i32 to vector<16xi32>
      %max3A_3027 = arith.maxsi %max3A_3026, %add3A_3023 : vector<16xi32>
      %min3A_3028 = vector.broadcast %jit3A_3025 : i32 to vector<16xi32>
      %min3A_3029 = arith.minsi %min3A_3028, %max3A_3027 : vector<16xi32>
      %add3A_3030 = arith.constant 32 : i32
      %add3A_3031 = vector.broadcast %add3A_3030 : i32 to vector<16xi32>
      %add3A_3032 = arith.addi %min3A_3029, %add3A_3031 : vector<16xi32>
      %gather3A_3033 = tpu.vector_load_idx %arg5[%add3A_3032, %add3A_2893] : memref<65x96xf32, #tpu.memory_space<vmem>>[vector<16xi32>, vector<16xi32>], vector<16xf32>,
      %swap3A_3034 = arith.constant 5 : i32
      %swap3A_3035 = arith.index_cast %swap3A_3034 : i32 to index
      %swap3A_3036 = arith.constant 112 : index
      %swap3A_3037 = tpu.vector_load %arg6[%swap3A_3035, %swap3A_3036] {strides = array<i32>} : memref<8x224xf32, #tpu.memory_space<vmem>>, vector<16xf32>,
      tpu.vector_store %arg6[%swap3A_3035, %swap3A_3036], %gather3A_3033 {strides = array<i32>} : memref<8x224xf32, #tpu.memory_space<vmem>>, vector<16xf32>,
      %iota3A_3038 = tpu.iota {dimensions = array<i32: 0>} : vector<16xi32>
      %add3A_3039 = arith.constant 16 : i32
      %add3A_3040 = vector.broadcast %add3A_3039 : i32 to vector<16xi32>
      %add3A_3041 = arith.addi %iota3A_3038, %add3A_3040 : vector<16xi32>
      %jit3A_3042 = arith.constant -32 : i32
      %jit3A_3043 = arith.constant 32 : i32
      %max3A_3044 = vector.broadcast %jit3A_3042 : i32 to vector<16xi32>
      %max3A_3045 = arith.maxsi %max3A_3044, %add3A_3041 : vector<16xi32>
      %min3A_3046 = vector.broadcast %jit3A_3043 : i32 to vector<16xi32>
      %min3A_3047 = arith.minsi %min3A_3046, %max3A_3045 : vector<16xi32>
      %add3A_3048 = arith.constant 32 : i32
      %add3A_3049 = vector.broadcast %add3A_3048 : i32 to vector<16xi32>
      %add3A_3050 = arith.addi %min3A_3047, %add3A_3049 : vector<16xi32>
      %gather3A_3051 = tpu.vector_load_idx %arg5[%add3A_3050, %add3A_2893] : memref<65x96xf32, #tpu.memory_space<vmem>>[vector<16xi32>, vector<16xi32>], vector<16xf32>,
      %swap3A_3052 = arith.constant 5 : i32
      %swap3A_3053 = arith.index_cast %swap3A_3052 : i32 to index
      %swap3A_3054 = arith.constant 128 : index
      %swap3A_3055 = tpu.vector_load %arg6[%swap3A_3053, %swap3A_3054] {strides = array<i32>} : memref<8x224xf32, #tpu.memory_space<vmem>>, vector<16xf32>,
      tpu.vector_store %arg6[%swap3A_3053, %swap3A_3054], %gather3A_3051 {strides = array<i32>} : memref<8x224xf32, #tpu.memory_space<vmem>>, vector<16xf32>,
      %iota3A_3056 = tpu.iota {dimensions = array<i32: 0>} : vector<16xi32>
      %add3A_3057 = arith.constant 32 : i32
      %add3A_3058 = vector.broadcast %add3A_3057 : i32 to vector<16xi32>
      %add3A_3059 = arith.addi %iota3A_3056, %add3A_3058 : vector<16xi32>
      %jit3A_3060 = arith.constant -32 : i32
      %jit3A_3061 = arith.constant 32 : i32
      %max3A_3062 = vector.broadcast %jit3A_3060 : i32 to vector<16xi32>
      %max3A_3063 = arith.maxsi %max3A_3062, %add3A_3059 : vector<16xi32>
      %min3A_3064 = vector.broadcast %jit3A_3061 : i32 to vector<16xi32>
      %min3A_3065 = arith.minsi %min3A_3064, %max3A_3063 : vector<16xi32>
      %add3A_3066 = arith.constant 32 : i32
      %add3A_3067 = vector.broadcast %add3A_3066 : i32 to vector<16xi32>
      %add3A_3068 = arith.addi %min3A_3065, %add3A_3067 : vector<16xi32>
      %gather3A_3069 = tpu.vector_load_idx %arg5[%add3A_3068, %add3A_2893] : memref<65x96xf32, #tpu.memory_space<vmem>>[vector<16xi32>, vector<16xi32>], vector<16xf32>,
      %swap3A_3070 = arith.constant 5 : i32
      %swap3A_3071 = arith.index_cast %swap3A_3070 : i32 to index
      %swap3A_3072 = arith.constant 144 : index
      %swap3A_3073 = tpu.vector_load %arg6[%swap3A_3071, %swap3A_3072] {strides = array<i32>} : memref<8x224xf32, #tpu.memory_space<vmem>>, vector<16xf32>,
      tpu.vector_store %arg6[%swap3A_3071, %swap3A_3072], %gather3A_3069 {strides = array<i32>} : memref<8x224xf32, #tpu.memory_space<vmem>>, vector<16xf32>,
      %iota3A_3074 = tpu.iota {dimensions = array<i32: 0>} : vector<16xi32>
      %add3A_3075 = arith.constant 48 : i32
      %add3A_3076 = vector.broadcast %add3A_3075 : i32 to vector<16xi32>
      %add3A_3077 = arith.addi %iota3A_3074, %add3A_3076 : vector<16xi32>
      %jit3A_3078 = arith.constant -32 : i32
      %jit3A_3079 = arith.constant 32 : i32
      %max3A_3080 = vector.broadcast %jit3A_3078 : i32 to vector<16xi32>
      %max3A_3081 = arith.maxsi %max3A_3080, %add3A_3077 : vector<16xi32>
      %min3A_3082 = vector.broadcast %jit3A_3079 : i32 to vector<16xi32>
      %min3A_3083 = arith.minsi %min3A_3082, %max3A_3081 : vector<16xi32>
      %add3A_3084 = arith.constant 32 : i32
      %add3A_3085 = vector.broadcast %add3A_3084 : i32 to vector<16xi32>
      %add3A_3086 = arith.addi %min3A_3083, %add3A_3085 : vector<16xi32>
      %gather3A_3087 = tpu.vector_load_idx %arg5[%add3A_3086, %add3A_2893] : memref<65x96xf32, #tpu.memory_space<vmem>>[vector<16xi32>, vector<16xi32>], vector<16xf32>,
      %swap3A_3088 = arith.constant 5 : i32
      %swap3A_3089 = arith.index_cast %swap3A_3088 : i32 to index
      %swap3A_3090 = arith.constant 160 : index
      %swap3A_3091 = tpu.vector_load %arg6[%swap3A_3089, %swap3A_3090] {strides = array<i32>} : memref<8x224xf32, #tpu.memory_space<vmem>>, vector<16xf32>,
      tpu.vector_store %arg6[%swap3A_3089, %swap3A_3090], %gather3A_3087 {strides = array<i32>} : memref<8x224xf32, #tpu.memory_space<vmem>>, vector<16xf32>,
      %iota3A_3092 = tpu.iota {dimensions = array<i32: 0>} : vector<16xi32>
      %add3A_3093 = arith.constant 64 : i32
      %add3A_3094 = vector.broadcast %add3A_3093 : i32 to vector<16xi32>
      %add3A_3095 = arith.addi %iota3A_3092, %add3A_3094 : vector<16xi32>
      %jit3A_3096 = arith.constant -32 : i32
      %jit3A_3097 = arith.constant 32 : i32
      %max3A_3098 = vector.broadcast %jit3A_3096 : i32 to vector<16xi32>
      %max3A_3099 = arith.maxsi %max3A_3098, %add3A_3095 : vector<16xi32>
      %min3A_3100 = vector.broadcast %jit3A_3097 : i32 to vector<16xi32>
      %min3A_3101 = arith.minsi %min3A_3100, %max3A_3099 : vector<16xi32>
      %add3A_3102 = arith.constant 32 : i32
      %add3A_3103 = vector.broadcast %add3A_3102 : i32 to vector<16xi32>
      %add3A_3104 = arith.addi %min3A_3101, %add3A_3103 : vector<16xi32>
      %gather3A_3105 = tpu.vector_load_idx %arg5[%add3A_3104, %add3A_2893] : memref<65x96xf32, #tpu.memory_space<vmem>>[vector<16xi32>, vector<16xi32>], vector<16xf32>,
      %swap3A_3106 = arith.constant 5 : i32
      %swap3A_3107 = arith.index_cast %swap3A_3106 : i32 to index
      %swap3A_3108 = arith.constant 176 : index
      %swap3A_3109 = tpu.vector_load %arg6[%swap3A_3107, %swap3A_3108] {strides = array<i32>} : memref<8x224xf32, #tpu.memory_space<vmem>>, vector<16xf32>,
      tpu.vector_store %arg6[%swap3A_3107, %swap3A_3108], %gather3A_3105 {strides = array<i32>} : memref<8x224xf32, #tpu.memory_space<vmem>>, vector<16xf32>,
      %iota3A_3110 = tpu.iota {dimensions = array<i32: 0>} : vector<16xi32>
      %add3A_3111 = arith.constant 80 : i32
      %add3A_3112 = vector.broadcast %add3A_3111 : i32 to vector<16xi32>
      %add3A_3113 = arith.addi %iota3A_3110, %add3A_3112 : vector<16xi32>
      %jit3A_3114 = arith.constant -32 : i32
      %jit3A_3115 = arith.constant 32 : i32
      %max3A_3116 = vector.broadcast %jit3A_3114 : i32 to vector<16xi32>
      %max3A_3117 = arith.maxsi %max3A_3116, %add3A_3113 : vector<16xi32>
      %min3A_3118 = vector.broadcast %jit3A_3115 : i32 to vector<16xi32>
      %min3A_3119 = arith.minsi %min3A_3118, %max3A_3117 : vector<16xi32>
      %add3A_3120 = arith.constant 32 : i32
      %add3A_3121 = vector.broadcast %add3A_3120 : i32 to vector<16xi32>
      %add3A_3122 = arith.addi %min3A_3119, %add3A_3121 : vector<16xi32>
      %gather3A_3123 = tpu.vector_load_idx %arg5[%add3A_3122, %add3A_2893] : memref<65x96xf32, #tpu.memory_space<vmem>>[vector<16xi32>, vector<16xi32>], vector<16xf32>,
      %swap3A_3124 = arith.constant 5 : i32
      %swap3A_3125 = arith.index_cast %swap3A_3124 : i32 to index
      %swap3A_3126 = arith.constant 192 : index
      %swap3A_3127 = tpu.vector_load %arg6[%swap3A_3125, %swap3A_3126] {strides = array<i32>} : memref<8x224xf32, #tpu.memory_space<vmem>>, vector<16xf32>,
      tpu.vector_store %arg6[%swap3A_3125, %swap3A_3126], %gather3A_3123 {strides = array<i32>} : memref<8x224xf32, #tpu.memory_space<vmem>>, vector<16xf32>,
      %iota3A_3128 = tpu.iota {dimensions = array<i32: 0>} : vector<16xi32>
      %add3A_3129 = arith.constant 96 : i32
      %add3A_3130 = vector.broadcast %add3A_3129 : i32 to vector<16xi32>
      %add3A_3131 = arith.addi %iota3A_3128, %add3A_3130 : vector<16xi32>
      %jit3A_3132 = arith.constant -32 : i32
      %jit3A_3133 = arith.constant 32 : i32
      %max3A_3134 = vector.broadcast %jit3A_3132 : i32 to vector<16xi32>
      %max3A_3135 = arith.maxsi %max3A_3134, %add3A_3131 : vector<16xi32>
      %min3A_3136 = vector.broadcast %jit3A_3133 : i32 to vector<16xi32>
      %min3A_3137 = arith.minsi %min3A_3136, %max3A_3135 : vector<16xi32>
      %add3A_3138 = arith.constant 32 : i32
      %add3A_3139 = vector.broadcast %add3A_3138 : i32 to vector<16xi32>
      %add3A_3140 = arith.addi %min3A_3137, %add3A_3139 : vector<16xi32>
      %gather3A_3141 = tpu.vector_load_idx %arg5[%add3A_3140, %add3A_2893] : memref<65x96xf32, #tpu.memory_space<vmem>>[vector<16xi32>, vector<16xi32>], vector<16xf32>,
      %swap3A_3142 = arith.constant 5 : i32
      %swap3A_3143 = arith.index_cast %swap3A_3142 : i32 to index
      %swap3A_3144 = arith.constant 208 : index
      %swap3A_3145 = tpu.vector_load %arg6[%swap3A_3143, %swap3A_3144] {strides = array<i32>} : memref<8x224xf32, #tpu.memory_space<vmem>>, vector<16xf32>,
      tpu.vector_store %arg6[%swap3A_3143, %swap3A_3144], %gather3A_3141 {strides = array<i32>} : memref<8x224xf32, #tpu.memory_space<vmem>>, vector<16xf32>,
      %iota3A_3146 = tpu.iota {dimensions = array<i32: 0>} : vector<16xi32>
      %add3A_3147 = arith.constant -112 : i32
      %add3A_3148 = vector.broadcast %add3A_3147 : i32 to vector<16xi32>
      %add3A_3149 = arith.addi %iota3A_3146, %add3A_3148 : vector<16xi32>
      %jit3A_3150 = arith.constant -32 : i32
      %jit3A_3151 = arith.constant 32 : i32
      %max3A_3152 = vector.broadcast %jit3A_3150 : i32 to vector<16xi32>
      %max3A_3153 = arith.maxsi %max3A_3152, %add3A_3149 : vector<16xi32>
      %min3A_3154 = vector.broadcast %jit3A_3151 : i32 to vector<16xi32>
      %min3A_3155 = arith.minsi %min3A_3154, %max3A_3153 : vector<16xi32>
      %add3A_3156 = arith.constant 32 : i32
      %add3A_3157 = vector.broadcast %add3A_3156 : i32 to vector<16xi32>
      %add3A_3158 = arith.addi %min3A_3155, %add3A_3157 : vector<16xi32>
      %gather3A_3159 = tpu.vector_load_idx %arg5[%add3A_3158, %add3A_2893] : memref<65x96xf32, #tpu.memory_space<vmem>>[vector<16xi32>, vector<16xi32>], vector<16xf32>,
      %swap3A_3160 = arith.constant 0 : i32
      %swap3A_3161 = arith.constant 5 : i32
      %swap3A_3162 = arith.index_cast %swap3A_3160 : i32 to index
      %swap3A_3163 = arith.index_cast %swap3A_3161 : i32 to index
      %swap3A_3164 = arith.constant 0 : index
      %swap3A_3165 = tpu.vector_load %arg7[%swap3A_3162, %swap3A_3163, %swap3A_3164] {strides = array<i32>} : memref<4x8x64xf32, #tpu.memory_space<vmem>>, vector<16xf32>,
      tpu.vector_store %arg7[%swap3A_3162, %swap3A_3163, %swap3A_3164], %gather3A_3159 {strides = array<i32>} : memref<4x8x64xf32, #tpu.memory_space<vmem>>, vector<16xf32>,
      %iota3A_3166 = tpu.iota {dimensions = array<i32: 0>} : vector<16xi32>
      %add3A_3167 = arith.constant -96 : i32
      %add3A_3168 = vector.broadcast %add3A_3167 : i32 to vector<16xi32>
      %add3A_3169 = arith.addi %iota3A_3166, %add3A_3168 : vector<16xi32>
      %jit3A_3170 = arith.constant -32 : i32
      %jit3A_3171 = arith.constant 32 : i32
      %max3A_3172 = vector.broadcast %jit3A_3170 : i32 to vector<16xi32>
      %max3A_3173 = arith.maxsi %max3A_3172, %add3A_3169 : vector<16xi32>
      %min3A_3174 = vector.broadcast %jit3A_3171 : i32 to vector<16xi32>
      %min3A_3175 = arith.minsi %min3A_3174, %max3A_3173 : vector<16xi32>
      %add3A_3176 = arith.constant 32 : i32
      %add3A_3177 = vector.broadcast %add3A_3176 : i32 to vector<16xi32>
      %add3A_3178 = arith.addi %min3A_3175, %add3A_3177 : vector<16xi32>
      %gather3A_3179 = tpu.vector_load_idx %arg5[%add3A_3178, %add3A_2893] : memref<65x96xf32, #tpu.memory_space<vmem>>[vector<16xi32>, vector<16xi32>], vector<16xf32>,
      %swap3A_3180 = arith.constant 0 : i32
      %swap3A_3181 = arith.constant 5 : i32
      %swap3A_3182 = arith.index_cast %swap3A_3180 : i32 to index
      %swap3A_3183 = arith.index_cast %swap3A_3181 : i32 to index
      %swap3A_3184 = arith.constant 16 : index
      %swap3A_3185 = tpu.vector_load %arg7[%swap3A_3182, %swap3A_3183, %swap3A_3184] {strides = array<i32>} : memref<4x8x64xf32, #tpu.memory_space<vmem>>, vector<16xf32>,
      tpu.vector_store %arg7[%swap3A_3182, %swap3A_3183, %swap3A_3184], %gather3A_3179 {strides = array<i32>} : memref<4x8x64xf32, #tpu.memory_space<vmem>>, vector<16xf32>,
      %iota3A_3186 = tpu.iota {dimensions = array<i32: 0>} : vector<16xi32>
      %add3A_3187 = arith.constant -80 : i32
      %add3A_3188 = vector.broadcast %add3A_3187 : i32 to vector<16xi32>
      %add3A_3189 = arith.addi %iota3A_3186, %add3A_3188 : vector<16xi32>
      %jit3A_3190 = arith.constant -32 : i32
      %jit3A_3191 = arith.constant 32 : i32
      %max3A_3192 = vector.broadcast %jit3A_3190 : i32 to vector<16xi32>
      %max3A_3193 = arith.maxsi %max3A_3192, %add3A_3189 : vector<16xi32>
      %min3A_3194 = vector.broadcast %jit3A_3191 : i32 to vector<16xi32>
      %min3A_3195 = arith.minsi %min3A_3194, %max3A_3193 : vector<16xi32>
      %add3A_3196 = arith.constant 32 : i32
      %add3A_3197 = vector.broadcast %add3A_3196 : i32 to vector<16xi32>
      %add3A_3198 = arith.addi %min3A_3195, %add3A_3197 : vector<16xi32>
      %gather3A_3199 = tpu.vector_load_idx %arg5[%add3A_3198, %add3A_2893] : memref<65x96xf32, #tpu.memory_space<vmem>>[vector<16xi32>, vector<16xi32>], vector<16xf32>,
      %swap3A_3200 = arith.constant 0 : i32
      %swap3A_3201 = arith.constant 5 : i32
      %swap3A_3202 = arith.index_cast %swap3A_3200 : i32 to index
      %swap3A_3203 = arith.index_cast %swap3A_3201 : i32 to index
      %swap3A_3204 = arith.constant 32 : index
      %swap3A_3205 = tpu.vector_load %arg7[%swap3A_3202, %swap3A_3203, %swap3A_3204] {strides = array<i32>} : memref<4x8x64xf32, #tpu.memory_space<vmem>>, vector<16xf32>,
      tpu.vector_store %arg7[%swap3A_3202, %swap3A_3203, %swap3A_3204], %gather3A_3199 {strides = array<i32>} : memref<4x8x64xf32, #tpu.memory_space<vmem>>, vector<16xf32>,
      %iota3A_3206 = tpu.iota {dimensions = array<i32: 0>} : vector<16xi32>
      %add3A_3207 = arith.constant -64 : i32
      %add3A_3208 = vector.broadcast %add3A_3207 : i32 to vector<16xi32>
      %add3A_3209 = arith.addi %iota3A_3206, %add3A_3208 : vector<16xi32>
      %jit3A_3210 = arith.constant -32 : i32
      %jit3A_3211 = arith.constant 32 : i32
      %max3A_3212 = vector.broadcast %jit3A_3210 : i32 to vector<16xi32>
      %max3A_3213 = arith.maxsi %max3A_3212, %add3A_3209 : vector<16xi32>
      %min3A_3214 = vector.broadcast %jit3A_3211 : i32 to vector<16xi32>
      %min3A_3215 = arith.minsi %min3A_3214, %max3A_3213 : vector<16xi32>
      %add3A_3216 = arith.constant 32 : i32
      %add3A_3217 = vector.broadcast %add3A_3216 : i32 to vector<16xi32>
      %add3A_3218 = arith.addi %min3A_3215, %add3A_3217 : vector<16xi32>
      %gather3A_3219 = tpu.vector_load_idx %arg5[%add3A_3218, %add3A_2893] : memref<65x96xf32, #tpu.memory_space<vmem>>[vector<16xi32>, vector<16xi32>], vector<16xf32>,
      %swap3A_3220 = arith.constant 0 : i32
      %swap3A_3221 = arith.constant 5 : i32
      %swap3A_3222 = arith.index_cast %swap3A_3220 : i32 to index
      %swap3A_3223 = arith.index_cast %swap3A_3221 : i32 to index
      %swap3A_3224 = arith.constant 48 : index
      %swap3A_3225 = tpu.vector_load %arg7[%swap3A_3222, %swap3A_3223, %swap3A_3224] {strides = array<i32>} : memref<4x8x64xf32, #tpu.memory_space<vmem>>, vector<16xf32>,
      tpu.vector_store %arg7[%swap3A_3222, %swap3A_3223, %swap3A_3224], %gather3A_3219 {strides = array<i32>} : memref<4x8x64xf32, #tpu.memory_space<vmem>>, vector<16xf32>,
      %iota3A_3226 = tpu.iota {dimensions = array<i32: 0>} : vector<16xi32>
      %add3A_3227 = arith.constant -56 : i32
      %add3A_3228 = vector.broadcast %add3A_3227 : i32 to vector<16xi32>
      %add3A_3229 = arith.addi %iota3A_3226, %add3A_3228 : vector<16xi32>
      %jit3A_3230 = arith.constant -32 : i32
      %jit3A_3231 = arith.constant 32 : i32
      %max3A_3232 = vector.broadcast %jit3A_3230 : i32 to vector<16xi32>
      %max3A_3233 = arith.maxsi %max3A_3232, %add3A_3229 : vector<16xi32>
      %min3A_3234 = vector.broadcast %jit3A_3231 : i32 to vector<16xi32>
      %min3A_3235 = arith.minsi %min3A_3234, %max3A_3233 : vector<16xi32>
      %add3A_3236 = arith.constant 32 : i32
      %add3A_3237 = vector.broadcast %add3A_3236 : i32 to vector<16xi32>
      %add3A_3238 = arith.addi %min3A_3235, %add3A_3237 : vector<16xi32>
      %gather3A_3239 = tpu.vector_load_idx %arg5[%add3A_3238, %add3A_2893] : memref<65x96xf32, #tpu.memory_space<vmem>>[vector<16xi32>, vector<16xi32>], vector<16xf32>,
      %swap3A_3240 = arith.constant 1 : i32
      %swap3A_3241 = arith.constant 5 : i32
      %swap3A_3242 = arith.index_cast %swap3A_3240 : i32 to index
      %swap3A_3243 = arith.index_cast %swap3A_3241 : i32 to index
      %swap3A_3244 = arith.constant 0 : index
      %swap3A_3245 = tpu.vector_load %arg7[%swap3A_3242, %swap3A_3243, %swap3A_3244] {strides = array<i32>} : memref<4x8x64xf32, #tpu.memory_space<vmem>>, vector<16xf32>,
      tpu.vector_store %arg7[%swap3A_3242, %swap3A_3243, %swap3A_3244], %gather3A_3239 {strides = array<i32>} : memref<4x8x64xf32, #tpu.memory_space<vmem>>, vector<16xf32>,
      %iota3A_3246 = tpu.iota {dimensions = array<i32: 0>} : vector<16xi32>
      %add3A_3247 = arith.constant -40 : i32
      %add3A_3248 = vector.broadcast %add3A_3247 : i32 to vector<16xi32>
      %add3A_3249 = arith.addi %iota3A_3246, %add3A_3248 : vector<16xi32>
      %jit3A_3250 = arith.constant -32 : i32
      %jit3A_3251 = arith.constant 32 : i32
      %max3A_3252 = vector.broadcast %jit3A_3250 : i32 to vector<16xi32>
      %max3A_3253 = arith.maxsi %max3A_3252, %add3A_3249 : vector<16xi32>
      %min3A_3254 = vector.broadcast %jit3A_3251 : i32 to vector<16xi32>
      %min3A_3255 = arith.minsi %min3A_3254, %max3A_3253 : vector<16xi32>
      %add3A_3256 = arith.constant 32 : i32
      %add3A_3257 = vector.broadcast %add3A_3256 : i32 to vector<16xi32>
      %add3A_3258 = arith.addi %min3A_3255, %add3A_3257 : vector<16xi32>
      %gather3A_3259 = tpu.vector_load_idx %arg5[%add3A_3258, %add3A_2893] : memref<65x96xf32, #tpu.memory_space<vmem>>[vector<16xi32>, vector<16xi32>], vector<16xf32>,
      %swap3A_3260 = arith.constant 1 : i32
      %swap3A_3261 = arith.constant 5 : i32
      %swap3A_3262 = arith.index_cast %swap3A_3260 : i32 to index
      %swap3A_3263 = arith.index_cast %swap3A_3261 : i32 to index
      %swap3A_3264 = arith.constant 16 : index
      %swap3A_3265 = tpu.vector_load %arg7[%swap3A_3262, %swap3A_3263, %swap3A_3264] {strides = array<i32>} : memref<4x8x64xf32, #tpu.memory_space<vmem>>, vector<16xf32>,
      tpu.vector_store %arg7[%swap3A_3262, %swap3A_3263, %swap3A_3264], %gather3A_3259 {strides = array<i32>} : memref<4x8x64xf32, #tpu.memory_space<vmem>>, vector<16xf32>,
      %iota3A_3266 = tpu.iota {dimensions = array<i32: 0>} : vector<16xi32>
      %add3A_3267 = arith.constant -24 : i32
      %add3A_3268 = vector.broadcast %add3A_3267 : i32 to vector<16xi32>
      %add3A_3269 = arith.addi %iota3A_3266, %add3A_3268 : vector<16xi32>
      %jit3A_3270 = arith.constant -32 : i32
      %jit3A_3271 = arith.constant 32 : i32
      %max3A_3272 = vector.broadcast %jit3A_3270 : i32 to vector<16xi32>
      %max3A_3273 = arith.maxsi %max3A_3272, %add3A_3269 : vector<16xi32>
      %min3A_3274 = vector.broadcast %jit3A_3271 : i32 to vector<16xi32>
      %min3A_3275 = arith.minsi %min3A_3274, %max3A_3273 : vector<16xi32>
      %add3A_3276 = arith.constant 32 : i32
      %add3A_3277 = vector.broadcast %add3A_3276 : i32 to vector<16xi32>
      %add3A_3278 = arith.addi %min3A_3275, %add3A_3277 : vector<16xi32>
      %gather3A_3279 = tpu.vector_load_idx %arg5[%add3A_3278, %add3A_2893] : memref<65x96xf32, #tpu.memory_space<vmem>>[vector<16xi32>, vector<16xi32>], vector<16xf32>,
      %swap3A_3280 = arith.constant 1 : i32
      %swap3A_3281 = arith.constant 5 : i32
      %swap3A_3282 = arith.index_cast %swap3A_3280 : i32 to index
      %swap3A_3283 = arith.index_cast %swap3A_3281 : i32 to index
      %swap3A_3284 = arith.constant 32 : index
      %swap3A_3285 = tpu.vector_load %arg7[%swap3A_3282, %swap3A_3283, %swap3A_3284] {strides = array<i32>} : memref<4x8x64xf32, #tpu.memory_space<vmem>>, vector<16xf32>,
      tpu.vector_store %arg7[%swap3A_3282, %swap3A_3283, %swap3A_3284], %gather3A_3279 {strides = array<i32>} : memref<4x8x64xf32, #tpu.memory_space<vmem>>, vector<16xf32>,
      %iota3A_3286 = tpu.iota {dimensions = array<i32: 0>} : vector<16xi32>
      %add3A_3287 = arith.constant -8 : i32
      %add3A_3288 = vector.broadcast %add3A_3287 : i32 to vector<16xi32>
      %add3A_3289 = arith.addi %iota3A_3286, %add3A_3288 : vector<16xi32>
      %jit3A_3290 = arith.constant -32 : i32
      %jit3A_3291 = arith.constant 32 : i32
      %max3A_3292 = vector.broadcast %jit3A_3290 : i32 to vector<16xi32>
      %max3A_3293 = arith.maxsi %max3A_3292, %add3A_3289 : vector<16xi32>
      %min3A_3294 = vector.broadcast %jit3A_3291 : i32 to vector<16xi32>
      %min3A_3295 = arith.minsi %min3A_3294, %max3A_3293 : vector<16xi32>
      %add3A_3296 = arith.constant 32 : i32
      %add3A_3297 = vector.broadcast %add3A_3296 : i32 to vector<16xi32>
      %add3A_3298 = arith.addi %min3A_3295, %add3A_3297 : vector<16xi32>
      %gather3A_3299 = tpu.vector_load_idx %arg5[%add3A_3298, %add3A_2893] : memref<65x96xf32, #tpu.memory_space<vmem>>[vector<16xi32>, vector<16xi32>], vector<16xf32>,
      %swap3A_3300 = arith.constant 1 : i32
      %swap3A_3301 = arith.constant 5 : i32
      %swap3A_3302 = arith.index_cast %swap3A_3300 : i32 to index
      %swap3A_3303 = arith.index_cast %swap3A_3301 : i32 to index
      %swap3A_3304 = arith.constant 48 : index
      %swap3A_3305 = tpu.vector_load %arg7[%swap3A_3302, %swap3A_3303, %swap3A_3304] {strides = array<i32>} : memref<4x8x64xf32, #tpu.memory_space<vmem>>, vector<16xf32>,
      tpu.vector_store %arg7[%swap3A_3302, %swap3A_3303, %swap3A_3304], %gather3A_3299 {strides = array<i32>} : memref<4x8x64xf32, #tpu.memory_space<vmem>>, vector<16xf32>,
      %iota3A_3306 = tpu.iota {dimensions = array<i32: 0>} : vector<16xi32>
      %add3A_3307 = arith.constant 0 : i32
      %add3A_3308 = vector.broadcast %add3A_3307 : i32 to vector<16xi32>
      %add3A_3309 = arith.addi %iota3A_3306, %add3A_3308 : vector<16xi32>
      %jit3A_3310 = arith.constant -32 : i32
      %jit3A_3311 = arith.constant 32 : i32
      %max3A_3312 = vector.broadcast %jit3A_3310 : i32 to vector<16xi32>
      %max3A_3313 = arith.maxsi %max3A_3312, %add3A_3309 : vector<16xi32>
      %min3A_3314 = vector.broadcast %jit3A_3311 : i32 to vector<16xi32>
      %min3A_3315 = arith.minsi %min3A_3314, %max3A_3313 : vector<16xi32>
      %add3A_3316 = arith.constant 32 : i32
      %add3A_3317 = vector.broadcast %add3A_3316 : i32 to vector<16xi32>
      %add3A_3318 = arith.addi %min3A_3315, %add3A_3317 : vector<16xi32>
      %gather3A_3319 = tpu.vector_load_idx %arg5[%add3A_3318, %add3A_2893] : memref<65x96xf32, #tpu.memory_space<vmem>>[vector<16xi32>, vector<16xi32>], vector<16xf32>,
      %swap3A_3320 = arith.constant 2 : i32
      %swap3A_3321 = arith.constant 5 : i32
      %swap3A_3322 = arith.index_cast %swap3A_3320 : i32 to index
      %swap3A_3323 = arith.index_cast %swap3A_3321 : i32 to index
      %swap3A_3324 = arith.constant 0 : index
      %swap3A_3325 = tpu.vector_load %arg7[%swap3A_3322, %swap3A_3323, %swap3A_3324] {strides = array<i32>} : memref<4x8x64xf32, #tpu.memory_space<vmem>>, vector<16xf32>,
      tpu.vector_store %arg7[%swap3A_3322, %swap3A_3323, %swap3A_3324], %gather3A_3319 {strides = array<i32>} : memref<4x8x64xf32, #tpu.memory_space<vmem>>, vector<16xf32>,
      %iota3A_3326 = tpu.iota {dimensions = array<i32: 0>} : vector<16xi32>
      %add3A_3327 = arith.constant 16 : i32
      %add3A_3328 = vector.broadcast %add3A_3327 : i32 to vector<16xi32>
      %add3A_3329 = arith.addi %iota3A_3326, %add3A_3328 : vector<16xi32>
      %jit3A_3330 = arith.constant -32 : i32
      %jit3A_3331 = arith.constant 32 : i32
      %max3A_3332 = vector.broadcast %jit3A_3330 : i32 to vector<16xi32>
      %max3A_3333 = arith.maxsi %max3A_3332, %add3A_3329 : vector<16xi32>
      %min3A_3334 = vector.broadcast %jit3A_3331 : i32 to vector<16xi32>
      %min3A_3335 = arith.minsi %min3A_3334, %max3A_3333 : vector<16xi32>
      %add3A_3336 = arith.constant 32 : i32
      %add3A_3337 = vector.broadcast %add3A_3336 : i32 to vector<16xi32>
      %add3A_3338 = arith.addi %min3A_3335, %add3A_3337 : vector<16xi32>
      %gather3A_3339 = tpu.vector_load_idx %arg5[%add3A_3338, %add3A_2893] : memref<65x96xf32, #tpu.memory_space<vmem>>[vector<16xi32>, vector<16xi32>], vector<16xf32>,
      %swap3A_3340 = arith.constant 2 : i32
      %swap3A_3341 = arith.constant 5 : i32
      %swap3A_3342 = arith.index_cast %swap3A_3340 : i32 to index
      %swap3A_3343 = arith.index_cast %swap3A_3341 : i32 to index
      %swap3A_3344 = arith.constant 16 : index
      %swap3A_3345 = tpu.vector_load %arg7[%swap3A_3342, %swap3A_3343, %swap3A_3344] {strides = array<i32>} : memref<4x8x64xf32, #tpu.memory_space<vmem>>, vector<16xf32>,
      tpu.vector_store %arg7[%swap3A_3342, %swap3A_3343, %swap3A_3344], %gather3A_3339 {strides = array<i32>} : memref<4x8x64xf32, #tpu.memory_space<vmem>>, vector<16xf32>,
      %iota3A_3346 = tpu.iota {dimensions = array<i32: 0>} : vector<16xi32>
      %add3A_3347 = arith.constant 32 : i32
      %add3A_3348 = vector.broadcast %add3A_3347 : i32 to vector<16xi32>
      %add3A_3349 = arith.addi %iota3A_3346, %add3A_3348 : vector<16xi32>
      %jit3A_3350 = arith.constant -32 : i32
      %jit3A_3351 = arith.constant 32 : i32
      %max3A_3352 = vector.broadcast %jit3A_3350 : i32 to vector<16xi32>
      %max3A_3353 = arith.maxsi %max3A_3352, %add3A_3349 : vector<16xi32>
      %min3A_3354 = vector.broadcast %jit3A_3351 : i32 to vector<16xi32>
      %min3A_3355 = arith.minsi %min3A_3354, %max3A_3353 : vector<16xi32>
      %add3A_3356 = arith.constant 32 : i32
      %add3A_3357 = vector.broadcast %add3A_3356 : i32 to vector<16xi32>
      %add3A_3358 = arith.addi %min3A_3355, %add3A_3357 : vector<16xi32>
      %gather3A_3359 = tpu.vector_load_idx %arg5[%add3A_3358, %add3A_2893] : memref<65x96xf32, #tpu.memory_space<vmem>>[vector<16xi32>, vector<16xi32>], vector<16xf32>,
      %swap3A_3360 = arith.constant 2 : i32
      %swap3A_3361 = arith.constant 5 : i32
      %swap3A_3362 = arith.index_cast %swap3A_3360 : i32 to index
      %swap3A_3363 = arith.index_cast %swap3A_3361 : i32 to index
      %swap3A_3364 = arith.constant 32 : index
      %swap3A_3365 = tpu.vector_load %arg7[%swap3A_3362, %swap3A_3363, %swap3A_3364] {strides = array<i32>} : memref<4x8x64xf32, #tpu.memory_space<vmem>>, vector<16xf32>,
      tpu.vector_store %arg7[%swap3A_3362, %swap3A_3363, %swap3A_3364], %gather3A_3359 {strides = array<i32>} : memref<4x8x64xf32, #tpu.memory_space<vmem>>, vector<16xf32>,
      %iota3A_3366 = tpu.iota {dimensions = array<i32: 0>} : vector<16xi32>
      %add3A_3367 = arith.constant 48 : i32
      %add3A_3368 = vector.broadcast %add3A_3367 : i32 to vector<16xi32>
      %add3A_3369 = arith.addi %iota3A_3366, %add3A_3368 : vector<16xi32>
      %jit3A_3370 = arith.constant -32 : i32
      %jit3A_3371 = arith.constant 32 : i32
      %max3A_3372 = vector.broadcast %jit3A_3370 : i32 to vector<16xi32>
      %max3A_3373 = arith.maxsi %max3A_3372, %add3A_3369 : vector<16xi32>
      %min3A_3374 = vector.broadcast %jit3A_3371 : i32 to vector<16xi32>
      %min3A_3375 = arith.minsi %min3A_3374, %max3A_3373 : vector<16xi32>
      %add3A_3376 = arith.constant 32 : i32
      %add3A_3377 = vector.broadcast %add3A_3376 : i32 to vector<16xi32>
      %add3A_3378 = arith.addi %min3A_3375, %add3A_3377 : vector<16xi32>
      %gather3A_3379 = tpu.vector_load_idx %arg5[%add3A_3378, %add3A_2893] : memref<65x96xf32, #tpu.memory_space<vmem>>[vector<16xi32>, vector<16xi32>], vector<16xf32>,
      %swap3A_3380 = arith.constant 2 : i32
      %swap3A_3381 = arith.constant 5 : i32
      %swap3A_3382 = arith.index_cast %swap3A_3380 : i32 to index
      %swap3A_3383 = arith.index_cast %swap3A_3381 : i32 to index
      %swap3A_3384 = arith.constant 48 : index
      %swap3A_3385 = tpu.vector_load %arg7[%swap3A_3382, %swap3A_3383, %swap3A_3384] {strides = array<i32>} : memref<4x8x64xf32, #tpu.memory_space<vmem>>, vector<16xf32>,
      tpu.vector_store %arg7[%swap3A_3382, %swap3A_3383, %swap3A_3384], %gather3A_3379 {strides = array<i32>} : memref<4x8x64xf32, #tpu.memory_space<vmem>>, vector<16xf32>,
      %iota3A_3386 = tpu.iota {dimensions = array<i32: 0>} : vector<16xi32>
      %add3A_3387 = arith.constant 56 : i32
      %add3A_3388 = vector.broadcast %add3A_3387 : i32 to vector<16xi32>
      %add3A_3389 = arith.addi %iota3A_3386, %add3A_3388 : vector<16xi32>
      %jit3A_3390 = arith.constant -32 : i32
      %jit3A_3391 = arith.constant 32 : i32
      %max3A_3392 = vector.broadcast %jit3A_3390 : i32 to vector<16xi32>
      %max3A_3393 = arith.maxsi %max3A_3392, %add3A_3389 : vector<16xi32>
      %min3A_3394 = vector.broadcast %jit3A_3391 : i32 to vector<16xi32>
      %min3A_3395 = arith.minsi %min3A_3394, %max3A_3393 : vector<16xi32>
      %add3A_3396 = arith.constant 32 : i32
      %add3A_3397 = vector.broadcast %add3A_3396 : i32 to vector<16xi32>
      %add3A_3398 = arith.addi %min3A_3395, %add3A_3397 : vector<16xi32>
      %gather3A_3399 = tpu.vector_load_idx %arg5[%add3A_3398, %add3A_2893] : memref<65x96xf32, #tpu.memory_space<vmem>>[vector<16xi32>, vector<16xi32>], vector<16xf32>,
      %swap3A_3400 = arith.constant 3 : i32
      %swap3A_3401 = arith.constant 5 : i32
      %swap3A_3402 = arith.index_cast %swap3A_3400 : i32 to index
      %swap3A_3403 = arith.index_cast %swap3A_3401 : i32 to index
      %swap3A_3404 = arith.constant 0 : index
      %swap3A_3405 = tpu.vector_load %arg7[%swap3A_3402, %swap3A_3403, %swap3A_3404] {strides = array<i32>} : memref<4x8x64xf32, #tpu.memory_space<vmem>>, vector<16xf32>,
      tpu.vector_store %arg7[%swap3A_3402, %swap3A_3403, %swap3A_3404], %gather3A_3399 {strides = array<i32>} : memref<4x8x64xf32, #tpu.memory_space<vmem>>, vector<16xf32>,
      %iota3A_3406 = tpu.iota {dimensions = array<i32: 0>} : vector<16xi32>
      %add3A_3407 = arith.constant 72 : i32
      %add3A_3408 = vector.broadcast %add3A_3407 : i32 to vector<16xi32>
      %add3A_3409 = arith.addi %iota3A_3406, %add3A_3408 : vector<16xi32>
      %jit3A_3410 = arith.constant -32 : i32
      %jit3A_3411 = arith.constant 32 : i32
      %max3A_3412 = vector.broadcast %jit3A_3410 : i32 to vector<16xi32>
      %max3A_3413 = arith.maxsi %max3A_3412, %add3A_3409 : vector<16xi32>
      %min3A_3414 = vector.broadcast %jit3A_3411 : i32 to vector<16xi32>
      %min3A_3415 = arith.minsi %min3A_3414, %max3A_3413 : vector<16xi32>
      %add3A_3416 = arith.constant 32 : i32
      %add3A_3417 = vector.broadcast %add3A_3416 : i32 to vector<16xi32>
      %add3A_3418 = arith.addi %min3A_3415, %add3A_3417 : vector<16xi32>
      %gather3A_3419 = tpu.vector_load_idx %arg5[%add3A_3418, %add3A_2893] : memref<65x96xf32, #tpu.memory_space<vmem>>[vector<16xi32>, vector<16xi32>], vector<16xf32>,
      %swap3A_3420 = arith.constant 3 : i32
      %swap3A_3421 = arith.constant 5 : i32
      %swap3A_3422 = arith.index_cast %swap3A_3420 : i32 to index
      %swap3A_3423 = arith.index_cast %swap3A_3421 : i32 to index
      %swap3A_3424 = arith.constant 16 : index
      %swap3A_3425 = tpu.vector_load %arg7[%swap3A_3422, %swap3A_3423, %swap3A_3424] {strides = array<i32>} : memref<4x8x64xf32, #tpu.memory_space<vmem>>, vector<16xf32>,
      tpu.vector_store %arg7[%swap3A_3422, %swap3A_3423, %swap3A_3424], %gather3A_3419 {strides = array<i32>} : memref<4x8x64xf32, #tpu.memory_space<vmem>>, vector<16xf32>,
      %iota3A_3426 = tpu.iota {dimensions = array<i32: 0>} : vector<16xi32>
      %add3A_3427 = arith.constant 88 : i32
      %add3A_3428 = vector.broadcast %add3A_3427 : i32 to vector<16xi32>
      %add3A_3429 = arith.addi %iota3A_3426, %add3A_3428 : vector<16xi32>
      %jit3A_3430 = arith.constant -32 : i32
      %jit3A_3431 = arith.constant 32 : i32
      %max3A_3432 = vector.broadcast %jit3A_3430 : i32 to vector<16xi32>
      %max3A_3433 = arith.maxsi %max3A_3432, %add3A_3429 : vector<16xi32>
      %min3A_3434 = vector.broadcast %jit3A_3431 : i32 to vector<16xi32>
      %min3A_3435 = arith.minsi %min3A_3434, %max3A_3433 : vector<16xi32>
      %add3A_3436 = arith.constant 32 : i32
      %add3A_3437 = vector.broadcast %add3A_3436 : i32 to vector<16xi32>
      %add3A_3438 = arith.addi %min3A_3435, %add3A_3437 : vector<16xi32>
      %gather3A_3439 = tpu.vector_load_idx %arg5[%add3A_3438, %add3A_2893] : memref<65x96xf32, #tpu.memory_space<vmem>>[vector<16xi32>, vector<16xi32>], vector<16xf32>,
      %swap3A_3440 = arith.constant 3 : i32
      %swap3A_3441 = arith.constant 5 : i32
      %swap3A_3442 = arith.index_cast %swap3A_3440 : i32 to index
      %swap3A_3443 = arith.index_cast %swap3A_3441 : i32 to index
      %swap3A_3444 = arith.constant 32 : index
      %swap3A_3445 = tpu.vector_load %arg7[%swap3A_3442, %swap3A_3443, %swap3A_3444] {strides = array<i32>} : memref<4x8x64xf32, #tpu.memory_space<vmem>>, vector<16xf32>,
      tpu.vector_store %arg7[%swap3A_3442, %swap3A_3443, %swap3A_3444], %gather3A_3439 {strides = array<i32>} : memref<4x8x64xf32, #tpu.memory_space<vmem>>, vector<16xf32>,
      %iota3A_3446 = tpu.iota {dimensions = array<i32: 0>} : vector<16xi32>
      %add3A_3447 = arith.constant 104 : i32
      %add3A_3448 = vector.broadcast %add3A_3447 : i32 to vector<16xi32>
      %add3A_3449 = arith.addi %iota3A_3446, %add3A_3448 : vector<16xi32>
      %jit3A_3450 = arith.constant -32 : i32
      %jit3A_3451 = arith.constant 32 : i32
      %max3A_3452 = vector.broadcast %jit3A_3450 : i32 to vector<16xi32>
      %max3A_3453 = arith.maxsi %max3A_3452, %add3A_3449 : vector<16xi32>
      %min3A_3454 = vector.broadcast %jit3A_3451 : i32 to vector<16xi32>
      %min3A_3455 = arith.minsi %min3A_3454, %max3A_3453 : vector<16xi32>
      %add3A_3456 = arith.constant 32 : i32
      %add3A_3457 = vector.broadcast %add3A_3456 : i32 to vector<16xi32>
      %add3A_3458 = arith.addi %min3A_3455, %add3A_3457 : vector<16xi32>
      %gather3A_3459 = tpu.vector_load_idx %arg5[%add3A_3458, %add3A_2893] : memref<65x96xf32, #tpu.memory_space<vmem>>[vector<16xi32>, vector<16xi32>], vector<16xf32>,
      %swap3A_3460 = arith.constant 3 : i32
      %swap3A_3461 = arith.constant 5 : i32
      %swap3A_3462 = arith.index_cast %swap3A_3460 : i32 to index
      %swap3A_3463 = arith.index_cast %swap3A_3461 : i32 to index
      %swap3A_3464 = arith.constant 48 : index
      %swap3A_3465 = tpu.vector_load %arg7[%swap3A_3462, %swap3A_3463, %swap3A_3464] {strides = array<i32>} : memref<4x8x64xf32, #tpu.memory_space<vmem>>, vector<16xf32>,
      tpu.vector_store %arg7[%swap3A_3462, %swap3A_3463, %swap3A_3464], %gather3A_3459 {strides = array<i32>} : memref<4x8x64xf32, #tpu.memory_space<vmem>>, vector<16xf32>,
      %broadcast_in_dim3A_3466 = arith.constant 0 : i32
      %broadcast_in_dim3A_3467 = vector.broadcast %broadcast_in_dim3A_3466 : i32 to vector<16xi32>
      %add3A_3468 = arith.constant 6 : i32
      %add3A_3469 = arith.addi %mul3A_2, %add3A_3468 : i32
      %add3A_3470 = vector.broadcast %add3A_3469 : i32 to vector<16xi32>
      %add3A_3471 = arith.addi %broadcast_in_dim3A_3467, %add3A_3470 : vector<16xi32>
      %iota3A_3472 = tpu.iota {dimensions = array<i32: 0>} : vector<16xi32>
      %add3A_3473 = arith.constant -112 : i32
      %add3A_3474 = vector.broadcast %add3A_3473 : i32 to vector<16xi32>
      %add3A_3475 = arith.addi %iota3A_3472, %add3A_3474 : vector<16xi32>
      %jit3A_3476 = arith.constant -32 : i32
      %jit3A_3477 = arith.constant 32 : i32
      %max3A_3478 = vector.broadcast %jit3A_3476 : i32 to vector<16xi32>
      %max3A_3479 = arith.maxsi %max3A_3478, %add3A_3475 : vector<16xi32>
      %min3A_3480 = vector.broadcast %jit3A_3477 : i32 to vector<16xi32>
      %min3A_3481 = arith.minsi %min3A_3480, %max3A_3479 : vector<16xi32>
      %add3A_3482 = arith.constant 32 : i32
      %add3A_3483 = vector.broadcast %add3A_3482 : i32 to vector<16xi32>
      %add3A_3484 = arith.addi %min3A_3481, %add3A_3483 : vector<16xi32>
      %gather3A_3485 = tpu.vector_load_idx %arg5[%add3A_3484, %add3A_3471] : memref<65x96xf32, #tpu.memory_space<vmem>>[vector<16xi32>, vector<16xi32>], vector<16xf32>,
      %swap3A_3486 = arith.constant 6 : i32
      %swap3A_3487 = arith.index_cast %swap3A_3486 : i32 to index
      %swap3A_3488 = arith.constant 0 : index
      %swap3A_3489 = tpu.vector_load %arg6[%swap3A_3487, %swap3A_3488] {strides = array<i32>} : memref<8x224xf32, #tpu.memory_space<vmem>>, vector<16xf32>,
      tpu.vector_store %arg6[%swap3A_3487, %swap3A_3488], %gather3A_3485 {strides = array<i32>} : memref<8x224xf32, #tpu.memory_space<vmem>>, vector<16xf32>,
      %iota3A_3490 = tpu.iota {dimensions = array<i32: 0>} : vector<16xi32>
      %add3A_3491 = arith.constant -96 : i32
      %add3A_3492 = vector.broadcast %add3A_3491 : i32 to vector<16xi32>
      %add3A_3493 = arith.addi %iota3A_3490, %add3A_3492 : vector<16xi32>
      %jit3A_3494 = arith.constant -32 : i32
      %jit3A_3495 = arith.constant 32 : i32
      %max3A_3496 = vector.broadcast %jit3A_3494 : i32 to vector<16xi32>
      %max3A_3497 = arith.maxsi %max3A_3496, %add3A_3493 : vector<16xi32>
      %min3A_3498 = vector.broadcast %jit3A_3495 : i32 to vector<16xi32>
      %min3A_3499 = arith.minsi %min3A_3498, %max3A_3497 : vector<16xi32>
      %add3A_3500 = arith.constant 32 : i32
      %add3A_3501 = vector.broadcast %add3A_3500 : i32 to vector<16xi32>
      %add3A_3502 = arith.addi %min3A_3499, %add3A_3501 : vector<16xi32>
      %gather3A_3503 = tpu.vector_load_idx %arg5[%add3A_3502, %add3A_3471] : memref<65x96xf32, #tpu.memory_space<vmem>>[vector<16xi32>, vector<16xi32>], vector<16xf32>,
      %swap3A_3504 = arith.constant 6 : i32
      %swap3A_3505 = arith.index_cast %swap3A_3504 : i32 to index
      %swap3A_3506 = arith.constant 16 : index
      %swap3A_3507 = tpu.vector_load %arg6[%swap3A_3505, %swap3A_3506] {strides = array<i32>} : memref<8x224xf32, #tpu.memory_space<vmem>>, vector<16xf32>,
      tpu.vector_store %arg6[%swap3A_3505, %swap3A_3506], %gather3A_3503 {strides = array<i32>} : memref<8x224xf32, #tpu.memory_space<vmem>>, vector<16xf32>,
      %iota3A_3508 = tpu.iota {dimensions = array<i32: 0>} : vector<16xi32>
      %add3A_3509 = arith.constant -80 : i32
      %add3A_3510 = vector.broadcast %add3A_3509 : i32 to vector<16xi32>
      %add3A_3511 = arith.addi %iota3A_3508, %add3A_3510 : vector<16xi32>
      %jit3A_3512 = arith.constant -32 : i32
      %jit3A_3513 = arith.constant 32 : i32
      %max3A_3514 = vector.broadcast %jit3A_3512 : i32 to vector<16xi32>
      %max3A_3515 = arith.maxsi %max3A_3514, %add3A_3511 : vector<16xi32>
      %min3A_3516 = vector.broadcast %jit3A_3513 : i32 to vector<16xi32>
      %min3A_3517 = arith.minsi %min3A_3516, %max3A_3515 : vector<16xi32>
      %add3A_3518 = arith.constant 32 : i32
      %add3A_3519 = vector.broadcast %add3A_3518 : i32 to vector<16xi32>
      %add3A_3520 = arith.addi %min3A_3517, %add3A_3519 : vector<16xi32>
      %gather3A_3521 = tpu.vector_load_idx %arg5[%add3A_3520, %add3A_3471] : memref<65x96xf32, #tpu.memory_space<vmem>>[vector<16xi32>, vector<16xi32>], vector<16xf32>,
      %swap3A_3522 = arith.constant 6 : i32
      %swap3A_3523 = arith.index_cast %swap3A_3522 : i32 to index
      %swap3A_3524 = arith.constant 32 : index
      %swap3A_3525 = tpu.vector_load %arg6[%swap3A_3523, %swap3A_3524] {strides = array<i32>} : memref<8x224xf32, #tpu.memory_space<vmem>>, vector<16xf32>,
      tpu.vector_store %arg6[%swap3A_3523, %swap3A_3524], %gather3A_3521 {strides = array<i32>} : memref<8x224xf32, #tpu.memory_space<vmem>>, vector<16xf32>,
      %iota3A_3526 = tpu.iota {dimensions = array<i32: 0>} : vector<16xi32>
      %add3A_3527 = arith.constant -64 : i32
      %add3A_3528 = vector.broadcast %add3A_3527 : i32 to vector<16xi32>
      %add3A_3529 = arith.addi %iota3A_3526, %add3A_3528 : vector<16xi32>
      %jit3A_3530 = arith.constant -32 : i32
      %jit3A_3531 = arith.constant 32 : i32
      %max3A_3532 = vector.broadcast %jit3A_3530 : i32 to vector<16xi32>
      %max3A_3533 = arith.maxsi %max3A_3532, %add3A_3529 : vector<16xi32>
      %min3A_3534 = vector.broadcast %jit3A_3531 : i32 to vector<16xi32>
      %min3A_3535 = arith.minsi %min3A_3534, %max3A_3533 : vector<16xi32>
      %add3A_3536 = arith.constant 32 : i32
      %add3A_3537 = vector.broadcast %add3A_3536 : i32 to vector<16xi32>
      %add3A_3538 = arith.addi %min3A_3535, %add3A_3537 : vector<16xi32>
      %gather3A_3539 = tpu.vector_load_idx %arg5[%add3A_3538, %add3A_3471] : memref<65x96xf32, #tpu.memory_space<vmem>>[vector<16xi32>, vector<16xi32>], vector<16xf32>,
      %swap3A_3540 = arith.constant 6 : i32
      %swap3A_3541 = arith.index_cast %swap3A_3540 : i32 to index
      %swap3A_3542 = arith.constant 48 : index
      %swap3A_3543 = tpu.vector_load %arg6[%swap3A_3541, %swap3A_3542] {strides = array<i32>} : memref<8x224xf32, #tpu.memory_space<vmem>>, vector<16xf32>,
      tpu.vector_store %arg6[%swap3A_3541, %swap3A_3542], %gather3A_3539 {strides = array<i32>} : memref<8x224xf32, #tpu.memory_space<vmem>>, vector<16xf32>,
      %iota3A_3544 = tpu.iota {dimensions = array<i32: 0>} : vector<16xi32>
      %add3A_3545 = arith.constant -48 : i32
      %add3A_3546 = vector.broadcast %add3A_3545 : i32 to vector<16xi32>
      %add3A_3547 = arith.addi %iota3A_3544, %add3A_3546 : vector<16xi32>
      %jit3A_3548 = arith.constant -32 : i32
      %jit3A_3549 = arith.constant 32 : i32
      %max3A_3550 = vector.broadcast %jit3A_3548 : i32 to vector<16xi32>
      %max3A_3551 = arith.maxsi %max3A_3550, %add3A_3547 : vector<16xi32>
      %min3A_3552 = vector.broadcast %jit3A_3549 : i32 to vector<16xi32>
      %min3A_3553 = arith.minsi %min3A_3552, %max3A_3551 : vector<16xi32>
      %add3A_3554 = arith.constant 32 : i32
      %add3A_3555 = vector.broadcast %add3A_3554 : i32 to vector<16xi32>
      %add3A_3556 = arith.addi %min3A_3553, %add3A_3555 : vector<16xi32>
      %gather3A_3557 = tpu.vector_load_idx %arg5[%add3A_3556, %add3A_3471] : memref<65x96xf32, #tpu.memory_space<vmem>>[vector<16xi32>, vector<16xi32>], vector<16xf32>,
      %swap3A_3558 = arith.constant 6 : i32
      %swap3A_3559 = arith.index_cast %swap3A_3558 : i32 to index
      %swap3A_3560 = arith.constant 64 : index
      %swap3A_3561 = tpu.vector_load %arg6[%swap3A_3559, %swap3A_3560] {strides = array<i32>} : memref<8x224xf32, #tpu.memory_space<vmem>>, vector<16xf32>,
      tpu.vector_store %arg6[%swap3A_3559, %swap3A_3560], %gather3A_3557 {strides = array<i32>} : memref<8x224xf32, #tpu.memory_space<vmem>>, vector<16xf32>,
      %iota3A_3562 = tpu.iota {dimensions = array<i32: 0>} : vector<16xi32>
      %add3A_3563 = arith.constant -32 : i32
      %add3A_3564 = vector.broadcast %add3A_3563 : i32 to vector<16xi32>
      %add3A_3565 = arith.addi %iota3A_3562, %add3A_3564 : vector<16xi32>
      %jit3A_3566 = arith.constant -32 : i32
      %jit3A_3567 = arith.constant 32 : i32
      %max3A_3568 = vector.broadcast %jit3A_3566 : i32 to vector<16xi32>
      %max3A_3569 = arith.maxsi %max3A_3568, %add3A_3565 : vector<16xi32>
      %min3A_3570 = vector.broadcast %jit3A_3567 : i32 to vector<16xi32>
      %min3A_3571 = arith.minsi %min3A_3570, %max3A_3569 : vector<16xi32>
      %add3A_3572 = arith.constant 32 : i32
      %add3A_3573 = vector.broadcast %add3A_3572 : i32 to vector<16xi32>
      %add3A_3574 = arith.addi %min3A_3571, %add3A_3573 : vector<16xi32>
      %gather3A_3575 = tpu.vector_load_idx %arg5[%add3A_3574, %add3A_3471] : memref<65x96xf32, #tpu.memory_space<vmem>>[vector<16xi32>, vector<16xi32>], vector<16xf32>,
      %swap3A_3576 = arith.constant 6 : i32
      %swap3A_3577 = arith.index_cast %swap3A_3576 : i32 to index
      %swap3A_3578 = arith.constant 80 : index
      %swap3A_3579 = tpu.vector_load %arg6[%swap3A_3577, %swap3A_3578] {strides = array<i32>} : memref<8x224xf32, #tpu.memory_space<vmem>>, vector<16xf32>,
      tpu.vector_store %arg6[%swap3A_3577, %swap3A_3578], %gather3A_3575 {strides = array<i32>} : memref<8x224xf32, #tpu.memory_space<vmem>>, vector<16xf32>,
      %iota3A_3580 = tpu.iota {dimensions = array<i32: 0>} : vector<16xi32>
      %add3A_3581 = arith.constant -16 : i32
      %add3A_3582 = vector.broadcast %add3A_3581 : i32 to vector<16xi32>
      %add3A_3583 = arith.addi %iota3A_3580, %add3A_3582 : vector<16xi32>
      %jit3A_3584 = arith.constant -32 : i32
      %jit3A_3585 = arith.constant 32 : i32
      %max3A_3586 = vector.broadcast %jit3A_3584 : i32 to vector<16xi32>
      %max3A_3587 = arith.maxsi %max3A_3586, %add3A_3583 : vector<16xi32>
      %min3A_3588 = vector.broadcast %jit3A_3585 : i32 to vector<16xi32>
      %min3A_3589 = arith.minsi %min3A_3588, %max3A_3587 : vector<16xi32>
      %add3A_3590 = arith.constant 32 : i32
      %add3A_3591 = vector.broadcast %add3A_3590 : i32 to vector<16xi32>
      %add3A_3592 = arith.addi %min3A_3589, %add3A_3591 : vector<16xi32>
      %gather3A_3593 = tpu.vector_load_idx %arg5[%add3A_3592, %add3A_3471] : memref<65x96xf32, #tpu.memory_space<vmem>>[vector<16xi32>, vector<16xi32>], vector<16xf32>,
      %swap3A_3594 = arith.constant 6 : i32
      %swap3A_3595 = arith.index_cast %swap3A_3594 : i32 to index
      %swap3A_3596 = arith.constant 96 : index
      %swap3A_3597 = tpu.vector_load %arg6[%swap3A_3595, %swap3A_3596] {strides = array<i32>} : memref<8x224xf32, #tpu.memory_space<vmem>>, vector<16xf32>,
      tpu.vector_store %arg6[%swap3A_3595, %swap3A_3596], %gather3A_3593 {strides = array<i32>} : memref<8x224xf32, #tpu.memory_space<vmem>>, vector<16xf32>,
      %iota3A_3598 = tpu.iota {dimensions = array<i32: 0>} : vector<16xi32>
      %add3A_3599 = arith.constant 0 : i32
      %add3A_3600 = vector.broadcast %add3A_3599 : i32 to vector<16xi32>
      %add3A_3601 = arith.addi %iota3A_3598, %add3A_3600 : vector<16xi32>
      %jit3A_3602 = arith.constant -32 : i32
      %jit3A_3603 = arith.constant 32 : i32
      %max3A_3604 = vector.broadcast %jit3A_3602 : i32 to vector<16xi32>
      %max3A_3605 = arith.maxsi %max3A_3604, %add3A_3601 : vector<16xi32>
      %min3A_3606 = vector.broadcast %jit3A_3603 : i32 to vector<16xi32>
      %min3A_3607 = arith.minsi %min3A_3606, %max3A_3605 : vector<16xi32>
      %add3A_3608 = arith.constant 32 : i32
      %add3A_3609 = vector.broadcast %add3A_3608 : i32 to vector<16xi32>
      %add3A_3610 = arith.addi %min3A_3607, %add3A_3609 : vector<16xi32>
      %gather3A_3611 = tpu.vector_load_idx %arg5[%add3A_3610, %add3A_3471] : memref<65x96xf32, #tpu.memory_space<vmem>>[vector<16xi32>, vector<16xi32>], vector<16xf32>,
      %swap3A_3612 = arith.constant 6 : i32
      %swap3A_3613 = arith.index_cast %swap3A_3612 : i32 to index
      %swap3A_3614 = arith.constant 112 : index
      %swap3A_3615 = tpu.vector_load %arg6[%swap3A_3613, %swap3A_3614] {strides = array<i32>} : memref<8x224xf32, #tpu.memory_space<vmem>>, vector<16xf32>,
      tpu.vector_store %arg6[%swap3A_3613, %swap3A_3614], %gather3A_3611 {strides = array<i32>} : memref<8x224xf32, #tpu.memory_space<vmem>>, vector<16xf32>,
      %iota3A_3616 = tpu.iota {dimensions = array<i32: 0>} : vector<16xi32>
      %add3A_3617 = arith.constant 16 : i32
      %add3A_3618 = vector.broadcast %add3A_3617 : i32 to vector<16xi32>
      %add3A_3619 = arith.addi %iota3A_3616, %add3A_3618 : vector<16xi32>
      %jit3A_3620 = arith.constant -32 : i32
      %jit3A_3621 = arith.constant 32 : i32
      %max3A_3622 = vector.broadcast %jit3A_3620 : i32 to vector<16xi32>
      %max3A_3623 = arith.maxsi %max3A_3622, %add3A_3619 : vector<16xi32>
      %min3A_3624 = vector.broadcast %jit3A_3621 : i32 to vector<16xi32>
      %min3A_3625 = arith.minsi %min3A_3624, %max3A_3623 : vector<16xi32>
      %add3A_3626 = arith.constant 32 : i32
      %add3A_3627 = vector.broadcast %add3A_3626 : i32 to vector<16xi32>
      %add3A_3628 = arith.addi %min3A_3625, %add3A_3627 : vector<16xi32>
      %gather3A_3629 = tpu.vector_load_idx %arg5[%add3A_3628, %add3A_3471] : memref<65x96xf32, #tpu.memory_space<vmem>>[vector<16xi32>, vector<16xi32>], vector<16xf32>,
      %swap3A_3630 = arith.constant 6 : i32
      %swap3A_3631 = arith.index_cast %swap3A_3630 : i32 to index
      %swap3A_3632 = arith.constant 128 : index
      %swap3A_3633 = tpu.vector_load %arg6[%swap3A_3631, %swap3A_3632] {strides = array<i32>} : memref<8x224xf32, #tpu.memory_space<vmem>>, vector<16xf32>,
      tpu.vector_store %arg6[%swap3A_3631, %swap3A_3632], %gather3A_3629 {strides = array<i32>} : memref<8x224xf32, #tpu.memory_space<vmem>>, vector<16xf32>,
      %iota3A_3634 = tpu.iota {dimensions = array<i32: 0>} : vector<16xi32>
      %add3A_3635 = arith.constant 32 : i32
      %add3A_3636 = vector.broadcast %add3A_3635 : i32 to vector<16xi32>
      %add3A_3637 = arith.addi %iota3A_3634, %add3A_3636 : vector<16xi32>
      %jit3A_3638 = arith.constant -32 : i32
      %jit3A_3639 = arith.constant 32 : i32
      %max3A_3640 = vector.broadcast %jit3A_3638 : i32 to vector<16xi32>
      %max3A_3641 = arith.maxsi %max3A_3640, %add3A_3637 : vector<16xi32>
      %min3A_3642 = vector.broadcast %jit3A_3639 : i32 to vector<16xi32>
      %min3A_3643 = arith.minsi %min3A_3642, %max3A_3641 : vector<16xi32>
      %add3A_3644 = arith.constant 32 : i32
      %add3A_3645 = vector.broadcast %add3A_3644 : i32 to vector<16xi32>
      %add3A_3646 = arith.addi %min3A_3643, %add3A_3645 : vector<16xi32>
      %gather3A_3647 = tpu.vector_load_idx %arg5[%add3A_3646, %add3A_3471] : memref<65x96xf32, #tpu.memory_space<vmem>>[vector<16xi32>, vector<16xi32>], vector<16xf32>,
      %swap3A_3648 = arith.constant 6 : i32
      %swap3A_3649 = arith.index_cast %swap3A_3648 : i32 to index
      %swap3A_3650 = arith.constant 144 : index
      %swap3A_3651 = tpu.vector_load %arg6[%swap3A_3649, %swap3A_3650] {strides = array<i32>} : memref<8x224xf32, #tpu.memory_space<vmem>>, vector<16xf32>,
      tpu.vector_store %arg6[%swap3A_3649, %swap3A_3650], %gather3A_3647 {strides = array<i32>} : memref<8x224xf32, #tpu.memory_space<vmem>>, vector<16xf32>,
      %iota3A_3652 = tpu.iota {dimensions = array<i32: 0>} : vector<16xi32>
      %add3A_3653 = arith.constant 48 : i32
      %add3A_3654 = vector.broadcast %add3A_3653 : i32 to vector<16xi32>
      %add3A_3655 = arith.addi %iota3A_3652, %add3A_3654 : vector<16xi32>
      %jit3A_3656 = arith.constant -32 : i32
      %jit3A_3657 = arith.constant 32 : i32
      %max3A_3658 = vector.broadcast %jit3A_3656 : i32 to vector<16xi32>
      %max3A_3659 = arith.maxsi %max3A_3658, %add3A_3655 : vector<16xi32>
      %min3A_3660 = vector.broadcast %jit3A_3657 : i32 to vector<16xi32>
      %min3A_3661 = arith.minsi %min3A_3660, %max3A_3659 : vector<16xi32>
      %add3A_3662 = arith.constant 32 : i32
      %add3A_3663 = vector.broadcast %add3A_3662 : i32 to vector<16xi32>
      %add3A_3664 = arith.addi %min3A_3661, %add3A_3663 : vector<16xi32>
      %gather3A_3665 = tpu.vector_load_idx %arg5[%add3A_3664, %add3A_3471] : memref<65x96xf32, #tpu.memory_space<vmem>>[vector<16xi32>, vector<16xi32>], vector<16xf32>,
      %swap3A_3666 = arith.constant 6 : i32
      %swap3A_3667 = arith.index_cast %swap3A_3666 : i32 to index
      %swap3A_3668 = arith.constant 160 : index
      %swap3A_3669 = tpu.vector_load %arg6[%swap3A_3667, %swap3A_3668] {strides = array<i32>} : memref<8x224xf32, #tpu.memory_space<vmem>>, vector<16xf32>,
      tpu.vector_store %arg6[%swap3A_3667, %swap3A_3668], %gather3A_3665 {strides = array<i32>} : memref<8x224xf32, #tpu.memory_space<vmem>>, vector<16xf32>,
      %iota3A_3670 = tpu.iota {dimensions = array<i32: 0>} : vector<16xi32>
      %add3A_3671 = arith.constant 64 : i32
      %add3A_3672 = vector.broadcast %add3A_3671 : i32 to vector<16xi32>
      %add3A_3673 = arith.addi %iota3A_3670, %add3A_3672 : vector<16xi32>
      %jit3A_3674 = arith.constant -32 : i32
      %jit3A_3675 = arith.constant 32 : i32
      %max3A_3676 = vector.broadcast %jit3A_3674 : i32 to vector<16xi32>
      %max3A_3677 = arith.maxsi %max3A_3676, %add3A_3673 : vector<16xi32>
      %min3A_3678 = vector.broadcast %jit3A_3675 : i32 to vector<16xi32>
      %min3A_3679 = arith.minsi %min3A_3678, %max3A_3677 : vector<16xi32>
      %add3A_3680 = arith.constant 32 : i32
      %add3A_3681 = vector.broadcast %add3A_3680 : i32 to vector<16xi32>
      %add3A_3682 = arith.addi %min3A_3679, %add3A_3681 : vector<16xi32>
      %gather3A_3683 = tpu.vector_load_idx %arg5[%add3A_3682, %add3A_3471] : memref<65x96xf32, #tpu.memory_space<vmem>>[vector<16xi32>, vector<16xi32>], vector<16xf32>,
      %swap3A_3684 = arith.constant 6 : i32
      %swap3A_3685 = arith.index_cast %swap3A_3684 : i32 to index
      %swap3A_3686 = arith.constant 176 : index
      %swap3A_3687 = tpu.vector_load %arg6[%swap3A_3685, %swap3A_3686] {strides = array<i32>} : memref<8x224xf32, #tpu.memory_space<vmem>>, vector<16xf32>,
      tpu.vector_store %arg6[%swap3A_3685, %swap3A_3686], %gather3A_3683 {strides = array<i32>} : memref<8x224xf32, #tpu.memory_space<vmem>>, vector<16xf32>,
      %iota3A_3688 = tpu.iota {dimensions = array<i32: 0>} : vector<16xi32>
      %add3A_3689 = arith.constant 80 : i32
      %add3A_3690 = vector.broadcast %add3A_3689 : i32 to vector<16xi32>
      %add3A_3691 = arith.addi %iota3A_3688, %add3A_3690 : vector<16xi32>
      %jit3A_3692 = arith.constant -32 : i32
      %jit3A_3693 = arith.constant 32 : i32
      %max3A_3694 = vector.broadcast %jit3A_3692 : i32 to vector<16xi32>
      %max3A_3695 = arith.maxsi %max3A_3694, %add3A_3691 : vector<16xi32>
      %min3A_3696 = vector.broadcast %jit3A_3693 : i32 to vector<16xi32>
      %min3A_3697 = arith.minsi %min3A_3696, %max3A_3695 : vector<16xi32>
      %add3A_3698 = arith.constant 32 : i32
      %add3A_3699 = vector.broadcast %add3A_3698 : i32 to vector<16xi32>
      %add3A_3700 = arith.addi %min3A_3697, %add3A_3699 : vector<16xi32>
      %gather3A_3701 = tpu.vector_load_idx %arg5[%add3A_3700, %add3A_3471] : memref<65x96xf32, #tpu.memory_space<vmem>>[vector<16xi32>, vector<16xi32>], vector<16xf32>,
      %swap3A_3702 = arith.constant 6 : i32
      %swap3A_3703 = arith.index_cast %swap3A_3702 : i32 to index
      %swap3A_3704 = arith.constant 192 : index
      %swap3A_3705 = tpu.vector_load %arg6[%swap3A_3703, %swap3A_3704] {strides = array<i32>} : memref<8x224xf32, #tpu.memory_space<vmem>>, vector<16xf32>,
      tpu.vector_store %arg6[%swap3A_3703, %swap3A_3704], %gather3A_3701 {strides = array<i32>} : memref<8x224xf32, #tpu.memory_space<vmem>>, vector<16xf32>,
      %iota3A_3706 = tpu.iota {dimensions = array<i32: 0>} : vector<16xi32>
      %add3A_3707 = arith.constant 96 : i32
      %add3A_3708 = vector.broadcast %add3A_3707 : i32 to vector<16xi32>
      %add3A_3709 = arith.addi %iota3A_3706, %add3A_3708 : vector<16xi32>
      %jit3A_3710 = arith.constant -32 : i32
      %jit3A_3711 = arith.constant 32 : i32
      %max3A_3712 = vector.broadcast %jit3A_3710 : i32 to vector<16xi32>
      %max3A_3713 = arith.maxsi %max3A_3712, %add3A_3709 : vector<16xi32>
      %min3A_3714 = vector.broadcast %jit3A_3711 : i32 to vector<16xi32>
      %min3A_3715 = arith.minsi %min3A_3714, %max3A_3713 : vector<16xi32>
      %add3A_3716 = arith.constant 32 : i32
      %add3A_3717 = vector.broadcast %add3A_3716 : i32 to vector<16xi32>
      %add3A_3718 = arith.addi %min3A_3715, %add3A_3717 : vector<16xi32>
      %gather3A_3719 = tpu.vector_load_idx %arg5[%add3A_3718, %add3A_3471] : memref<65x96xf32, #tpu.memory_space<vmem>>[vector<16xi32>, vector<16xi32>], vector<16xf32>,
      %swap3A_3720 = arith.constant 6 : i32
      %swap3A_3721 = arith.index_cast %swap3A_3720 : i32 to index
      %swap3A_3722 = arith.constant 208 : index
      %swap3A_3723 = tpu.vector_load %arg6[%swap3A_3721, %swap3A_3722] {strides = array<i32>} : memref<8x224xf32, #tpu.memory_space<vmem>>, vector<16xf32>,
      tpu.vector_store %arg6[%swap3A_3721, %swap3A_3722], %gather3A_3719 {strides = array<i32>} : memref<8x224xf32, #tpu.memory_space<vmem>>, vector<16xf32>,
      %iota3A_3724 = tpu.iota {dimensions = array<i32: 0>} : vector<16xi32>
      %add3A_3725 = arith.constant -112 : i32
      %add3A_3726 = vector.broadcast %add3A_3725 : i32 to vector<16xi32>
      %add3A_3727 = arith.addi %iota3A_3724, %add3A_3726 : vector<16xi32>
      %jit3A_3728 = arith.constant -32 : i32
      %jit3A_3729 = arith.constant 32 : i32
      %max3A_3730 = vector.broadcast %jit3A_3728 : i32 to vector<16xi32>
      %max3A_3731 = arith.maxsi %max3A_3730, %add3A_3727 : vector<16xi32>
      %min3A_3732 = vector.broadcast %jit3A_3729 : i32 to vector<16xi32>
      %min3A_3733 = arith.minsi %min3A_3732, %max3A_3731 : vector<16xi32>
      %add3A_3734 = arith.constant 32 : i32
      %add3A_3735 = vector.broadcast %add3A_3734 : i32 to vector<16xi32>
      %add3A_3736 = arith.addi %min3A_3733, %add3A_3735 : vector<16xi32>
      %gather3A_3737 = tpu.vector_load_idx %arg5[%add3A_3736, %add3A_3471] : memref<65x96xf32, #tpu.memory_space<vmem>>[vector<16xi32>, vector<16xi32>], vector<16xf32>,
      %swap3A_3738 = arith.constant 0 : i32
      %swap3A_3739 = arith.constant 6 : i32
      %swap3A_3740 = arith.index_cast %swap3A_3738 : i32 to index
      %swap3A_3741 = arith.index_cast %swap3A_3739 : i32 to index
      %swap3A_3742 = arith.constant 0 : index
      %swap3A_3743 = tpu.vector_load %arg7[%swap3A_3740, %swap3A_3741, %swap3A_3742] {strides = array<i32>} : memref<4x8x64xf32, #tpu.memory_space<vmem>>, vector<16xf32>,
      tpu.vector_store %arg7[%swap3A_3740, %swap3A_3741, %swap3A_3742], %gather3A_3737 {strides = array<i32>} : memref<4x8x64xf32, #tpu.memory_space<vmem>>, vector<16xf32>,
      %iota3A_3744 = tpu.iota {dimensions = array<i32: 0>} : vector<16xi32>
      %add3A_3745 = arith.constant -96 : i32
      %add3A_3746 = vector.broadcast %add3A_3745 : i32 to vector<16xi32>
      %add3A_3747 = arith.addi %iota3A_3744, %add3A_3746 : vector<16xi32>
      %jit3A_3748 = arith.constant -32 : i32
      %jit3A_3749 = arith.constant 32 : i32
      %max3A_3750 = vector.broadcast %jit3A_3748 : i32 to vector<16xi32>
      %max3A_3751 = arith.maxsi %max3A_3750, %add3A_3747 : vector<16xi32>
      %min3A_3752 = vector.broadcast %jit3A_3749 : i32 to vector<16xi32>
      %min3A_3753 = arith.minsi %min3A_3752, %max3A_3751 : vector<16xi32>
      %add3A_3754 = arith.constant 32 : i32
      %add3A_3755 = vector.broadcast %add3A_3754 : i32 to vector<16xi32>
      %add3A_3756 = arith.addi %min3A_3753, %add3A_3755 : vector<16xi32>
      %gather3A_3757 = tpu.vector_load_idx %arg5[%add3A_3756, %add3A_3471] : memref<65x96xf32, #tpu.memory_space<vmem>>[vector<16xi32>, vector<16xi32>], vector<16xf32>,
      %swap3A_3758 = arith.constant 0 : i32
      %swap3A_3759 = arith.constant 6 : i32
      %swap3A_3760 = arith.index_cast %swap3A_3758 : i32 to index
      %swap3A_3761 = arith.index_cast %swap3A_3759 : i32 to index
      %swap3A_3762 = arith.constant 16 : index
      %swap3A_3763 = tpu.vector_load %arg7[%swap3A_3760, %swap3A_3761, %swap3A_3762] {strides = array<i32>} : memref<4x8x64xf32, #tpu.memory_space<vmem>>, vector<16xf32>,
      tpu.vector_store %arg7[%swap3A_3760, %swap3A_3761, %swap3A_3762], %gather3A_3757 {strides = array<i32>} : memref<4x8x64xf32, #tpu.memory_space<vmem>>, vector<16xf32>,
      %iota3A_3764 = tpu.iota {dimensions = array<i32: 0>} : vector<16xi32>
      %add3A_3765 = arith.constant -80 : i32
      %add3A_3766 = vector.broadcast %add3A_3765 : i32 to vector<16xi32>
      %add3A_3767 = arith.addi %iota3A_3764, %add3A_3766 : vector<16xi32>
      %jit3A_3768 = arith.constant -32 : i32
      %jit3A_3769 = arith.constant 32 : i32
      %max3A_3770 = vector.broadcast %jit3A_3768 : i32 to vector<16xi32>
      %max3A_3771 = arith.maxsi %max3A_3770, %add3A_3767 : vector<16xi32>
      %min3A_3772 = vector.broadcast %jit3A_3769 : i32 to vector<16xi32>
      %min3A_3773 = arith.minsi %min3A_3772, %max3A_3771 : vector<16xi32>
      %add3A_3774 = arith.constant 32 : i32
      %add3A_3775 = vector.broadcast %add3A_3774 : i32 to vector<16xi32>
      %add3A_3776 = arith.addi %min3A_3773, %add3A_3775 : vector<16xi32>
      %gather3A_3777 = tpu.vector_load_idx %arg5[%add3A_3776, %add3A_3471] : memref<65x96xf32, #tpu.memory_space<vmem>>[vector<16xi32>, vector<16xi32>], vector<16xf32>,
      %swap3A_3778 = arith.constant 0 : i32
      %swap3A_3779 = arith.constant 6 : i32
      %swap3A_3780 = arith.index_cast %swap3A_3778 : i32 to index
      %swap3A_3781 = arith.index_cast %swap3A_3779 : i32 to index
      %swap3A_3782 = arith.constant 32 : index
      %swap3A_3783 = tpu.vector_load %arg7[%swap3A_3780, %swap3A_3781, %swap3A_3782] {strides = array<i32>} : memref<4x8x64xf32, #tpu.memory_space<vmem>>, vector<16xf32>,
      tpu.vector_store %arg7[%swap3A_3780, %swap3A_3781, %swap3A_3782], %gather3A_3777 {strides = array<i32>} : memref<4x8x64xf32, #tpu.memory_space<vmem>>, vector<16xf32>,
      %iota3A_3784 = tpu.iota {dimensions = array<i32: 0>} : vector<16xi32>
      %add3A_3785 = arith.constant -64 : i32
      %add3A_3786 = vector.broadcast %add3A_3785 : i32 to vector<16xi32>
      %add3A_3787 = arith.addi %iota3A_3784, %add3A_3786 : vector<16xi32>
      %jit3A_3788 = arith.constant -32 : i32
      %jit3A_3789 = arith.constant 32 : i32
      %max3A_3790 = vector.broadcast %jit3A_3788 : i32 to vector<16xi32>
      %max3A_3791 = arith.maxsi %max3A_3790, %add3A_3787 : vector<16xi32>
      %min3A_3792 = vector.broadcast %jit3A_3789 : i32 to vector<16xi32>
      %min3A_3793 = arith.minsi %min3A_3792, %max3A_3791 : vector<16xi32>
      %add3A_3794 = arith.constant 32 : i32
      %add3A_3795 = vector.broadcast %add3A_3794 : i32 to vector<16xi32>
      %add3A_3796 = arith.addi %min3A_3793, %add3A_3795 : vector<16xi32>
      %gather3A_3797 = tpu.vector_load_idx %arg5[%add3A_3796, %add3A_3471] : memref<65x96xf32, #tpu.memory_space<vmem>>[vector<16xi32>, vector<16xi32>], vector<16xf32>,
      %swap3A_3798 = arith.constant 0 : i32
      %swap3A_3799 = arith.constant 6 : i32
      %swap3A_3800 = arith.index_cast %swap3A_3798 : i32 to index
      %swap3A_3801 = arith.index_cast %swap3A_3799 : i32 to index
      %swap3A_3802 = arith.constant 48 : index
      %swap3A_3803 = tpu.vector_load %arg7[%swap3A_3800, %swap3A_3801, %swap3A_3802] {strides = array<i32>} : memref<4x8x64xf32, #tpu.memory_space<vmem>>, vector<16xf32>,
      tpu.vector_store %arg7[%swap3A_3800, %swap3A_3801, %swap3A_3802], %gather3A_3797 {strides = array<i32>} : memref<4x8x64xf32, #tpu.memory_space<vmem>>, vector<16xf32>,
      %iota3A_3804 = tpu.iota {dimensions = array<i32: 0>} : vector<16xi32>
      %add3A_3805 = arith.constant -56 : i32
      %add3A_3806 = vector.broadcast %add3A_3805 : i32 to vector<16xi32>
      %add3A_3807 = arith.addi %iota3A_3804, %add3A_3806 : vector<16xi32>
      %jit3A_3808 = arith.constant -32 : i32
      %jit3A_3809 = arith.constant 32 : i32
      %max3A_3810 = vector.broadcast %jit3A_3808 : i32 to vector<16xi32>
      %max3A_3811 = arith.maxsi %max3A_3810, %add3A_3807 : vector<16xi32>
      %min3A_3812 = vector.broadcast %jit3A_3809 : i32 to vector<16xi32>
      %min3A_3813 = arith.minsi %min3A_3812, %max3A_3811 : vector<16xi32>
      %add3A_3814 = arith.constant 32 : i32
      %add3A_3815 = vector.broadcast %add3A_3814 : i32 to vector<16xi32>
      %add3A_3816 = arith.addi %min3A_3813, %add3A_3815 : vector<16xi32>
      %gather3A_3817 = tpu.vector_load_idx %arg5[%add3A_3816, %add3A_3471] : memref<65x96xf32, #tpu.memory_space<vmem>>[vector<16xi32>, vector<16xi32>], vector<16xf32>,
      %swap3A_3818 = arith.constant 1 : i32
      %swap3A_3819 = arith.constant 6 : i32
      %swap3A_3820 = arith.index_cast %swap3A_3818 : i32 to index
      %swap3A_3821 = arith.index_cast %swap3A_3819 : i32 to index
      %swap3A_3822 = arith.constant 0 : index
      %swap3A_3823 = tpu.vector_load %arg7[%swap3A_3820, %swap3A_3821, %swap3A_3822] {strides = array<i32>} : memref<4x8x64xf32, #tpu.memory_space<vmem>>, vector<16xf32>,
      tpu.vector_store %arg7[%swap3A_3820, %swap3A_3821, %swap3A_3822], %gather3A_3817 {strides = array<i32>} : memref<4x8x64xf32, #tpu.memory_space<vmem>>, vector<16xf32>,
      %iota3A_3824 = tpu.iota {dimensions = array<i32: 0>} : vector<16xi32>
      %add3A_3825 = arith.constant -40 : i32
      %add3A_3826 = vector.broadcast %add3A_3825 : i32 to vector<16xi32>
      %add3A_3827 = arith.addi %iota3A_3824, %add3A_3826 : vector<16xi32>
      %jit3A_3828 = arith.constant -32 : i32
      %jit3A_3829 = arith.constant 32 : i32
      %max3A_3830 = vector.broadcast %jit3A_3828 : i32 to vector<16xi32>
      %max3A_3831 = arith.maxsi %max3A_3830, %add3A_3827 : vector<16xi32>
      %min3A_3832 = vector.broadcast %jit3A_3829 : i32 to vector<16xi32>
      %min3A_3833 = arith.minsi %min3A_3832, %max3A_3831 : vector<16xi32>
      %add3A_3834 = arith.constant 32 : i32
      %add3A_3835 = vector.broadcast %add3A_3834 : i32 to vector<16xi32>
      %add3A_3836 = arith.addi %min3A_3833, %add3A_3835 : vector<16xi32>
      %gather3A_3837 = tpu.vector_load_idx %arg5[%add3A_3836, %add3A_3471] : memref<65x96xf32, #tpu.memory_space<vmem>>[vector<16xi32>, vector<16xi32>], vector<16xf32>,
      %swap3A_3838 = arith.constant 1 : i32
      %swap3A_3839 = arith.constant 6 : i32
      %swap3A_3840 = arith.index_cast %swap3A_3838 : i32 to index
      %swap3A_3841 = arith.index_cast %swap3A_3839 : i32 to index
      %swap3A_3842 = arith.constant 16 : index
      %swap3A_3843 = tpu.vector_load %arg7[%swap3A_3840, %swap3A_3841, %swap3A_3842] {strides = array<i32>} : memref<4x8x64xf32, #tpu.memory_space<vmem>>, vector<16xf32>,
      tpu.vector_store %arg7[%swap3A_3840, %swap3A_3841, %swap3A_3842], %gather3A_3837 {strides = array<i32>} : memref<4x8x64xf32, #tpu.memory_space<vmem>>, vector<16xf32>,
      %iota3A_3844 = tpu.iota {dimensions = array<i32: 0>} : vector<16xi32>
      %add3A_3845 = arith.constant -24 : i32
      %add3A_3846 = vector.broadcast %add3A_3845 : i32 to vector<16xi32>
      %add3A_3847 = arith.addi %iota3A_3844, %add3A_3846 : vector<16xi32>
      %jit3A_3848 = arith.constant -32 : i32
      %jit3A_3849 = arith.constant 32 : i32
      %max3A_3850 = vector.broadcast %jit3A_3848 : i32 to vector<16xi32>
      %max3A_3851 = arith.maxsi %max3A_3850, %add3A_3847 : vector<16xi32>
      %min3A_3852 = vector.broadcast %jit3A_3849 : i32 to vector<16xi32>
      %min3A_3853 = arith.minsi %min3A_3852, %max3A_3851 : vector<16xi32>
      %add3A_3854 = arith.constant 32 : i32
      %add3A_3855 = vector.broadcast %add3A_3854 : i32 to vector<16xi32>
      %add3A_3856 = arith.addi %min3A_3853, %add3A_3855 : vector<16xi32>
      %gather3A_3857 = tpu.vector_load_idx %arg5[%add3A_3856, %add3A_3471] : memref<65x96xf32, #tpu.memory_space<vmem>>[vector<16xi32>, vector<16xi32>], vector<16xf32>,
      %swap3A_3858 = arith.constant 1 : i32
      %swap3A_3859 = arith.constant 6 : i32
      %swap3A_3860 = arith.index_cast %swap3A_3858 : i32 to index
      %swap3A_3861 = arith.index_cast %swap3A_3859 : i32 to index
      %swap3A_3862 = arith.constant 32 : index
      %swap3A_3863 = tpu.vector_load %arg7[%swap3A_3860, %swap3A_3861, %swap3A_3862] {strides = array<i32>} : memref<4x8x64xf32, #tpu.memory_space<vmem>>, vector<16xf32>,
      tpu.vector_store %arg7[%swap3A_3860, %swap3A_3861, %swap3A_3862], %gather3A_3857 {strides = array<i32>} : memref<4x8x64xf32, #tpu.memory_space<vmem>>, vector<16xf32>,
      %iota3A_3864 = tpu.iota {dimensions = array<i32: 0>} : vector<16xi32>
      %add3A_3865 = arith.constant -8 : i32
      %add3A_3866 = vector.broadcast %add3A_3865 : i32 to vector<16xi32>
      %add3A_3867 = arith.addi %iota3A_3864, %add3A_3866 : vector<16xi32>
      %jit3A_3868 = arith.constant -32 : i32
      %jit3A_3869 = arith.constant 32 : i32
      %max3A_3870 = vector.broadcast %jit3A_3868 : i32 to vector<16xi32>
      %max3A_3871 = arith.maxsi %max3A_3870, %add3A_3867 : vector<16xi32>
      %min3A_3872 = vector.broadcast %jit3A_3869 : i32 to vector<16xi32>
      %min3A_3873 = arith.minsi %min3A_3872, %max3A_3871 : vector<16xi32>
      %add3A_3874 = arith.constant 32 : i32
      %add3A_3875 = vector.broadcast %add3A_3874 : i32 to vector<16xi32>
      %add3A_3876 = arith.addi %min3A_3873, %add3A_3875 : vector<16xi32>
      %gather3A_3877 = tpu.vector_load_idx %arg5[%add3A_3876, %add3A_3471] : memref<65x96xf32, #tpu.memory_space<vmem>>[vector<16xi32>, vector<16xi32>], vector<16xf32>,
      %swap3A_3878 = arith.constant 1 : i32
      %swap3A_3879 = arith.constant 6 : i32
      %swap3A_3880 = arith.index_cast %swap3A_3878 : i32 to index
      %swap3A_3881 = arith.index_cast %swap3A_3879 : i32 to index
      %swap3A_3882 = arith.constant 48 : index
      %swap3A_3883 = tpu.vector_load %arg7[%swap3A_3880, %swap3A_3881, %swap3A_3882] {strides = array<i32>} : memref<4x8x64xf32, #tpu.memory_space<vmem>>, vector<16xf32>,
      tpu.vector_store %arg7[%swap3A_3880, %swap3A_3881, %swap3A_3882], %gather3A_3877 {strides = array<i32>} : memref<4x8x64xf32, #tpu.memory_space<vmem>>, vector<16xf32>,
      %iota3A_3884 = tpu.iota {dimensions = array<i32: 0>} : vector<16xi32>
      %add3A_3885 = arith.constant 0 : i32
      %add3A_3886 = vector.broadcast %add3A_3885 : i32 to vector<16xi32>
      %add3A_3887 = arith.addi %iota3A_3884, %add3A_3886 : vector<16xi32>
      %jit3A_3888 = arith.constant -32 : i32
      %jit3A_3889 = arith.constant 32 : i32
      %max3A_3890 = vector.broadcast %jit3A_3888 : i32 to vector<16xi32>
      %max3A_3891 = arith.maxsi %max3A_3890, %add3A_3887 : vector<16xi32>
      %min3A_3892 = vector.broadcast %jit3A_3889 : i32 to vector<16xi32>
      %min3A_3893 = arith.minsi %min3A_3892, %max3A_3891 : vector<16xi32>
      %add3A_3894 = arith.constant 32 : i32
      %add3A_3895 = vector.broadcast %add3A_3894 : i32 to vector<16xi32>
      %add3A_3896 = arith.addi %min3A_3893, %add3A_3895 : vector<16xi32>
      %gather3A_3897 = tpu.vector_load_idx %arg5[%add3A_3896, %add3A_3471] : memref<65x96xf32, #tpu.memory_space<vmem>>[vector<16xi32>, vector<16xi32>], vector<16xf32>,
      %swap3A_3898 = arith.constant 2 : i32
      %swap3A_3899 = arith.constant 6 : i32
      %swap3A_3900 = arith.index_cast %swap3A_3898 : i32 to index
      %swap3A_3901 = arith.index_cast %swap3A_3899 : i32 to index
      %swap3A_3902 = arith.constant 0 : index
      %swap3A_3903 = tpu.vector_load %arg7[%swap3A_3900, %swap3A_3901, %swap3A_3902] {strides = array<i32>} : memref<4x8x64xf32, #tpu.memory_space<vmem>>, vector<16xf32>,
      tpu.vector_store %arg7[%swap3A_3900, %swap3A_3901, %swap3A_3902], %gather3A_3897 {strides = array<i32>} : memref<4x8x64xf32, #tpu.memory_space<vmem>>, vector<16xf32>,
      %iota3A_3904 = tpu.iota {dimensions = array<i32: 0>} : vector<16xi32>
      %add3A_3905 = arith.constant 16 : i32
      %add3A_3906 = vector.broadcast %add3A_3905 : i32 to vector<16xi32>
      %add3A_3907 = arith.addi %iota3A_3904, %add3A_3906 : vector<16xi32>
      %jit3A_3908 = arith.constant -32 : i32
      %jit3A_3909 = arith.constant 32 : i32
      %max3A_3910 = vector.broadcast %jit3A_3908 : i32 to vector<16xi32>
      %max3A_3911 = arith.maxsi %max3A_3910, %add3A_3907 : vector<16xi32>
      %min3A_3912 = vector.broadcast %jit3A_3909 : i32 to vector<16xi32>
      %min3A_3913 = arith.minsi %min3A_3912, %max3A_3911 : vector<16xi32>
      %add3A_3914 = arith.constant 32 : i32
      %add3A_3915 = vector.broadcast %add3A_3914 : i32 to vector<16xi32>
      %add3A_3916 = arith.addi %min3A_3913, %add3A_3915 : vector<16xi32>
      %gather3A_3917 = tpu.vector_load_idx %arg5[%add3A_3916, %add3A_3471] : memref<65x96xf32, #tpu.memory_space<vmem>>[vector<16xi32>, vector<16xi32>], vector<16xf32>,
      %swap3A_3918 = arith.constant 2 : i32
      %swap3A_3919 = arith.constant 6 : i32
      %swap3A_3920 = arith.index_cast %swap3A_3918 : i32 to index
      %swap3A_3921 = arith.index_cast %swap3A_3919 : i32 to index
      %swap3A_3922 = arith.constant 16 : index
      %swap3A_3923 = tpu.vector_load %arg7[%swap3A_3920, %swap3A_3921, %swap3A_3922] {strides = array<i32>} : memref<4x8x64xf32, #tpu.memory_space<vmem>>, vector<16xf32>,
      tpu.vector_store %arg7[%swap3A_3920, %swap3A_3921, %swap3A_3922], %gather3A_3917 {strides = array<i32>} : memref<4x8x64xf32, #tpu.memory_space<vmem>>, vector<16xf32>,
      %iota3A_3924 = tpu.iota {dimensions = array<i32: 0>} : vector<16xi32>
      %add3A_3925 = arith.constant 32 : i32
      %add3A_3926 = vector.broadcast %add3A_3925 : i32 to vector<16xi32>
      %add3A_3927 = arith.addi %iota3A_3924, %add3A_3926 : vector<16xi32>
      %jit3A_3928 = arith.constant -32 : i32
      %jit3A_3929 = arith.constant 32 : i32
      %max3A_3930 = vector.broadcast %jit3A_3928 : i32 to vector<16xi32>
      %max3A_3931 = arith.maxsi %max3A_3930, %add3A_3927 : vector<16xi32>
      %min3A_3932 = vector.broadcast %jit3A_3929 : i32 to vector<16xi32>
      %min3A_3933 = arith.minsi %min3A_3932, %max3A_3931 : vector<16xi32>
      %add3A_3934 = arith.constant 32 : i32
      %add3A_3935 = vector.broadcast %add3A_3934 : i32 to vector<16xi32>
      %add3A_3936 = arith.addi %min3A_3933, %add3A_3935 : vector<16xi32>
      %gather3A_3937 = tpu.vector_load_idx %arg5[%add3A_3936, %add3A_3471] : memref<65x96xf32, #tpu.memory_space<vmem>>[vector<16xi32>, vector<16xi32>], vector<16xf32>,
      %swap3A_3938 = arith.constant 2 : i32
      %swap3A_3939 = arith.constant 6 : i32
      %swap3A_3940 = arith.index_cast %swap3A_3938 : i32 to index
      %swap3A_3941 = arith.index_cast %swap3A_3939 : i32 to index
      %swap3A_3942 = arith.constant 32 : index
      %swap3A_3943 = tpu.vector_load %arg7[%swap3A_3940, %swap3A_3941, %swap3A_3942] {strides = array<i32>} : memref<4x8x64xf32, #tpu.memory_space<vmem>>, vector<16xf32>,
      tpu.vector_store %arg7[%swap3A_3940, %swap3A_3941, %swap3A_3942], %gather3A_3937 {strides = array<i32>} : memref<4x8x64xf32, #tpu.memory_space<vmem>>, vector<16xf32>,
      %iota3A_3944 = tpu.iota {dimensions = array<i32: 0>} : vector<16xi32>
      %add3A_3945 = arith.constant 48 : i32
      %add3A_3946 = vector.broadcast %add3A_3945 : i32 to vector<16xi32>
      %add3A_3947 = arith.addi %iota3A_3944, %add3A_3946 : vector<16xi32>
      %jit3A_3948 = arith.constant -32 : i32
      %jit3A_3949 = arith.constant 32 : i32
      %max3A_3950 = vector.broadcast %jit3A_3948 : i32 to vector<16xi32>
      %max3A_3951 = arith.maxsi %max3A_3950, %add3A_3947 : vector<16xi32>
      %min3A_3952 = vector.broadcast %jit3A_3949 : i32 to vector<16xi32>
      %min3A_3953 = arith.minsi %min3A_3952, %max3A_3951 : vector<16xi32>
      %add3A_3954 = arith.constant 32 : i32
      %add3A_3955 = vector.broadcast %add3A_3954 : i32 to vector<16xi32>
      %add3A_3956 = arith.addi %min3A_3953, %add3A_3955 : vector<16xi32>
      %gather3A_3957 = tpu.vector_load_idx %arg5[%add3A_3956, %add3A_3471] : memref<65x96xf32, #tpu.memory_space<vmem>>[vector<16xi32>, vector<16xi32>], vector<16xf32>,
      %swap3A_3958 = arith.constant 2 : i32
      %swap3A_3959 = arith.constant 6 : i32
      %swap3A_3960 = arith.index_cast %swap3A_3958 : i32 to index
      %swap3A_3961 = arith.index_cast %swap3A_3959 : i32 to index
      %swap3A_3962 = arith.constant 48 : index
      %swap3A_3963 = tpu.vector_load %arg7[%swap3A_3960, %swap3A_3961, %swap3A_3962] {strides = array<i32>} : memref<4x8x64xf32, #tpu.memory_space<vmem>>, vector<16xf32>,
      tpu.vector_store %arg7[%swap3A_3960, %swap3A_3961, %swap3A_3962], %gather3A_3957 {strides = array<i32>} : memref<4x8x64xf32, #tpu.memory_space<vmem>>, vector<16xf32>,
      %iota3A_3964 = tpu.iota {dimensions = array<i32: 0>} : vector<16xi32>
      %add3A_3965 = arith.constant 56 : i32
      %add3A_3966 = vector.broadcast %add3A_3965 : i32 to vector<16xi32>
      %add3A_3967 = arith.addi %iota3A_3964, %add3A_3966 : vector<16xi32>
      %jit3A_3968 = arith.constant -32 : i32
      %jit3A_3969 = arith.constant 32 : i32
      %max3A_3970 = vector.broadcast %jit3A_3968 : i32 to vector<16xi32>
      %max3A_3971 = arith.maxsi %max3A_3970, %add3A_3967 : vector<16xi32>
      %min3A_3972 = vector.broadcast %jit3A_3969 : i32 to vector<16xi32>
      %min3A_3973 = arith.minsi %min3A_3972, %max3A_3971 : vector<16xi32>
      %add3A_3974 = arith.constant 32 : i32
      %add3A_3975 = vector.broadcast %add3A_3974 : i32 to vector<16xi32>
      %add3A_3976 = arith.addi %min3A_3973, %add3A_3975 : vector<16xi32>
      %gather3A_3977 = tpu.vector_load_idx %arg5[%add3A_3976, %add3A_3471] : memref<65x96xf32, #tpu.memory_space<vmem>>[vector<16xi32>, vector<16xi32>], vector<16xf32>,
      %swap3A_3978 = arith.constant 3 : i32
      %swap3A_3979 = arith.constant 6 : i32
      %swap3A_3980 = arith.index_cast %swap3A_3978 : i32 to index
      %swap3A_3981 = arith.index_cast %swap3A_3979 : i32 to index
      %swap3A_3982 = arith.constant 0 : index
      %swap3A_3983 = tpu.vector_load %arg7[%swap3A_3980, %swap3A_3981, %swap3A_3982] {strides = array<i32>} : memref<4x8x64xf32, #tpu.memory_space<vmem>>, vector<16xf32>,
      tpu.vector_store %arg7[%swap3A_3980, %swap3A_3981, %swap3A_3982], %gather3A_3977 {strides = array<i32>} : memref<4x8x64xf32, #tpu.memory_space<vmem>>, vector<16xf32>,
      %iota3A_3984 = tpu.iota {dimensions = array<i32: 0>} : vector<16xi32>
      %add3A_3985 = arith.constant 72 : i32
      %add3A_3986 = vector.broadcast %add3A_3985 : i32 to vector<16xi32>
      %add3A_3987 = arith.addi %iota3A_3984, %add3A_3986 : vector<16xi32>
      %jit3A_3988 = arith.constant -32 : i32
      %jit3A_3989 = arith.constant 32 : i32
      %max3A_3990 = vector.broadcast %jit3A_3988 : i32 to vector<16xi32>
      %max3A_3991 = arith.maxsi %max3A_3990, %add3A_3987 : vector<16xi32>
      %min3A_3992 = vector.broadcast %jit3A_3989 : i32 to vector<16xi32>
      %min3A_3993 = arith.minsi %min3A_3992, %max3A_3991 : vector<16xi32>
      %add3A_3994 = arith.constant 32 : i32
      %add3A_3995 = vector.broadcast %add3A_3994 : i32 to vector<16xi32>
      %add3A_3996 = arith.addi %min3A_3993, %add3A_3995 : vector<16xi32>
      %gather3A_3997 = tpu.vector_load_idx %arg5[%add3A_3996, %add3A_3471] : memref<65x96xf32, #tpu.memory_space<vmem>>[vector<16xi32>, vector<16xi32>], vector<16xf32>,
      %swap3A_3998 = arith.constant 3 : i32
      %swap3A_3999 = arith.constant 6 : i32
      %swap3A_4000 = arith.index_cast %swap3A_3998 : i32 to index
      %swap3A_4001 = arith.index_cast %swap3A_3999 : i32 to index
      %swap3A_4002 = arith.constant 16 : index
      %swap3A_4003 = tpu.vector_load %arg7[%swap3A_4000, %swap3A_4001, %swap3A_4002] {strides = array<i32>} : memref<4x8x64xf32, #tpu.memory_space<vmem>>, vector<16xf32>,
      tpu.vector_store %arg7[%swap3A_4000, %swap3A_4001, %swap3A_4002], %gather3A_3997 {strides = array<i32>} : memref<4x8x64xf32, #tpu.memory_space<vmem>>, vector<16xf32>,
      %iota3A_4004 = tpu.iota {dimensions = array<i32: 0>} : vector<16xi32>
      %add3A_4005 = arith.constant 88 : i32
      %add3A_4006 = vector.broadcast %add3A_4005 : i32 to vector<16xi32>
      %add3A_4007 = arith.addi %iota3A_4004, %add3A_4006 : vector<16xi32>
      %jit3A_4008 = arith.constant -32 : i32
      %jit3A_4009 = arith.constant 32 : i32
      %max3A_4010 = vector.broadcast %jit3A_4008 : i32 to vector<16xi32>
      %max3A_4011 = arith.maxsi %max3A_4010, %add3A_4007 : vector<16xi32>
      %min3A_4012 = vector.broadcast %jit3A_4009 : i32 to vector<16xi32>
      %min3A_4013 = arith.minsi %min3A_4012, %max3A_4011 : vector<16xi32>
      %add3A_4014 = arith.constant 32 : i32
      %add3A_4015 = vector.broadcast %add3A_4014 : i32 to vector<16xi32>
      %add3A_4016 = arith.addi %min3A_4013, %add3A_4015 : vector<16xi32>
      %gather3A_4017 = tpu.vector_load_idx %arg5[%add3A_4016, %add3A_3471] : memref<65x96xf32, #tpu.memory_space<vmem>>[vector<16xi32>, vector<16xi32>], vector<16xf32>,
      %swap3A_4018 = arith.constant 3 : i32
      %swap3A_4019 = arith.constant 6 : i32
      %swap3A_4020 = arith.index_cast %swap3A_4018 : i32 to index
      %swap3A_4021 = arith.index_cast %swap3A_4019 : i32 to index
      %swap3A_4022 = arith.constant 32 : index
      %swap3A_4023 = tpu.vector_load %arg7[%swap3A_4020, %swap3A_4021, %swap3A_4022] {strides = array<i32>} : memref<4x8x64xf32, #tpu.memory_space<vmem>>, vector<16xf32>,
      tpu.vector_store %arg7[%swap3A_4020, %swap3A_4021, %swap3A_4022], %gather3A_4017 {strides = array<i32>} : memref<4x8x64xf32, #tpu.memory_space<vmem>>, vector<16xf32>,
      %iota3A_4024 = tpu.iota {dimensions = array<i32: 0>} : vector<16xi32>
      %add3A_4025 = arith.constant 104 : i32
      %add3A_4026 = vector.broadcast %add3A_4025 : i32 to vector<16xi32>
      %add3A_4027 = arith.addi %iota3A_4024, %add3A_4026 : vector<16xi32>
      %jit3A_4028 = arith.constant -32 : i32
      %jit3A_4029 = arith.constant 32 : i32
      %max3A_4030 = vector.broadcast %jit3A_4028 : i32 to vector<16xi32>
      %max3A_4031 = arith.maxsi %max3A_4030, %add3A_4027 : vector<16xi32>
      %min3A_4032 = vector.broadcast %jit3A_4029 : i32 to vector<16xi32>
      %min3A_4033 = arith.minsi %min3A_4032, %max3A_4031 : vector<16xi32>
      %add3A_4034 = arith.constant 32 : i32
      %add3A_4035 = vector.broadcast %add3A_4034 : i32 to vector<16xi32>
      %add3A_4036 = arith.addi %min3A_4033, %add3A_4035 : vector<16xi32>
      %gather3A_4037 = tpu.vector_load_idx %arg5[%add3A_4036, %add3A_3471] : memref<65x96xf32, #tpu.memory_space<vmem>>[vector<16xi32>, vector<16xi32>], vector<16xf32>,
      %swap3A_4038 = arith.constant 3 : i32
      %swap3A_4039 = arith.constant 6 : i32
      %swap3A_4040 = arith.index_cast %swap3A_4038 : i32 to index
      %swap3A_4041 = arith.index_cast %swap3A_4039 : i32 to index
      %swap3A_4042 = arith.constant 48 : index
      %swap3A_4043 = tpu.vector_load %arg7[%swap3A_4040, %swap3A_4041, %swap3A_4042] {strides = array<i32>} : memref<4x8x64xf32, #tpu.memory_space<vmem>>, vector<16xf32>,
      tpu.vector_store %arg7[%swap3A_4040, %swap3A_4041, %swap3A_4042], %gather3A_4037 {strides = array<i32>} : memref<4x8x64xf32, #tpu.memory_space<vmem>>, vector<16xf32>,
      %broadcast_in_dim3A_4044 = arith.constant 0 : i32
      %broadcast_in_dim3A_4045 = vector.broadcast %broadcast_in_dim3A_4044 : i32 to vector<16xi32>
      %add3A_4046 = arith.constant 7 : i32
      %add3A_4047 = arith.addi %mul3A_2, %add3A_4046 : i32
      %add3A_4048 = vector.broadcast %add3A_4047 : i32 to vector<16xi32>
      %add3A_4049 = arith.addi %broadcast_in_dim3A_4045, %add3A_4048 : vector<16xi32>
      %iota3A_4050 = tpu.iota {dimensions = array<i32: 0>} : vector<16xi32>
      %add3A_4051 = arith.constant -112 : i32
      %add3A_4052 = vector.broadcast %add3A_4051 : i32 to vector<16xi32>
      %add3A_4053 = arith.addi %iota3A_4050, %add3A_4052 : vector<16xi32>
      %jit3A_4054 = arith.constant -32 : i32
      %jit3A_4055 = arith.constant 32 : i32
      %max3A_4056 = vector.broadcast %jit3A_4054 : i32 to vector<16xi32>
      %max3A_4057 = arith.maxsi %max3A_4056, %add3A_4053 : vector<16xi32>
      %min3A_4058 = vector.broadcast %jit3A_4055 : i32 to vector<16xi32>
      %min3A_4059 = arith.minsi %min3A_4058, %max3A_4057 : vector<16xi32>
      %add3A_4060 = arith.constant 32 : i32
      %add3A_4061 = vector.broadcast %add3A_4060 : i32 to vector<16xi32>
      %add3A_4062 = arith.addi %min3A_4059, %add3A_4061 : vector<16xi32>
      %gather3A_4063 = tpu.vector_load_idx %arg5[%add3A_4062, %add3A_4049] : memref<65x96xf32, #tpu.memory_space<vmem>>[vector<16xi32>, vector<16xi32>], vector<16xf32>,
      %swap3A_4064 = arith.constant 7 : i32
      %swap3A_4065 = arith.index_cast %swap3A_4064 : i32 to index
      %swap3A_4066 = arith.constant 0 : index
      %swap3A_4067 = tpu.vector_load %arg6[%swap3A_4065, %swap3A_4066] {strides = array<i32>} : memref<8x224xf32, #tpu.memory_space<vmem>>, vector<16xf32>,
      tpu.vector_store %arg6[%swap3A_4065, %swap3A_4066], %gather3A_4063 {strides = array<i32>} : memref<8x224xf32, #tpu.memory_space<vmem>>, vector<16xf32>,
      %iota3A_4068 = tpu.iota {dimensions = array<i32: 0>} : vector<16xi32>
      %add3A_4069 = arith.constant -96 : i32
      %add3A_4070 = vector.broadcast %add3A_4069 : i32 to vector<16xi32>
      %add3A_4071 = arith.addi %iota3A_4068, %add3A_4070 : vector<16xi32>
      %jit3A_4072 = arith.constant -32 : i32
      %jit3A_4073 = arith.constant 32 : i32
      %max3A_4074 = vector.broadcast %jit3A_4072 : i32 to vector<16xi32>
      %max3A_4075 = arith.maxsi %max3A_4074, %add3A_4071 : vector<16xi32>
      %min3A_4076 = vector.broadcast %jit3A_4073 : i32 to vector<16xi32>
      %min3A_4077 = arith.minsi %min3A_4076, %max3A_4075 : vector<16xi32>
      %add3A_4078 = arith.constant 32 : i32
      %add3A_4079 = vector.broadcast %add3A_4078 : i32 to vector<16xi32>
      %add3A_4080 = arith.addi %min3A_4077, %add3A_4079 : vector<16xi32>
      %gather3A_4081 = tpu.vector_load_idx %arg5[%add3A_4080, %add3A_4049] : memref<65x96xf32, #tpu.memory_space<vmem>>[vector<16xi32>, vector<16xi32>], vector<16xf32>,
      %swap3A_4082 = arith.constant 7 : i32
      %swap3A_4083 = arith.index_cast %swap3A_4082 : i32 to index
      %swap3A_4084 = arith.constant 16 : index
      %swap3A_4085 = tpu.vector_load %arg6[%swap3A_4083, %swap3A_4084] {strides = array<i32>} : memref<8x224xf32, #tpu.memory_space<vmem>>, vector<16xf32>,
      tpu.vector_store %arg6[%swap3A_4083, %swap3A_4084], %gather3A_4081 {strides = array<i32>} : memref<8x224xf32, #tpu.memory_space<vmem>>, vector<16xf32>,
      %iota3A_4086 = tpu.iota {dimensions = array<i32: 0>} : vector<16xi32>
      %add3A_4087 = arith.constant -80 : i32
      %add3A_4088 = vector.broadcast %add3A_4087 : i32 to vector<16xi32>
      %add3A_4089 = arith.addi %iota3A_4086, %add3A_4088 : vector<16xi32>
      %jit3A_4090 = arith.constant -32 : i32
      %jit3A_4091 = arith.constant 32 : i32
      %max3A_4092 = vector.broadcast %jit3A_4090 : i32 to vector<16xi32>
      %max3A_4093 = arith.maxsi %max3A_4092, %add3A_4089 : vector<16xi32>
      %min3A_4094 = vector.broadcast %jit3A_4091 : i32 to vector<16xi32>
      %min3A_4095 = arith.minsi %min3A_4094, %max3A_4093 : vector<16xi32>
      %add3A_4096 = arith.constant 32 : i32
      %add3A_4097 = vector.broadcast %add3A_4096 : i32 to vector<16xi32>
      %add3A_4098 = arith.addi %min3A_4095, %add3A_4097 : vector<16xi32>
      %gather3A_4099 = tpu.vector_load_idx %arg5[%add3A_4098, %add3A_4049] : memref<65x96xf32, #tpu.memory_space<vmem>>[vector<16xi32>, vector<16xi32>], vector<16xf32>,
      %swap3A_4100 = arith.constant 7 : i32
      %swap3A_4101 = arith.index_cast %swap3A_4100 : i32 to index
      %swap3A_4102 = arith.constant 32 : index
      %swap3A_4103 = tpu.vector_load %arg6[%swap3A_4101, %swap3A_4102] {strides = array<i32>} : memref<8x224xf32, #tpu.memory_space<vmem>>, vector<16xf32>,
      tpu.vector_store %arg6[%swap3A_4101, %swap3A_4102], %gather3A_4099 {strides = array<i32>} : memref<8x224xf32, #tpu.memory_space<vmem>>, vector<16xf32>,
      %iota3A_4104 = tpu.iota {dimensions = array<i32: 0>} : vector<16xi32>
      %add3A_4105 = arith.constant -64 : i32
      %add3A_4106 = vector.broadcast %add3A_4105 : i32 to vector<16xi32>
      %add3A_4107 = arith.addi %iota3A_4104, %add3A_4106 : vector<16xi32>
      %jit3A_4108 = arith.constant -32 : i32
      %jit3A_4109 = arith.constant 32 : i32
      %max3A_4110 = vector.broadcast %jit3A_4108 : i32 to vector<16xi32>
      %max3A_4111 = arith.maxsi %max3A_4110, %add3A_4107 : vector<16xi32>
      %min3A_4112 = vector.broadcast %jit3A_4109 : i32 to vector<16xi32>
      %min3A_4113 = arith.minsi %min3A_4112, %max3A_4111 : vector<16xi32>
      %add3A_4114 = arith.constant 32 : i32
      %add3A_4115 = vector.broadcast %add3A_4114 : i32 to vector<16xi32>
      %add3A_4116 = arith.addi %min3A_4113, %add3A_4115 : vector<16xi32>
      %gather3A_4117 = tpu.vector_load_idx %arg5[%add3A_4116, %add3A_4049] : memref<65x96xf32, #tpu.memory_space<vmem>>[vector<16xi32>, vector<16xi32>], vector<16xf32>,
      %swap3A_4118 = arith.constant 7 : i32
      %swap3A_4119 = arith.index_cast %swap3A_4118 : i32 to index
      %swap3A_4120 = arith.constant 48 : index
      %swap3A_4121 = tpu.vector_load %arg6[%swap3A_4119, %swap3A_4120] {strides = array<i32>} : memref<8x224xf32, #tpu.memory_space<vmem>>, vector<16xf32>,
      tpu.vector_store %arg6[%swap3A_4119, %swap3A_4120], %gather3A_4117 {strides = array<i32>} : memref<8x224xf32, #tpu.memory_space<vmem>>, vector<16xf32>,
      %iota3A_4122 = tpu.iota {dimensions = array<i32: 0>} : vector<16xi32>
      %add3A_4123 = arith.constant -48 : i32
      %add3A_4124 = vector.broadcast %add3A_4123 : i32 to vector<16xi32>
      %add3A_4125 = arith.addi %iota3A_4122, %add3A_4124 : vector<16xi32>
      %jit3A_4126 = arith.constant -32 : i32
      %jit3A_4127 = arith.constant 32 : i32
      %max3A_4128 = vector.broadcast %jit3A_4126 : i32 to vector<16xi32>
      %max3A_4129 = arith.maxsi %max3A_4128, %add3A_4125 : vector<16xi32>
      %min3A_4130 = vector.broadcast %jit3A_4127 : i32 to vector<16xi32>
      %min3A_4131 = arith.minsi %min3A_4130, %max3A_4129 : vector<16xi32>
      %add3A_4132 = arith.constant 32 : i32
      %add3A_4133 = vector.broadcast %add3A_4132 : i32 to vector<16xi32>
      %add3A_4134 = arith.addi %min3A_4131, %add3A_4133 : vector<16xi32>
      %gather3A_4135 = tpu.vector_load_idx %arg5[%add3A_4134, %add3A_4049] : memref<65x96xf32, #tpu.memory_space<vmem>>[vector<16xi32>, vector<16xi32>], vector<16xf32>,
      %swap3A_4136 = arith.constant 7 : i32
      %swap3A_4137 = arith.index_cast %swap3A_4136 : i32 to index
      %swap3A_4138 = arith.constant 64 : index
      %swap3A_4139 = tpu.vector_load %arg6[%swap3A_4137, %swap3A_4138] {strides = array<i32>} : memref<8x224xf32, #tpu.memory_space<vmem>>, vector<16xf32>,
      tpu.vector_store %arg6[%swap3A_4137, %swap3A_4138], %gather3A_4135 {strides = array<i32>} : memref<8x224xf32, #tpu.memory_space<vmem>>, vector<16xf32>,
      %iota3A_4140 = tpu.iota {dimensions = array<i32: 0>} : vector<16xi32>
      %add3A_4141 = arith.constant -32 : i32
      %add3A_4142 = vector.broadcast %add3A_4141 : i32 to vector<16xi32>
      %add3A_4143 = arith.addi %iota3A_4140, %add3A_4142 : vector<16xi32>
      %jit3A_4144 = arith.constant -32 : i32
      %jit3A_4145 = arith.constant 32 : i32
      %max3A_4146 = vector.broadcast %jit3A_4144 : i32 to vector<16xi32>
      %max3A_4147 = arith.maxsi %max3A_4146, %add3A_4143 : vector<16xi32>
      %min3A_4148 = vector.broadcast %jit3A_4145 : i32 to vector<16xi32>
      %min3A_4149 = arith.minsi %min3A_4148, %max3A_4147 : vector<16xi32>
      %add3A_4150 = arith.constant 32 : i32
      %add3A_4151 = vector.broadcast %add3A_4150 : i32 to vector<16xi32>
      %add3A_4152 = arith.addi %min3A_4149, %add3A_4151 : vector<16xi32>
      %gather3A_4153 = tpu.vector_load_idx %arg5[%add3A_4152, %add3A_4049] : memref<65x96xf32, #tpu.memory_space<vmem>>[vector<16xi32>, vector<16xi32>], vector<16xf32>,
      %swap3A_4154 = arith.constant 7 : i32
      %swap3A_4155 = arith.index_cast %swap3A_4154 : i32 to index
      %swap3A_4156 = arith.constant 80 : index
      %swap3A_4157 = tpu.vector_load %arg6[%swap3A_4155, %swap3A_4156] {strides = array<i32>} : memref<8x224xf32, #tpu.memory_space<vmem>>, vector<16xf32>,
      tpu.vector_store %arg6[%swap3A_4155, %swap3A_4156], %gather3A_4153 {strides = array<i32>} : memref<8x224xf32, #tpu.memory_space<vmem>>, vector<16xf32>,
      %iota3A_4158 = tpu.iota {dimensions = array<i32: 0>} : vector<16xi32>
      %add3A_4159 = arith.constant -16 : i32
      %add3A_4160 = vector.broadcast %add3A_4159 : i32 to vector<16xi32>
      %add3A_4161 = arith.addi %iota3A_4158, %add3A_4160 : vector<16xi32>
      %jit3A_4162 = arith.constant -32 : i32
      %jit3A_4163 = arith.constant 32 : i32
      %max3A_4164 = vector.broadcast %jit3A_4162 : i32 to vector<16xi32>
      %max3A_4165 = arith.maxsi %max3A_4164, %add3A_4161 : vector<16xi32>
      %min3A_4166 = vector.broadcast %jit3A_4163 : i32 to vector<16xi32>
      %min3A_4167 = arith.minsi %min3A_4166, %max3A_4165 : vector<16xi32>
      %add3A_4168 = arith.constant 32 : i32
      %add3A_4169 = vector.broadcast %add3A_4168 : i32 to vector<16xi32>
      %add3A_4170 = arith.addi %min3A_4167, %add3A_4169 : vector<16xi32>
      %gather3A_4171 = tpu.vector_load_idx %arg5[%add3A_4170, %add3A_4049] : memref<65x96xf32, #tpu.memory_space<vmem>>[vector<16xi32>, vector<16xi32>], vector<16xf32>,
      %swap3A_4172 = arith.constant 7 : i32
      %swap3A_4173 = arith.index_cast %swap3A_4172 : i32 to index
      %swap3A_4174 = arith.constant 96 : index
      %swap3A_4175 = tpu.vector_load %arg6[%swap3A_4173, %swap3A_4174] {strides = array<i32>} : memref<8x224xf32, #tpu.memory_space<vmem>>, vector<16xf32>,
      tpu.vector_store %arg6[%swap3A_4173, %swap3A_4174], %gather3A_4171 {strides = array<i32>} : memref<8x224xf32, #tpu.memory_space<vmem>>, vector<16xf32>,
      %iota3A_4176 = tpu.iota {dimensions = array<i32: 0>} : vector<16xi32>
      %add3A_4177 = arith.constant 0 : i32
      %add3A_4178 = vector.broadcast %add3A_4177 : i32 to vector<16xi32>
      %add3A_4179 = arith.addi %iota3A_4176, %add3A_4178 : vector<16xi32>
      %jit3A_4180 = arith.constant -32 : i32
      %jit3A_4181 = arith.constant 32 : i32
      %max3A_4182 = vector.broadcast %jit3A_4180 : i32 to vector<16xi32>
      %max3A_4183 = arith.maxsi %max3A_4182, %add3A_4179 : vector<16xi32>
      %min3A_4184 = vector.broadcast %jit3A_4181 : i32 to vector<16xi32>
      %min3A_4185 = arith.minsi %min3A_4184, %max3A_4183 : vector<16xi32>
      %add3A_4186 = arith.constant 32 : i32
      %add3A_4187 = vector.broadcast %add3A_4186 : i32 to vector<16xi32>
      %add3A_4188 = arith.addi %min3A_4185, %add3A_4187 : vector<16xi32>
      %gather3A_4189 = tpu.vector_load_idx %arg5[%add3A_4188, %add3A_4049] : memref<65x96xf32, #tpu.memory_space<vmem>>[vector<16xi32>, vector<16xi32>], vector<16xf32>,
      %swap3A_4190 = arith.constant 7 : i32
      %swap3A_4191 = arith.index_cast %swap3A_4190 : i32 to index
      %swap3A_4192 = arith.constant 112 : index
      %swap3A_4193 = tpu.vector_load %arg6[%swap3A_4191, %swap3A_4192] {strides = array<i32>} : memref<8x224xf32, #tpu.memory_space<vmem>>, vector<16xf32>,
      tpu.vector_store %arg6[%swap3A_4191, %swap3A_4192], %gather3A_4189 {strides = array<i32>} : memref<8x224xf32, #tpu.memory_space<vmem>>, vector<16xf32>,
      %iota3A_4194 = tpu.iota {dimensions = array<i32: 0>} : vector<16xi32>
      %add3A_4195 = arith.constant 16 : i32
      %add3A_4196 = vector.broadcast %add3A_4195 : i32 to vector<16xi32>
      %add3A_4197 = arith.addi %iota3A_4194, %add3A_4196 : vector<16xi32>
      %jit3A_4198 = arith.constant -32 : i32
      %jit3A_4199 = arith.constant 32 : i32
      %max3A_4200 = vector.broadcast %jit3A_4198 : i32 to vector<16xi32>
      %max3A_4201 = arith.maxsi %max3A_4200, %add3A_4197 : vector<16xi32>
      %min3A_4202 = vector.broadcast %jit3A_4199 : i32 to vector<16xi32>
      %min3A_4203 = arith.minsi %min3A_4202, %max3A_4201 : vector<16xi32>
      %add3A_4204 = arith.constant 32 : i32
      %add3A_4205 = vector.broadcast %add3A_4204 : i32 to vector<16xi32>
      %add3A_4206 = arith.addi %min3A_4203, %add3A_4205 : vector<16xi32>
      %gather3A_4207 = tpu.vector_load_idx %arg5[%add3A_4206, %add3A_4049] : memref<65x96xf32, #tpu.memory_space<vmem>>[vector<16xi32>, vector<16xi32>], vector<16xf32>,
      %swap3A_4208 = arith.constant 7 : i32
      %swap3A_4209 = arith.index_cast %swap3A_4208 : i32 to index
      %swap3A_4210 = arith.constant 128 : index
      %swap3A_4211 = tpu.vector_load %arg6[%swap3A_4209, %swap3A_4210] {strides = array<i32>} : memref<8x224xf32, #tpu.memory_space<vmem>>, vector<16xf32>,
      tpu.vector_store %arg6[%swap3A_4209, %swap3A_4210], %gather3A_4207 {strides = array<i32>} : memref<8x224xf32, #tpu.memory_space<vmem>>, vector<16xf32>,
      %iota3A_4212 = tpu.iota {dimensions = array<i32: 0>} : vector<16xi32>
      %add3A_4213 = arith.constant 32 : i32
      %add3A_4214 = vector.broadcast %add3A_4213 : i32 to vector<16xi32>
      %add3A_4215 = arith.addi %iota3A_4212, %add3A_4214 : vector<16xi32>
      %jit3A_4216 = arith.constant -32 : i32
      %jit3A_4217 = arith.constant 32 : i32
      %max3A_4218 = vector.broadcast %jit3A_4216 : i32 to vector<16xi32>
      %max3A_4219 = arith.maxsi %max3A_4218, %add3A_4215 : vector<16xi32>
      %min3A_4220 = vector.broadcast %jit3A_4217 : i32 to vector<16xi32>
      %min3A_4221 = arith.minsi %min3A_4220, %max3A_4219 : vector<16xi32>
      %add3A_4222 = arith.constant 32 : i32
      %add3A_4223 = vector.broadcast %add3A_4222 : i32 to vector<16xi32>
      %add3A_4224 = arith.addi %min3A_4221, %add3A_4223 : vector<16xi32>
      %gather3A_4225 = tpu.vector_load_idx %arg5[%add3A_4224, %add3A_4049] : memref<65x96xf32, #tpu.memory_space<vmem>>[vector<16xi32>, vector<16xi32>], vector<16xf32>,
      %swap3A_4226 = arith.constant 7 : i32
      %swap3A_4227 = arith.index_cast %swap3A_4226 : i32 to index
      %swap3A_4228 = arith.constant 144 : index
      %swap3A_4229 = tpu.vector_load %arg6[%swap3A_4227, %swap3A_4228] {strides = array<i32>} : memref<8x224xf32, #tpu.memory_space<vmem>>, vector<16xf32>,
      tpu.vector_store %arg6[%swap3A_4227, %swap3A_4228], %gather3A_4225 {strides = array<i32>} : memref<8x224xf32, #tpu.memory_space<vmem>>, vector<16xf32>,
      %iota3A_4230 = tpu.iota {dimensions = array<i32: 0>} : vector<16xi32>
      %add3A_4231 = arith.constant 48 : i32
      %add3A_4232 = vector.broadcast %add3A_4231 : i32 to vector<16xi32>
      %add3A_4233 = arith.addi %iota3A_4230, %add3A_4232 : vector<16xi32>
      %jit3A_4234 = arith.constant -32 : i32
      %jit3A_4235 = arith.constant 32 : i32
      %max3A_4236 = vector.broadcast %jit3A_4234 : i32 to vector<16xi32>
      %max3A_4237 = arith.maxsi %max3A_4236, %add3A_4233 : vector<16xi32>
      %min3A_4238 = vector.broadcast %jit3A_4235 : i32 to vector<16xi32>
      %min3A_4239 = arith.minsi %min3A_4238, %max3A_4237 : vector<16xi32>
      %add3A_4240 = arith.constant 32 : i32
      %add3A_4241 = vector.broadcast %add3A_4240 : i32 to vector<16xi32>
      %add3A_4242 = arith.addi %min3A_4239, %add3A_4241 : vector<16xi32>
      %gather3A_4243 = tpu.vector_load_idx %arg5[%add3A_4242, %add3A_4049] : memref<65x96xf32, #tpu.memory_space<vmem>>[vector<16xi32>, vector<16xi32>], vector<16xf32>,
      %swap3A_4244 = arith.constant 7 : i32
      %swap3A_4245 = arith.index_cast %swap3A_4244 : i32 to index
      %swap3A_4246 = arith.constant 160 : index
      %swap3A_4247 = tpu.vector_load %arg6[%swap3A_4245, %swap3A_4246] {strides = array<i32>} : memref<8x224xf32, #tpu.memory_space<vmem>>, vector<16xf32>,
      tpu.vector_store %arg6[%swap3A_4245, %swap3A_4246], %gather3A_4243 {strides = array<i32>} : memref<8x224xf32, #tpu.memory_space<vmem>>, vector<16xf32>,
      %iota3A_4248 = tpu.iota {dimensions = array<i32: 0>} : vector<16xi32>
      %add3A_4249 = arith.constant 64 : i32
      %add3A_4250 = vector.broadcast %add3A_4249 : i32 to vector<16xi32>
      %add3A_4251 = arith.addi %iota3A_4248, %add3A_4250 : vector<16xi32>
      %jit3A_4252 = arith.constant -32 : i32
      %jit3A_4253 = arith.constant 32 : i32
      %max3A_4254 = vector.broadcast %jit3A_4252 : i32 to vector<16xi32>
      %max3A_4255 = arith.maxsi %max3A_4254, %add3A_4251 : vector<16xi32>
      %min3A_4256 = vector.broadcast %jit3A_4253 : i32 to vector<16xi32>
      %min3A_4257 = arith.minsi %min3A_4256, %max3A_4255 : vector<16xi32>
      %add3A_4258 = arith.constant 32 : i32
      %add3A_4259 = vector.broadcast %add3A_4258 : i32 to vector<16xi32>
      %add3A_4260 = arith.addi %min3A_4257, %add3A_4259 : vector<16xi32>
      %gather3A_4261 = tpu.vector_load_idx %arg5[%add3A_4260, %add3A_4049] : memref<65x96xf32, #tpu.memory_space<vmem>>[vector<16xi32>, vector<16xi32>], vector<16xf32>,
      %swap3A_4262 = arith.constant 7 : i32
      %swap3A_4263 = arith.index_cast %swap3A_4262 : i32 to index
      %swap3A_4264 = arith.constant 176 : index
      %swap3A_4265 = tpu.vector_load %arg6[%swap3A_4263, %swap3A_4264] {strides = array<i32>} : memref<8x224xf32, #tpu.memory_space<vmem>>, vector<16xf32>,
      tpu.vector_store %arg6[%swap3A_4263, %swap3A_4264], %gather3A_4261 {strides = array<i32>} : memref<8x224xf32, #tpu.memory_space<vmem>>, vector<16xf32>,
      %iota3A_4266 = tpu.iota {dimensions = array<i32: 0>} : vector<16xi32>
      %add3A_4267 = arith.constant 80 : i32
      %add3A_4268 = vector.broadcast %add3A_4267 : i32 to vector<16xi32>
      %add3A_4269 = arith.addi %iota3A_4266, %add3A_4268 : vector<16xi32>
      %jit3A_4270 = arith.constant -32 : i32
      %jit3A_4271 = arith.constant 32 : i32
      %max3A_4272 = vector.broadcast %jit3A_4270 : i32 to vector<16xi32>
      %max3A_4273 = arith.maxsi %max3A_4272, %add3A_4269 : vector<16xi32>
      %min3A_4274 = vector.broadcast %jit3A_4271 : i32 to vector<16xi32>
      %min3A_4275 = arith.minsi %min3A_4274, %max3A_4273 : vector<16xi32>
      %add3A_4276 = arith.constant 32 : i32
      %add3A_4277 = vector.broadcast %add3A_4276 : i32 to vector<16xi32>
      %add3A_4278 = arith.addi %min3A_4275, %add3A_4277 : vector<16xi32>
      %gather3A_4279 = tpu.vector_load_idx %arg5[%add3A_4278, %add3A_4049] : memref<65x96xf32, #tpu.memory_space<vmem>>[vector<16xi32>, vector<16xi32>], vector<16xf32>,
      %swap3A_4280 = arith.constant 7 : i32
      %swap3A_4281 = arith.index_cast %swap3A_4280 : i32 to index
      %swap3A_4282 = arith.constant 192 : index
      %swap3A_4283 = tpu.vector_load %arg6[%swap3A_4281, %swap3A_4282] {strides = array<i32>} : memref<8x224xf32, #tpu.memory_space<vmem>>, vector<16xf32>,
      tpu.vector_store %arg6[%swap3A_4281, %swap3A_4282], %gather3A_4279 {strides = array<i32>} : memref<8x224xf32, #tpu.memory_space<vmem>>, vector<16xf32>,
      %iota3A_4284 = tpu.iota {dimensions = array<i32: 0>} : vector<16xi32>
      %add3A_4285 = arith.constant 96 : i32
      %add3A_4286 = vector.broadcast %add3A_4285 : i32 to vector<16xi32>
      %add3A_4287 = arith.addi %iota3A_4284, %add3A_4286 : vector<16xi32>
      %jit3A_4288 = arith.constant -32 : i32
      %jit3A_4289 = arith.constant 32 : i32
      %max3A_4290 = vector.broadcast %jit3A_4288 : i32 to vector<16xi32>
      %max3A_4291 = arith.maxsi %max3A_4290, %add3A_4287 : vector<16xi32>
      %min3A_4292 = vector.broadcast %jit3A_4289 : i32 to vector<16xi32>
      %min3A_4293 = arith.minsi %min3A_4292, %max3A_4291 : vector<16xi32>
      %add3A_4294 = arith.constant 32 : i32
      %add3A_4295 = vector.broadcast %add3A_4294 : i32 to vector<16xi32>
      %add3A_4296 = arith.addi %min3A_4293, %add3A_4295 : vector<16xi32>
      %gather3A_4297 = tpu.vector_load_idx %arg5[%add3A_4296, %add3A_4049] : memref<65x96xf32, #tpu.memory_space<vmem>>[vector<16xi32>, vector<16xi32>], vector<16xf32>,
      %swap3A_4298 = arith.constant 7 : i32
      %swap3A_4299 = arith.index_cast %swap3A_4298 : i32 to index
      %swap3A_4300 = arith.constant 208 : index
      %swap3A_4301 = tpu.vector_load %arg6[%swap3A_4299, %swap3A_4300] {strides = array<i32>} : memref<8x224xf32, #tpu.memory_space<vmem>>, vector<16xf32>,
      tpu.vector_store %arg6[%swap3A_4299, %swap3A_4300], %gather3A_4297 {strides = array<i32>} : memref<8x224xf32, #tpu.memory_space<vmem>>, vector<16xf32>,
      %iota3A_4302 = tpu.iota {dimensions = array<i32: 0>} : vector<16xi32>
      %add3A_4303 = arith.constant -112 : i32
      %add3A_4304 = vector.broadcast %add3A_4303 : i32 to vector<16xi32>
      %add3A_4305 = arith.addi %iota3A_4302, %add3A_4304 : vector<16xi32>
      %jit3A_4306 = arith.constant -32 : i32
      %jit3A_4307 = arith.constant 32 : i32
      %max3A_4308 = vector.broadcast %jit3A_4306 : i32 to vector<16xi32>
      %max3A_4309 = arith.maxsi %max3A_4308, %add3A_4305 : vector<16xi32>
      %min3A_4310 = vector.broadcast %jit3A_4307 : i32 to vector<16xi32>
      %min3A_4311 = arith.minsi %min3A_4310, %max3A_4309 : vector<16xi32>
      %add3A_4312 = arith.constant 32 : i32
      %add3A_4313 = vector.broadcast %add3A_4312 : i32 to vector<16xi32>
      %add3A_4314 = arith.addi %min3A_4311, %add3A_4313 : vector<16xi32>
      %gather3A_4315 = tpu.vector_load_idx %arg5[%add3A_4314, %add3A_4049] : memref<65x96xf32, #tpu.memory_space<vmem>>[vector<16xi32>, vector<16xi32>], vector<16xf32>,
      %swap3A_4316 = arith.constant 0 : i32
      %swap3A_4317 = arith.constant 7 : i32
      %swap3A_4318 = arith.index_cast %swap3A_4316 : i32 to index
      %swap3A_4319 = arith.index_cast %swap3A_4317 : i32 to index
      %swap3A_4320 = arith.constant 0 : index
      %swap3A_4321 = tpu.vector_load %arg7[%swap3A_4318, %swap3A_4319, %swap3A_4320] {strides = array<i32>} : memref<4x8x64xf32, #tpu.memory_space<vmem>>, vector<16xf32>,
      tpu.vector_store %arg7[%swap3A_4318, %swap3A_4319, %swap3A_4320], %gather3A_4315 {strides = array<i32>} : memref<4x8x64xf32, #tpu.memory_space<vmem>>, vector<16xf32>,
      %iota3A_4322 = tpu.iota {dimensions = array<i32: 0>} : vector<16xi32>
      %add3A_4323 = arith.constant -96 : i32
      %add3A_4324 = vector.broadcast %add3A_4323 : i32 to vector<16xi32>
      %add3A_4325 = arith.addi %iota3A_4322, %add3A_4324 : vector<16xi32>
      %jit3A_4326 = arith.constant -32 : i32
      %jit3A_4327 = arith.constant 32 : i32
      %max3A_4328 = vector.broadcast %jit3A_4326 : i32 to vector<16xi32>
      %max3A_4329 = arith.maxsi %max3A_4328, %add3A_4325 : vector<16xi32>
      %min3A_4330 = vector.broadcast %jit3A_4327 : i32 to vector<16xi32>
      %min3A_4331 = arith.minsi %min3A_4330, %max3A_4329 : vector<16xi32>
      %add3A_4332 = arith.constant 32 : i32
      %add3A_4333 = vector.broadcast %add3A_4332 : i32 to vector<16xi32>
      %add3A_4334 = arith.addi %min3A_4331, %add3A_4333 : vector<16xi32>
      %gather3A_4335 = tpu.vector_load_idx %arg5[%add3A_4334, %add3A_4049] : memref<65x96xf32, #tpu.memory_space<vmem>>[vector<16xi32>, vector<16xi32>], vector<16xf32>,
      %swap3A_4336 = arith.constant 0 : i32
      %swap3A_4337 = arith.constant 7 : i32
      %swap3A_4338 = arith.index_cast %swap3A_4336 : i32 to index
      %swap3A_4339 = arith.index_cast %swap3A_4337 : i32 to index
      %swap3A_4340 = arith.constant 16 : index
      %swap3A_4341 = tpu.vector_load %arg7[%swap3A_4338, %swap3A_4339, %swap3A_4340] {strides = array<i32>} : memref<4x8x64xf32, #tpu.memory_space<vmem>>, vector<16xf32>,
      tpu.vector_store %arg7[%swap3A_4338, %swap3A_4339, %swap3A_4340], %gather3A_4335 {strides = array<i32>} : memref<4x8x64xf32, #tpu.memory_space<vmem>>, vector<16xf32>,
      %iota3A_4342 = tpu.iota {dimensions = array<i32: 0>} : vector<16xi32>
      %add3A_4343 = arith.constant -80 : i32
      %add3A_4344 = vector.broadcast %add3A_4343 : i32 to vector<16xi32>
      %add3A_4345 = arith.addi %iota3A_4342, %add3A_4344 : vector<16xi32>
      %jit3A_4346 = arith.constant -32 : i32
      %jit3A_4347 = arith.constant 32 : i32
      %max3A_4348 = vector.broadcast %jit3A_4346 : i32 to vector<16xi32>
      %max3A_4349 = arith.maxsi %max3A_4348, %add3A_4345 : vector<16xi32>
      %min3A_4350 = vector.broadcast %jit3A_4347 : i32 to vector<16xi32>
      %min3A_4351 = arith.minsi %min3A_4350, %max3A_4349 : vector<16xi32>
      %add3A_4352 = arith.constant 32 : i32
      %add3A_4353 = vector.broadcast %add3A_4352 : i32 to vector<16xi32>
      %add3A_4354 = arith.addi %min3A_4351, %add3A_4353 : vector<16xi32>
      %gather3A_4355 = tpu.vector_load_idx %arg5[%add3A_4354, %add3A_4049] : memref<65x96xf32, #tpu.memory_space<vmem>>[vector<16xi32>, vector<16xi32>], vector<16xf32>,
      %swap3A_4356 = arith.constant 0 : i32
      %swap3A_4357 = arith.constant 7 : i32
      %swap3A_4358 = arith.index_cast %swap3A_4356 : i32 to index
      %swap3A_4359 = arith.index_cast %swap3A_4357 : i32 to index
      %swap3A_4360 = arith.constant 32 : index
      %swap3A_4361 = tpu.vector_load %arg7[%swap3A_4358, %swap3A_4359, %swap3A_4360] {strides = array<i32>} : memref<4x8x64xf32, #tpu.memory_space<vmem>>, vector<16xf32>,
      tpu.vector_store %arg7[%swap3A_4358, %swap3A_4359, %swap3A_4360], %gather3A_4355 {strides = array<i32>} : memref<4x8x64xf32, #tpu.memory_space<vmem>>, vector<16xf32>,
      %iota3A_4362 = tpu.iota {dimensions = array<i32: 0>} : vector<16xi32>
      %add3A_4363 = arith.constant -64 : i32
      %add3A_4364 = vector.broadcast %add3A_4363 : i32 to vector<16xi32>
      %add3A_4365 = arith.addi %iota3A_4362, %add3A_4364 : vector<16xi32>
      %jit3A_4366 = arith.constant -32 : i32
      %jit3A_4367 = arith.constant 32 : i32
      %max3A_4368 = vector.broadcast %jit3A_4366 : i32 to vector<16xi32>
      %max3A_4369 = arith.maxsi %max3A_4368, %add3A_4365 : vector<16xi32>
      %min3A_4370 = vector.broadcast %jit3A_4367 : i32 to vector<16xi32>
      %min3A_4371 = arith.minsi %min3A_4370, %max3A_4369 : vector<16xi32>
      %add3A_4372 = arith.constant 32 : i32
      %add3A_4373 = vector.broadcast %add3A_4372 : i32 to vector<16xi32>
      %add3A_4374 = arith.addi %min3A_4371, %add3A_4373 : vector<16xi32>
      %gather3A_4375 = tpu.vector_load_idx %arg5[%add3A_4374, %add3A_4049] : memref<65x96xf32, #tpu.memory_space<vmem>>[vector<16xi32>, vector<16xi32>], vector<16xf32>,
      %swap3A_4376 = arith.constant 0 : i32
      %swap3A_4377 = arith.constant 7 : i32
      %swap3A_4378 = arith.index_cast %swap3A_4376 : i32 to index
      %swap3A_4379 = arith.index_cast %swap3A_4377 : i32 to index
      %swap3A_4380 = arith.constant 48 : index
      %swap3A_4381 = tpu.vector_load %arg7[%swap3A_4378, %swap3A_4379, %swap3A_4380] {strides = array<i32>} : memref<4x8x64xf32, #tpu.memory_space<vmem>>, vector<16xf32>,
      tpu.vector_store %arg7[%swap3A_4378, %swap3A_4379, %swap3A_4380], %gather3A_4375 {strides = array<i32>} : memref<4x8x64xf32, #tpu.memory_space<vmem>>, vector<16xf32>,
      %iota3A_4382 = tpu.iota {dimensions = array<i32: 0>} : vector<16xi32>
      %add3A_4383 = arith.constant -56 : i32
      %add3A_4384 = vector.broadcast %add3A_4383 : i32 to vector<16xi32>
      %add3A_4385 = arith.addi %iota3A_4382, %add3A_4384 : vector<16xi32>
      %jit3A_4386 = arith.constant -32 : i32
      %jit3A_4387 = arith.constant 32 : i32
      %max3A_4388 = vector.broadcast %jit3A_4386 : i32 to vector<16xi32>
      %max3A_4389 = arith.maxsi %max3A_4388, %add3A_4385 : vector<16xi32>
      %min3A_4390 = vector.broadcast %jit3A_4387 : i32 to vector<16xi32>
      %min3A_4391 = arith.minsi %min3A_4390, %max3A_4389 : vector<16xi32>
      %add3A_4392 = arith.constant 32 : i32
      %add3A_4393 = vector.broadcast %add3A_4392 : i32 to vector<16xi32>
      %add3A_4394 = arith.addi %min3A_4391, %add3A_4393 : vector<16xi32>
      %gather3A_4395 = tpu.vector_load_idx %arg5[%add3A_4394, %add3A_4049] : memref<65x96xf32, #tpu.memory_space<vmem>>[vector<16xi32>, vector<16xi32>], vector<16xf32>,
      %swap3A_4396 = arith.constant 1 : i32
      %swap3A_4397 = arith.constant 7 : i32
      %swap3A_4398 = arith.index_cast %swap3A_4396 : i32 to index
      %swap3A_4399 = arith.index_cast %swap3A_4397 : i32 to index
      %swap3A_4400 = arith.constant 0 : index
      %swap3A_4401 = tpu.vector_load %arg7[%swap3A_4398, %swap3A_4399, %swap3A_4400] {strides = array<i32>} : memref<4x8x64xf32, #tpu.memory_space<vmem>>, vector<16xf32>,
      tpu.vector_store %arg7[%swap3A_4398, %swap3A_4399, %swap3A_4400], %gather3A_4395 {strides = array<i32>} : memref<4x8x64xf32, #tpu.memory_space<vmem>>, vector<16xf32>,
      %iota3A_4402 = tpu.iota {dimensions = array<i32: 0>} : vector<16xi32>
      %add3A_4403 = arith.constant -40 : i32
      %add3A_4404 = vector.broadcast %add3A_4403 : i32 to vector<16xi32>
      %add3A_4405 = arith.addi %iota3A_4402, %add3A_4404 : vector<16xi32>
      %jit3A_4406 = arith.constant -32 : i32
      %jit3A_4407 = arith.constant 32 : i32
      %max3A_4408 = vector.broadcast %jit3A_4406 : i32 to vector<16xi32>
      %max3A_4409 = arith.maxsi %max3A_4408, %add3A_4405 : vector<16xi32>
      %min3A_4410 = vector.broadcast %jit3A_4407 : i32 to vector<16xi32>
      %min3A_4411 = arith.minsi %min3A_4410, %max3A_4409 : vector<16xi32>
      %add3A_4412 = arith.constant 32 : i32
      %add3A_4413 = vector.broadcast %add3A_4412 : i32 to vector<16xi32>
      %add3A_4414 = arith.addi %min3A_4411, %add3A_4413 : vector<16xi32>
      %gather3A_4415 = tpu.vector_load_idx %arg5[%add3A_4414, %add3A_4049] : memref<65x96xf32, #tpu.memory_space<vmem>>[vector<16xi32>, vector<16xi32>], vector<16xf32>,
      %swap3A_4416 = arith.constant 1 : i32
      %swap3A_4417 = arith.constant 7 : i32
      %swap3A_4418 = arith.index_cast %swap3A_4416 : i32 to index
      %swap3A_4419 = arith.index_cast %swap3A_4417 : i32 to index
      %swap3A_4420 = arith.constant 16 : index
      %swap3A_4421 = tpu.vector_load %arg7[%swap3A_4418, %swap3A_4419, %swap3A_4420] {strides = array<i32>} : memref<4x8x64xf32, #tpu.memory_space<vmem>>, vector<16xf32>,
      tpu.vector_store %arg7[%swap3A_4418, %swap3A_4419, %swap3A_4420], %gather3A_4415 {strides = array<i32>} : memref<4x8x64xf32, #tpu.memory_space<vmem>>, vector<16xf32>,
      %iota3A_4422 = tpu.iota {dimensions = array<i32: 0>} : vector<16xi32>
      %add3A_4423 = arith.constant -24 : i32
      %add3A_4424 = vector.broadcast %add3A_4423 : i32 to vector<16xi32>
      %add3A_4425 = arith.addi %iota3A_4422, %add3A_4424 : vector<16xi32>
      %jit3A_4426 = arith.constant -32 : i32
      %jit3A_4427 = arith.constant 32 : i32
      %max3A_4428 = vector.broadcast %jit3A_4426 : i32 to vector<16xi32>
      %max3A_4429 = arith.maxsi %max3A_4428, %add3A_4425 : vector<16xi32>
      %min3A_4430 = vector.broadcast %jit3A_4427 : i32 to vector<16xi32>
      %min3A_4431 = arith.minsi %min3A_4430, %max3A_4429 : vector<16xi32>
      %add3A_4432 = arith.constant 32 : i32
      %add3A_4433 = vector.broadcast %add3A_4432 : i32 to vector<16xi32>
      %add3A_4434 = arith.addi %min3A_4431, %add3A_4433 : vector<16xi32>
      %gather3A_4435 = tpu.vector_load_idx %arg5[%add3A_4434, %add3A_4049] : memref<65x96xf32, #tpu.memory_space<vmem>>[vector<16xi32>, vector<16xi32>], vector<16xf32>,
      %swap3A_4436 = arith.constant 1 : i32
      %swap3A_4437 = arith.constant 7 : i32
      %swap3A_4438 = arith.index_cast %swap3A_4436 : i32 to index
      %swap3A_4439 = arith.index_cast %swap3A_4437 : i32 to index
      %swap3A_4440 = arith.constant 32 : index
      %swap3A_4441 = tpu.vector_load %arg7[%swap3A_4438, %swap3A_4439, %swap3A_4440] {strides = array<i32>} : memref<4x8x64xf32, #tpu.memory_space<vmem>>, vector<16xf32>,
      tpu.vector_store %arg7[%swap3A_4438, %swap3A_4439, %swap3A_4440], %gather3A_4435 {strides = array<i32>} : memref<4x8x64xf32, #tpu.memory_space<vmem>>, vector<16xf32>,
      %iota3A_4442 = tpu.iota {dimensions = array<i32: 0>} : vector<16xi32>
      %add3A_4443 = arith.constant -8 : i32
      %add3A_4444 = vector.broadcast %add3A_4443 : i32 to vector<16xi32>
      %add3A_4445 = arith.addi %iota3A_4442, %add3A_4444 : vector<16xi32>
      %jit3A_4446 = arith.constant -32 : i32
      %jit3A_4447 = arith.constant 32 : i32
      %max3A_4448 = vector.broadcast %jit3A_4446 : i32 to vector<16xi32>
      %max3A_4449 = arith.maxsi %max3A_4448, %add3A_4445 : vector<16xi32>
      %min3A_4450 = vector.broadcast %jit3A_4447 : i32 to vector<16xi32>
      %min3A_4451 = arith.minsi %min3A_4450, %max3A_4449 : vector<16xi32>
      %add3A_4452 = arith.constant 32 : i32
      %add3A_4453 = vector.broadcast %add3A_4452 : i32 to vector<16xi32>
      %add3A_4454 = arith.addi %min3A_4451, %add3A_4453 : vector<16xi32>
      %gather3A_4455 = tpu.vector_load_idx %arg5[%add3A_4454, %add3A_4049] : memref<65x96xf32, #tpu.memory_space<vmem>>[vector<16xi32>, vector<16xi32>], vector<16xf32>,
      %swap3A_4456 = arith.constant 1 : i32
      %swap3A_4457 = arith.constant 7 : i32
      %swap3A_4458 = arith.index_cast %swap3A_4456 : i32 to index
      %swap3A_4459 = arith.index_cast %swap3A_4457 : i32 to index
      %swap3A_4460 = arith.constant 48 : index
      %swap3A_4461 = tpu.vector_load %arg7[%swap3A_4458, %swap3A_4459, %swap3A_4460] {strides = array<i32>} : memref<4x8x64xf32, #tpu.memory_space<vmem>>, vector<16xf32>,
      tpu.vector_store %arg7[%swap3A_4458, %swap3A_4459, %swap3A_4460], %gather3A_4455 {strides = array<i32>} : memref<4x8x64xf32, #tpu.memory_space<vmem>>, vector<16xf32>,
      %iota3A_4462 = tpu.iota {dimensions = array<i32: 0>} : vector<16xi32>
      %add3A_4463 = arith.constant 0 : i32
      %add3A_4464 = vector.broadcast %add3A_4463 : i32 to vector<16xi32>
      %add3A_4465 = arith.addi %iota3A_4462, %add3A_4464 : vector<16xi32>
      %jit3A_4466 = arith.constant -32 : i32
      %jit3A_4467 = arith.constant 32 : i32
      %max3A_4468 = vector.broadcast %jit3A_4466 : i32 to vector<16xi32>
      %max3A_4469 = arith.maxsi %max3A_4468, %add3A_4465 : vector<16xi32>
      %min3A_4470 = vector.broadcast %jit3A_4467 : i32 to vector<16xi32>
      %min3A_4471 = arith.minsi %min3A_4470, %max3A_4469 : vector<16xi32>
      %add3A_4472 = arith.constant 32 : i32
      %add3A_4473 = vector.broadcast %add3A_4472 : i32 to vector<16xi32>
      %add3A_4474 = arith.addi %min3A_4471, %add3A_4473 : vector<16xi32>
      %gather3A_4475 = tpu.vector_load_idx %arg5[%add3A_4474, %add3A_4049] : memref<65x96xf32, #tpu.memory_space<vmem>>[vector<16xi32>, vector<16xi32>], vector<16xf32>,
      %swap3A_4476 = arith.constant 2 : i32
      %swap3A_4477 = arith.constant 7 : i32
      %swap3A_4478 = arith.index_cast %swap3A_4476 : i32 to index
      %swap3A_4479 = arith.index_cast %swap3A_4477 : i32 to index
      %swap3A_4480 = arith.constant 0 : index
      %swap3A_4481 = tpu.vector_load %arg7[%swap3A_4478, %swap3A_4479, %swap3A_4480] {strides = array<i32>} : memref<4x8x64xf32, #tpu.memory_space<vmem>>, vector<16xf32>,
      tpu.vector_store %arg7[%swap3A_4478, %swap3A_4479, %swap3A_4480], %gather3A_4475 {strides = array<i32>} : memref<4x8x64xf32, #tpu.memory_space<vmem>>, vector<16xf32>,
      %iota3A_4482 = tpu.iota {dimensions = array<i32: 0>} : vector<16xi32>
      %add3A_4483 = arith.constant 16 : i32
      %add3A_4484 = vector.broadcast %add3A_4483 : i32 to vector<16xi32>
      %add3A_4485 = arith.addi %iota3A_4482, %add3A_4484 : vector<16xi32>
      %jit3A_4486 = arith.constant -32 : i32
      %jit3A_4487 = arith.constant 32 : i32
      %max3A_4488 = vector.broadcast %jit3A_4486 : i32 to vector<16xi32>
      %max3A_4489 = arith.maxsi %max3A_4488, %add3A_4485 : vector<16xi32>
      %min3A_4490 = vector.broadcast %jit3A_4487 : i32 to vector<16xi32>
      %min3A_4491 = arith.minsi %min3A_4490, %max3A_4489 : vector<16xi32>
      %add3A_4492 = arith.constant 32 : i32
      %add3A_4493 = vector.broadcast %add3A_4492 : i32 to vector<16xi32>
      %add3A_4494 = arith.addi %min3A_4491, %add3A_4493 : vector<16xi32>
      %gather3A_4495 = tpu.vector_load_idx %arg5[%add3A_4494, %add3A_4049] : memref<65x96xf32, #tpu.memory_space<vmem>>[vector<16xi32>, vector<16xi32>], vector<16xf32>,
      %swap3A_4496 = arith.constant 2 : i32
      %swap3A_4497 = arith.constant 7 : i32
      %swap3A_4498 = arith.index_cast %swap3A_4496 : i32 to index
      %swap3A_4499 = arith.index_cast %swap3A_4497 : i32 to index
      %swap3A_4500 = arith.constant 16 : index
      %swap3A_4501 = tpu.vector_load %arg7[%swap3A_4498, %swap3A_4499, %swap3A_4500] {strides = array<i32>} : memref<4x8x64xf32, #tpu.memory_space<vmem>>, vector<16xf32>,
      tpu.vector_store %arg7[%swap3A_4498, %swap3A_4499, %swap3A_4500], %gather3A_4495 {strides = array<i32>} : memref<4x8x64xf32, #tpu.memory_space<vmem>>, vector<16xf32>,
      %iota3A_4502 = tpu.iota {dimensions = array<i32: 0>} : vector<16xi32>
      %add3A_4503 = arith.constant 32 : i32
      %add3A_4504 = vector.broadcast %add3A_4503 : i32 to vector<16xi32>
      %add3A_4505 = arith.addi %iota3A_4502, %add3A_4504 : vector<16xi32>
      %jit3A_4506 = arith.constant -32 : i32
      %jit3A_4507 = arith.constant 32 : i32
      %max3A_4508 = vector.broadcast %jit3A_4506 : i32 to vector<16xi32>
      %max3A_4509 = arith.maxsi %max3A_4508, %add3A_4505 : vector<16xi32>
      %min3A_4510 = vector.broadcast %jit3A_4507 : i32 to vector<16xi32>
      %min3A_4511 = arith.minsi %min3A_4510, %max3A_4509 : vector<16xi32>
      %add3A_4512 = arith.constant 32 : i32
      %add3A_4513 = vector.broadcast %add3A_4512 : i32 to vector<16xi32>
      %add3A_4514 = arith.addi %min3A_4511, %add3A_4513 : vector<16xi32>
      %gather3A_4515 = tpu.vector_load_idx %arg5[%add3A_4514, %add3A_4049] : memref<65x96xf32, #tpu.memory_space<vmem>>[vector<16xi32>, vector<16xi32>], vector<16xf32>,
      %swap3A_4516 = arith.constant 2 : i32
      %swap3A_4517 = arith.constant 7 : i32
      %swap3A_4518 = arith.index_cast %swap3A_4516 : i32 to index
      %swap3A_4519 = arith.index_cast %swap3A_4517 : i32 to index
      %swap3A_4520 = arith.constant 32 : index
      %swap3A_4521 = tpu.vector_load %arg7[%swap3A_4518, %swap3A_4519, %swap3A_4520] {strides = array<i32>} : memref<4x8x64xf32, #tpu.memory_space<vmem>>, vector<16xf32>,
      tpu.vector_store %arg7[%swap3A_4518, %swap3A_4519, %swap3A_4520], %gather3A_4515 {strides = array<i32>} : memref<4x8x64xf32, #tpu.memory_space<vmem>>, vector<16xf32>,
      %iota3A_4522 = tpu.iota {dimensions = array<i32: 0>} : vector<16xi32>
      %add3A_4523 = arith.constant 48 : i32
      %add3A_4524 = vector.broadcast %add3A_4523 : i32 to vector<16xi32>
      %add3A_4525 = arith.addi %iota3A_4522, %add3A_4524 : vector<16xi32>
      %jit3A_4526 = arith.constant -32 : i32
      %jit3A_4527 = arith.constant 32 : i32
      %max3A_4528 = vector.broadcast %jit3A_4526 : i32 to vector<16xi32>
      %max3A_4529 = arith.maxsi %max3A_4528, %add3A_4525 : vector<16xi32>
      %min3A_4530 = vector.broadcast %jit3A_4527 : i32 to vector<16xi32>
      %min3A_4531 = arith.minsi %min3A_4530, %max3A_4529 : vector<16xi32>
      %add3A_4532 = arith.constant 32 : i32
      %add3A_4533 = vector.broadcast %add3A_4532 : i32 to vector<16xi32>
      %add3A_4534 = arith.addi %min3A_4531, %add3A_4533 : vector<16xi32>
      %gather3A_4535 = tpu.vector_load_idx %arg5[%add3A_4534, %add3A_4049] : memref<65x96xf32, #tpu.memory_space<vmem>>[vector<16xi32>, vector<16xi32>], vector<16xf32>,
      %swap3A_4536 = arith.constant 2 : i32
      %swap3A_4537 = arith.constant 7 : i32
      %swap3A_4538 = arith.index_cast %swap3A_4536 : i32 to index
      %swap3A_4539 = arith.index_cast %swap3A_4537 : i32 to index
      %swap3A_4540 = arith.constant 48 : index
      %swap3A_4541 = tpu.vector_load %arg7[%swap3A_4538, %swap3A_4539, %swap3A_4540] {strides = array<i32>} : memref<4x8x64xf32, #tpu.memory_space<vmem>>, vector<16xf32>,
      tpu.vector_store %arg7[%swap3A_4538, %swap3A_4539, %swap3A_4540], %gather3A_4535 {strides = array<i32>} : memref<4x8x64xf32, #tpu.memory_space<vmem>>, vector<16xf32>,
      %iota3A_4542 = tpu.iota {dimensions = array<i32: 0>} : vector<16xi32>
      %add3A_4543 = arith.constant 56 : i32
      %add3A_4544 = vector.broadcast %add3A_4543 : i32 to vector<16xi32>
      %add3A_4545 = arith.addi %iota3A_4542, %add3A_4544 : vector<16xi32>
      %jit3A_4546 = arith.constant -32 : i32
      %jit3A_4547 = arith.constant 32 : i32
      %max3A_4548 = vector.broadcast %jit3A_4546 : i32 to vector<16xi32>
      %max3A_4549 = arith.maxsi %max3A_4548, %add3A_4545 : vector<16xi32>
      %min3A_4550 = vector.broadcast %jit3A_4547 : i32 to vector<16xi32>
      %min3A_4551 = arith.minsi %min3A_4550, %max3A_4549 : vector<16xi32>
      %add3A_4552 = arith.constant 32 : i32
      %add3A_4553 = vector.broadcast %add3A_4552 : i32 to vector<16xi32>
      %add3A_4554 = arith.addi %min3A_4551, %add3A_4553 : vector<16xi32>
      %gather3A_4555 = tpu.vector_load_idx %arg5[%add3A_4554, %add3A_4049] : memref<65x96xf32, #tpu.memory_space<vmem>>[vector<16xi32>, vector<16xi32>], vector<16xf32>,
      %swap3A_4556 = arith.constant 3 : i32
      %swap3A_4557 = arith.constant 7 : i32
      %swap3A_4558 = arith.index_cast %swap3A_4556 : i32 to index
      %swap3A_4559 = arith.index_cast %swap3A_4557 : i32 to index
      %swap3A_4560 = arith.constant 0 : index
      %swap3A_4561 = tpu.vector_load %arg7[%swap3A_4558, %swap3A_4559, %swap3A_4560] {strides = array<i32>} : memref<4x8x64xf32, #tpu.memory_space<vmem>>, vector<16xf32>,
      tpu.vector_store %arg7[%swap3A_4558, %swap3A_4559, %swap3A_4560], %gather3A_4555 {strides = array<i32>} : memref<4x8x64xf32, #tpu.memory_space<vmem>>, vector<16xf32>,
      %iota3A_4562 = tpu.iota {dimensions = array<i32: 0>} : vector<16xi32>
      %add3A_4563 = arith.constant 72 : i32
      %add3A_4564 = vector.broadcast %add3A_4563 : i32 to vector<16xi32>
      %add3A_4565 = arith.addi %iota3A_4562, %add3A_4564 : vector<16xi32>
      %jit3A_4566 = arith.constant -32 : i32
      %jit3A_4567 = arith.constant 32 : i32
      %max3A_4568 = vector.broadcast %jit3A_4566 : i32 to vector<16xi32>
      %max3A_4569 = arith.maxsi %max3A_4568, %add3A_4565 : vector<16xi32>
      %min3A_4570 = vector.broadcast %jit3A_4567 : i32 to vector<16xi32>
      %min3A_4571 = arith.minsi %min3A_4570, %max3A_4569 : vector<16xi32>
      %add3A_4572 = arith.constant 32 : i32
      %add3A_4573 = vector.broadcast %add3A_4572 : i32 to vector<16xi32>
      %add3A_4574 = arith.addi %min3A_4571, %add3A_4573 : vector<16xi32>
      %gather3A_4575 = tpu.vector_load_idx %arg5[%add3A_4574, %add3A_4049] : memref<65x96xf32, #tpu.memory_space<vmem>>[vector<16xi32>, vector<16xi32>], vector<16xf32>,
      %swap3A_4576 = arith.constant 3 : i32
      %swap3A_4577 = arith.constant 7 : i32
      %swap3A_4578 = arith.index_cast %swap3A_4576 : i32 to index
      %swap3A_4579 = arith.index_cast %swap3A_4577 : i32 to index
      %swap3A_4580 = arith.constant 16 : index
      %swap3A_4581 = tpu.vector_load %arg7[%swap3A_4578, %swap3A_4579, %swap3A_4580] {strides = array<i32>} : memref<4x8x64xf32, #tpu.memory_space<vmem>>, vector<16xf32>,
      tpu.vector_store %arg7[%swap3A_4578, %swap3A_4579, %swap3A_4580], %gather3A_4575 {strides = array<i32>} : memref<4x8x64xf32, #tpu.memory_space<vmem>>, vector<16xf32>,
      %iota3A_4582 = tpu.iota {dimensions = array<i32: 0>} : vector<16xi32>
      %add3A_4583 = arith.constant 88 : i32
      %add3A_4584 = vector.broadcast %add3A_4583 : i32 to vector<16xi32>
      %add3A_4585 = arith.addi %iota3A_4582, %add3A_4584 : vector<16xi32>
      %jit3A_4586 = arith.constant -32 : i32
      %jit3A_4587 = arith.constant 32 : i32
      %max3A_4588 = vector.broadcast %jit3A_4586 : i32 to vector<16xi32>
      %max3A_4589 = arith.maxsi %max3A_4588, %add3A_4585 : vector<16xi32>
      %min3A_4590 = vector.broadcast %jit3A_4587 : i32 to vector<16xi32>
      %min3A_4591 = arith.minsi %min3A_4590, %max3A_4589 : vector<16xi32>
      %add3A_4592 = arith.constant 32 : i32
      %add3A_4593 = vector.broadcast %add3A_4592 : i32 to vector<16xi32>
      %add3A_4594 = arith.addi %min3A_4591, %add3A_4593 : vector<16xi32>
      %gather3A_4595 = tpu.vector_load_idx %arg5[%add3A_4594, %add3A_4049] : memref<65x96xf32, #tpu.memory_space<vmem>>[vector<16xi32>, vector<16xi32>], vector<16xf32>,
      %swap3A_4596 = arith.constant 3 : i32
      %swap3A_4597 = arith.constant 7 : i32
      %swap3A_4598 = arith.index_cast %swap3A_4596 : i32 to index
      %swap3A_4599 = arith.index_cast %swap3A_4597 : i32 to index
      %swap3A_4600 = arith.constant 32 : index
      %swap3A_4601 = tpu.vector_load %arg7[%swap3A_4598, %swap3A_4599, %swap3A_4600] {strides = array<i32>} : memref<4x8x64xf32, #tpu.memory_space<vmem>>, vector<16xf32>,
      tpu.vector_store %arg7[%swap3A_4598, %swap3A_4599, %swap3A_4600], %gather3A_4595 {strides = array<i32>} : memref<4x8x64xf32, #tpu.memory_space<vmem>>, vector<16xf32>,
      %iota3A_4602 = tpu.iota {dimensions = array<i32: 0>} : vector<16xi32>
      %add3A_4603 = arith.constant 104 : i32
      %add3A_4604 = vector.broadcast %add3A_4603 : i32 to vector<16xi32>
      %add3A_4605 = arith.addi %iota3A_4602, %add3A_4604 : vector<16xi32>
      %jit3A_4606 = arith.constant -32 : i32
      %jit3A_4607 = arith.constant 32 : i32
      %max3A_4608 = vector.broadcast %jit3A_4606 : i32 to vector<16xi32>
      %max3A_4609 = arith.maxsi %max3A_4608, %add3A_4605 : vector<16xi32>
      %min3A_4610 = vector.broadcast %jit3A_4607 : i32 to vector<16xi32>
      %min3A_4611 = arith.minsi %min3A_4610, %max3A_4609 : vector<16xi32>
      %add3A_4612 = arith.constant 32 : i32
      %add3A_4613 = vector.broadcast %add3A_4612 : i32 to vector<16xi32>
      %add3A_4614 = arith.addi %min3A_4611, %add3A_4613 : vector<16xi32>
      %gather3A_4615 = tpu.vector_load_idx %arg5[%add3A_4614, %add3A_4049] : memref<65x96xf32, #tpu.memory_space<vmem>>[vector<16xi32>, vector<16xi32>], vector<16xf32>,
      %swap3A_4616 = arith.constant 3 : i32
      %swap3A_4617 = arith.constant 7 : i32
      %swap3A_4618 = arith.index_cast %swap3A_4616 : i32 to index
      %swap3A_4619 = arith.index_cast %swap3A_4617 : i32 to index
      %swap3A_4620 = arith.constant 48 : index
      %swap3A_4621 = tpu.vector_load %arg7[%swap3A_4618, %swap3A_4619, %swap3A_4620] {strides = array<i32>} : memref<4x8x64xf32, #tpu.memory_space<vmem>>, vector<16xf32>,
      tpu.vector_store %arg7[%swap3A_4618, %swap3A_4619, %swap3A_4620], %gather3A_4615 {strides = array<i32>} : memref<4x8x64xf32, #tpu.memory_space<vmem>>, vector<16xf32>,
      "tpu.region"() ({
        %run_scoped3A = tpu.sem_alloc : memref<!tpu.dma_semaphore, #tpu.memory_space<semaphore_mem>>
        %dma_start3A = arith.constant 0 : i32
        %dma_start3A_4622 = tpu.memref_slice %arg3[%mul3A_2, %dma_start3A] : memref<96x224xf32, #tpu.memory_space<hbm>> -> memref<8x224xf32, #tpu.memory_space<hbm>>
        %dma_start3A_4623 = arith.constant 0 : i32
        %dma_start3A_4624 = tpu.memref_slice %arg3[%mul3A_2, %dma_start3A_4623] : memref<96x224xf32, #tpu.memory_space<hbm>> -> memref<8x224xf32, #tpu.memory_space<hbm>>
        tpu.enqueue_dma source(%arg6 : memref<8x224xf32, #tpu.memory_space<vmem>>) target(%dma_start3A_4624 : memref<8x224xf32, #tpu.memory_space<hbm>>) target_semaphore(%run_scoped3A : memref<!tpu.dma_semaphore, #tpu.memory_space<semaphore_mem>>)
        %dma_wait3A = arith.constant 0 : i32
        %dma_wait3A_4625 = tpu.memref_slice %arg3[%mul3A_2, %dma_wait3A] : memref<96x224xf32, #tpu.memory_space<hbm>> -> memref<8x224xf32, #tpu.memory_space<hbm>>
        %dma_wait3A_4626 = arith.constant 0 : i32
        %dma_wait3A_4627 = tpu.memref_slice %arg3[%mul3A_2, %dma_wait3A_4626] : memref<96x224xf32, #tpu.memory_space<hbm>> -> memref<8x224xf32, #tpu.memory_space<hbm>>
        tpu.wait_dma2 semaphore(%run_scoped3A : memref<!tpu.dma_semaphore, #tpu.memory_space<semaphore_mem>>) src(%arg6 : memref<8x224xf32, #tpu.memory_space<vmem>>) dst(%dma_wait3A_4627 : memref<8x224xf32, #tpu.memory_space<hbm>>)
        tpu.yield
      }) : () -> ()
      "tpu.region"() ({
        %run_scoped3A = tpu.sem_alloc : memref<!tpu.dma_semaphore, #tpu.memory_space<semaphore_mem>>
        %dma_start3A = arith.constant 0 : i32
        %dma_start3A_4622 = arith.constant 0 : i32
        %dma_start3A_4623 = tpu.memref_slice %arg4[%dma_start3A, %mul3A_2, %dma_start3A_4622] : memref<4x96x64xf32, #tpu.memory_space<hbm>> -> memref<4x8x64xf32, #tpu.memory_space<hbm>>
        %dma_start3A_4624 = arith.constant 0 : i32
        %dma_start3A_4625 = arith.constant 0 : i32
        %dma_start3A_4626 = tpu.memref_slice %arg4[%dma_start3A_4624, %mul3A_2, %dma_start3A_4625] : memref<4x96x64xf32, #tpu.memory_space<hbm>> -> memref<4x8x64xf32, #tpu.memory_space<hbm>>
        tpu.enqueue_dma source(%arg7 : memref<4x8x64xf32, #tpu.memory_space<vmem>>) target(%dma_start3A_4626 : memref<4x8x64xf32, #tpu.memory_space<hbm>>) target_semaphore(%run_scoped3A : memref<!tpu.dma_semaphore, #tpu.memory_space<semaphore_mem>>)
        %dma_wait3A = arith.constant 0 : i32
        %dma_wait3A_4627 = arith.constant 0 : i32
        %dma_wait3A_4628 = tpu.memref_slice %arg4[%dma_wait3A, %mul3A_2, %dma_wait3A_4627] : memref<4x96x64xf32, #tpu.memory_space<hbm>> -> memref<4x8x64xf32, #tpu.memory_space<hbm>>
        %dma_wait3A_4629 = arith.constant 0 : i32
        %dma_wait3A_4630 = arith.constant 0 : i32
        %dma_wait3A_4631 = tpu.memref_slice %arg4[%dma_wait3A_4629, %mul3A_2, %dma_wait3A_4630] : memref<4x96x64xf32, #tpu.memory_space<hbm>> -> memref<4x8x64xf32, #tpu.memory_space<hbm>>
        tpu.wait_dma2 semaphore(%run_scoped3A : memref<!tpu.dma_semaphore, #tpu.memory_space<semaphore_mem>>) src(%arg7 : memref<4x8x64xf32, #tpu.memory_space<vmem>>) dst(%dma_wait3A_4631 : memref<4x8x64xf32, #tpu.memory_space<hbm>>)
        tpu.yield
      }) : () -> ()
    } else {
    }
    return
  }
}

module attributes {stable_mosaic.version = 14 : i64} {
  func.func @_tc_body(%arg0: i32, %arg1: i32, %arg2: memref<96x224xf32, #tpu.memory_space<vmem>>, %arg3: memref<1x96x64xf32, #tpu.memory_space<vmem>>, %arg4: memref<1x96x12544xf32, #tpu.memory_space<vmem>>, %arg5: memref<96x12544xf32, #tpu.memory_space<vmem>>) attributes {dimension_semantics = [#tpu.dimension_semantics<arbitrary>, #tpu.dimension_semantics<arbitrary>], iteration_bounds = array<i64: 4, 4>, scalar_prefetch = 0 : i64, scratch_operands = 1 : i64, tpu.core_type = #tpu.core_type<tc>, window_params = [{pipeline_mode = #tpu.pipeline_mode<synchronous>, transform_indices = @transform_0, window_bounds = array<i64: 96, 224>}, {transform_indices = @transform_1, window_bounds = array<i64: 1, 96, 64>}, {transform_indices = @transform_2, window_bounds = array<i64: 1, 96, 12544>}]} {
    %eq3A = arith.constant 0 : i32
    %eq3A_0 = arith.cmpi eq, %arg1, %eq3A : i32
    %convert_element_type3A = arith.extui %eq3A_0 : i1 to i32
    %cond3A = arith.constant 0 : i32
    %cond3A_1 = arith.cmpi ne, %convert_element_type3A, %cond3A : i32
    scf.if %cond3A_1 {
      %get3A_9 = arith.constant 0 : index
      %get3A_10 = arith.constant 0 : index
      %get3A_11 = vector.load %arg2[%get3A_9, %get3A_10] : memref<96x224xf32, #tpu.memory_space<vmem>>, vector<96x224xf32>
      %get3A_12 = arith.constant 0 : index
      %get3A_13 = arith.constant 0 : index
      %get3A_14 = arith.constant 0 : index
      %get3A_15 = vector.load %arg3[%get3A_12, %get3A_13, %get3A_14] : memref<1x96x64xf32, #tpu.memory_space<vmem>>, vector<1x96x64xf32>
      %get3A_16 = vector.shape_cast %get3A_15 : vector<1x96x64xf32> to vector<96x64xf32>
      %slice3A = vector.extract_strided_slice %get3A_16 {offsets = [0, 0], sizes = [96, 1], strides = [1, 1]} : vector<96x64xf32> to vector<96x1xf32>
      %add3A = vector.broadcast %slice3A : vector<96x1xf32> to vector<96x224xf32>
      %add3A_17 = arith.addf %get3A_11, %add3A : vector<96x224xf32>
      %slice3A_18 = vector.extract_strided_slice %get3A_16 {offsets = [0, 1], sizes = [96, 1], strides = [1, 1]} : vector<96x64xf32> to vector<96x1xf32>
      %add3A_19 = vector.broadcast %slice3A_18 : vector<96x1xf32> to vector<96x224xf32>
      %add3A_20 = arith.addf %get3A_11, %add3A_19 : vector<96x224xf32>
      %slice3A_21 = vector.extract_strided_slice %get3A_16 {offsets = [0, 2], sizes = [96, 1], strides = [1, 1]} : vector<96x64xf32> to vector<96x1xf32>
      %add3A_22 = vector.broadcast %slice3A_21 : vector<96x1xf32> to vector<96x224xf32>
      %add3A_23 = arith.addf %get3A_11, %add3A_22 : vector<96x224xf32>
      %slice3A_24 = vector.extract_strided_slice %get3A_16 {offsets = [0, 3], sizes = [96, 1], strides = [1, 1]} : vector<96x64xf32> to vector<96x1xf32>
      %add3A_25 = vector.broadcast %slice3A_24 : vector<96x1xf32> to vector<96x224xf32>
      %add3A_26 = arith.addf %get3A_11, %add3A_25 : vector<96x224xf32>
      %slice3A_27 = vector.extract_strided_slice %get3A_16 {offsets = [0, 4], sizes = [96, 1], strides = [1, 1]} : vector<96x64xf32> to vector<96x1xf32>
      %add3A_28 = vector.broadcast %slice3A_27 : vector<96x1xf32> to vector<96x224xf32>
      %add3A_29 = arith.addf %get3A_11, %add3A_28 : vector<96x224xf32>
      %slice3A_30 = vector.extract_strided_slice %get3A_16 {offsets = [0, 5], sizes = [96, 1], strides = [1, 1]} : vector<96x64xf32> to vector<96x1xf32>
      %add3A_31 = vector.broadcast %slice3A_30 : vector<96x1xf32> to vector<96x224xf32>
      %add3A_32 = arith.addf %get3A_11, %add3A_31 : vector<96x224xf32>
      %slice3A_33 = vector.extract_strided_slice %get3A_16 {offsets = [0, 6], sizes = [96, 1], strides = [1, 1]} : vector<96x64xf32> to vector<96x1xf32>
      %add3A_34 = vector.broadcast %slice3A_33 : vector<96x1xf32> to vector<96x224xf32>
      %add3A_35 = arith.addf %get3A_11, %add3A_34 : vector<96x224xf32>
      %slice3A_36 = vector.extract_strided_slice %get3A_16 {offsets = [0, 7], sizes = [96, 1], strides = [1, 1]} : vector<96x64xf32> to vector<96x1xf32>
      %add3A_37 = vector.broadcast %slice3A_36 : vector<96x1xf32> to vector<96x224xf32>
      %add3A_38 = arith.addf %get3A_11, %add3A_37 : vector<96x224xf32>
      %slice3A_39 = vector.extract_strided_slice %get3A_16 {offsets = [0, 8], sizes = [96, 1], strides = [1, 1]} : vector<96x64xf32> to vector<96x1xf32>
      %add3A_40 = vector.broadcast %slice3A_39 : vector<96x1xf32> to vector<96x224xf32>
      %add3A_41 = arith.addf %get3A_11, %add3A_40 : vector<96x224xf32>
      %slice3A_42 = vector.extract_strided_slice %get3A_16 {offsets = [0, 9], sizes = [96, 1], strides = [1, 1]} : vector<96x64xf32> to vector<96x1xf32>
      %add3A_43 = vector.broadcast %slice3A_42 : vector<96x1xf32> to vector<96x224xf32>
      %add3A_44 = arith.addf %get3A_11, %add3A_43 : vector<96x224xf32>
      %slice3A_45 = vector.extract_strided_slice %get3A_16 {offsets = [0, 10], sizes = [96, 1], strides = [1, 1]} : vector<96x64xf32> to vector<96x1xf32>
      %add3A_46 = vector.broadcast %slice3A_45 : vector<96x1xf32> to vector<96x224xf32>
      %add3A_47 = arith.addf %get3A_11, %add3A_46 : vector<96x224xf32>
      %slice3A_48 = vector.extract_strided_slice %get3A_16 {offsets = [0, 11], sizes = [96, 1], strides = [1, 1]} : vector<96x64xf32> to vector<96x1xf32>
      %add3A_49 = vector.broadcast %slice3A_48 : vector<96x1xf32> to vector<96x224xf32>
      %add3A_50 = arith.addf %get3A_11, %add3A_49 : vector<96x224xf32>
      %slice3A_51 = vector.extract_strided_slice %get3A_16 {offsets = [0, 12], sizes = [96, 1], strides = [1, 1]} : vector<96x64xf32> to vector<96x1xf32>
      %add3A_52 = vector.broadcast %slice3A_51 : vector<96x1xf32> to vector<96x224xf32>
      %add3A_53 = arith.addf %get3A_11, %add3A_52 : vector<96x224xf32>
      %slice3A_54 = vector.extract_strided_slice %get3A_16 {offsets = [0, 13], sizes = [96, 1], strides = [1, 1]} : vector<96x64xf32> to vector<96x1xf32>
      %add3A_55 = vector.broadcast %slice3A_54 : vector<96x1xf32> to vector<96x224xf32>
      %add3A_56 = arith.addf %get3A_11, %add3A_55 : vector<96x224xf32>
      %slice3A_57 = vector.extract_strided_slice %get3A_16 {offsets = [0, 14], sizes = [96, 1], strides = [1, 1]} : vector<96x64xf32> to vector<96x1xf32>
      %add3A_58 = vector.broadcast %slice3A_57 : vector<96x1xf32> to vector<96x224xf32>
      %add3A_59 = arith.addf %get3A_11, %add3A_58 : vector<96x224xf32>
      %slice3A_60 = vector.extract_strided_slice %get3A_16 {offsets = [0, 15], sizes = [96, 1], strides = [1, 1]} : vector<96x64xf32> to vector<96x1xf32>
      %add3A_61 = vector.broadcast %slice3A_60 : vector<96x1xf32> to vector<96x224xf32>
      %add3A_62 = arith.addf %get3A_11, %add3A_61 : vector<96x224xf32>
      %slice3A_63 = vector.extract_strided_slice %get3A_16 {offsets = [0, 16], sizes = [96, 1], strides = [1, 1]} : vector<96x64xf32> to vector<96x1xf32>
      %add3A_64 = vector.broadcast %slice3A_63 : vector<96x1xf32> to vector<96x224xf32>
      %add3A_65 = arith.addf %get3A_11, %add3A_64 : vector<96x224xf32>
      %slice3A_66 = vector.extract_strided_slice %get3A_16 {offsets = [0, 17], sizes = [96, 1], strides = [1, 1]} : vector<96x64xf32> to vector<96x1xf32>
      %add3A_67 = vector.broadcast %slice3A_66 : vector<96x1xf32> to vector<96x224xf32>
      %add3A_68 = arith.addf %get3A_11, %add3A_67 : vector<96x224xf32>
      %slice3A_69 = vector.extract_strided_slice %get3A_16 {offsets = [0, 18], sizes = [96, 1], strides = [1, 1]} : vector<96x64xf32> to vector<96x1xf32>
      %add3A_70 = vector.broadcast %slice3A_69 : vector<96x1xf32> to vector<96x224xf32>
      %add3A_71 = arith.addf %get3A_11, %add3A_70 : vector<96x224xf32>
      %slice3A_72 = vector.extract_strided_slice %get3A_16 {offsets = [0, 19], sizes = [96, 1], strides = [1, 1]} : vector<96x64xf32> to vector<96x1xf32>
      %add3A_73 = vector.broadcast %slice3A_72 : vector<96x1xf32> to vector<96x224xf32>
      %add3A_74 = arith.addf %get3A_11, %add3A_73 : vector<96x224xf32>
      %slice3A_75 = vector.extract_strided_slice %get3A_16 {offsets = [0, 20], sizes = [96, 1], strides = [1, 1]} : vector<96x64xf32> to vector<96x1xf32>
      %add3A_76 = vector.broadcast %slice3A_75 : vector<96x1xf32> to vector<96x224xf32>
      %add3A_77 = arith.addf %get3A_11, %add3A_76 : vector<96x224xf32>
      %slice3A_78 = vector.extract_strided_slice %get3A_16 {offsets = [0, 21], sizes = [96, 1], strides = [1, 1]} : vector<96x64xf32> to vector<96x1xf32>
      %add3A_79 = vector.broadcast %slice3A_78 : vector<96x1xf32> to vector<96x224xf32>
      %add3A_80 = arith.addf %get3A_11, %add3A_79 : vector<96x224xf32>
      %slice3A_81 = vector.extract_strided_slice %get3A_16 {offsets = [0, 22], sizes = [96, 1], strides = [1, 1]} : vector<96x64xf32> to vector<96x1xf32>
      %add3A_82 = vector.broadcast %slice3A_81 : vector<96x1xf32> to vector<96x224xf32>
      %add3A_83 = arith.addf %get3A_11, %add3A_82 : vector<96x224xf32>
      %slice3A_84 = vector.extract_strided_slice %get3A_16 {offsets = [0, 23], sizes = [96, 1], strides = [1, 1]} : vector<96x64xf32> to vector<96x1xf32>
      %add3A_85 = vector.broadcast %slice3A_84 : vector<96x1xf32> to vector<96x224xf32>
      %add3A_86 = arith.addf %get3A_11, %add3A_85 : vector<96x224xf32>
      %slice3A_87 = vector.extract_strided_slice %get3A_16 {offsets = [0, 24], sizes = [96, 1], strides = [1, 1]} : vector<96x64xf32> to vector<96x1xf32>
      %add3A_88 = vector.broadcast %slice3A_87 : vector<96x1xf32> to vector<96x224xf32>
      %add3A_89 = arith.addf %get3A_11, %add3A_88 : vector<96x224xf32>
      %slice3A_90 = vector.extract_strided_slice %get3A_16 {offsets = [0, 25], sizes = [96, 1], strides = [1, 1]} : vector<96x64xf32> to vector<96x1xf32>
      %add3A_91 = vector.broadcast %slice3A_90 : vector<96x1xf32> to vector<96x224xf32>
      %add3A_92 = arith.addf %get3A_11, %add3A_91 : vector<96x224xf32>
      %slice3A_93 = vector.extract_strided_slice %get3A_16 {offsets = [0, 26], sizes = [96, 1], strides = [1, 1]} : vector<96x64xf32> to vector<96x1xf32>
      %add3A_94 = vector.broadcast %slice3A_93 : vector<96x1xf32> to vector<96x224xf32>
      %add3A_95 = arith.addf %get3A_11, %add3A_94 : vector<96x224xf32>
      %slice3A_96 = vector.extract_strided_slice %get3A_16 {offsets = [0, 27], sizes = [96, 1], strides = [1, 1]} : vector<96x64xf32> to vector<96x1xf32>
      %add3A_97 = vector.broadcast %slice3A_96 : vector<96x1xf32> to vector<96x224xf32>
      %add3A_98 = arith.addf %get3A_11, %add3A_97 : vector<96x224xf32>
      %slice3A_99 = vector.extract_strided_slice %get3A_16 {offsets = [0, 28], sizes = [96, 1], strides = [1, 1]} : vector<96x64xf32> to vector<96x1xf32>
      %add3A_100 = vector.broadcast %slice3A_99 : vector<96x1xf32> to vector<96x224xf32>
      %add3A_101 = arith.addf %get3A_11, %add3A_100 : vector<96x224xf32>
      %slice3A_102 = vector.extract_strided_slice %get3A_16 {offsets = [0, 29], sizes = [96, 1], strides = [1, 1]} : vector<96x64xf32> to vector<96x1xf32>
      %add3A_103 = vector.broadcast %slice3A_102 : vector<96x1xf32> to vector<96x224xf32>
      %add3A_104 = arith.addf %get3A_11, %add3A_103 : vector<96x224xf32>
      %slice3A_105 = vector.extract_strided_slice %get3A_16 {offsets = [0, 30], sizes = [96, 1], strides = [1, 1]} : vector<96x64xf32> to vector<96x1xf32>
      %add3A_106 = vector.broadcast %slice3A_105 : vector<96x1xf32> to vector<96x224xf32>
      %add3A_107 = arith.addf %get3A_11, %add3A_106 : vector<96x224xf32>
      %slice3A_108 = vector.extract_strided_slice %get3A_16 {offsets = [0, 31], sizes = [96, 1], strides = [1, 1]} : vector<96x64xf32> to vector<96x1xf32>
      %add3A_109 = vector.broadcast %slice3A_108 : vector<96x1xf32> to vector<96x224xf32>
      %add3A_110 = arith.addf %get3A_11, %add3A_109 : vector<96x224xf32>
      %slice3A_111 = vector.extract_strided_slice %get3A_16 {offsets = [0, 32], sizes = [96, 1], strides = [1, 1]} : vector<96x64xf32> to vector<96x1xf32>
      %add3A_112 = vector.broadcast %slice3A_111 : vector<96x1xf32> to vector<96x224xf32>
      %add3A_113 = arith.addf %get3A_11, %add3A_112 : vector<96x224xf32>
      %slice3A_114 = vector.extract_strided_slice %get3A_16 {offsets = [0, 33], sizes = [96, 1], strides = [1, 1]} : vector<96x64xf32> to vector<96x1xf32>
      %add3A_115 = vector.broadcast %slice3A_114 : vector<96x1xf32> to vector<96x224xf32>
      %add3A_116 = arith.addf %get3A_11, %add3A_115 : vector<96x224xf32>
      %slice3A_117 = vector.extract_strided_slice %get3A_16 {offsets = [0, 34], sizes = [96, 1], strides = [1, 1]} : vector<96x64xf32> to vector<96x1xf32>
      %add3A_118 = vector.broadcast %slice3A_117 : vector<96x1xf32> to vector<96x224xf32>
      %add3A_119 = arith.addf %get3A_11, %add3A_118 : vector<96x224xf32>
      %slice3A_120 = vector.extract_strided_slice %get3A_16 {offsets = [0, 35], sizes = [96, 1], strides = [1, 1]} : vector<96x64xf32> to vector<96x1xf32>
      %add3A_121 = vector.broadcast %slice3A_120 : vector<96x1xf32> to vector<96x224xf32>
      %add3A_122 = arith.addf %get3A_11, %add3A_121 : vector<96x224xf32>
      %slice3A_123 = vector.extract_strided_slice %get3A_16 {offsets = [0, 36], sizes = [96, 1], strides = [1, 1]} : vector<96x64xf32> to vector<96x1xf32>
      %add3A_124 = vector.broadcast %slice3A_123 : vector<96x1xf32> to vector<96x224xf32>
      %add3A_125 = arith.addf %get3A_11, %add3A_124 : vector<96x224xf32>
      %slice3A_126 = vector.extract_strided_slice %get3A_16 {offsets = [0, 37], sizes = [96, 1], strides = [1, 1]} : vector<96x64xf32> to vector<96x1xf32>
      %add3A_127 = vector.broadcast %slice3A_126 : vector<96x1xf32> to vector<96x224xf32>
      %add3A_128 = arith.addf %get3A_11, %add3A_127 : vector<96x224xf32>
      %slice3A_129 = vector.extract_strided_slice %get3A_16 {offsets = [0, 38], sizes = [96, 1], strides = [1, 1]} : vector<96x64xf32> to vector<96x1xf32>
      %add3A_130 = vector.broadcast %slice3A_129 : vector<96x1xf32> to vector<96x224xf32>
      %add3A_131 = arith.addf %get3A_11, %add3A_130 : vector<96x224xf32>
      %slice3A_132 = vector.extract_strided_slice %get3A_16 {offsets = [0, 39], sizes = [96, 1], strides = [1, 1]} : vector<96x64xf32> to vector<96x1xf32>
      %add3A_133 = vector.broadcast %slice3A_132 : vector<96x1xf32> to vector<96x224xf32>
      %add3A_134 = arith.addf %get3A_11, %add3A_133 : vector<96x224xf32>
      %slice3A_135 = vector.extract_strided_slice %get3A_16 {offsets = [0, 40], sizes = [96, 1], strides = [1, 1]} : vector<96x64xf32> to vector<96x1xf32>
      %add3A_136 = vector.broadcast %slice3A_135 : vector<96x1xf32> to vector<96x224xf32>
      %add3A_137 = arith.addf %get3A_11, %add3A_136 : vector<96x224xf32>
      %slice3A_138 = vector.extract_strided_slice %get3A_16 {offsets = [0, 41], sizes = [96, 1], strides = [1, 1]} : vector<96x64xf32> to vector<96x1xf32>
      %add3A_139 = vector.broadcast %slice3A_138 : vector<96x1xf32> to vector<96x224xf32>
      %add3A_140 = arith.addf %get3A_11, %add3A_139 : vector<96x224xf32>
      %slice3A_141 = vector.extract_strided_slice %get3A_16 {offsets = [0, 42], sizes = [96, 1], strides = [1, 1]} : vector<96x64xf32> to vector<96x1xf32>
      %add3A_142 = vector.broadcast %slice3A_141 : vector<96x1xf32> to vector<96x224xf32>
      %add3A_143 = arith.addf %get3A_11, %add3A_142 : vector<96x224xf32>
      %slice3A_144 = vector.extract_strided_slice %get3A_16 {offsets = [0, 43], sizes = [96, 1], strides = [1, 1]} : vector<96x64xf32> to vector<96x1xf32>
      %add3A_145 = vector.broadcast %slice3A_144 : vector<96x1xf32> to vector<96x224xf32>
      %add3A_146 = arith.addf %get3A_11, %add3A_145 : vector<96x224xf32>
      %slice3A_147 = vector.extract_strided_slice %get3A_16 {offsets = [0, 44], sizes = [96, 1], strides = [1, 1]} : vector<96x64xf32> to vector<96x1xf32>
      %add3A_148 = vector.broadcast %slice3A_147 : vector<96x1xf32> to vector<96x224xf32>
      %add3A_149 = arith.addf %get3A_11, %add3A_148 : vector<96x224xf32>
      %slice3A_150 = vector.extract_strided_slice %get3A_16 {offsets = [0, 45], sizes = [96, 1], strides = [1, 1]} : vector<96x64xf32> to vector<96x1xf32>
      %add3A_151 = vector.broadcast %slice3A_150 : vector<96x1xf32> to vector<96x224xf32>
      %add3A_152 = arith.addf %get3A_11, %add3A_151 : vector<96x224xf32>
      %slice3A_153 = vector.extract_strided_slice %get3A_16 {offsets = [0, 46], sizes = [96, 1], strides = [1, 1]} : vector<96x64xf32> to vector<96x1xf32>
      %add3A_154 = vector.broadcast %slice3A_153 : vector<96x1xf32> to vector<96x224xf32>
      %add3A_155 = arith.addf %get3A_11, %add3A_154 : vector<96x224xf32>
      %slice3A_156 = vector.extract_strided_slice %get3A_16 {offsets = [0, 47], sizes = [96, 1], strides = [1, 1]} : vector<96x64xf32> to vector<96x1xf32>
      %add3A_157 = vector.broadcast %slice3A_156 : vector<96x1xf32> to vector<96x224xf32>
      %add3A_158 = arith.addf %get3A_11, %add3A_157 : vector<96x224xf32>
      %slice3A_159 = vector.extract_strided_slice %get3A_16 {offsets = [0, 48], sizes = [96, 1], strides = [1, 1]} : vector<96x64xf32> to vector<96x1xf32>
      %add3A_160 = vector.broadcast %slice3A_159 : vector<96x1xf32> to vector<96x224xf32>
      %add3A_161 = arith.addf %get3A_11, %add3A_160 : vector<96x224xf32>
      %slice3A_162 = vector.extract_strided_slice %get3A_16 {offsets = [0, 49], sizes = [96, 1], strides = [1, 1]} : vector<96x64xf32> to vector<96x1xf32>
      %add3A_163 = vector.broadcast %slice3A_162 : vector<96x1xf32> to vector<96x224xf32>
      %add3A_164 = arith.addf %get3A_11, %add3A_163 : vector<96x224xf32>
      %slice3A_165 = vector.extract_strided_slice %get3A_16 {offsets = [0, 50], sizes = [96, 1], strides = [1, 1]} : vector<96x64xf32> to vector<96x1xf32>
      %add3A_166 = vector.broadcast %slice3A_165 : vector<96x1xf32> to vector<96x224xf32>
      %add3A_167 = arith.addf %get3A_11, %add3A_166 : vector<96x224xf32>
      %slice3A_168 = vector.extract_strided_slice %get3A_16 {offsets = [0, 51], sizes = [96, 1], strides = [1, 1]} : vector<96x64xf32> to vector<96x1xf32>
      %add3A_169 = vector.broadcast %slice3A_168 : vector<96x1xf32> to vector<96x224xf32>
      %add3A_170 = arith.addf %get3A_11, %add3A_169 : vector<96x224xf32>
      %slice3A_171 = vector.extract_strided_slice %get3A_16 {offsets = [0, 52], sizes = [96, 1], strides = [1, 1]} : vector<96x64xf32> to vector<96x1xf32>
      %add3A_172 = vector.broadcast %slice3A_171 : vector<96x1xf32> to vector<96x224xf32>
      %add3A_173 = arith.addf %get3A_11, %add3A_172 : vector<96x224xf32>
      %slice3A_174 = vector.extract_strided_slice %get3A_16 {offsets = [0, 53], sizes = [96, 1], strides = [1, 1]} : vector<96x64xf32> to vector<96x1xf32>
      %add3A_175 = vector.broadcast %slice3A_174 : vector<96x1xf32> to vector<96x224xf32>
      %add3A_176 = arith.addf %get3A_11, %add3A_175 : vector<96x224xf32>
      %slice3A_177 = vector.extract_strided_slice %get3A_16 {offsets = [0, 54], sizes = [96, 1], strides = [1, 1]} : vector<96x64xf32> to vector<96x1xf32>
      %add3A_178 = vector.broadcast %slice3A_177 : vector<96x1xf32> to vector<96x224xf32>
      %add3A_179 = arith.addf %get3A_11, %add3A_178 : vector<96x224xf32>
      %slice3A_180 = vector.extract_strided_slice %get3A_16 {offsets = [0, 55], sizes = [96, 1], strides = [1, 1]} : vector<96x64xf32> to vector<96x1xf32>
      %add3A_181 = vector.broadcast %slice3A_180 : vector<96x1xf32> to vector<96x224xf32>
      %add3A_182 = arith.addf %get3A_11, %add3A_181 : vector<96x224xf32>
      %concatenate3A = tpu.concatenate %add3A_17, %add3A_20, %add3A_23, %add3A_26, %add3A_29, %add3A_32, %add3A_35, %add3A_38, %add3A_41, %add3A_44, %add3A_47, %add3A_50, %add3A_53, %add3A_56, %add3A_59, %add3A_62, %add3A_65, %add3A_68, %add3A_71, %add3A_74, %add3A_77, %add3A_80, %add3A_83, %add3A_86, %add3A_89, %add3A_92, %add3A_95, %add3A_98, %add3A_101, %add3A_104, %add3A_107, %add3A_110, %add3A_113, %add3A_116, %add3A_119, %add3A_122, %add3A_125, %add3A_128, %add3A_131, %add3A_134, %add3A_137, %add3A_140, %add3A_143, %add3A_146, %add3A_149, %add3A_152, %add3A_155, %add3A_158, %add3A_161, %add3A_164, %add3A_167, %add3A_170, %add3A_173, %add3A_176, %add3A_179, %add3A_182 in 1 : vector<96x224xf32>, vector<96x224xf32>, vector<96x224xf32>, vector<96x224xf32>, vector<96x224xf32>, vector<96x224xf32>, vector<96x224xf32>, vector<96x224xf32>, vector<96x224xf32>, vector<96x224xf32>, vector<96x224xf32>, vector<96x224xf32>, vector<96x224xf32>, vector<96x224xf32>, vector<96x224xf32>, vector<96x224xf32>, vector<96x224xf32>, vector<96x224xf32>, vector<96x224xf32>, vector<96x224xf32>, vector<96x224xf32>, vector<96x224xf32>, vector<96x224xf32>, vector<96x224xf32>, vector<96x224xf32>, vector<96x224xf32>, vector<96x224xf32>, vector<96x224xf32>, vector<96x224xf32>, vector<96x224xf32>, vector<96x224xf32>, vector<96x224xf32>, vector<96x224xf32>, vector<96x224xf32>, vector<96x224xf32>, vector<96x224xf32>, vector<96x224xf32>, vector<96x224xf32>, vector<96x224xf32>, vector<96x224xf32>, vector<96x224xf32>, vector<96x224xf32>, vector<96x224xf32>, vector<96x224xf32>, vector<96x224xf32>, vector<96x224xf32>, vector<96x224xf32>, vector<96x224xf32>, vector<96x224xf32>, vector<96x224xf32>, vector<96x224xf32>, vector<96x224xf32>, vector<96x224xf32>, vector<96x224xf32>, vector<96x224xf32>, vector<96x224xf32> -> vector<96x12544xf32>
      %swap3A_183 = arith.constant 0 : index
      %swap3A_184 = arith.constant 0 : index
      %swap3A_185 = vector.load %arg5[%swap3A_183, %swap3A_184] : memref<96x12544xf32, #tpu.memory_space<vmem>>, vector<96x12544xf32>
      tpu.vector_store %arg5[%swap3A_183, %swap3A_184], %concatenate3A {strides = array<i32>} : memref<96x12544xf32, #tpu.memory_space<vmem>>, vector<96x12544xf32>,
    } else {
    }
    %get3A = arith.constant 0 : index
    %get3A_2 = arith.constant 0 : index
    %get3A_3 = vector.load %arg5[%get3A, %get3A_2] : memref<96x12544xf32, #tpu.memory_space<vmem>>, vector<96x12544xf32>
    %swap3A = arith.constant 0 : index
    %swap3A_4 = arith.constant 0 : index
    %swap3A_5 = arith.constant 0 : index
    %swap3A_6 = vector.load %arg4[%swap3A, %swap3A_4, %swap3A_5] : memref<1x96x12544xf32, #tpu.memory_space<vmem>>, vector<1x96x12544xf32>
    %swap3A_7 = vector.shape_cast %swap3A_6 : vector<1x96x12544xf32> to vector<96x12544xf32>
    %swap3A_8 = vector.shape_cast %get3A_3 : vector<96x12544xf32> to vector<1x96x12544xf32>
    tpu.vector_store %arg4[%swap3A, %swap3A_4, %swap3A_5], %swap3A_8 {strides = array<i32>} : memref<1x96x12544xf32, #tpu.memory_space<vmem>>, vector<1x96x12544xf32>,
    return
  }
  func.func @transform_0(%arg0: i32, %arg1: i32) -> (i32, i32) {
    %c0_i32 = arith.constant 0 : i32
    %c0_i32_0 = arith.constant 0 : i32
    %c0_i32_1 = arith.constant 0 : i32
    return %c0_i32, %c0_i32_0 : i32, i32
  }
  func.func @transform_1(%arg0: i32, %arg1: i32) -> (i32, i32, i32) {
    %c0_i32 = arith.constant 0 : i32
    %c0_i32_0 = arith.constant 0 : i32
    %c0_i32_1 = arith.constant 0 : i32
    return %arg0, %c0_i32, %c0_i32_0 : i32, i32, i32
  }
  func.func @transform_2(%arg0: i32, %arg1: i32) -> (i32, i32, i32) {
    %c0_i32 = arith.constant 0 : i32
    %c0_i32_0 = arith.constant 0 : i32
    return %arg1, %c0_i32, %arg0 : i32, i32, i32
  }
}

</mosaic_0001>

<sc_bundles>
// kernel: kernel.4.cloned.1.call-start
scs
__scs_entry_jumppad:
0x0: {  	(pc) =	sbr.rel $0x88, $3  }
0x1: {  	(tag) =	ssettag $0x0;
	lr =	simm.s32 $0x1  }
0x2: {  	[smem:$0x3FA0] =	sst lr;
	_ =	strace $0xD0000000  }
0x3: {  	_ = 	snop  }
0x4: {  	_ = 	snop  }
0x5: {  	_ = 	snop  }
0x6: {  	_ = 	snop  }
0x7: {  	_ = 	snop  }
__scs_overlays_trampoline_lowered:
0x8: {  	[smem:$0x3FAF] =	sst s0  }
0x9: {  	[smem:$0x3FB0] =	sst s1  }
0xa: {  	[smem:$0x3FB1] =	sst s2  }
0xb: {  	[smem:$0x3FB2] =	sst s3  }
0xc: {  	[smem:$0x3FB3] =	sst s4  }
0xd: {  	[smem:$0x3FB4] =	sst s5  }
0xe: {  	[smem:$0x3FB5] =	sst s6  }
0xf: {  	[smem:$0x3FB6] =	sst s7  }
0x10: {  	[smem:$0x3FB7] =	sst s8  }
0x11: {  	[smem:$0x3FB8] =	sst s9;
	s0 =	simm.s32 @!p0 $0x0  }
0x12: {  	s1 =	sld [smem:$0x3F9E];
	s0 =	simm.s32 @p0 $0x1  }
0x13: {  	[smem:$0x3FB9] =	sst s0;
	s0 =	simm.s32 @!p1 $0x0  }
0x14: {  	s2 =	sld [smem:$0x3F9D];
	s0 =	simm.s32 @p1 $0x1  }
0x15: {  	[smem:$0x3FBA] =	sst s0;
	s0 =	simm.s32 @!p2 $0x0  }
0x16: {  	s3 =	sld [smem:$0x3FDB];
	s0 =	simm.s32 @p2 $0x1  }
0x17: {  	s4 =	simm.s32 $0x1BF5;
	[smem:$0x3FBC] =	sst s0  }
0x18: {  	s0 =	sld [smem:$0x3F9F];
	_ =	swait.ge [sflag:s4], $0x0  }
0x19: {  	s7 =	sld [smem:$0x3FA0]  }
0x1a: {  	s8 =	sadd.s32 $0xFFFFE003, lr  }
0x1b: {  	s9 =	sadd.s32 $0xFFFFFEF7, lr;
	s5 =	simm.s32 $0xFFFFFFFF;
	p2 =	slt.u32 s8, $0xFFFFF086  }
0x1c: {  	p1 =	slt.u32 s9, $0xF7A;
	s5 =	simm.s32 @!p2 $0x0  }
0x1d: {  	s5 =	simm.s32 @p1 $0x1;
	p0 =	seq.s32 s7, s2  }
0x1e: {  	s7 =	smul.u32 @!p0 $0xF7A, s2;
	p2 =	seq.s32 @!p0 s5, $0x0  }
0x1f: {  	s9 =	smul.u32 $0xF7A, s1;
	s8 =	simm.s32 @!p0 $0x1BF5;
	p2 =	por !p2, p0  }
0x20: {  	[sflag:s8] =	ssyncset.s32 @!p0 $0xFFFFF086;
	s6 =	sadd.s32 @!p0 s3, s7;
	s7 =	simm.s32 @!p0 $0x108  }
0x21: {  	s3 =	sadd.s32 s3, s9;
	s6 =	sadd.s32 @!p0 $0x88, s6;
	s7 =	simm.s32 @p2 $0x1082  }
0x22: {  	[simem:s7], [sflag:s8] =	dma.local @!p0 [hbm:s6], $0xF7A  }
0x23: {  	s9 =	sor.u32 $0xD0000000, s2;
	s6 =	simm.s32 $0x108;
	_ =	swait.ge @!p0 [sflag:s8], $0x0  }
0x24: {  	s3 =	sadd.s32 $0x88, s3;
	s6 =	simm.s32 @!p1 $0x1082;
	[sflag:s4] =	ssyncset.s32 $0xFFFFF086  }
0x25: {  	[simem:s6], [sflag:s4] =	dma.local [hbm:s3], $0xF7A  }
0x26: {  	[smem:$0x3FA0] =	sst s1;
	(tag) =	ssettag s2;
	_ =	strace s9  }
0x27: {  	s1 =	sld [smem:$0x3FB0]  }
0x28: {  	s2 =	sld [smem:$0x3FB1]  }
0x29: {  	s4 =	sld [smem:$0x3FB3]  }
0x2a: {  	p0 =	seq.s32 s5, $0x0;
	s5 =	sld [smem:$0x3FB4]  }
0x2b: {  	s6 =	sld [smem:$0x3FB5]  }
0x2c: {  	s7 =	sld [smem:$0x3FB6]  }
0x2d: {  	s3 =	simm.s32 $0x108;
	s8 =	sld [smem:$0x3FB7]  }
0x2e: {  	s3 =	simm.s32 @!p0 $0x1082;
	s9 =	sld [smem:$0x3FB8]  }
0x2f: {  	lr =	sadd.s32 s0, s3;
	s0 =	sld [smem:$0x3FAF]  }
0x30: {  	s3 =	sld [smem:$0x3FB2]  }
0x31: {  	[smem:$0x3FBB] =	sst s10  }
0x32: {  	s10 =	sld [smem:$0x3FB9];
	_ =	sdelay $0x3  }
0x33: {  	p0 =	seq.s32 s10, $0x1;
	s10 =	sld [smem:$0x3FBB];
	_ =	sdelay $0x3  }
0x34: {  	[smem:$0x3FBB] =	sst s10  }
0x35: {  	s10 =	sld [smem:$0x3FBA];
	_ =	sdelay $0x3  }
0x36: {  	p1 =	seq.s32 s10, $0x1;
	s10 =	sld [smem:$0x3FBB];
	_ =	sdelay $0x3  }
0x37: {  	[smem:$0x3FBB] =	sst s10  }
0x38: {  	s10 =	sld [smem:$0x3FBC]  }
0x39: {  	_ = 	snop;
	(pc) =	sbr.ind lr, $3  }
0x3a: {  	_ = 	snop  }
0x3b: {  	_ = 	snop  }
0x3c: {  	p2 =	seq.s32 s10, $0x1;
	s10 =	sld [smem:$0x3FBB]  }
0x3d: {  	_ =	shalt  }
0x3e: {  	_ =	shalt  }
0x3f: {  	_ =	shalt  }
0x40: {  	_ =	shalt  }
0x41: {  	_ =	shalt  }
0x42: {  	_ =	shalt  }
0x43: {  	_ =	shalt  }
0x44: {  	_ =	shalt  }
0x45: {  	_ =	shalt  }
0x46: {  	_ =	shalt  }
0x47: {  	_ =	shalt  }
0x48: {  	_ =	shalt  }
0x49: {  	_ =	shalt  }
0x4a: {  	_ =	shalt  }
0x4b: {  	_ =	shalt  }
0x4c: {  	_ =	shalt  }
0x4d: {  	_ =	shalt  }
0x4e: {  	_ =	shalt  }
0x4f: {  	_ =	shalt  }
0x50: {  	_ =	shalt  }
0x51: {  	_ =	shalt  }
0x52: {  	_ =	shalt  }
0x53: {  	_ =	shalt  }
0x54: {  	_ =	shalt  }
0x55: {  	_ =	shalt  }
0x56: {  	_ =	shalt  }
0x57: {  	_ =	shalt  }
0x58: {  	_ =	shalt  }
0x59: {  	_ =	shalt  }
0x5a: {  	_ =	shalt  }
0x5b: {  	_ =	shalt  }
0x5c: {  	_ =	shalt  }
0x5d: {  	_ =	shalt  }
0x5e: {  	_ =	shalt  }
0x5f: {  	_ =	shalt  }
0x60: {  	_ =	shalt  }
0x61: {  	_ =	shalt  }
0x62: {  	_ =	shalt  }
0x63: {  	_ =	shalt  }
0x64: {  	_ =	shalt  }
0x65: {  	_ =	shalt  }
0x66: {  	_ =	shalt  }
0x67: {  	_ =	shalt  }
0x68: {  	_ =	shalt  }
0x69: {  	_ =	shalt  }
0x6a: {  	_ =	shalt  }
0x6b: {  	_ =	shalt  }
0x6c: {  	_ =	shalt  }
0x6d: {  	_ =	shalt  }
0x6e: {  	_ =	shalt  }
0x6f: {  	_ =	shalt  }
0x70: {  	_ =	shalt  }
0x71: {  	_ =	shalt  }
0x72: {  	_ =	shalt  }
0x73: {  	_ =	shalt  }
0x74: {  	_ =	shalt  }
0x75: {  	_ =	shalt  }
0x76: {  	_ =	shalt  }
0x77: {  	_ =	shalt  }
0x78: {  	_ =	shalt  }
0x79: {  	_ =	shalt  }
0x7a: {  	_ =	shalt  }
0x7b: {  	_ =	shalt  }
0x7c: {  	_ =	shalt  }
0x7d: {  	_ =	shalt  }
0x7e: {  	_ =	shalt  }
0x7f: {  	_ =	shalt  }
0x80: {  	_ =	shalt  }
0x81: {  	_ =	shalt  }
0x82: {  	_ =	shalt  }
0x83: {  	_ =	shalt  }
0x84: {  	_ =	shalt  }
0x85: {  	_ =	shalt  }
0x86: {  	_ =	shalt  }
0x87: {  	_ =	shalt  }
.Lfunc_end0:
.L_simem_size_0:
called_computation_lowered:
.L_overlay_start_0:
0x88: {  	s2 =	sld [smem:$0x3FD9]  }
0x89: {  	s3 =	sld [smem:$0x3FFE];
	_ =	sdelay $0x1  }
0x8a: {  	s1 =	srdreg.scid  }
0x8b: {  	s0 =	sand.u32 $0x1, s1  }
0x8c: {  	s17 =	sshll.u32 s0, $0xA;
	s2 =	sadd.s32 s3, s2  }
0x8d: {  	s2 =	sadd.s32 s2, s17  }
0x8e: {  	[smem:$0x3FC7] =	sst s2  }
0x8f: {  	_ = 	snop  }
0x90: {  	s2 =	sld [smem:$0x3FC9]  }
0x91: {  	s18 =	sld [smem:$0x3FD0];
	(tm) =	ssettm $0x1  }
0x92: {  	s4 =	sld [smem:$0x3FFB];
	_ =	sdelay $0x3  }
0x93: {  	_ =	strace s4  }
0x94: {  	s4 =	sld [smem:$0x3FFC];
	_ =	sdelay $0x3  }
0x95: {  	_ =	strace s4  }
0x96: {  	s4 =	sld [smem:$0x3FFD];
	_ =	sdelay $0x3  }
0x97: {  	_ =	strace s4  }
0x98: {  	_ =	strace $0x8FFFFFFF  }
0x99: {  	s19 =	sld [smem:$0x3FDB];
	_ =	sdelay $0x1  }
0x9a: {  	s5 =	simm.s32 $_scs_section_size  }
0x9b: {  	s6 =	simm.s32 $_size__tile_overlayer_lowered;
	s7 =	simm.s32 $_tile_overlayer_lowered  }
0x9c: {  	s22 =	simm.s32 $0x1BFF;
	s21 =	sshll.u32 s7, $0x1;
	s4 =	sadd.s32 s5, s19  }
0x9d: {  	s8 =	simm.s32 $0x0;
	s20 =	sshll.u32 s6, $0x1;
	s6 =	sadd.s32 s21, s4  }
0x9e: {  	[timem:s8], [sflag:s22] =	dma.local [hbm:s6], s20  }
0x9f: {  	_ =	swait.ge [sflag:s22], s20  }
0xa0: {  	s5 =	ssub.s32 $0x0, s20;
	[sflag:s22] =	ssyncset.done $0x0  }
0xa1: {  	[sflag:s22] =	ssyncadd.s32 s5;
	_ =	sdelay $0x1  }
0xa2: {  	s23 =	simm.s32 $0x1B8B  }
0xa3: {  	_ =	swait.ge [sflag:s23], $0x1  }
0xa4: {  	[sflag:s23] =	ssyncset.done $0x0  }
0xa5: {  	s25 =	simm.s32 $0x1B8E;
	s24 =	sld [smem:$0x3FFE];
	[sflag:s23] =	ssyncadd.s32 $0xFFFFFFFF  }
0xa6: {  	s26 =	simm.s32 $execute0_lowered;
	[smem:$0x3FD2] =	sst s25  }
0xa7: {  	s6 =	sshll.u32 s26, $0x1;
	_ =	strace $0x80000046;
	[dreg:$0x1] =	wrdreg $0xFFFFFFFF  }
0xa8: {  	s28 =	simm.s32 $_size_execute0_lowered;
	s4 =	sadd.s32 s4, s6;
	[dreg:$0x0] =	wrdreg $0x0  }
0xa9: {  	s6 =	sshll.u32 s28, $0x1;
	[dreg:$0x2] =	wrdreg s4  }
0xaa: {  	[dreg:$0x3] =	wrdreg s6  }
0xab: {  	[dreg:$0x4] =	wrdreg $0xC0  }
0xac: {  	_ =	task [dreg:s8], $0x5FFFF  }
0xad: {  	[dreg:$0x1] =	wrdreg $0xFFFFFFFF  }
0xae: {  	[dreg:$0x0] =	wrdreg $0x60  }
0xaf: {  	[dreg:$0x2] =	wrdreg s2  }
0xb0: {  	[dreg:$0x3] =	wrdreg s24  }
0xb1: {  	[dreg:$0x4] =	wrdreg s18  }
0xb2: {  	[dreg:$0x5] =	wrdreg $0x9  }
0xb3: {  	_ =	task.clear_ibuf [dreg:s8], $0x6FFFF;
	_ =	strace $0x90000046  }
0xb4: {  	s29 =	simm.s32 $0x9;
	_ =	strace $0x80000048  }
0xb5: {  	_ =	swait.ge [sflag:s29], $0x1  }
0xb6: {  	[sflag:s29] =	ssyncadd.s32 $0xFFFFFFFF  }
0xb7: {  	_ =	strace $0x90000048  }
0xb8: {  	_ =	sfence  }
0xb9: {  	s30 =	sld [smem:$0x0];
	_ =	sdelay $0x2  }
0xba: {  	s31 =	sshll.u32 s1, $0xD;
	s1 =	sshrl.u32 s1, $0x2  }
0xbb: {  	s3 =	sand.u32 $0x4000, s31;
	s1 =	sadd.s32 s1, s30  }
0xbc: {  	s0 =	sor.u32 s3, s0;
	s1 =	sshll.u32 s1, $0x11  }
0xbd: {  	s0 =	sor.u32 s1, s0  }
0xbe: {  	s0 =	sadd.s32 $0x8F2B, s0  }
0xbf: {  	[sflag:s0] =	ssyncadd.remote.s32 $0x1  }
0xc0: {  	_ =	sfence.sel $0xFFFF  }
0xc1: {  	[dreg:$0x0] =	wrdreg $0xFFFFFFFF;
	(pc) =	sbr.abs _section_cstart, $3  }
0xc2: {  	[dreg:$0x1] =	wrdreg $0xFFFFFFFF  }
0xc3: {  	_ =	task.clear_ibuf [dreg:s8], $0x2FFFF;
	_ =	strace $0x9FFFFFFF  }
0xc4: {  	(tm) =	ssettm $0x7FFFFFFF  }
0xc5: {  	_ =	shalt  }
tec
execute0_lowered:
.L_overlay_start_1:
0x0: {  	(tag) =	ssettag $0x1  }
0x1: {  	s2 =	stileid.u32  }
0x2: {  	p0 =	sgt.u32 s2, $0x5  }
.Ltmp0:
0x3: {  	s1 =	rddreg [dreg:$0x0];
	(pc) =	sbr.rel @p0 .LBB2_3-.Ltmp0, $4  }
0x4: {  	s4 =	rddreg [dreg:$0x1]  }
0x5: {  	s5 =	rddreg [dreg:$0x2];
	s3 =	simm.s32 $0x0  }
0x6: {  	[smem:$0x7FF] =	sst s3  }
0x7: {  	s0 =	rddreg [dreg:$0x3];
	_ =	strace $0x80000047  }
0x8: {  	v0 =	vlaneseq.u32  }
0x9: {  	s6 =	srdreg.scid;
	v3 =	vimm.s32 $0x380;
	vm0 =	vcmask $0x2300;
	vm10 =	vcmask $0x2724  }
0xa: {  	s23 =	sshll.u32 s2, $0x1;
	vm11 =	vcmask $0x2B28;
	vm12 =	vcmask $0x2F2C;
	s7 =	sand.u32 $0x1, s6;
	v1 =	vmul.u32 $0x80, v0  }
0xb: {  	vm13 =	vcmask $0x3330;
	vm14 =	vcmask $0x3734;
	vm15 =	vcmask $0x3B38;
	s6 =	sor.u32 s7, s23  }
0xc: {  	v3 =	vsel vm0, $0x0, v3;
	s8 =	sshll.u32 s6, $0x3;
	v6 =	vor.u32 $0x1000, v1;
	v7 =	vor.u32 $0x1800, v1  }
0xd: {  	v10 =	vadd.s32 $0x400, v1;
	v11 =	vadd.s32 $0xC00, v1;
	s11 =	sshllo.u32 s6, $0x3;
	v0 =	vmov s8  }
0xe: {  	v2 =	vor.u32 s8, v1;
	v57 =	vadd.s32 s11, v1;
	v59 =	vadd.s32 s11, v6  }
0xf: {  	s9 =	sor.u32 $0x1, s8;
	v60 =	vadd.s32 s11, v7;
	v62 =	vadd.s32 s11, v10;
	v63 =	vadd.s32 s11, v11  }
0x10: {  	s24 =	sor.u32 $0x2, s8;
	[tilespmem:$0x1FF70] =	vst v2;
	v2 =	vor.u32 $0x800, v1;
	v12 =	vadd.s32 s9, v1;
	v13 =	vadd.s32 s9, v7  }
0x11: {  	v17 =	vadd.s32 s9, v11;
	v18 =	vmov s24;
	v19 =	vadd.s32 s24, v1  }
0x12: {  	s25 =	sor.u32 $0x3, s8;
	v21 =	vadd.s32 s24, v6;
	v22 =	vadd.s32 s24, v7;
	v25 =	vadd.s32 s24, v10  }
0x13: {  	v26 =	vadd.s32 s24, v11;
	v27 =	vmov s25;
	v28 =	vadd.s32 s25, v1  }
0x14: {  	s10 =	sor.u32 $0x4, s8;
	v30 =	vadd.s32 s25, v6;
	v31 =	vadd.s32 s25, v7;
	v33 =	vadd.s32 s25, v10  }
0x15: {  	v34 =	vadd.s32 s25, v11;
	v35 =	vmov s10;
	v36 =	vadd.s32 s10, v1  }
0x16: {  	s26 =	sor.u32 $0x5, s8;
	v38 =	vadd.s32 s10, v6;
	v39 =	vadd.s32 s10, v7;
	v41 =	vadd.s32 s10, v10  }
0x17: {  	v42 =	vadd.s32 s10, v11;
	v43 =	vadd.s32 s26, v1;
	v45 =	vadd.s32 s26, v6  }
0x18: {  	s28 =	sor.u32 $0x6, s8;
	v46 =	vadd.s32 s26, v7;
	v48 =	vadd.s32 s26, v10;
	v49 =	vadd.s32 s26, v11  }
0x19: {  	v50 =	vadd.s32 s28, v1;
	v52 =	vadd.s32 s28, v6;
	v53 =	vadd.s32 s28, v7  }
0x1a: {  	v55 =	vadd.s32 s28, v10;
	v56 =	vadd.s32 s28, v11;
	v4 =	vor.u32 s8, v2  }
0x1b: {  	[tilespmem:$0x1FFC0] =	vst v12;
	v12 =	vadd.s32 s9, v2;
	v20 =	vadd.s32 s24, v2;
	v23 =	vor.u32 $0x2000, v18  }
0x1c: {  	v29 =	vadd.s32 s25, v2;
	v37 =	vadd.s32 s10, v2;
	[tilespmem:$0x1FF80] =	vst v4;
	v4 =	vsel vm10, $0x80, v3  }
0x1d: {  	v44 =	vadd.s32 s26, v2;
	v51 =	vadd.s32 s28, v2;
	v4 =	vsel vm11, $0x100, v4  }
0x1e: {  	v58 =	vadd.s32 s11, v2;
	v1 =	vor.u32 $0x2000, v27;
	v5 =	vsel vm12, $0x180, v4  }
0x1f: {  	v2 =	vor.u32 $0x2000, v35;
	v3 =	vor.u32 s8, v6;
	v8 =	vsel vm13, $0x200, v5  }
0x20: {  	[tilespmem:$0x1FFD0] =	vst v12;
	v12 =	vadd.s32 s9, v6;
	v6 =	vmov s26;
	v8 =	vsel vm14, $0x280, v8  }
0x21: {  	v4 =	vor.u32 s8, v7;
	v7 =	vmov s28;
	v8 =	vsel vm15, $0x300, v8  }
0x22: {  	v5 =	vor.u32 $0x2000, v0;
	v9 =	vor.u32 s8, v8;
	v15 =	vadd.s32 s9, v8  }
0x23: {  	s7 =	ssub.s32 $0x2, s7;
	s29 =	sshll.u32 s6, $0x8;
	v24 =	vadd.s32 s24, v8;
	v32 =	vadd.s32 s25, v8;
	v40 =	vadd.s32 s10, v8;
	[tilespmem:$0x1FF90] =	vst v9  }
0x24: {  	s6 =	sshll.u32 s6, $0x7;
	s30 =	sshrl.u32 s7, $0x1;
	s4 =	sadd.s32 s29, s4;
	v47 =	vadd.s32 s26, v8;
	v54 =	vadd.s32 s28, v8;
	v9 =	vor.u32 s8, v10;
	[tilespmem:$0x1FFE0] =	vst v15  }
0x25: {  	s5 =	sadd.s32 s5, s6;
	s31 =	ssub.s32 s7, s30;
	s7 =	simm.s32 $0x1;
	v61 =	vadd.s32 s11, v8;
	v8 =	vmov s11;
	[tilespmem:$0x1FFA0] =	vst v9;
	v9 =	vor.u32 s8, v11  }
0x26: {  	s4 =	sadd.s32 $0xC00, s4;
	s6 =	smax.u32 s31, $0x1;
	s10 =	simm.s32 $0x3000;
	v15 =	vadd.s32 s9, v10;
	v10 =	vor.u32 $0x2000, v6;
	[tilespmem:$0x1FFB0] =	vst v9;
	v9 =	vmov s9  }
0x27: {  	s11 =	simm.s32 $0x2C00;
	[tilespmem:$0x1FFF0] =	vst v15;
	s8 =	simm.s32 $0x2400;
	v11 =	vor.u32 $0x2000, v7;
	v15 =	vor.u32 $0x2000, v8;
	s9 =	simm.s32 $0x400;
	v14 =	vor.u32 $0x2000, v9  }
.LBB2_2:
0x28: {  	[tilespmem:s3], [sflag:$0x1] =	stream.linear.gather [hbm4b:s1+s3], $0x2080, $0x38;
	[tilespmem:$0x3C00] =	vst v63  }
0x29: {  	_ =	swait.ge [sflag:s7], $0x2080  }
0x2a: {  	[sflag:s7] =	ssyncset.done $0x0  }
0x2b: {  	[sflag:s7] =	ssyncadd.s32 $0xFFFFDF80  }
0x2c: {  	v16 =	vld.idx.msk [tilespmem:v0+s3+$0x0], $0xffff;
	_ =	sdelay $0x4  }
0x2d: {  	[tilespmem:$0x2400] =	vst v16  }
0x2e: {  	v16 =	vld.idx.msk [tilespmem:v0+s3+$0x0], $0xffff;
	_ =	sdelay $0x4  }
0x2f: {  	[tilespmem:$0x2410] =	vst v16  }
0x30: {  	v16 =	vld.idx.msk [tilespmem:v0+s3+$0x0], $0xffff;
	_ =	sdelay $0x4  }
0x31: {  	[tilespmem:$0x2420] =	vst v16  }
0x32: {  	v16 =	vld.idx.msk [tilespmem:v0+s3+$0x0], $0xffff;
	_ =	sdelay $0x4  }
0x33: {  	[tilespmem:$0x2430] =	vst v16  }
0x34: {  	v16 =	vld.idx.msk [tilespmem:v0+s3+$0x0], $0xffff;
	_ =	sdelay $0x4  }
0x35: {  	[tilespmem:$0x2440] =	vst v16;
	v16 =	vld [tilespmem:$0x1FF70];
	_ =	sdelay $0x7  }
0x36: {  	v16 =	vld.idx.msk [tilespmem:v16+s3+$0x0], $0xffff;
	_ =	sdelay $0x4  }
0x37: {  	[tilespmem:$0x2450] =	vst v16;
	v16 =	vld [tilespmem:$0x1FF80];
	_ =	sdelay $0x7  }
0x38: {  	v16 =	vld.idx.msk [tilespmem:v16+s3+$0x0], $0xffff;
	_ =	sdelay $0x4  }
0x39: {  	[tilespmem:$0x2460] =	vst v16  }
0x3a: {  	v16 =	vld.idx.msk [tilespmem:v3+s3+$0x0], $0xffff;
	_ =	sdelay $0x4  }
0x3b: {  	[tilespmem:$0x2470] =	vst v16  }
0x3c: {  	v16 =	vld.idx.msk [tilespmem:v4+s3+$0x0], $0xffff;
	_ =	sdelay $0x4  }
0x3d: {  	[tilespmem:$0x2800] =	vst v16  }
0x3e: {  	v16 =	vld.idx.msk [tilespmem:v5+s3+$0x0], $0xffff;
	_ =	sdelay $0x4  }
0x3f: {  	[tilespmem:$0x2810] =	vst v16  }
0x40: {  	v16 =	vld.idx.msk [tilespmem:v5+s3+$0x0], $0xffff;
	_ =	sdelay $0x4  }
0x41: {  	[tilespmem:$0x2820] =	vst v16  }
0x42: {  	v16 =	vld.idx.msk [tilespmem:v5+s3+$0x0], $0xffff;
	_ =	sdelay $0x4  }
0x43: {  	[tilespmem:$0x2830] =	vst v16  }
0x44: {  	v16 =	vld.idx.msk [tilespmem:v5+s3+$0x0], $0xffff;
	_ =	sdelay $0x4  }
0x45: {  	[tilespmem:$0x2840] =	vst v16  }
0x46: {  	v16 =	vld.idx.msk [tilespmem:v5+s3+$0x0], $0xffff;
	_ =	sdelay $0x4  }
0x47: {  	[tilespmem:$0x2850] =	vst v16  }
0x48: {  	v16 =	vld.idx.msk [tilespmem:v0+s3+$0x0], $0xffff;
	_ =	sdelay $0x4  }
0x49: {  	[tilespmem:$0x2C00] =	vst v16  }
0x4a: {  	v16 =	vld.idx.msk [tilespmem:v0+s3+$0x0], $0xffff;
	_ =	sdelay $0x4  }
0x4b: {  	[tilespmem:$0x2C10] =	vst v16  }
0x4c: {  	v16 =	vld.idx.msk [tilespmem:v0+s3+$0x0], $0xffff;
	_ =	sdelay $0x4  }
0x4d: {  	[tilespmem:$0x2C20] =	vst v16  }
0x4e: {  	v16 =	vld.idx.msk [tilespmem:v0+s3+$0x0], $0xffff;
	_ =	sdelay $0x4  }
0x4f: {  	[tilespmem:$0x2C30] =	vst v16  }
0x50: {  	v16 =	vld.idx.msk [tilespmem:v0+s3+$0x0], $0xffff;
	_ =	sdelay $0x4  }
0x51: {  	[tilespmem:$0x3000] =	vst v16;
	v16 =	vld [tilespmem:$0x1FF90];
	_ =	sdelay $0x7  }
0x52: {  	v16 =	vld.idx.msk [tilespmem:v16+s3+$0x0], $0xffff;
	_ =	sdelay $0x4  }
0x53: {  	[tilespmem:$0x3010] =	vst v16;
	v16 =	vld [tilespmem:$0x1FFA0];
	_ =	sdelay $0x7  }
0x54: {  	v16 =	vld.idx.msk [tilespmem:v16+s3+$0x0], $0xffff;
	_ =	sdelay $0x4  }
0x55: {  	[tilespmem:$0x3020] =	vst v16;
	v16 =	vld [tilespmem:$0x1FFB0];
	_ =	sdelay $0x7  }
0x56: {  	v16 =	vld.idx.msk [tilespmem:v16+s3+$0x0], $0xffff;
	_ =	sdelay $0x4  }
0x57: {  	[tilespmem:$0x3030] =	vst v16  }
0x58: {  	v16 =	vld.idx.msk [tilespmem:v3+s3+$0x0], $0xffff;
	_ =	sdelay $0x4  }
0x59: {  	[tilespmem:$0x3400] =	vst v16  }
0x5a: {  	v16 =	vld.idx.msk [tilespmem:v4+s3+$0x0], $0xffff;
	_ =	sdelay $0x4  }
0x5b: {  	[tilespmem:$0x3410] =	vst v16  }
0x5c: {  	v16 =	vld.idx.msk [tilespmem:v5+s3+$0x0], $0xffff;
	_ =	sdelay $0x4  }
0x5d: {  	[tilespmem:$0x3420] =	vst v16  }
0x5e: {  	v16 =	vld.idx.msk [tilespmem:v5+s3+$0x0], $0xffff;
	_ =	sdelay $0x4  }
0x5f: {  	[tilespmem:$0x3430] =	vst v16  }
0x60: {  	v16 =	vld.idx.msk [tilespmem:v5+s3+$0x0], $0xffff;
	_ =	sdelay $0x4  }
0x61: {  	[tilespmem:$0x3800] =	vst v16  }
0x62: {  	v16 =	vld.idx.msk [tilespmem:v5+s3+$0x0], $0xffff;
	_ =	sdelay $0x4  }
0x63: {  	[tilespmem:$0x3810] =	vst v16  }
0x64: {  	v16 =	vld.idx.msk [tilespmem:v5+s3+$0x0], $0xffff;
	_ =	sdelay $0x4  }
0x65: {  	[tilespmem:$0x3820] =	vst v16  }
0x66: {  	v16 =	vld.idx.msk [tilespmem:v5+s3+$0x0], $0xffff;
	_ =	sdelay $0x4  }
0x67: {  	[tilespmem:$0x3830] =	vst v16  }
0x68: {  	v16 =	vld.idx.msk [tilespmem:v9+s3+$0x0], $0xffff;
	_ =	sdelay $0x4  }
0x69: {  	[tilespmem:$0x2480] =	vst v16  }
0x6a: {  	v16 =	vld.idx.msk [tilespmem:v9+s3+$0x0], $0xffff;
	_ =	sdelay $0x4  }
0x6b: {  	[tilespmem:$0x2490] =	vst v16  }
0x6c: {  	v16 =	vld.idx.msk [tilespmem:v9+s3+$0x0], $0xffff;
	_ =	sdelay $0x4  }
0x6d: {  	[tilespmem:$0x24A0] =	vst v16  }
0x6e: {  	v16 =	vld.idx.msk [tilespmem:v9+s3+$0x0], $0xffff;
	_ =	sdelay $0x4  }
0x6f: {  	[tilespmem:$0x24B0] =	vst v16  }
0x70: {  	v16 =	vld.idx.msk [tilespmem:v9+s3+$0x0], $0xffff;
	_ =	sdelay $0x4  }
0x71: {  	[tilespmem:$0x24C0] =	vst v16;
	v16 =	vld [tilespmem:$0x1FFC0];
	_ =	sdelay $0x7  }
0x72: {  	v16 =	vld.idx.msk [tilespmem:v16+s3+$0x0], $0xffff;
	_ =	sdelay $0x4  }
0x73: {  	[tilespmem:$0x24D0] =	vst v16;
	v16 =	vld [tilespmem:$0x1FFD0];
	_ =	sdelay $0x7  }
0x74: {  	v16 =	vld.idx.msk [tilespmem:v16+s3+$0x0], $0xffff;
	_ =	sdelay $0x4  }
0x75: {  	[tilespmem:$0x24E0] =	vst v16  }
0x76: {  	v16 =	vld.idx.msk [tilespmem:v12+s3+$0x0], $0xffff;
	_ =	sdelay $0x4  }
0x77: {  	[tilespmem:$0x24F0] =	vst v16  }
0x78: {  	v16 =	vld.idx.msk [tilespmem:v13+s3+$0x0], $0xffff;
	_ =	sdelay $0x4  }
0x79: {  	[tilespmem:$0x2880] =	vst v16  }
0x7a: {  	v16 =	vld.idx.msk [tilespmem:v14+s3+$0x0], $0xffff;
	_ =	sdelay $0x4  }
0x7b: {  	[tilespmem:$0x2890] =	vst v16  }
0x7c: {  	v16 =	vld.idx.msk [tilespmem:v14+s3+$0x0], $0xffff;
	_ =	sdelay $0x4  }
0x7d: {  	[tilespmem:$0x28A0] =	vst v16  }
0x7e: {  	v16 =	vld.idx.msk [tilespmem:v14+s3+$0x0], $0xffff;
	_ =	sdelay $0x4  }
0x7f: {  	[tilespmem:$0x28B0] =	vst v16  }
0x80: {  	v16 =	vld.idx.msk [tilespmem:v14+s3+$0x0], $0xffff;
	_ =	sdelay $0x4  }
0x81: {  	[tilespmem:$0x28C0] =	vst v16  }
0x82: {  	v16 =	vld.idx.msk [tilespmem:v14+s3+$0x0], $0xffff;
	_ =	sdelay $0x4  }
0x83: {  	[tilespmem:$0x28D0] =	vst v16  }
0x84: {  	v16 =	vld.idx.msk [tilespmem:v9+s3+$0x0], $0xffff;
	_ =	sdelay $0x4  }
0x85: {  	[tilespmem:$0x2C80] =	vst v16  }
0x86: {  	v16 =	vld.idx.msk [tilespmem:v9+s3+$0x0], $0xffff;
	_ =	sdelay $0x4  }
0x87: {  	[tilespmem:$0x2C90] =	vst v16  }
0x88: {  	v16 =	vld.idx.msk [tilespmem:v9+s3+$0x0], $0xffff;
	_ =	sdelay $0x4  }
0x89: {  	[tilespmem:$0x2CA0] =	vst v16  }
0x8a: {  	v16 =	vld.idx.msk [tilespmem:v9+s3+$0x0], $0xffff;
	_ =	sdelay $0x4  }
0x8b: {  	[tilespmem:$0x2CB0] =	vst v16  }
0x8c: {  	v16 =	vld.idx.msk [tilespmem:v9+s3+$0x0], $0xffff;
	_ =	sdelay $0x4  }
0x8d: {  	[tilespmem:$0x3080] =	vst v16;
	v16 =	vld [tilespmem:$0x1FFE0];
	_ =	sdelay $0x7  }
0x8e: {  	v16 =	vld.idx.msk [tilespmem:v16+s3+$0x0], $0xffff;
	_ =	sdelay $0x4  }
0x8f: {  	[tilespmem:$0x3090] =	vst v16;
	v16 =	vld [tilespmem:$0x1FFF0];
	_ =	sdelay $0x7  }
0x90: {  	v16 =	vld.idx.msk [tilespmem:v16+s3+$0x0], $0xffff;
	_ =	sdelay $0x4  }
0x91: {  	[tilespmem:$0x30A0] =	vst v16  }
0x92: {  	v16 =	vld.idx.msk [tilespmem:v17+s3+$0x0], $0xffff;
	_ =	sdelay $0x4  }
0x93: {  	[tilespmem:$0x30B0] =	vst v16  }
0x94: {  	v16 =	vld.idx.msk [tilespmem:v12+s3+$0x0], $0xffff;
	_ =	sdelay $0x4  }
0x95: {  	[tilespmem:$0x3480] =	vst v16  }
0x96: {  	v16 =	vld.idx.msk [tilespmem:v13+s3+$0x0], $0xffff;
	_ =	sdelay $0x4  }
0x97: {  	[tilespmem:$0x3490] =	vst v16  }
0x98: {  	v16 =	vld.idx.msk [tilespmem:v14+s3+$0x0], $0xffff;
	_ =	sdelay $0x4  }
0x99: {  	[tilespmem:$0x34A0] =	vst v16  }
0x9a: {  	v16 =	vld.idx.msk [tilespmem:v14+s3+$0x0], $0xffff;
	_ =	sdelay $0x4  }
0x9b: {  	[tilespmem:$0x34B0] =	vst v16  }
0x9c: {  	v16 =	vld.idx.msk [tilespmem:v14+s3+$0x0], $0xffff;
	_ =	sdelay $0x4  }
0x9d: {  	[tilespmem:$0x3880] =	vst v16  }
0x9e: {  	v16 =	vld.idx.msk [tilespmem:v14+s3+$0x0], $0xffff;
	_ =	sdelay $0x4  }
0x9f: {  	[tilespmem:$0x3890] =	vst v16  }
0xa0: {  	v16 =	vld.idx.msk [tilespmem:v14+s3+$0x0], $0xffff;
	_ =	sdelay $0x4  }
0xa1: {  	[tilespmem:$0x38A0] =	vst v16  }
0xa2: {  	v16 =	vld.idx.msk [tilespmem:v14+s3+$0x0], $0xffff;
	_ =	sdelay $0x4  }
0xa3: {  	[tilespmem:$0x38B0] =	vst v16  }
0xa4: {  	v16 =	vld.idx.msk [tilespmem:v18+s3+$0x0], $0xffff;
	_ =	sdelay $0x4  }
0xa5: {  	[tilespmem:$0x2500] =	vst v16  }
0xa6: {  	v16 =	vld.idx.msk [tilespmem:v18+s3+$0x0], $0xffff;
	_ =	sdelay $0x4  }
0xa7: {  	[tilespmem:$0x2510] =	vst v16  }
0xa8: {  	v16 =	vld.idx.msk [tilespmem:v18+s3+$0x0], $0xffff;
	_ =	sdelay $0x4  }
0xa9: {  	[tilespmem:$0x2520] =	vst v16  }
0xaa: {  	v16 =	vld.idx.msk [tilespmem:v18+s3+$0x0], $0xffff;
	_ =	sdelay $0x4  }
0xab: {  	[tilespmem:$0x2530] =	vst v16  }
0xac: {  	v16 =	vld.idx.msk [tilespmem:v18+s3+$0x0], $0xffff;
	_ =	sdelay $0x4  }
0xad: {  	[tilespmem:$0x2540] =	vst v16  }
0xae: {  	v16 =	vld.idx.msk [tilespmem:v19+s3+$0x0], $0xffff;
	_ =	sdelay $0x4  }
0xaf: {  	[tilespmem:$0x2550] =	vst v16  }
0xb0: {  	v16 =	vld.idx.msk [tilespmem:v20+s3+$0x0], $0xffff;
	_ =	sdelay $0x4  }
0xb1: {  	[tilespmem:$0x2560] =	vst v16  }
0xb2: {  	v16 =	vld.idx.msk [tilespmem:v21+s3+$0x0], $0xffff;
	_ =	sdelay $0x4  }
0xb3: {  	[tilespmem:$0x2570] =	vst v16  }
0xb4: {  	v16 =	vld.idx.msk [tilespmem:v22+s3+$0x0], $0xffff;
	_ =	sdelay $0x4  }
0xb5: {  	[tilespmem:$0x2900] =	vst v16  }
0xb6: {  	v16 =	vld.idx.msk [tilespmem:v23+s3+$0x0], $0xffff;
	_ =	sdelay $0x4  }
0xb7: {  	[tilespmem:$0x2910] =	vst v16  }
0xb8: {  	v16 =	vld.idx.msk [tilespmem:v23+s3+$0x0], $0xffff;
	_ =	sdelay $0x4  }
0xb9: {  	[tilespmem:$0x2920] =	vst v16  }
0xba: {  	v16 =	vld.idx.msk [tilespmem:v23+s3+$0x0], $0xffff;
	_ =	sdelay $0x4  }
0xbb: {  	[tilespmem:$0x2930] =	vst v16  }
0xbc: {  	v16 =	vld.idx.msk [tilespmem:v23+s3+$0x0], $0xffff;
	_ =	sdelay $0x4  }
0xbd: {  	[tilespmem:$0x2940] =	vst v16  }
0xbe: {  	v16 =	vld.idx.msk [tilespmem:v23+s3+$0x0], $0xffff;
	_ =	sdelay $0x4  }
0xbf: {  	[tilespmem:$0x2950] =	vst v16  }
0xc0: {  	v16 =	vld.idx.msk [tilespmem:v18+s3+$0x0], $0xffff;
	_ =	sdelay $0x4  }
0xc1: {  	[tilespmem:$0x2D00] =	vst v16  }
0xc2: {  	v16 =	vld.idx.msk [tilespmem:v18+s3+$0x0], $0xffff;
	_ =	sdelay $0x4  }
0xc3: {  	[tilespmem:$0x2D10] =	vst v16  }
0xc4: {  	v16 =	vld.idx.msk [tilespmem:v18+s3+$0x0], $0xffff;
	_ =	sdelay $0x4  }
0xc5: {  	[tilespmem:$0x2D20] =	vst v16  }
0xc6: {  	v16 =	vld.idx.msk [tilespmem:v18+s3+$0x0], $0xffff;
	_ =	sdelay $0x4  }
0xc7: {  	[tilespmem:$0x2D30] =	vst v16  }
0xc8: {  	v16 =	vld.idx.msk [tilespmem:v18+s3+$0x0], $0xffff;
	_ =	sdelay $0x4  }
0xc9: {  	[tilespmem:$0x3100] =	vst v16  }
0xca: {  	v16 =	vld.idx.msk [tilespmem:v24+s3+$0x0], $0xffff;
	_ =	sdelay $0x4  }
0xcb: {  	[tilespmem:$0x3110] =	vst v16  }
0xcc: {  	v16 =	vld.idx.msk [tilespmem:v25+s3+$0x0], $0xffff;
	_ =	sdelay $0x4  }
0xcd: {  	[tilespmem:$0x3120] =	vst v16  }
0xce: {  	v16 =	vld.idx.msk [tilespmem:v26+s3+$0x0], $0xffff;
	_ =	sdelay $0x4  }
0xcf: {  	[tilespmem:$0x3130] =	vst v16  }
0xd0: {  	v16 =	vld.idx.msk [tilespmem:v21+s3+$0x0], $0xffff;
	_ =	sdelay $0x4  }
0xd1: {  	[tilespmem:$0x3500] =	vst v16  }
0xd2: {  	v16 =	vld.idx.msk [tilespmem:v22+s3+$0x0], $0xffff;
	_ =	sdelay $0x4  }
0xd3: {  	[tilespmem:$0x3510] =	vst v16  }
0xd4: {  	v16 =	vld.idx.msk [tilespmem:v23+s3+$0x0], $0xffff;
	_ =	sdelay $0x4  }
0xd5: {  	[tilespmem:$0x3520] =	vst v16  }
0xd6: {  	v16 =	vld.idx.msk [tilespmem:v23+s3+$0x0], $0xffff;
	_ =	sdelay $0x4  }
0xd7: {  	[tilespmem:$0x3530] =	vst v16  }
0xd8: {  	v16 =	vld.idx.msk [tilespmem:v23+s3+$0x0], $0xffff;
	_ =	sdelay $0x4  }
0xd9: {  	[tilespmem:$0x3900] =	vst v16  }
0xda: {  	v16 =	vld.idx.msk [tilespmem:v23+s3+$0x0], $0xffff;
	_ =	sdelay $0x4  }
0xdb: {  	[tilespmem:$0x3910] =	vst v16  }
0xdc: {  	v16 =	vld.idx.msk [tilespmem:v23+s3+$0x0], $0xffff;
	_ =	sdelay $0x4  }
0xdd: {  	[tilespmem:$0x3920] =	vst v16  }
0xde: {  	v16 =	vld.idx.msk [tilespmem:v23+s3+$0x0], $0xffff;
	_ =	sdelay $0x4  }
0xdf: {  	[tilespmem:$0x3930] =	vst v16  }
0xe0: {  	v16 =	vld.idx.msk [tilespmem:v27+s3+$0x0], $0xffff;
	_ =	sdelay $0x4  }
0xe1: {  	[tilespmem:$0x2580] =	vst v16  }
0xe2: {  	v16 =	vld.idx.msk [tilespmem:v27+s3+$0x0], $0xffff;
	_ =	sdelay $0x4  }
0xe3: {  	[tilespmem:$0x2590] =	vst v16  }
0xe4: {  	v16 =	vld.idx.msk [tilespmem:v27+s3+$0x0], $0xffff;
	_ =	sdelay $0x4  }
0xe5: {  	[tilespmem:$0x25A0] =	vst v16  }
0xe6: {  	v16 =	vld.idx.msk [tilespmem:v27+s3+$0x0], $0xffff;
	_ =	sdelay $0x4  }
0xe7: {  	[tilespmem:$0x25B0] =	vst v16  }
0xe8: {  	v16 =	vld.idx.msk [tilespmem:v27+s3+$0x0], $0xffff;
	_ =	sdelay $0x4  }
0xe9: {  	[tilespmem:$0x25C0] =	vst v16  }
0xea: {  	v16 =	vld.idx.msk [tilespmem:v28+s3+$0x0], $0xffff;
	_ =	sdelay $0x4  }
0xeb: {  	[tilespmem:$0x25D0] =	vst v16  }
0xec: {  	v16 =	vld.idx.msk [tilespmem:v29+s3+$0x0], $0xffff;
	_ =	sdelay $0x4  }
0xed: {  	[tilespmem:$0x25E0] =	vst v16  }
0xee: {  	v16 =	vld.idx.msk [tilespmem:v30+s3+$0x0], $0xffff;
	_ =	sdelay $0x4  }
0xef: {  	[tilespmem:$0x25F0] =	vst v16  }
0xf0: {  	v16 =	vld.idx.msk [tilespmem:v31+s3+$0x0], $0xffff;
	_ =	sdelay $0x4  }
0xf1: {  	[tilespmem:$0x2980] =	vst v16  }
0xf2: {  	v16 =	vld.idx.msk [tilespmem:v1+s3+$0x0], $0xffff;
	_ =	sdelay $0x4  }
0xf3: {  	[tilespmem:$0x2990] =	vst v16  }
0xf4: {  	v16 =	vld.idx.msk [tilespmem:v1+s3+$0x0], $0xffff;
	_ =	sdelay $0x4  }
0xf5: {  	[tilespmem:$0x29A0] =	vst v16  }
0xf6: {  	v16 =	vld.idx.msk [tilespmem:v1+s3+$0x0], $0xffff;
	_ =	sdelay $0x4  }
0xf7: {  	[tilespmem:$0x29B0] =	vst v16  }
0xf8: {  	v16 =	vld.idx.msk [tilespmem:v1+s3+$0x0], $0xffff;
	_ =	sdelay $0x4  }
0xf9: {  	[tilespmem:$0x29C0] =	vst v16  }
0xfa: {  	v16 =	vld.idx.msk [tilespmem:v1+s3+$0x0], $0xffff;
	_ =	sdelay $0x4  }
0xfb: {  	[tilespmem:$0x29D0] =	vst v16  }
0xfc: {  	v16 =	vld.idx.msk [tilespmem:v27+s3+$0x0], $0xffff;
	_ =	sdelay $0x4  }
0xfd: {  	[tilespmem:$0x2D80] =	vst v16  }
0xfe: {  	v16 =	vld.idx.msk [tilespmem:v27+s3+$0x0], $0xffff;
	_ =	sdelay $0x4  }
0xff: {  	[tilespmem:$0x2D90] =	vst v16  }
0x100: {  	v16 =	vld.idx.msk [tilespmem:v27+s3+$0x0], $0xffff;
	_ =	sdelay $0x4  }
0x101: {  	[tilespmem:$0x2DA0] =	vst v16  }
0x102: {  	v16 =	vld.idx.msk [tilespmem:v27+s3+$0x0], $0xffff;
	_ =	sdelay $0x4  }
0x103: {  	[tilespmem:$0x2DB0] =	vst v16  }
0x104: {  	v16 =	vld.idx.msk [tilespmem:v27+s3+$0x0], $0xffff;
	_ =	sdelay $0x4  }
0x105: {  	[tilespmem:$0x3180] =	vst v16  }
0x106: {  	v16 =	vld.idx.msk [tilespmem:v32+s3+$0x0], $0xffff;
	_ =	sdelay $0x4  }
0x107: {  	[tilespmem:$0x3190] =	vst v16  }
0x108: {  	v16 =	vld.idx.msk [tilespmem:v33+s3+$0x0], $0xffff;
	_ =	sdelay $0x4  }
0x109: {  	[tilespmem:$0x31A0] =	vst v16  }
0x10a: {  	v16 =	vld.idx.msk [tilespmem:v34+s3+$0x0], $0xffff;
	_ =	sdelay $0x4  }
0x10b: {  	[tilespmem:$0x31B0] =	vst v16  }
0x10c: {  	v16 =	vld.idx.msk [tilespmem:v30+s3+$0x0], $0xffff;
	_ =	sdelay $0x4  }
0x10d: {  	[tilespmem:$0x3580] =	vst v16  }
0x10e: {  	v16 =	vld.idx.msk [tilespmem:v31+s3+$0x0], $0xffff;
	_ =	sdelay $0x4  }
0x10f: {  	[tilespmem:$0x3590] =	vst v16  }
0x110: {  	v16 =	vld.idx.msk [tilespmem:v1+s3+$0x0], $0xffff;
	_ =	sdelay $0x4  }
0x111: {  	[tilespmem:$0x35A0] =	vst v16  }
0x112: {  	v16 =	vld.idx.msk [tilespmem:v1+s3+$0x0], $0xffff;
	_ =	sdelay $0x4  }
0x113: {  	[tilespmem:$0x35B0] =	vst v16  }
0x114: {  	v16 =	vld.idx.msk [tilespmem:v1+s3+$0x0], $0xffff;
	_ =	sdelay $0x4  }
0x115: {  	[tilespmem:$0x3980] =	vst v16  }
0x116: {  	v16 =	vld.idx.msk [tilespmem:v1+s3+$0x0], $0xffff;
	_ =	sdelay $0x4  }
0x117: {  	[tilespmem:$0x3990] =	vst v16  }
0x118: {  	v16 =	vld.idx.msk [tilespmem:v1+s3+$0x0], $0xffff;
	_ =	sdelay $0x4  }
0x119: {  	[tilespmem:$0x39A0] =	vst v16  }
0x11a: {  	v16 =	vld.idx.msk [tilespmem:v1+s3+$0x0], $0xffff;
	_ =	sdelay $0x4  }
0x11b: {  	[tilespmem:$0x39B0] =	vst v16  }
0x11c: {  	v16 =	vld.idx.msk [tilespmem:v35+s3+$0x0], $0xffff;
	_ =	sdelay $0x4  }
0x11d: {  	[tilespmem:$0x2600] =	vst v16  }
0x11e: {  	v16 =	vld.idx.msk [tilespmem:v35+s3+$0x0], $0xffff;
	_ =	sdelay $0x4  }
0x11f: {  	[tilespmem:$0x2610] =	vst v16  }
0x120: {  	v16 =	vld.idx.msk [tilespmem:v35+s3+$0x0], $0xffff;
	_ =	sdelay $0x4  }
0x121: {  	[tilespmem:$0x2620] =	vst v16  }
0x122: {  	v16 =	vld.idx.msk [tilespmem:v35+s3+$0x0], $0xffff;
	_ =	sdelay $0x4  }
0x123: {  	[tilespmem:$0x2630] =	vst v16  }
0x124: {  	v16 =	vld.idx.msk [tilespmem:v35+s3+$0x0], $0xffff;
	_ =	sdelay $0x4  }
0x125: {  	[tilespmem:$0x2640] =	vst v16  }
0x126: {  	v16 =	vld.idx.msk [tilespmem:v36+s3+$0x0], $0xffff;
	_ =	sdelay $0x4  }
0x127: {  	[tilespmem:$0x2650] =	vst v16  }
0x128: {  	v16 =	vld.idx.msk [tilespmem:v37+s3+$0x0], $0xffff;
	_ =	sdelay $0x4  }
0x129: {  	[tilespmem:$0x2660] =	vst v16  }
0x12a: {  	v16 =	vld.idx.msk [tilespmem:v38+s3+$0x0], $0xffff;
	_ =	sdelay $0x4  }
0x12b: {  	[tilespmem:$0x2670] =	vst v16  }
0x12c: {  	v16 =	vld.idx.msk [tilespmem:v39+s3+$0x0], $0xffff;
	_ =	sdelay $0x4  }
0x12d: {  	[tilespmem:$0x2A00] =	vst v16  }
0x12e: {  	v16 =	vld.idx.msk [tilespmem:v2+s3+$0x0], $0xffff;
	_ =	sdelay $0x4  }
0x12f: {  	[tilespmem:$0x2A10] =	vst v16  }
0x130: {  	v16 =	vld.idx.msk [tilespmem:v2+s3+$0x0], $0xffff;
	_ =	sdelay $0x4  }
0x131: {  	[tilespmem:$0x2A20] =	vst v16  }
0x132: {  	v16 =	vld.idx.msk [tilespmem:v2+s3+$0x0], $0xffff;
	_ =	sdelay $0x4  }
0x133: {  	[tilespmem:$0x2A30] =	vst v16  }
0x134: {  	v16 =	vld.idx.msk [tilespmem:v2+s3+$0x0], $0xffff;
	_ =	sdelay $0x4  }
0x135: {  	[tilespmem:$0x2A40] =	vst v16  }
0x136: {  	v16 =	vld.idx.msk [tilespmem:v2+s3+$0x0], $0xffff;
	_ =	sdelay $0x4  }
0x137: {  	[tilespmem:$0x2A50] =	vst v16  }
0x138: {  	v16 =	vld.idx.msk [tilespmem:v35+s3+$0x0], $0xffff;
	_ =	sdelay $0x4  }
0x139: {  	[tilespmem:$0x2E00] =	vst v16  }
0x13a: {  	v16 =	vld.idx.msk [tilespmem:v35+s3+$0x0], $0xffff;
	_ =	sdelay $0x4  }
0x13b: {  	[tilespmem:$0x2E10] =	vst v16  }
0x13c: {  	v16 =	vld.idx.msk [tilespmem:v35+s3+$0x0], $0xffff;
	_ =	sdelay $0x4  }
0x13d: {  	[tilespmem:$0x2E20] =	vst v16  }
0x13e: {  	v16 =	vld.idx.msk [tilespmem:v35+s3+$0x0], $0xffff;
	_ =	sdelay $0x4  }
0x13f: {  	[tilespmem:$0x2E30] =	vst v16  }
0x140: {  	v16 =	vld.idx.msk [tilespmem:v35+s3+$0x0], $0xffff;
	_ =	sdelay $0x4  }
0x141: {  	[tilespmem:$0x3200] =	vst v16  }
0x142: {  	v16 =	vld.idx.msk [tilespmem:v40+s3+$0x0], $0xffff;
	_ =	sdelay $0x4  }
0x143: {  	[tilespmem:$0x3210] =	vst v16  }
0x144: {  	v16 =	vld.idx.msk [tilespmem:v41+s3+$0x0], $0xffff;
	_ =	sdelay $0x4  }
0x145: {  	[tilespmem:$0x3220] =	vst v16  }
0x146: {  	v16 =	vld.idx.msk [tilespmem:v42+s3+$0x0], $0xffff;
	_ =	sdelay $0x4  }
0x147: {  	[tilespmem:$0x3230] =	vst v16  }
0x148: {  	v16 =	vld.idx.msk [tilespmem:v38+s3+$0x0], $0xffff;
	_ =	sdelay $0x4  }
0x149: {  	[tilespmem:$0x3600] =	vst v16  }
0x14a: {  	v16 =	vld.idx.msk [tilespmem:v39+s3+$0x0], $0xffff;
	_ =	sdelay $0x4  }
0x14b: {  	[tilespmem:$0x3610] =	vst v16  }
0x14c: {  	v16 =	vld.idx.msk [tilespmem:v2+s3+$0x0], $0xffff;
	_ =	sdelay $0x4  }
0x14d: {  	[tilespmem:$0x3620] =	vst v16  }
0x14e: {  	v16 =	vld.idx.msk [tilespmem:v2+s3+$0x0], $0xffff;
	_ =	sdelay $0x4  }
0x14f: {  	[tilespmem:$0x3630] =	vst v16  }
0x150: {  	v16 =	vld.idx.msk [tilespmem:v2+s3+$0x0], $0xffff;
	_ =	sdelay $0x4  }
0x151: {  	[tilespmem:$0x3A00] =	vst v16  }
0x152: {  	v16 =	vld.idx.msk [tilespmem:v2+s3+$0x0], $0xffff;
	_ =	sdelay $0x4  }
0x153: {  	[tilespmem:$0x3A10] =	vst v16  }
0x154: {  	v16 =	vld.idx.msk [tilespmem:v2+s3+$0x0], $0xffff;
	_ =	sdelay $0x4  }
0x155: {  	[tilespmem:$0x3A20] =	vst v16  }
0x156: {  	v16 =	vld.idx.msk [tilespmem:v2+s3+$0x0], $0xffff;
	_ =	sdelay $0x4  }
0x157: {  	[tilespmem:$0x3A30] =	vst v16  }
0x158: {  	v16 =	vld.idx.msk [tilespmem:v6+s3+$0x0], $0xffff;
	_ =	sdelay $0x4  }
0x159: {  	[tilespmem:$0x2680] =	vst v16  }
0x15a: {  	v16 =	vld.idx.msk [tilespmem:v6+s3+$0x0], $0xffff;
	_ =	sdelay $0x4  }
0x15b: {  	[tilespmem:$0x2690] =	vst v16  }
0x15c: {  	v16 =	vld.idx.msk [tilespmem:v6+s3+$0x0], $0xffff;
	_ =	sdelay $0x4  }
0x15d: {  	[tilespmem:$0x26A0] =	vst v16  }
0x15e: {  	v16 =	vld.idx.msk [tilespmem:v6+s3+$0x0], $0xffff;
	_ =	sdelay $0x4  }
0x15f: {  	[tilespmem:$0x26B0] =	vst v16  }
0x160: {  	v16 =	vld.idx.msk [tilespmem:v6+s3+$0x0], $0xffff;
	_ =	sdelay $0x4  }
0x161: {  	[tilespmem:$0x26C0] =	vst v16  }
0x162: {  	v16 =	vld.idx.msk [tilespmem:v43+s3+$0x0], $0xffff;
	_ =	sdelay $0x4  }
0x163: {  	[tilespmem:$0x26D0] =	vst v16  }
0x164: {  	v16 =	vld.idx.msk [tilespmem:v44+s3+$0x0], $0xffff;
	_ =	sdelay $0x4  }
0x165: {  	[tilespmem:$0x26E0] =	vst v16  }
0x166: {  	v16 =	vld.idx.msk [tilespmem:v45+s3+$0x0], $0xffff;
	_ =	sdelay $0x4  }
0x167: {  	[tilespmem:$0x26F0] =	vst v16  }
0x168: {  	v16 =	vld.idx.msk [tilespmem:v46+s3+$0x0], $0xffff;
	_ =	sdelay $0x4  }
0x169: {  	[tilespmem:$0x2A80] =	vst v16  }
0x16a: {  	v16 =	vld.idx.msk [tilespmem:v10+s3+$0x0], $0xffff;
	_ =	sdelay $0x4  }
0x16b: {  	[tilespmem:$0x2A90] =	vst v16  }
0x16c: {  	v16 =	vld.idx.msk [tilespmem:v10+s3+$0x0], $0xffff;
	_ =	sdelay $0x4  }
0x16d: {  	[tilespmem:$0x2AA0] =	vst v16  }
0x16e: {  	v16 =	vld.idx.msk [tilespmem:v10+s3+$0x0], $0xffff;
	_ =	sdelay $0x4  }
0x16f: {  	[tilespmem:$0x2AB0] =	vst v16  }
0x170: {  	v16 =	vld.idx.msk [tilespmem:v10+s3+$0x0], $0xffff;
	_ =	sdelay $0x4  }
0x171: {  	[tilespmem:$0x2AC0] =	vst v16  }
0x172: {  	v16 =	vld.idx.msk [tilespmem:v10+s3+$0x0], $0xffff;
	_ =	sdelay $0x4  }
0x173: {  	[tilespmem:$0x2AD0] =	vst v16  }
0x174: {  	v16 =	vld.idx.msk [tilespmem:v6+s3+$0x0], $0xffff;
	_ =	sdelay $0x4  }
0x175: {  	[tilespmem:$0x2E80] =	vst v16  }
0x176: {  	v16 =	vld.idx.msk [tilespmem:v6+s3+$0x0], $0xffff;
	_ =	sdelay $0x4  }
0x177: {  	[tilespmem:$0x2E90] =	vst v16  }
0x178: {  	v16 =	vld.idx.msk [tilespmem:v6+s3+$0x0], $0xffff;
	_ =	sdelay $0x4  }
0x179: {  	[tilespmem:$0x2EA0] =	vst v16  }
0x17a: {  	v16 =	vld.idx.msk [tilespmem:v6+s3+$0x0], $0xffff;
	_ =	sdelay $0x4  }
0x17b: {  	[tilespmem:$0x2EB0] =	vst v16  }
0x17c: {  	v16 =	vld.idx.msk [tilespmem:v6+s3+$0x0], $0xffff;
	_ =	sdelay $0x4  }
0x17d: {  	[tilespmem:$0x3280] =	vst v16  }
0x17e: {  	v16 =	vld.idx.msk [tilespmem:v47+s3+$0x0], $0xffff;
	_ =	sdelay $0x4  }
0x17f: {  	[tilespmem:$0x3290] =	vst v16  }
0x180: {  	v16 =	vld.idx.msk [tilespmem:v48+s3+$0x0], $0xffff;
	_ =	sdelay $0x4  }
0x181: {  	[tilespmem:$0x32A0] =	vst v16  }
0x182: {  	v16 =	vld.idx.msk [tilespmem:v49+s3+$0x0], $0xffff;
	_ =	sdelay $0x4  }
0x183: {  	[tilespmem:$0x32B0] =	vst v16  }
0x184: {  	v16 =	vld.idx.msk [tilespmem:v45+s3+$0x0], $0xffff;
	_ =	sdelay $0x4  }
0x185: {  	[tilespmem:$0x3680] =	vst v16  }
0x186: {  	v16 =	vld.idx.msk [tilespmem:v46+s3+$0x0], $0xffff;
	_ =	sdelay $0x4  }
0x187: {  	[tilespmem:$0x3690] =	vst v16  }
0x188: {  	v16 =	vld.idx.msk [tilespmem:v10+s3+$0x0], $0xffff;
	_ =	sdelay $0x4  }
0x189: {  	[tilespmem:$0x36A0] =	vst v16  }
0x18a: {  	v16 =	vld.idx.msk [tilespmem:v10+s3+$0x0], $0xffff;
	_ =	sdelay $0x4  }
0x18b: {  	[tilespmem:$0x36B0] =	vst v16  }
0x18c: {  	v16 =	vld.idx.msk [tilespmem:v10+s3+$0x0], $0xffff;
	_ =	sdelay $0x4  }
0x18d: {  	[tilespmem:$0x3A80] =	vst v16  }
0x18e: {  	v16 =	vld.idx.msk [tilespmem:v10+s3+$0x0], $0xffff;
	_ =	sdelay $0x4  }
0x18f: {  	[tilespmem:$0x3A90] =	vst v16  }
0x190: {  	v16 =	vld.idx.msk [tilespmem:v10+s3+$0x0], $0xffff;
	_ =	sdelay $0x4  }
0x191: {  	[tilespmem:$0x3AA0] =	vst v16  }
0x192: {  	v16 =	vld.idx.msk [tilespmem:v10+s3+$0x0], $0xffff;
	_ =	sdelay $0x4  }
0x193: {  	[tilespmem:$0x3AB0] =	vst v16  }
0x194: {  	v16 =	vld.idx.msk [tilespmem:v7+s3+$0x0], $0xffff;
	_ =	sdelay $0x4  }
0x195: {  	[tilespmem:$0x2700] =	vst v16  }
0x196: {  	v16 =	vld.idx.msk [tilespmem:v7+s3+$0x0], $0xffff;
	_ =	sdelay $0x4  }
0x197: {  	[tilespmem:$0x2710] =	vst v16  }
0x198: {  	v16 =	vld.idx.msk [tilespmem:v7+s3+$0x0], $0xffff;
	_ =	sdelay $0x4  }
0x199: {  	[tilespmem:$0x2720] =	vst v16  }
0x19a: {  	v16 =	vld.idx.msk [tilespmem:v7+s3+$0x0], $0xffff;
	_ =	sdelay $0x4  }
0x19b: {  	[tilespmem:$0x2730] =	vst v16  }
0x19c: {  	v16 =	vld.idx.msk [tilespmem:v7+s3+$0x0], $0xffff;
	_ =	sdelay $0x4  }
0x19d: {  	[tilespmem:$0x2740] =	vst v16  }
0x19e: {  	v16 =	vld.idx.msk [tilespmem:v50+s3+$0x0], $0xffff;
	_ =	sdelay $0x4  }
0x19f: {  	[tilespmem:$0x2750] =	vst v16  }
0x1a0: {  	v16 =	vld.idx.msk [tilespmem:v51+s3+$0x0], $0xffff;
	_ =	sdelay $0x4  }
0x1a1: {  	[tilespmem:$0x2760] =	vst v16  }
0x1a2: {  	v16 =	vld.idx.msk [tilespmem:v52+s3+$0x0], $0xffff;
	_ =	sdelay $0x4  }
0x1a3: {  	[tilespmem:$0x2770] =	vst v16  }
0x1a4: {  	v16 =	vld.idx.msk [tilespmem:v53+s3+$0x0], $0xffff;
	_ =	sdelay $0x4  }
0x1a5: {  	[tilespmem:$0x2B00] =	vst v16  }
0x1a6: {  	v16 =	vld.idx.msk [tilespmem:v11+s3+$0x0], $0xffff;
	_ =	sdelay $0x4  }
0x1a7: {  	[tilespmem:$0x2B10] =	vst v16  }
0x1a8: {  	v16 =	vld.idx.msk [tilespmem:v11+s3+$0x0], $0xffff;
	_ =	sdelay $0x4  }
0x1a9: {  	[tilespmem:$0x2B20] =	vst v16  }
0x1aa: {  	v16 =	vld.idx.msk [tilespmem:v11+s3+$0x0], $0xffff;
	_ =	sdelay $0x4  }
0x1ab: {  	[tilespmem:$0x2B30] =	vst v16  }
0x1ac: {  	v16 =	vld.idx.msk [tilespmem:v11+s3+$0x0], $0xffff;
	_ =	sdelay $0x4  }
0x1ad: {  	[tilespmem:$0x2B40] =	vst v16  }
0x1ae: {  	v16 =	vld.idx.msk [tilespmem:v11+s3+$0x0], $0xffff;
	_ =	sdelay $0x4  }
0x1af: {  	[tilespmem:$0x2B50] =	vst v16  }
0x1b0: {  	v16 =	vld.idx.msk [tilespmem:v7+s3+$0x0], $0xffff;
	_ =	sdelay $0x4  }
0x1b1: {  	[tilespmem:$0x2F00] =	vst v16  }
0x1b2: {  	v16 =	vld.idx.msk [tilespmem:v7+s3+$0x0], $0xffff;
	_ =	sdelay $0x4  }
0x1b3: {  	[tilespmem:$0x2F10] =	vst v16  }
0x1b4: {  	v16 =	vld.idx.msk [tilespmem:v7+s3+$0x0], $0xffff;
	_ =	sdelay $0x4  }
0x1b5: {  	[tilespmem:$0x2F20] =	vst v16  }
0x1b6: {  	v16 =	vld.idx.msk [tilespmem:v7+s3+$0x0], $0xffff;
	_ =	sdelay $0x4  }
0x1b7: {  	[tilespmem:$0x2F30] =	vst v16  }
0x1b8: {  	v16 =	vld.idx.msk [tilespmem:v7+s3+$0x0], $0xffff;
	_ =	sdelay $0x4  }
0x1b9: {  	[tilespmem:$0x3300] =	vst v16  }
0x1ba: {  	v16 =	vld.idx.msk [tilespmem:v54+s3+$0x0], $0xffff;
	_ =	sdelay $0x4  }
0x1bb: {  	[tilespmem:$0x3310] =	vst v16  }
0x1bc: {  	v16 =	vld.idx.msk [tilespmem:v55+s3+$0x0], $0xffff;
	_ =	sdelay $0x4  }
0x1bd: {  	[tilespmem:$0x3320] =	vst v16  }
0x1be: {  	v16 =	vld.idx.msk [tilespmem:v56+s3+$0x0], $0xffff;
	_ =	sdelay $0x4  }
0x1bf: {  	[tilespmem:$0x3330] =	vst v16  }
0x1c0: {  	v16 =	vld.idx.msk [tilespmem:v52+s3+$0x0], $0xffff;
	_ =	sdelay $0x4  }
0x1c1: {  	[tilespmem:$0x3700] =	vst v16  }
0x1c2: {  	v16 =	vld.idx.msk [tilespmem:v53+s3+$0x0], $0xffff;
	_ =	sdelay $0x4  }
0x1c3: {  	[tilespmem:$0x3710] =	vst v16  }
0x1c4: {  	v16 =	vld.idx.msk [tilespmem:v11+s3+$0x0], $0xffff;
	_ =	sdelay $0x4  }
0x1c5: {  	[tilespmem:$0x3720] =	vst v16  }
0x1c6: {  	v16 =	vld.idx.msk [tilespmem:v11+s3+$0x0], $0xffff;
	_ =	sdelay $0x4  }
0x1c7: {  	[tilespmem:$0x3730] =	vst v16  }
0x1c8: {  	v16 =	vld.idx.msk [tilespmem:v11+s3+$0x0], $0xffff;
	_ =	sdelay $0x4  }
0x1c9: {  	[tilespmem:$0x3B00] =	vst v16  }
0x1ca: {  	v16 =	vld.idx.msk [tilespmem:v11+s3+$0x0], $0xffff;
	_ =	sdelay $0x4  }
0x1cb: {  	[tilespmem:$0x3B10] =	vst v16  }
0x1cc: {  	v16 =	vld.idx.msk [tilespmem:v11+s3+$0x0], $0xffff;
	_ =	sdelay $0x4  }
0x1cd: {  	[tilespmem:$0x3B20] =	vst v16  }
0x1ce: {  	v16 =	vld.idx.msk [tilespmem:v11+s3+$0x0], $0xffff;
	_ =	sdelay $0x4  }
0x1cf: {  	[tilespmem:$0x3B30] =	vst v16  }
0x1d0: {  	v16 =	vld.idx.msk [tilespmem:v8+s3+$0x0], $0xffff;
	_ =	sdelay $0x4  }
0x1d1: {  	[tilespmem:$0x2780] =	vst v16  }
0x1d2: {  	v16 =	vld.idx.msk [tilespmem:v8+s3+$0x0], $0xffff;
	_ =	sdelay $0x4  }
0x1d3: {  	[tilespmem:$0x2790] =	vst v16  }
0x1d4: {  	v16 =	vld.idx.msk [tilespmem:v8+s3+$0x0], $0xffff;
	_ =	sdelay $0x4  }
0x1d5: {  	[tilespmem:$0x27A0] =	vst v16  }
0x1d6: {  	v16 =	vld.idx.msk [tilespmem:v8+s3+$0x0], $0xffff;
	_ =	sdelay $0x4  }
0x1d7: {  	[tilespmem:$0x27B0] =	vst v16  }
0x1d8: {  	v16 =	vld.idx.msk [tilespmem:v8+s3+$0x0], $0xffff;
	_ =	sdelay $0x4  }
0x1d9: {  	[tilespmem:$0x27C0] =	vst v16  }
0x1da: {  	v16 =	vld.idx.msk [tilespmem:v57+s3+$0x0], $0xffff;
	_ =	sdelay $0x4  }
0x1db: {  	[tilespmem:$0x27D0] =	vst v16  }
0x1dc: {  	v16 =	vld.idx.msk [tilespmem:v58+s3+$0x0], $0xffff;
	_ =	sdelay $0x4  }
0x1dd: {  	[tilespmem:$0x27E0] =	vst v16  }
0x1de: {  	v16 =	vld.idx.msk [tilespmem:v59+s3+$0x0], $0xffff;
	_ =	sdelay $0x4  }
0x1df: {  	[tilespmem:$0x27F0] =	vst v16  }
0x1e0: {  	v16 =	vld.idx.msk [tilespmem:v60+s3+$0x0], $0xffff;
	_ =	sdelay $0x4  }
0x1e1: {  	[tilespmem:$0x2B80] =	vst v16  }
0x1e2: {  	v16 =	vld.idx.msk [tilespmem:v15+s3+$0x0], $0xffff;
	_ =	sdelay $0x4  }
0x1e3: {  	[tilespmem:$0x2B90] =	vst v16  }
0x1e4: {  	v16 =	vld.idx.msk [tilespmem:v15+s3+$0x0], $0xffff;
	_ =	sdelay $0x4  }
0x1e5: {  	[tilespmem:$0x2BA0] =	vst v16  }
0x1e6: {  	v16 =	vld.idx.msk [tilespmem:v15+s3+$0x0], $0xffff;
	_ =	sdelay $0x4  }
0x1e7: {  	[tilespmem:$0x2BB0] =	vst v16  }
0x1e8: {  	v16 =	vld.idx.msk [tilespmem:v15+s3+$0x0], $0xffff;
	_ =	sdelay $0x4  }
0x1e9: {  	[tilespmem:$0x2BC0] =	vst v16  }
0x1ea: {  	v16 =	vld.idx.msk [tilespmem:v15+s3+$0x0], $0xffff;
	_ =	sdelay $0x4  }
0x1eb: {  	[tilespmem:$0x2BD0] =	vst v16  }
0x1ec: {  	v16 =	vld.idx.msk [tilespmem:v8+s3+$0x0], $0xffff;
	_ =	sdelay $0x4  }
0x1ed: {  	[tilespmem:$0x2F80] =	vst v16  }
0x1ee: {  	v16 =	vld.idx.msk [tilespmem:v8+s3+$0x0], $0xffff;
	_ =	sdelay $0x4  }
0x1ef: {  	[tilespmem:$0x2F90] =	vst v16  }
0x1f0: {  	v16 =	vld.idx.msk [tilespmem:v8+s3+$0x0], $0xffff;
	_ =	sdelay $0x4  }
0x1f1: {  	[tilespmem:$0x2FA0] =	vst v16  }
0x1f2: {  	v16 =	vld.idx.msk [tilespmem:v8+s3+$0x0], $0xffff;
	_ =	sdelay $0x4  }
0x1f3: {  	[tilespmem:$0x2FB0] =	vst v16  }
0x1f4: {  	v16 =	vld.idx.msk [tilespmem:v8+s3+$0x0], $0xffff;
	_ =	sdelay $0x4  }
0x1f5: {  	[tilespmem:$0x3380] =	vst v16  }
0x1f6: {  	v16 =	vld.idx.msk [tilespmem:v61+s3+$0x0], $0xffff;
	_ =	sdelay $0x4  }
0x1f7: {  	[tilespmem:$0x3390] =	vst v16  }
0x1f8: {  	v16 =	vld.idx.msk [tilespmem:v62+s3+$0x0], $0xffff;
	_ =	sdelay $0x4  }
0x1f9: {  	[tilespmem:$0x33A0] =	vst v16  }
0x1fa: {  	v16 =	vld.idx.msk [tilespmem:v63+s3+$0x0], $0xffff;
	_ =	sdelay $0x4  }
0x1fb: {  	[tilespmem:$0x33B0] =	vst v16  }
0x1fc: {  	v16 =	vld.idx.msk [tilespmem:v59+s3+$0x0], $0xffff;
	_ =	sdelay $0x4  }
0x1fd: {  	[tilespmem:$0x3780] =	vst v16  }
0x1fe: {  	v16 =	vld.idx.msk [tilespmem:v60+s3+$0x0], $0xffff;
	_ =	sdelay $0x4  }
0x1ff: {  	[tilespmem:$0x3790] =	vst v16  }
0x200: {  	v16 =	vld.idx.msk [tilespmem:v15+s3+$0x0], $0xffff;
	_ =	sdelay $0x4  }
0x201: {  	[tilespmem:$0x37A0] =	vst v16  }
0x202: {  	v16 =	vld.idx.msk [tilespmem:v15+s3+$0x0], $0xffff;
	_ =	sdelay $0x4  }
0x203: {  	[tilespmem:$0x37B0] =	vst v16  }
0x204: {  	v16 =	vld.idx.msk [tilespmem:v15+s3+$0x0], $0xffff;
	_ =	sdelay $0x4  }
0x205: {  	[tilespmem:$0x3B80] =	vst v16  }
0x206: {  	v16 =	vld.idx.msk [tilespmem:v15+s3+$0x0], $0xffff;
	_ =	sdelay $0x4  }
0x207: {  	[tilespmem:$0x3B90] =	vst v16  }
0x208: {  	v16 =	vld.idx.msk [tilespmem:v15+s3+$0x0], $0xffff;
	_ =	sdelay $0x4  }
0x209: {  	[tilespmem:$0x3BA0] =	vst v16  }
0x20a: {  	v16 =	vld.idx.msk [tilespmem:v15+s3+$0x0], $0xffff;
	_ =	sdelay $0x4  }
0x20b: {  	[tilespmem:$0x3BB0] =	vst v16  }
0x20c: {  	[hbm4b:s4+s3] =	stream.linear.scatter [tilespmem:s8], [sflag:$0x1], $0x800, $0x38;
	[tilespmem:$0x3C00] =	vst v63  }
0x20d: {  	_ =	swait.ge [sflag:s7], $0x800  }
0x20e: {  	p0 =	sne.s32 s6, $0x1;
	[sflag:s7] =	ssyncset.done $0x0  }
.Ltmp1:
0x20f: {  	[sflag:s7] =	ssyncadd.s32 $0xFFFFF800;
	(pc) =	sbr.rel @p0 .LBB2_2-.Ltmp1, $4  }
0x210: {  	[hbm4b:s5+s9] =	stream.strided.scatter [tilespmem:s11], [sflag:$0x1], $0x1000, s10, s9, $0x38;
	[tilespmem:$0x3C00] =	vst v63  }
0x211: {  	_ =	swait.ge [sflag:s7], $0x1000  }
0x212: {  	[sflag:s7] =	ssyncset.done $0x0  }
0x213: {  	s6 =	sadd.s32 $0xFFFFFFFF, s6;
	[sflag:s7] =	ssyncadd.s32 $0xFFFFF000  }
.LBB2_3:
0x214: {  	_ =	sfence.sel $0x180000  }
0x215: {  	[bflag:$0x0] =	sbarrier.arrive $0xFFFF  }
0x216: {  	p0 =	sne.s32 s2, $0x0;
	_ =	strace $0x90000047  }
0x217: {  	s0 =	sadd.s32 @!p0 $0x100000, s0;
	[bflag:$0x2] =	sbarrier.arrive $0xFFFF  }
0x218: {  	[sflag:s0] =	ssyncadd.tile.s32 @!p0 $0x1;
	_ =	shalt  }
.Lfunc_end2:
_tile_overlayer_lowered:
.L_overlay_start_2:
0x219: {  	(tag) =	ssettag $0x2  }
0x21a: {  	s0 =	rddreg [dreg:$0x0];
	s2 =	stileid.u32  }
0x21b: {  	s1 =	rddreg [dreg:$0x1];
	p0 =	sne.s32 s2, $0x0  }
0x21c: {  	s3 =	rddreg [dreg:$0x2];
	[bflag:$0x3] =	sbarrier.arrive $0xFFFF;
	s2 =	simm.s32 @!p0 $0x1C01  }
0x21d: {  	[timem:s3], [sflag:s2] =	dma.local @!p0 [hbm:s0], s1  }
0x21e: {  	s0 =	simm.s32 @!p0 $0x1  }
0x21f: {  	_ =	swait.ge @!p0 [sflag:s0], s1  }
0x220: {  	s1 =	ssub.s32 @!p0 $0x0, s1;
	[sflag:s0] =	ssyncset.done @!p0 $0x0  }
0x221: {  	[sflag:s0] =	ssyncadd.s32 @!p0 s1  }
0x222: {  	[bflag:$0x3] =	sbarrier.arrive $0xFFFF  }
0x223: {  	_ =	shalt  }

</sc_bundles>
